<compile_context>
chip_gen: v7x
topology: tpu7x:2x2x1
jax: 0.10.2.dev20260603
libtpu: 0.0.44.dev20260713+nightly
codegen_flags: <defaults>
</compile_context>

<pallas_src>
import functools

import jax
import jax.numpy as jnp
from jax import lax
from jax.experimental import pallas as pl
from jax.experimental.pallas import tpu as pltpu
from jax.experimental.pallas import tpu_sc as plsc

_N = 10000
_E = 160000
_D = 256
_H = 256

_L = 100
_NS = 16
_NC = 2
_BN = 1000
_N2 = 10240
_NCH = 100
_NACC = _N2
_RPT = _NACC // _NS
_G = 25
_NG = _NCH // _G
_NB = 3


_NW = _NC * _NS
_EPW = _E // _NW
_EPWP = 5008
_NV = _EPW // 16


def _deg_body(ei_hbm, zeros_hbm, out_hbm, dst_v, hist):
    c = lax.axis_index("c")
    t = lax.axis_index("s")
    w = c * _NS + t
    pltpu.sync_copy(ei_hbm.at[pl.ds(_E + w * _EPW, _EPW)],
                    dst_v.at[pl.ds(0, _EPW)])
    pltpu.sync_copy(zeros_hbm, hist)

    @pl.loop(0, _NV, unroll=4)
    def _(k):
        v = dst_v[pl.ds(k * 16, 16)]
        cnt, last = plsc.scan_count(v)
        plsc.addupdate_scatter(hist, [v], cnt, mask=last)

    tail = lax.iota(jnp.int32, 16) < (_EPW - _NV * 16)
    v = dst_v[pl.ds(_NV * 16, 16)]
    cnt, last = plsc.scan_count(v, mask=tail)
    plsc.addupdate_scatter(hist, [v], cnt, mask=last & tail)

    pltpu.sync_copy(hist, out_hbm.at[c, t])


_deg_call = functools.partial(
    pl.kernel,
    out_type=jax.ShapeDtypeStruct((_NC, _NS, _NACC), jnp.int32),
    mesh=plsc.VectorSubcoreMesh(core_axis_name="c", subcore_axis_name="s"),
    scratch_types=[
        pltpu.VMEM((_EPWP,), jnp.int32),
        pltpu.VMEM((_NACC,), jnp.int32),
    ],
    compiler_params=pltpu.CompilerParams(needs_layout_passes=False),
)(_deg_body)


def _scatter_body(tab_hbm, src_hbm, dst_hbm, zeros_hbm, out_hbm,
                  src_v, dst_v, rows_v, acc, gsem, ssem, zsem):
    c = lax.axis_index("c")
    t = lax.axis_index("s")
    tab_c = tab_hbm.at[c]
    base = t * _RPT

    def gstart(j):
        b = lax.rem(j, _NB)
        pltpu.async_copy(tab_c.at[src_v.at[j]], rows_v.at[b], gsem.at[b])

    def gwait(j):
        b = lax.rem(j, _NB)
        pltpu.make_async_copy(tab_c.at[src_v.at[j]], rows_v.at[b],
                              gsem.at[b]).wait()

    def sstart(j):
        b = lax.rem(j, _NB)
        pltpu.async_copy(rows_v.at[b], acc.at[dst_v.at[j]], ssem.at[b],
                         add=True)

    def swait(j):
        b = lax.rem(j, _NB)
        pltpu.make_async_copy(rows_v.at[b], acc.at[dst_v.at[j]],
                              ssem.at[b]).wait()

    @pl.when(t < _NS - 1)
    def _():
        for k in range(5):
            pltpu.async_copy(tab_c.at[pl.ds(base + k * 128, 128)],
                             acc.at[pl.ds(base + k * 128, 128)], zsem)
        for k in range(5):
            pltpu.make_async_copy(tab_c.at[pl.ds(base + k * 128, 128)],
                                  acc.at[pl.ds(base + k * 128, 128)],
                                  zsem).wait()

    @pl.when(t == _NS - 1)
    def _():
        cps = [
            (tab_c.at[pl.ds(base, 128)], acc.at[pl.ds(base, 128)]),
            (tab_c.at[pl.ds(base + 128, 128)], acc.at[pl.ds(base + 128, 128)]),
            (tab_c.at[pl.ds(base + 256, 128)], acc.at[pl.ds(base + 256, 128)]),
            (tab_c.at[pl.ds(base + 384, 16)], acc.at[pl.ds(base + 384, 16)]),
            (zeros_hbm, acc.at[pl.ds(_N, 128)]),
            (zeros_hbm.at[pl.ds(0, 112)], acc.at[pl.ds(_N + 128, 112)]),
        ]
        for s, d in cps:
            pltpu.async_copy(s, d, zsem)
        for s, d in cps:
            pltpu.make_async_copy(s, d, zsem).wait()

    plsc.subcore_barrier()

    for g in range(_NG):
        pltpu.sync_copy(src_hbm.at[t, g], src_v)
        pltpu.sync_copy(dst_hbm.at[t, g], dst_v)
        gstart(0)
        gstart(1)

        @pl.loop(0, _G)
        def _(j):
            gwait(j)
            sstart(j)

            @pl.when(j >= 1)
            def _():
                swait(jnp.maximum(j - 1, 0))

            @pl.when(j + 2 < _G)
            def _():
                gstart(jnp.minimum(j + 2, _G - 1))

        swait(_G - 1)

    plsc.subcore_barrier()
    pltpu.sync_copy(acc.at[pl.ds(base, _RPT)], out_hbm.at[c, pl.ds(base, _RPT)])


_scatter_call = functools.partial(
    pl.kernel,
    out_type=jax.ShapeDtypeStruct((_NC, _NACC, 128), jnp.float32),
    mesh=plsc.VectorSubcoreMesh(core_axis_name="c", subcore_axis_name="s"),
    scratch_types=[
        pltpu.VMEM((_G, _L), jnp.int32),
        pltpu.VMEM((_G, _L), jnp.int32),
        pltpu.VMEM((_NB, _L, 128), jnp.float32),
        pltpu.VMEM_SHARED((_NACC, 128), jnp.float32),
        pltpu.SemaphoreType.DMA((_NB,)),
        pltpu.SemaphoreType.DMA((_NB,)),
        pltpu.SemaphoreType.DMA,
    ],
)(_scatter_body)


def _dinv_body(deg_ref, dinv_ref):
    s = jnp.sum(deg_ref[...].astype(jnp.float32), axis=0) + 1.0
    d = lax.rsqrt(s)[:_N]
    dinv_ref[...] = jnp.broadcast_to(d[:, None], (_N, 8))


_dinv_call = pl.pallas_call(
    _dinv_body,
    in_specs=[pl.BlockSpec((_NW, _NACC), lambda: (0, 0))],
    out_specs=pl.BlockSpec((_N, 8), lambda: (0, 0)),
    out_shape=jax.ShapeDtypeStruct((_N, 8), jnp.float32),
)


def _g1_body(x_ref, w_ref, dinv_ref, g_ref):
    h = jnp.dot(x_ref[...], w_ref[...], preferred_element_type=jnp.float32)
    g = h * dinv_ref[:, 0:1]
    g_ref[0, :, :] = g[:, :128]
    g_ref[1, :, :] = g[:, 128:]


_g1_call = pl.pallas_call(
    _g1_body,
    grid=(_N // _BN,),
    in_specs=[
        pl.BlockSpec((_BN, _D), lambda i: (i, 0)),
        pl.BlockSpec((_D, _H), lambda i: (0, 0)),
        pl.BlockSpec((_BN, 8), lambda i: (i, 0)),
    ],
    out_specs=pl.BlockSpec((_NC, _BN, 128), lambda i: (0, i, 0)),
    out_shape=jax.ShapeDtypeStruct((_NC, _N, 128), jnp.float32),
)


def _mid_body(acc_ref, dinv_ref, b_ref, w_ref, out_ref, *, elu):
    db = jnp.broadcast_to(dinv_ref[:, 0:1], (_BN, 128))
    b = b_ref[...]
    p0 = db * acc_ref[0, :, :] + b[:, :128]
    p1 = db * acc_ref[1, :, :] + b[:, 128:]
    p = jnp.concatenate([p0, p1], axis=1)
    if elu:
        x = jnp.where(p > 0.0, p, jnp.exp(jnp.minimum(p, 0.0)) - 1.0)
    else:
        x = jnp.maximum(p, 0.0)
    h = jnp.dot(x, w_ref[...], preferred_element_type=jnp.float32)
    g = h * db[:, 0:1]
    out_ref[0, :, :] = g[:, :128]
    out_ref[1, :, :] = g[:, 128:]


def _make_mid(elu):
    return pl.pallas_call(
        functools.partial(_mid_body, elu=elu),
        grid=(_N // _BN,),
        in_specs=[
            pl.BlockSpec((_NC, _BN, 128), lambda i: (0, i, 0)),
            pl.BlockSpec((_BN, 8), lambda i: (i, 0)),
            pl.BlockSpec((1, _H), lambda i: (0, 0)),
            pl.BlockSpec((_H, _H), lambda i: (0, 0)),
        ],
        out_specs=pl.BlockSpec((_NC, _BN, 128), lambda i: (0, i, 0)),
        out_shape=jax.ShapeDtypeStruct((_NC, _N, 128), jnp.float32),
    )


_mid_elu = _make_mid(True)
_mid_relu = _make_mid(False)


def _final_body(acc_ref, dinv_ref, b_ref, out_ref):
    db = jnp.broadcast_to(dinv_ref[:, 0:1], (_BN, 128))
    b = b_ref[...]
    p0 = db * acc_ref[0, :, :] + b[:, :128]
    p1 = db * acc_ref[1, :, :] + b[:, 128:]
    out_ref[:, :128] = jnp.maximum(p0, 0.0)
    out_ref[:, 128:] = jnp.maximum(p1, 0.0)


_final_call = pl.pallas_call(
    _final_body,
    grid=(_N // _BN,),
    in_specs=[
        pl.BlockSpec((_NC, _BN, 128), lambda i: (0, i, 0)),
        pl.BlockSpec((_BN, 8), lambda i: (i, 0)),
        pl.BlockSpec((1, _H), lambda i: (0, 0)),
    ],
    out_specs=pl.BlockSpec((_BN, _H), lambda i: (i, 0)),
    out_shape=jax.ShapeDtypeStruct((_N, _H), jnp.float32),
)


def kernel(X, edge_index, W_in, b_in, W_hid, b_hid, W_iv, b_iv):
    src_h = edge_index[0].reshape(_NS, _NG, _G, _L)
    dst_h = edge_index[1].reshape(_NS, _NG, _G, _L)

    zacc = jnp.zeros((128, 128), jnp.float32)
    zhist = jnp.zeros((_NACC,), jnp.int32)
    b_in2 = b_in.reshape(1, _H)
    b_hid2 = b_hid.reshape(1, _H)
    b_iv2 = b_iv.reshape(1, _H)

    degp = _deg_call(edge_index.reshape(2 * _E), zhist)
    dinvb = _dinv_call(degp.reshape(_NW, _NACC))
    g1 = _g1_call(X, W_in, dinvb)
    acc1 = _scatter_call(g1, src_h, dst_h, zacc)
    g2 = _mid_elu(acc1, dinvb, b_in2, W_hid)
    acc2 = _scatter_call(g2, src_h, dst_h, zacc)
    g3 = _mid_relu(acc2, dinvb, b_hid2, W_iv)
    acc3 = _scatter_call(g3, src_h, dst_h, zacc)
    out = _final_call(acc3, dinvb, b_iv2)
    return out

# --- scband reference (transcript-rebuilt; emitter-appended) ---
"""Pipeline reference for scband-link-prediction-88914412962589 (READ-ONLY COPY).

The authoritative reference and input builder live on the scoring server;
editing this copy changes nothing except your own understanding.
"""

import jax, jax.numpy as jnp
import numpy as np

N = 10000
E = 160000
D = 256
H = 256  # embedding_size


def gcn_conv(X, edge_index, W, b):
    """GCN convolution with self-loops and symmetric degree normalization,
    matching the message-passing layers (in_layer / layers / ivectors)
    used by the LinkPrediction subclasses."""
    n = X.shape[0]
    loop = jnp.arange(n, dtype=edge_index.dtype)
    src = jnp.concatenate([edge_index[0], loop])
    dst = jnp.concatenate([edge_index[1], loop])
    deg = jax.ops.segment_sum(jnp.ones_like(src, dtype=jnp.float32), dst, num_segments=n)
    dinv = 1.0 / jnp.sqrt(jnp.clip(deg, 1.0))
    h = X @ W
    norm = (dinv[src] * dinv[dst])[:, None]
    msg = h[src] * norm
    out = jax.ops.segment_sum(msg, dst, num_segments=n)
    return out + b


def setup_inputs(seed: int = 0) -> dict:
    key = jax.random.key(seed)
    ks = jax.random.split(key, 9)
    X = jax.random.normal(ks[0], (N, D), dtype=jnp.float32)
    edge_index = jax.random.randint(ks[1], (2, E), 0, N, dtype=jnp.int32)
    s_in = 1.0 / np.sqrt(D)
    s_h = 1.0 / np.sqrt(H)
    W_in = jax.random.normal(ks[2], (D, H), dtype=jnp.float32) * s_in
    b_in = jnp.zeros((H,), dtype=jnp.float32)
    W_hid = jax.random.normal(ks[3], (H, H), dtype=jnp.float32) * s_h
    b_hid = jnp.zeros((H,), dtype=jnp.float32)
    W_iv = jax.random.normal(ks[4], (H, H), dtype=jnp.float32) * s_h
    b_iv = jnp.zeros((H,), dtype=jnp.float32)
    return {"X": X, "edge_index": edge_index, "W_in": W_in, "b_in": b_in,
            "W_hid": W_hid, "b_hid": b_hid, "W_iv": W_iv, "b_iv": b_iv}


def reference(X, edge_index, W_in, b_in, W_hid, b_hid, W_iv, b_iv):
    # forward -> forward_i: _forward_common then ivectors
    h = jax.nn.elu(gcn_conv(X, edge_index, W_in, b_in))
    h = jax.nn.relu(gcn_conv(h, edge_index, W_hid, b_hid))
    # F.dropout with training=False (eval mode) is identity
    out = jax.nn.relu(gcn_conv(h, edge_index, W_iv, b_iv))
    return out

if __name__ == "__main__":
    import jax
    _d = setup_inputs()
    print(jax.jit(kernel)(*tuple(_d.values())))

</pallas_src>

<mosaic_0001>
#map = affine_map<(d0, d1) -> (0, 0, 0)>
#map1 = affine_map<(d0, d1) -> (0, 0, 0, 0)>
#map2 = affine_map<(d0, d1) -> (0, 0)>
module attributes {stable_mosaic.version = 14 : i64} {
  func.func @_scatter_body(%arg0: i32, %arg1: i32, %arg2: memref<2x10000x128xf32, #tpu.memory_space<hbm>>, %arg3: memref<16x4x25x100xi32, #tpu.memory_space<hbm>>, %arg4: memref<16x4x25x100xi32, #tpu.memory_space<hbm>>, %arg5: memref<128x128xf32, #tpu.memory_space<hbm>>, %arg6: memref<2x10240x128xf32, #tpu.memory_space<hbm>>, %arg7: memref<25x100xi32, #tpu.memory_space<vmem>>, %arg8: memref<25x100xi32, #tpu.memory_space<vmem>>, %arg9: memref<3x100x128xf32, #tpu.memory_space<vmem>>, %arg10: memref<10240x128xf32, #tpu.memory_space<vmem_shared>>, %arg11: memref<3x!tpu.dma_semaphore, #tpu.memory_space<semaphore_mem>>, %arg12: memref<3x!tpu.dma_semaphore, #tpu.memory_space<semaphore_mem>>, %arg13: memref<!tpu.dma_semaphore, #tpu.memory_space<semaphore_mem>>) attributes {dimension_semantics = [#tpu.dimension_semantics<core_parallel>, #tpu.dimension_semantics<subcore_parallel>], iteration_bounds = array<i64: 2, 16>, scalar_prefetch = 0 : i64, scratch_operands = 7 : i64, tpu.core_type = #tpu.core_type<sc_vector_subcore>, window_params = [{transform_indices = #map}, {transform_indices = #map1}, {transform_indices = #map1}, {transform_indices = #map2}, {transform_indices = #map}]} {
    %mul3A = arith.constant 640 : i32
    %mul3A_0 = arith.muli %arg1, %mul3A : i32
    %lt3A = arith.constant 15 : i32
    %lt3A_1 = arith.cmpi slt, %arg1, %lt3A : i32
    %convert_element_type3A = arith.extui %lt3A_1 : i1 to i32
    %cond3A = arith.constant 0 : i32
    %cond3A_2 = arith.cmpi ne, %convert_element_type3A, %cond3A : i32
    scf.if %cond3A_2 {
      %add3A = arith.constant 0 : i32
      %add3A_255 = arith.addi %mul3A_0, %add3A : i32
      %add3A_256 = arith.constant 0 : i32
      %add3A_257 = arith.addi %mul3A_0, %add3A_256 : i32
      %dma_start3A_258 = arith.constant 0 : i32
      %dma_start3A_259 = tpu.memref_slice %arg10[%add3A_257, %dma_start3A_258] : memref<10240x128xf32, #tpu.memory_space<vmem_shared>> -> memref<128x128xf32, #tpu.memory_space<vmem_shared>>
      %dma_start3A_260 = arith.constant 0 : i32
      %dma_start3A_261 = arith.constant 0 : i32
      %dma_start3A_262 = tpu.memref_slice %arg2[%arg0, %dma_start3A_260, %dma_start3A_261] : memref<2x10000x128xf32, #tpu.memory_space<hbm>> -> memref<1x10000x128xf32, #tpu.memory_space<hbm>>
      %dma_start3A_263 = tpu.memref_squeeze %dma_start3A_262 : memref<1x10000x128xf32, #tpu.memory_space<hbm>> -> memref<10000x128xf32, #tpu.memory_space<hbm>>
      %dma_start3A_264 = arith.constant 0 : i32
      %dma_start3A_265 = tpu.memref_slice %dma_start3A_263[%add3A_255, %dma_start3A_264] : memref<10000x128xf32, #tpu.memory_space<hbm>> -> memref<128x128xf32, #tpu.memory_space<hbm>>
      tpu.enqueue_dma source(%dma_start3A_265 : memref<128x128xf32, #tpu.memory_space<hbm>>) target(%dma_start3A_259 : memref<128x128xf32, #tpu.memory_space<vmem_shared>>) target_semaphore(%arg13 : memref<!tpu.dma_semaphore, #tpu.memory_space<semaphore_mem>>)
      %add3A_266 = arith.constant 128 : i32
      %add3A_267 = arith.addi %mul3A_0, %add3A_266 : i32
      %add3A_268 = arith.constant 128 : i32
      %add3A_269 = arith.addi %mul3A_0, %add3A_268 : i32
      %dma_start3A_270 = arith.constant 0 : i32
      %dma_start3A_271 = tpu.memref_slice %arg10[%add3A_269, %dma_start3A_270] : memref<10240x128xf32, #tpu.memory_space<vmem_shared>> -> memref<128x128xf32, #tpu.memory_space<vmem_shared>>
      %dma_start3A_272 = arith.constant 0 : i32
      %dma_start3A_273 = arith.constant 0 : i32
      %dma_start3A_274 = tpu.memref_slice %arg2[%arg0, %dma_start3A_272, %dma_start3A_273] : memref<2x10000x128xf32, #tpu.memory_space<hbm>> -> memref<1x10000x128xf32, #tpu.memory_space<hbm>>
      %dma_start3A_275 = tpu.memref_squeeze %dma_start3A_274 : memref<1x10000x128xf32, #tpu.memory_space<hbm>> -> memref<10000x128xf32, #tpu.memory_space<hbm>>
      %dma_start3A_276 = arith.constant 0 : i32
      %dma_start3A_277 = tpu.memref_slice %dma_start3A_275[%add3A_267, %dma_start3A_276] : memref<10000x128xf32, #tpu.memory_space<hbm>> -> memref<128x128xf32, #tpu.memory_space<hbm>>
      tpu.enqueue_dma source(%dma_start3A_277 : memref<128x128xf32, #tpu.memory_space<hbm>>) target(%dma_start3A_271 : memref<128x128xf32, #tpu.memory_space<vmem_shared>>) target_semaphore(%arg13 : memref<!tpu.dma_semaphore, #tpu.memory_space<semaphore_mem>>)
      %add3A_278 = arith.constant 256 : i32
      %add3A_279 = arith.addi %mul3A_0, %add3A_278 : i32
      %add3A_280 = arith.constant 256 : i32
      %add3A_281 = arith.addi %mul3A_0, %add3A_280 : i32
      %dma_start3A_282 = arith.constant 0 : i32
      %dma_start3A_283 = tpu.memref_slice %arg10[%add3A_281, %dma_start3A_282] : memref<10240x128xf32, #tpu.memory_space<vmem_shared>> -> memref<128x128xf32, #tpu.memory_space<vmem_shared>>
      %dma_start3A_284 = arith.constant 0 : i32
      %dma_start3A_285 = arith.constant 0 : i32
      %dma_start3A_286 = tpu.memref_slice %arg2[%arg0, %dma_start3A_284, %dma_start3A_285] : memref<2x10000x128xf32, #tpu.memory_space<hbm>> -> memref<1x10000x128xf32, #tpu.memory_space<hbm>>
      %dma_start3A_287 = tpu.memref_squeeze %dma_start3A_286 : memref<1x10000x128xf32, #tpu.memory_space<hbm>> -> memref<10000x128xf32, #tpu.memory_space<hbm>>
      %dma_start3A_288 = arith.constant 0 : i32
      %dma_start3A_289 = tpu.memref_slice %dma_start3A_287[%add3A_279, %dma_start3A_288] : memref<10000x128xf32, #tpu.memory_space<hbm>> -> memref<128x128xf32, #tpu.memory_space<hbm>>
      tpu.enqueue_dma source(%dma_start3A_289 : memref<128x128xf32, #tpu.memory_space<hbm>>) target(%dma_start3A_283 : memref<128x128xf32, #tpu.memory_space<vmem_shared>>) target_semaphore(%arg13 : memref<!tpu.dma_semaphore, #tpu.memory_space<semaphore_mem>>)
      %add3A_290 = arith.constant 384 : i32
      %add3A_291 = arith.addi %mul3A_0, %add3A_290 : i32
      %add3A_292 = arith.constant 384 : i32
      %add3A_293 = arith.addi %mul3A_0, %add3A_292 : i32
      %dma_start3A_294 = arith.constant 0 : i32
      %dma_start3A_295 = tpu.memref_slice %arg10[%add3A_293, %dma_start3A_294] : memref<10240x128xf32, #tpu.memory_space<vmem_shared>> -> memref<128x128xf32, #tpu.memory_space<vmem_shared>>
      %dma_start3A_296 = arith.constant 0 : i32
      %dma_start3A_297 = arith.constant 0 : i32
      %dma_start3A_298 = tpu.memref_slice %arg2[%arg0, %dma_start3A_296, %dma_start3A_297] : memref<2x10000x128xf32, #tpu.memory_space<hbm>> -> memref<1x10000x128xf32, #tpu.memory_space<hbm>>
      %dma_start3A_299 = tpu.memref_squeeze %dma_start3A_298 : memref<1x10000x128xf32, #tpu.memory_space<hbm>> -> memref<10000x128xf32, #tpu.memory_space<hbm>>
      %dma_start3A_300 = arith.constant 0 : i32
      %dma_start3A_301 = tpu.memref_slice %dma_start3A_299[%add3A_291, %dma_start3A_300] : memref<10000x128xf32, #tpu.memory_space<hbm>> -> memref<128x128xf32, #tpu.memory_space<hbm>>
      tpu.enqueue_dma source(%dma_start3A_301 : memref<128x128xf32, #tpu.memory_space<hbm>>) target(%dma_start3A_295 : memref<128x128xf32, #tpu.memory_space<vmem_shared>>) target_semaphore(%arg13 : memref<!tpu.dma_semaphore, #tpu.memory_space<semaphore_mem>>)
      %add3A_302 = arith.constant 512 : i32
      %add3A_303 = arith.addi %mul3A_0, %add3A_302 : i32
      %add3A_304 = arith.constant 512 : i32
      %add3A_305 = arith.addi %mul3A_0, %add3A_304 : i32
      %dma_start3A_306 = arith.constant 0 : i32
      %dma_start3A_307 = tpu.memref_slice %arg10[%add3A_305, %dma_start3A_306] : memref<10240x128xf32, #tpu.memory_space<vmem_shared>> -> memref<128x128xf32, #tpu.memory_space<vmem_shared>>
      %dma_start3A_308 = arith.constant 0 : i32
      %dma_start3A_309 = arith.constant 0 : i32
      %dma_start3A_310 = tpu.memref_slice %arg2[%arg0, %dma_start3A_308, %dma_start3A_309] : memref<2x10000x128xf32, #tpu.memory_space<hbm>> -> memref<1x10000x128xf32, #tpu.memory_space<hbm>>
      %dma_start3A_311 = tpu.memref_squeeze %dma_start3A_310 : memref<1x10000x128xf32, #tpu.memory_space<hbm>> -> memref<10000x128xf32, #tpu.memory_space<hbm>>
      %dma_start3A_312 = arith.constant 0 : i32
      %dma_start3A_313 = tpu.memref_slice %dma_start3A_311[%add3A_303, %dma_start3A_312] : memref<10000x128xf32, #tpu.memory_space<hbm>> -> memref<128x128xf32, #tpu.memory_space<hbm>>
      tpu.enqueue_dma source(%dma_start3A_313 : memref<128x128xf32, #tpu.memory_space<hbm>>) target(%dma_start3A_307 : memref<128x128xf32, #tpu.memory_space<vmem_shared>>) target_semaphore(%arg13 : memref<!tpu.dma_semaphore, #tpu.memory_space<semaphore_mem>>)
      %add3A_314 = arith.constant 0 : i32
      %add3A_315 = arith.addi %mul3A_0, %add3A_314 : i32
      %add3A_316 = arith.constant 0 : i32
      %add3A_317 = arith.addi %mul3A_0, %add3A_316 : i32
      %dma_wait3A_318 = arith.constant 0 : i32
      %dma_wait3A_319 = tpu.memref_slice %arg10[%add3A_317, %dma_wait3A_318] : memref<10240x128xf32, #tpu.memory_space<vmem_shared>> -> memref<128x128xf32, #tpu.memory_space<vmem_shared>>
      %dma_wait3A_320 = arith.constant 0 : i32
      %dma_wait3A_321 = arith.constant 0 : i32
      %dma_wait3A_322 = tpu.memref_slice %arg2[%arg0, %dma_wait3A_320, %dma_wait3A_321] : memref<2x10000x128xf32, #tpu.memory_space<hbm>> -> memref<1x10000x128xf32, #tpu.memory_space<hbm>>
      %dma_wait3A_323 = tpu.memref_squeeze %dma_wait3A_322 : memref<1x10000x128xf32, #tpu.memory_space<hbm>> -> memref<10000x128xf32, #tpu.memory_space<hbm>>
      %dma_wait3A_324 = arith.constant 0 : i32
      %dma_wait3A_325 = tpu.memref_slice %dma_wait3A_323[%add3A_315, %dma_wait3A_324] : memref<10000x128xf32, #tpu.memory_space<hbm>> -> memref<128x128xf32, #tpu.memory_space<hbm>>
      tpu.wait_dma2 semaphore(%arg13 : memref<!tpu.dma_semaphore, #tpu.memory_space<semaphore_mem>>) src(%dma_wait3A_325 : memref<128x128xf32, #tpu.memory_space<hbm>>) dst(%dma_wait3A_319 : memref<128x128xf32, #tpu.memory_space<vmem_shared>>)
      %add3A_326 = arith.constant 128 : i32
      %add3A_327 = arith.addi %mul3A_0, %add3A_326 : i32
      %add3A_328 = arith.constant 128 : i32
      %add3A_329 = arith.addi %mul3A_0, %add3A_328 : i32
      %dma_wait3A_330 = arith.constant 0 : i32
      %dma_wait3A_331 = tpu.memref_slice %arg10[%add3A_329, %dma_wait3A_330] : memref<10240x128xf32, #tpu.memory_space<vmem_shared>> -> memref<128x128xf32, #tpu.memory_space<vmem_shared>>
      %dma_wait3A_332 = arith.constant 0 : i32
      %dma_wait3A_333 = arith.constant 0 : i32
      %dma_wait3A_334 = tpu.memref_slice %arg2[%arg0, %dma_wait3A_332, %dma_wait3A_333] : memref<2x10000x128xf32, #tpu.memory_space<hbm>> -> memref<1x10000x128xf32, #tpu.memory_space<hbm>>
      %dma_wait3A_335 = tpu.memref_squeeze %dma_wait3A_334 : memref<1x10000x128xf32, #tpu.memory_space<hbm>> -> memref<10000x128xf32, #tpu.memory_space<hbm>>
      %dma_wait3A_336 = arith.constant 0 : i32
      %dma_wait3A_337 = tpu.memref_slice %dma_wait3A_335[%add3A_327, %dma_wait3A_336] : memref<10000x128xf32, #tpu.memory_space<hbm>> -> memref<128x128xf32, #tpu.memory_space<hbm>>
      tpu.wait_dma2 semaphore(%arg13 : memref<!tpu.dma_semaphore, #tpu.memory_space<semaphore_mem>>) src(%dma_wait3A_337 : memref<128x128xf32, #tpu.memory_space<hbm>>) dst(%dma_wait3A_331 : memref<128x128xf32, #tpu.memory_space<vmem_shared>>)
      %add3A_338 = arith.constant 256 : i32
      %add3A_339 = arith.addi %mul3A_0, %add3A_338 : i32
      %add3A_340 = arith.constant 256 : i32
      %add3A_341 = arith.addi %mul3A_0, %add3A_340 : i32
      %dma_wait3A_342 = arith.constant 0 : i32
      %dma_wait3A_343 = tpu.memref_slice %arg10[%add3A_341, %dma_wait3A_342] : memref<10240x128xf32, #tpu.memory_space<vmem_shared>> -> memref<128x128xf32, #tpu.memory_space<vmem_shared>>
      %dma_wait3A_344 = arith.constant 0 : i32
      %dma_wait3A_345 = arith.constant 0 : i32
      %dma_wait3A_346 = tpu.memref_slice %arg2[%arg0, %dma_wait3A_344, %dma_wait3A_345] : memref<2x10000x128xf32, #tpu.memory_space<hbm>> -> memref<1x10000x128xf32, #tpu.memory_space<hbm>>
      %dma_wait3A_347 = tpu.memref_squeeze %dma_wait3A_346 : memref<1x10000x128xf32, #tpu.memory_space<hbm>> -> memref<10000x128xf32, #tpu.memory_space<hbm>>
      %dma_wait3A_348 = arith.constant 0 : i32
      %dma_wait3A_349 = tpu.memref_slice %dma_wait3A_347[%add3A_339, %dma_wait3A_348] : memref<10000x128xf32, #tpu.memory_space<hbm>> -> memref<128x128xf32, #tpu.memory_space<hbm>>
      tpu.wait_dma2 semaphore(%arg13 : memref<!tpu.dma_semaphore, #tpu.memory_space<semaphore_mem>>) src(%dma_wait3A_349 : memref<128x128xf32, #tpu.memory_space<hbm>>) dst(%dma_wait3A_343 : memref<128x128xf32, #tpu.memory_space<vmem_shared>>)
      %add3A_350 = arith.constant 384 : i32
      %add3A_351 = arith.addi %mul3A_0, %add3A_350 : i32
      %add3A_352 = arith.constant 384 : i32
      %add3A_353 = arith.addi %mul3A_0, %add3A_352 : i32
      %dma_wait3A_354 = arith.constant 0 : i32
      %dma_wait3A_355 = tpu.memref_slice %arg10[%add3A_353, %dma_wait3A_354] : memref<10240x128xf32, #tpu.memory_space<vmem_shared>> -> memref<128x128xf32, #tpu.memory_space<vmem_shared>>
      %dma_wait3A_356 = arith.constant 0 : i32
      %dma_wait3A_357 = arith.constant 0 : i32
      %dma_wait3A_358 = tpu.memref_slice %arg2[%arg0, %dma_wait3A_356, %dma_wait3A_357] : memref<2x10000x128xf32, #tpu.memory_space<hbm>> -> memref<1x10000x128xf32, #tpu.memory_space<hbm>>
      %dma_wait3A_359 = tpu.memref_squeeze %dma_wait3A_358 : memref<1x10000x128xf32, #tpu.memory_space<hbm>> -> memref<10000x128xf32, #tpu.memory_space<hbm>>
      %dma_wait3A_360 = arith.constant 0 : i32
      %dma_wait3A_361 = tpu.memref_slice %dma_wait3A_359[%add3A_351, %dma_wait3A_360] : memref<10000x128xf32, #tpu.memory_space<hbm>> -> memref<128x128xf32, #tpu.memory_space<hbm>>
      tpu.wait_dma2 semaphore(%arg13 : memref<!tpu.dma_semaphore, #tpu.memory_space<semaphore_mem>>) src(%dma_wait3A_361 : memref<128x128xf32, #tpu.memory_space<hbm>>) dst(%dma_wait3A_355 : memref<128x128xf32, #tpu.memory_space<vmem_shared>>)
      %add3A_362 = arith.constant 512 : i32
      %add3A_363 = arith.addi %mul3A_0, %add3A_362 : i32
      %add3A_364 = arith.constant 512 : i32
      %add3A_365 = arith.addi %mul3A_0, %add3A_364 : i32
      %dma_wait3A_366 = arith.constant 0 : i32
      %dma_wait3A_367 = tpu.memref_slice %arg10[%add3A_365, %dma_wait3A_366] : memref<10240x128xf32, #tpu.memory_space<vmem_shared>> -> memref<128x128xf32, #tpu.memory_space<vmem_shared>>
      %dma_wait3A_368 = arith.constant 0 : i32
      %dma_wait3A_369 = arith.constant 0 : i32
      %dma_wait3A_370 = tpu.memref_slice %arg2[%arg0, %dma_wait3A_368, %dma_wait3A_369] : memref<2x10000x128xf32, #tpu.memory_space<hbm>> -> memref<1x10000x128xf32, #tpu.memory_space<hbm>>
      %dma_wait3A_371 = tpu.memref_squeeze %dma_wait3A_370 : memref<1x10000x128xf32, #tpu.memory_space<hbm>> -> memref<10000x128xf32, #tpu.memory_space<hbm>>
      %dma_wait3A_372 = arith.constant 0 : i32
      %dma_wait3A_373 = tpu.memref_slice %dma_wait3A_371[%add3A_363, %dma_wait3A_372] : memref<10000x128xf32, #tpu.memory_space<hbm>> -> memref<128x128xf32, #tpu.memory_space<hbm>>
      tpu.wait_dma2 semaphore(%arg13 : memref<!tpu.dma_semaphore, #tpu.memory_space<semaphore_mem>>) src(%dma_wait3A_373 : memref<128x128xf32, #tpu.memory_space<hbm>>) dst(%dma_wait3A_367 : memref<128x128xf32, #tpu.memory_space<vmem_shared>>)
    } else {
    }
    %eq3A = arith.constant 15 : i32
    %eq3A_3 = arith.cmpi eq, %arg1, %eq3A : i32
    %convert_element_type3A_4 = arith.extui %eq3A_3 : i1 to i32
    %cond3A_5 = arith.constant 0 : i32
    %cond3A_6 = arith.cmpi ne, %convert_element_type3A_4, %cond3A_5 : i32
    scf.if %cond3A_6 {
      %add3A = arith.constant 128 : i32
      %add3A_255 = arith.addi %mul3A_0, %add3A : i32
      %add3A_256 = arith.constant 128 : i32
      %add3A_257 = arith.addi %mul3A_0, %add3A_256 : i32
      %add3A_258 = arith.constant 256 : i32
      %add3A_259 = arith.addi %mul3A_0, %add3A_258 : i32
      %add3A_260 = arith.constant 256 : i32
      %add3A_261 = arith.addi %mul3A_0, %add3A_260 : i32
      %add3A_262 = arith.constant 384 : i32
      %add3A_263 = arith.addi %mul3A_0, %add3A_262 : i32
      %add3A_264 = arith.constant 384 : i32
      %add3A_265 = arith.addi %mul3A_0, %add3A_264 : i32
      %dma_start3A_266 = arith.constant 0 : i32
      %dma_start3A_267 = tpu.memref_slice %arg10[%mul3A_0, %dma_start3A_266] : memref<10240x128xf32, #tpu.memory_space<vmem_shared>> -> memref<128x128xf32, #tpu.memory_space<vmem_shared>>
      %dma_start3A_268 = arith.constant 0 : i32
      %dma_start3A_269 = arith.constant 0 : i32
      %dma_start3A_270 = tpu.memref_slice %arg2[%arg0, %dma_start3A_268, %dma_start3A_269] : memref<2x10000x128xf32, #tpu.memory_space<hbm>> -> memref<1x10000x128xf32, #tpu.memory_space<hbm>>
      %dma_start3A_271 = tpu.memref_squeeze %dma_start3A_270 : memref<1x10000x128xf32, #tpu.memory_space<hbm>> -> memref<10000x128xf32, #tpu.memory_space<hbm>>
      %dma_start3A_272 = arith.constant 0 : i32
      %dma_start3A_273 = tpu.memref_slice %dma_start3A_271[%mul3A_0, %dma_start3A_272] : memref<10000x128xf32, #tpu.memory_space<hbm>> -> memref<128x128xf32, #tpu.memory_space<hbm>>
      tpu.enqueue_dma source(%dma_start3A_273 : memref<128x128xf32, #tpu.memory_space<hbm>>) target(%dma_start3A_267 : memref<128x128xf32, #tpu.memory_space<vmem_shared>>) target_semaphore(%arg13 : memref<!tpu.dma_semaphore, #tpu.memory_space<semaphore_mem>>)
      %dma_start3A_274 = arith.constant 0 : i32
      %dma_start3A_275 = tpu.memref_slice %arg10[%add3A_257, %dma_start3A_274] : memref<10240x128xf32, #tpu.memory_space<vmem_shared>> -> memref<128x128xf32, #tpu.memory_space<vmem_shared>>
      %dma_start3A_276 = arith.constant 0 : i32
      %dma_start3A_277 = arith.constant 0 : i32
      %dma_start3A_278 = tpu.memref_slice %arg2[%arg0, %dma_start3A_276, %dma_start3A_277] : memref<2x10000x128xf32, #tpu.memory_space<hbm>> -> memref<1x10000x128xf32, #tpu.memory_space<hbm>>
      %dma_start3A_279 = tpu.memref_squeeze %dma_start3A_278 : memref<1x10000x128xf32, #tpu.memory_space<hbm>> -> memref<10000x128xf32, #tpu.memory_space<hbm>>
      %dma_start3A_280 = arith.constant 0 : i32
      %dma_start3A_281 = tpu.memref_slice %dma_start3A_279[%add3A_255, %dma_start3A_280] : memref<10000x128xf32, #tpu.memory_space<hbm>> -> memref<128x128xf32, #tpu.memory_space<hbm>>
      tpu.enqueue_dma source(%dma_start3A_281 : memref<128x128xf32, #tpu.memory_space<hbm>>) target(%dma_start3A_275 : memref<128x128xf32, #tpu.memory_space<vmem_shared>>) target_semaphore(%arg13 : memref<!tpu.dma_semaphore, #tpu.memory_space<semaphore_mem>>)
      %dma_start3A_282 = arith.constant 0 : i32
      %dma_start3A_283 = tpu.memref_slice %arg10[%add3A_261, %dma_start3A_282] : memref<10240x128xf32, #tpu.memory_space<vmem_shared>> -> memref<128x128xf32, #tpu.memory_space<vmem_shared>>
      %dma_start3A_284 = arith.constant 0 : i32
      %dma_start3A_285 = arith.constant 0 : i32
      %dma_start3A_286 = tpu.memref_slice %arg2[%arg0, %dma_start3A_284, %dma_start3A_285] : memref<2x10000x128xf32, #tpu.memory_space<hbm>> -> memref<1x10000x128xf32, #tpu.memory_space<hbm>>
      %dma_start3A_287 = tpu.memref_squeeze %dma_start3A_286 : memref<1x10000x128xf32, #tpu.memory_space<hbm>> -> memref<10000x128xf32, #tpu.memory_space<hbm>>
      %dma_start3A_288 = arith.constant 0 : i32
      %dma_start3A_289 = tpu.memref_slice %dma_start3A_287[%add3A_259, %dma_start3A_288] : memref<10000x128xf32, #tpu.memory_space<hbm>> -> memref<128x128xf32, #tpu.memory_space<hbm>>
      tpu.enqueue_dma source(%dma_start3A_289 : memref<128x128xf32, #tpu.memory_space<hbm>>) target(%dma_start3A_283 : memref<128x128xf32, #tpu.memory_space<vmem_shared>>) target_semaphore(%arg13 : memref<!tpu.dma_semaphore, #tpu.memory_space<semaphore_mem>>)
      %dma_start3A_290 = arith.constant 0 : i32
      %dma_start3A_291 = tpu.memref_slice %arg10[%add3A_265, %dma_start3A_290] : memref<10240x128xf32, #tpu.memory_space<vmem_shared>> -> memref<16x128xf32, #tpu.memory_space<vmem_shared>>
      %dma_start3A_292 = arith.constant 0 : i32
      %dma_start3A_293 = arith.constant 0 : i32
      %dma_start3A_294 = tpu.memref_slice %arg2[%arg0, %dma_start3A_292, %dma_start3A_293] : memref<2x10000x128xf32, #tpu.memory_space<hbm>> -> memref<1x10000x128xf32, #tpu.memory_space<hbm>>
      %dma_start3A_295 = tpu.memref_squeeze %dma_start3A_294 : memref<1x10000x128xf32, #tpu.memory_space<hbm>> -> memref<10000x128xf32, #tpu.memory_space<hbm>>
      %dma_start3A_296 = arith.constant 0 : i32
      %dma_start3A_297 = tpu.memref_slice %dma_start3A_295[%add3A_263, %dma_start3A_296] : memref<10000x128xf32, #tpu.memory_space<hbm>> -> memref<16x128xf32, #tpu.memory_space<hbm>>
      tpu.enqueue_dma source(%dma_start3A_297 : memref<16x128xf32, #tpu.memory_space<hbm>>) target(%dma_start3A_291 : memref<16x128xf32, #tpu.memory_space<vmem_shared>>) target_semaphore(%arg13 : memref<!tpu.dma_semaphore, #tpu.memory_space<semaphore_mem>>)
      %dma_start3A_298 = arith.constant 10000 : i32
      %dma_start3A_299 = arith.constant 0 : i32
      %dma_start3A_300 = tpu.memref_slice %arg10[%dma_start3A_298, %dma_start3A_299] : memref<10240x128xf32, #tpu.memory_space<vmem_shared>> -> memref<128x128xf32, #tpu.memory_space<vmem_shared>>
      tpu.enqueue_dma source(%arg5 : memref<128x128xf32, #tpu.memory_space<hbm>>) target(%dma_start3A_300 : memref<128x128xf32, #tpu.memory_space<vmem_shared>>) target_semaphore(%arg13 : memref<!tpu.dma_semaphore, #tpu.memory_space<semaphore_mem>>)
      %dma_start3A_301 = arith.constant 10128 : i32
      %dma_start3A_302 = arith.constant 0 : i32
      %dma_start3A_303 = tpu.memref_slice %arg10[%dma_start3A_301, %dma_start3A_302] : memref<10240x128xf32, #tpu.memory_space<vmem_shared>> -> memref<112x128xf32, #tpu.memory_space<vmem_shared>>
      %dma_start3A_304 = arith.constant 0 : i32
      %dma_start3A_305 = arith.constant 0 : i32
      %dma_start3A_306 = tpu.memref_slice %arg5[%dma_start3A_304, %dma_start3A_305] : memref<128x128xf32, #tpu.memory_space<hbm>> -> memref<112x128xf32, #tpu.memory_space<hbm>>
      tpu.enqueue_dma source(%dma_start3A_306 : memref<112x128xf32, #tpu.memory_space<hbm>>) target(%dma_start3A_303 : memref<112x128xf32, #tpu.memory_space<vmem_shared>>) target_semaphore(%arg13 : memref<!tpu.dma_semaphore, #tpu.memory_space<semaphore_mem>>)
      %dma_wait3A_307 = arith.constant 0 : i32
      %dma_wait3A_308 = tpu.memref_slice %arg10[%mul3A_0, %dma_wait3A_307] : memref<10240x128xf32, #tpu.memory_space<vmem_shared>> -> memref<128x128xf32, #tpu.memory_space<vmem_shared>>
      %dma_wait3A_309 = arith.constant 0 : i32
      %dma_wait3A_310 = arith.constant 0 : i32
      %dma_wait3A_311 = tpu.memref_slice %arg2[%arg0, %dma_wait3A_309, %dma_wait3A_310] : memref<2x10000x128xf32, #tpu.memory_space<hbm>> -> memref<1x10000x128xf32, #tpu.memory_space<hbm>>
      %dma_wait3A_312 = tpu.memref_squeeze %dma_wait3A_311 : memref<1x10000x128xf32, #tpu.memory_space<hbm>> -> memref<10000x128xf32, #tpu.memory_space<hbm>>
      %dma_wait3A_313 = arith.constant 0 : i32
      %dma_wait3A_314 = tpu.memref_slice %dma_wait3A_312[%mul3A_0, %dma_wait3A_313] : memref<10000x128xf32, #tpu.memory_space<hbm>> -> memref<128x128xf32, #tpu.memory_space<hbm>>
      tpu.wait_dma2 semaphore(%arg13 : memref<!tpu.dma_semaphore, #tpu.memory_space<semaphore_mem>>) src(%dma_wait3A_314 : memref<128x128xf32, #tpu.memory_space<hbm>>) dst(%dma_wait3A_308 : memref<128x128xf32, #tpu.memory_space<vmem_shared>>)
      %dma_wait3A_315 = arith.constant 0 : i32
      %dma_wait3A_316 = tpu.memref_slice %arg10[%add3A_257, %dma_wait3A_315] : memref<10240x128xf32, #tpu.memory_space<vmem_shared>> -> memref<128x128xf32, #tpu.memory_space<vmem_shared>>
      %dma_wait3A_317 = arith.constant 0 : i32
      %dma_wait3A_318 = arith.constant 0 : i32
      %dma_wait3A_319 = tpu.memref_slice %arg2[%arg0, %dma_wait3A_317, %dma_wait3A_318] : memref<2x10000x128xf32, #tpu.memory_space<hbm>> -> memref<1x10000x128xf32, #tpu.memory_space<hbm>>
      %dma_wait3A_320 = tpu.memref_squeeze %dma_wait3A_319 : memref<1x10000x128xf32, #tpu.memory_space<hbm>> -> memref<10000x128xf32, #tpu.memory_space<hbm>>
      %dma_wait3A_321 = arith.constant 0 : i32
      %dma_wait3A_322 = tpu.memref_slice %dma_wait3A_320[%add3A_255, %dma_wait3A_321] : memref<10000x128xf32, #tpu.memory_space<hbm>> -> memref<128x128xf32, #tpu.memory_space<hbm>>
      tpu.wait_dma2 semaphore(%arg13 : memref<!tpu.dma_semaphore, #tpu.memory_space<semaphore_mem>>) src(%dma_wait3A_322 : memref<128x128xf32, #tpu.memory_space<hbm>>) dst(%dma_wait3A_316 : memref<128x128xf32, #tpu.memory_space<vmem_shared>>)
      %dma_wait3A_323 = arith.constant 0 : i32
      %dma_wait3A_324 = tpu.memref_slice %arg10[%add3A_261, %dma_wait3A_323] : memref<10240x128xf32, #tpu.memory_space<vmem_shared>> -> memref<128x128xf32, #tpu.memory_space<vmem_shared>>
      %dma_wait3A_325 = arith.constant 0 : i32
      %dma_wait3A_326 = arith.constant 0 : i32
      %dma_wait3A_327 = tpu.memref_slice %arg2[%arg0, %dma_wait3A_325, %dma_wait3A_326] : memref<2x10000x128xf32, #tpu.memory_space<hbm>> -> memref<1x10000x128xf32, #tpu.memory_space<hbm>>
      %dma_wait3A_328 = tpu.memref_squeeze %dma_wait3A_327 : memref<1x10000x128xf32, #tpu.memory_space<hbm>> -> memref<10000x128xf32, #tpu.memory_space<hbm>>
      %dma_wait3A_329 = arith.constant 0 : i32
      %dma_wait3A_330 = tpu.memref_slice %dma_wait3A_328[%add3A_259, %dma_wait3A_329] : memref<10000x128xf32, #tpu.memory_space<hbm>> -> memref<128x128xf32, #tpu.memory_space<hbm>>
      tpu.wait_dma2 semaphore(%arg13 : memref<!tpu.dma_semaphore, #tpu.memory_space<semaphore_mem>>) src(%dma_wait3A_330 : memref<128x128xf32, #tpu.memory_space<hbm>>) dst(%dma_wait3A_324 : memref<128x128xf32, #tpu.memory_space<vmem_shared>>)
      %dma_wait3A_331 = arith.constant 0 : i32
      %dma_wait3A_332 = tpu.memref_slice %arg10[%add3A_265, %dma_wait3A_331] : memref<10240x128xf32, #tpu.memory_space<vmem_shared>> -> memref<16x128xf32, #tpu.memory_space<vmem_shared>>
      %dma_wait3A_333 = arith.constant 0 : i32
      %dma_wait3A_334 = arith.constant 0 : i32
      %dma_wait3A_335 = tpu.memref_slice %arg2[%arg0, %dma_wait3A_333, %dma_wait3A_334] : memref<2x10000x128xf32, #tpu.memory_space<hbm>> -> memref<1x10000x128xf32, #tpu.memory_space<hbm>>
      %dma_wait3A_336 = tpu.memref_squeeze %dma_wait3A_335 : memref<1x10000x128xf32, #tpu.memory_space<hbm>> -> memref<10000x128xf32, #tpu.memory_space<hbm>>
      %dma_wait3A_337 = arith.constant 0 : i32
      %dma_wait3A_338 = tpu.memref_slice %dma_wait3A_336[%add3A_263, %dma_wait3A_337] : memref<10000x128xf32, #tpu.memory_space<hbm>> -> memref<16x128xf32, #tpu.memory_space<hbm>>
      tpu.wait_dma2 semaphore(%arg13 : memref<!tpu.dma_semaphore, #tpu.memory_space<semaphore_mem>>) src(%dma_wait3A_338 : memref<16x128xf32, #tpu.memory_space<hbm>>) dst(%dma_wait3A_332 : memref<16x128xf32, #tpu.memory_space<vmem_shared>>)
      %dma_wait3A_339 = arith.constant 10000 : i32
      %dma_wait3A_340 = arith.constant 0 : i32
      %dma_wait3A_341 = tpu.memref_slice %arg10[%dma_wait3A_339, %dma_wait3A_340] : memref<10240x128xf32, #tpu.memory_space<vmem_shared>> -> memref<128x128xf32, #tpu.memory_space<vmem_shared>>
      tpu.wait_dma2 semaphore(%arg13 : memref<!tpu.dma_semaphore, #tpu.memory_space<semaphore_mem>>) src(%arg5 : memref<128x128xf32, #tpu.memory_space<hbm>>) dst(%dma_wait3A_341 : memref<128x128xf32, #tpu.memory_space<vmem_shared>>)
      %dma_wait3A_342 = arith.constant 10128 : i32
      %dma_wait3A_343 = arith.constant 0 : i32
      %dma_wait3A_344 = tpu.memref_slice %arg10[%dma_wait3A_342, %dma_wait3A_343] : memref<10240x128xf32, #tpu.memory_space<vmem_shared>> -> memref<112x128xf32, #tpu.memory_space<vmem_shared>>
      %dma_wait3A_345 = arith.constant 0 : i32
      %dma_wait3A_346 = arith.constant 0 : i32
      %dma_wait3A_347 = tpu.memref_slice %arg5[%dma_wait3A_345, %dma_wait3A_346] : memref<128x128xf32, #tpu.memory_space<hbm>> -> memref<112x128xf32, #tpu.memory_space<hbm>>
      tpu.wait_dma2 semaphore(%arg13 : memref<!tpu.dma_semaphore, #tpu.memory_space<semaphore_mem>>) src(%dma_wait3A_347 : memref<112x128xf32, #tpu.memory_space<hbm>>) dst(%dma_wait3A_344 : memref<112x128xf32, #tpu.memory_space<vmem_shared>>)
    } else {
    }
    %barrier3A = arith.constant 0 : index
    tpu.barrier barrier_id(%barrier3A)
    %run_scoped3A = arith.constant 0 : i32
    "tpu.region"() ({
      %run_scoped3A_255 = tpu.sem_alloc : memref<!tpu.dma_semaphore, #tpu.memory_space<semaphore_mem>>
      %dma_start3A_256 = arith.constant 0 : i32
      %dma_start3A_257 = arith.constant 0 : i32
      %dma_start3A_258 = tpu.memref_slice %arg3[%arg1, %run_scoped3A, %dma_start3A_256, %dma_start3A_257] : memref<16x4x25x100xi32, #tpu.memory_space<hbm>> -> memref<1x1x25x100xi32, #tpu.memory_space<hbm>>
      %dma_start3A_259 = tpu.memref_squeeze %dma_start3A_258 : memref<1x1x25x100xi32, #tpu.memory_space<hbm>> -> memref<25x100xi32, #tpu.memory_space<hbm>>
      %dma_start3A_260 = arith.constant 0 : i32
      %dma_start3A_261 = arith.constant 0 : i32
      %dma_start3A_262 = tpu.memref_slice %arg3[%arg1, %run_scoped3A, %dma_start3A_260, %dma_start3A_261] : memref<16x4x25x100xi32, #tpu.memory_space<hbm>> -> memref<1x1x25x100xi32, #tpu.memory_space<hbm>>
      %dma_start3A_263 = tpu.memref_squeeze %dma_start3A_262 : memref<1x1x25x100xi32, #tpu.memory_space<hbm>> -> memref<25x100xi32, #tpu.memory_space<hbm>>
      tpu.enqueue_dma source(%dma_start3A_263 : memref<25x100xi32, #tpu.memory_space<hbm>>) target(%arg7 : memref<25x100xi32, #tpu.memory_space<vmem>>) target_semaphore(%run_scoped3A_255 : memref<!tpu.dma_semaphore, #tpu.memory_space<semaphore_mem>>)
      %dma_wait3A_264 = arith.constant 0 : i32
      %dma_wait3A_265 = arith.constant 0 : i32
      %dma_wait3A_266 = tpu.memref_slice %arg3[%arg1, %run_scoped3A, %dma_wait3A_264, %dma_wait3A_265] : memref<16x4x25x100xi32, #tpu.memory_space<hbm>> -> memref<1x1x25x100xi32, #tpu.memory_space<hbm>>
      %dma_wait3A_267 = tpu.memref_squeeze %dma_wait3A_266 : memref<1x1x25x100xi32, #tpu.memory_space<hbm>> -> memref<25x100xi32, #tpu.memory_space<hbm>>
      %dma_wait3A_268 = arith.constant 0 : i32
      %dma_wait3A_269 = arith.constant 0 : i32
      %dma_wait3A_270 = tpu.memref_slice %arg3[%arg1, %run_scoped3A, %dma_wait3A_268, %dma_wait3A_269] : memref<16x4x25x100xi32, #tpu.memory_space<hbm>> -> memref<1x1x25x100xi32, #tpu.memory_space<hbm>>
      %dma_wait3A_271 = tpu.memref_squeeze %dma_wait3A_270 : memref<1x1x25x100xi32, #tpu.memory_space<hbm>> -> memref<25x100xi32, #tpu.memory_space<hbm>>
      tpu.wait_dma2 semaphore(%run_scoped3A_255 : memref<!tpu.dma_semaphore, #tpu.memory_space<semaphore_mem>>) src(%dma_wait3A_271 : memref<25x100xi32, #tpu.memory_space<hbm>>) dst(%arg7 : memref<25x100xi32, #tpu.memory_space<vmem>>)
      tpu.yield
    }) : () -> ()
    %run_scoped3A_7 = arith.constant 0 : i32
    "tpu.region"() ({
      %run_scoped3A_255 = tpu.sem_alloc : memref<!tpu.dma_semaphore, #tpu.memory_space<semaphore_mem>>
      %dma_start3A_256 = arith.constant 0 : i32
      %dma_start3A_257 = arith.constant 0 : i32
      %dma_start3A_258 = tpu.memref_slice %arg4[%arg1, %run_scoped3A_7, %dma_start3A_256, %dma_start3A_257] : memref<16x4x25x100xi32, #tpu.memory_space<hbm>> -> memref<1x1x25x100xi32, #tpu.memory_space<hbm>>
      %dma_start3A_259 = tpu.memref_squeeze %dma_start3A_258 : memref<1x1x25x100xi32, #tpu.memory_space<hbm>> -> memref<25x100xi32, #tpu.memory_space<hbm>>
      %dma_start3A_260 = arith.constant 0 : i32
      %dma_start3A_261 = arith.constant 0 : i32
      %dma_start3A_262 = tpu.memref_slice %arg4[%arg1, %run_scoped3A_7, %dma_start3A_260, %dma_start3A_261] : memref<16x4x25x100xi32, #tpu.memory_space<hbm>> -> memref<1x1x25x100xi32, #tpu.memory_space<hbm>>
      %dma_start3A_263 = tpu.memref_squeeze %dma_start3A_262 : memref<1x1x25x100xi32, #tpu.memory_space<hbm>> -> memref<25x100xi32, #tpu.memory_space<hbm>>
      tpu.enqueue_dma source(%dma_start3A_263 : memref<25x100xi32, #tpu.memory_space<hbm>>) target(%arg8 : memref<25x100xi32, #tpu.memory_space<vmem>>) target_semaphore(%run_scoped3A_255 : memref<!tpu.dma_semaphore, #tpu.memory_space<semaphore_mem>>)
      %dma_wait3A_264 = arith.constant 0 : i32
      %dma_wait3A_265 = arith.constant 0 : i32
      %dma_wait3A_266 = tpu.memref_slice %arg4[%arg1, %run_scoped3A_7, %dma_wait3A_264, %dma_wait3A_265] : memref<16x4x25x100xi32, #tpu.memory_space<hbm>> -> memref<1x1x25x100xi32, #tpu.memory_space<hbm>>
      %dma_wait3A_267 = tpu.memref_squeeze %dma_wait3A_266 : memref<1x1x25x100xi32, #tpu.memory_space<hbm>> -> memref<25x100xi32, #tpu.memory_space<hbm>>
      %dma_wait3A_268 = arith.constant 0 : i32
      %dma_wait3A_269 = arith.constant 0 : i32
      %dma_wait3A_270 = tpu.memref_slice %arg4[%arg1, %run_scoped3A_7, %dma_wait3A_268, %dma_wait3A_269] : memref<16x4x25x100xi32, #tpu.memory_space<hbm>> -> memref<1x1x25x100xi32, #tpu.memory_space<hbm>>
      %dma_wait3A_271 = tpu.memref_squeeze %dma_wait3A_270 : memref<1x1x25x100xi32, #tpu.memory_space<hbm>> -> memref<25x100xi32, #tpu.memory_space<hbm>>
      tpu.wait_dma2 semaphore(%run_scoped3A_255 : memref<!tpu.dma_semaphore, #tpu.memory_space<semaphore_mem>>) src(%dma_wait3A_271 : memref<25x100xi32, #tpu.memory_space<hbm>>) dst(%arg8 : memref<25x100xi32, #tpu.memory_space<vmem>>)
      tpu.yield
    }) : () -> ()
    %rem3A = arith.constant 0 : i32
    %rem3A_8 = arith.constant 3 : i32
    %rem3A_9 = arith.remsi %rem3A, %rem3A_8 : i32
    %dma_start3A = arith.constant 0 : i32
    %dma_start3A_10 = arith.constant 0 : i32
    %dma_start3A_11 = arith.constant 0 : i32
    %dma_start3A_12 = tpu.memref_slice %arg9[%rem3A_9, %dma_start3A_10, %dma_start3A_11] : memref<3x100x128xf32, #tpu.memory_space<vmem>> -> memref<1x100x128xf32, #tpu.memory_space<vmem>>
    %dma_start3A_13 = tpu.memref_squeeze %dma_start3A_12 : memref<1x100x128xf32, #tpu.memory_space<vmem>> -> memref<100x128xf32, #tpu.memory_space<vmem>>
    %dma_start3A_14 = arith.constant 0 : i32
    %dma_start3A_15 = tpu.memref_slice %arg7[%dma_start3A, %dma_start3A_14] : memref<25x100xi32, #tpu.memory_space<vmem>> -> memref<1x100xi32, #tpu.memory_space<vmem>>
    %dma_start3A_16 = tpu.memref_squeeze %dma_start3A_15 : memref<1x100xi32, #tpu.memory_space<vmem>> -> memref<100xi32, #tpu.memory_space<vmem>>
    %dma_start3A_17 = arith.constant 0 : i32
    %dma_start3A_18 = arith.constant 0 : i32
    %dma_start3A_19 = tpu.memref_slice %arg2[%arg0, %dma_start3A_17, %dma_start3A_18] : memref<2x10000x128xf32, #tpu.memory_space<hbm>> -> memref<1x10000x128xf32, #tpu.memory_space<hbm>>
    %dma_start3A_20 = tpu.memref_squeeze %dma_start3A_19 : memref<1x10000x128xf32, #tpu.memory_space<hbm>> -> memref<10000x128xf32, #tpu.memory_space<hbm>>
    %dma_start3A_21 = arith.constant 0 : i32
    %dma_start3A_22 = arith.constant 0 : i32
    %dma_start3A_23 = tpu.memref_slice %dma_start3A_20[%dma_start3A_21, %dma_start3A_22] : memref<10000x128xf32, #tpu.memory_space<hbm>> -> memref<10000x128xf32, #tpu.memory_space<hbm>>
    %dma_start3A_24 = tpu.memref_slice %arg11[%rem3A_9] : memref<3x!tpu.dma_semaphore, #tpu.memory_space<semaphore_mem>> -> memref<1x!tpu.dma_semaphore, #tpu.memory_space<semaphore_mem>>
    %dma_start3A_25 = tpu.memref_squeeze %dma_start3A_24 : memref<1x!tpu.dma_semaphore, #tpu.memory_space<semaphore_mem>> -> memref<!tpu.dma_semaphore, #tpu.memory_space<semaphore_mem>>
    tpu.enqueue_indirect_dma source(%dma_start3A_23 : memref<10000x128xf32, #tpu.memory_space<hbm>>) target(%dma_start3A_13 : memref<100x128xf32, #tpu.memory_space<vmem>>) offsets(%dma_start3A_16 : memref<100xi32, #tpu.memory_space<vmem>>) semaphore(%dma_start3A_25 : memref<!tpu.dma_semaphore, #tpu.memory_space<semaphore_mem>>)
    %rem3A_26 = arith.constant 1 : i32
    %rem3A_27 = arith.constant 3 : i32
    %rem3A_28 = arith.remsi %rem3A_26, %rem3A_27 : i32
    %dma_start3A_29 = arith.constant 1 : i32
    %dma_start3A_30 = arith.constant 0 : i32
    %dma_start3A_31 = arith.constant 0 : i32
    %dma_start3A_32 = tpu.memref_slice %arg9[%rem3A_28, %dma_start3A_30, %dma_start3A_31] : memref<3x100x128xf32, #tpu.memory_space<vmem>> -> memref<1x100x128xf32, #tpu.memory_space<vmem>>
    %dma_start3A_33 = tpu.memref_squeeze %dma_start3A_32 : memref<1x100x128xf32, #tpu.memory_space<vmem>> -> memref<100x128xf32, #tpu.memory_space<vmem>>
    %dma_start3A_34 = arith.constant 0 : i32
    %dma_start3A_35 = tpu.memref_slice %arg7[%dma_start3A_29, %dma_start3A_34] : memref<25x100xi32, #tpu.memory_space<vmem>> -> memref<1x100xi32, #tpu.memory_space<vmem>>
    %dma_start3A_36 = tpu.memref_squeeze %dma_start3A_35 : memref<1x100xi32, #tpu.memory_space<vmem>> -> memref<100xi32, #tpu.memory_space<vmem>>
    %dma_start3A_37 = arith.constant 0 : i32
    %dma_start3A_38 = arith.constant 0 : i32
    %dma_start3A_39 = tpu.memref_slice %arg2[%arg0, %dma_start3A_37, %dma_start3A_38] : memref<2x10000x128xf32, #tpu.memory_space<hbm>> -> memref<1x10000x128xf32, #tpu.memory_space<hbm>>
    %dma_start3A_40 = tpu.memref_squeeze %dma_start3A_39 : memref<1x10000x128xf32, #tpu.memory_space<hbm>> -> memref<10000x128xf32, #tpu.memory_space<hbm>>
    %dma_start3A_41 = arith.constant 0 : i32
    %dma_start3A_42 = arith.constant 0 : i32
    %dma_start3A_43 = tpu.memref_slice %dma_start3A_40[%dma_start3A_41, %dma_start3A_42] : memref<10000x128xf32, #tpu.memory_space<hbm>> -> memref<10000x128xf32, #tpu.memory_space<hbm>>
    %dma_start3A_44 = tpu.memref_slice %arg11[%rem3A_28] : memref<3x!tpu.dma_semaphore, #tpu.memory_space<semaphore_mem>> -> memref<1x!tpu.dma_semaphore, #tpu.memory_space<semaphore_mem>>
    %dma_start3A_45 = tpu.memref_squeeze %dma_start3A_44 : memref<1x!tpu.dma_semaphore, #tpu.memory_space<semaphore_mem>> -> memref<!tpu.dma_semaphore, #tpu.memory_space<semaphore_mem>>
    tpu.enqueue_indirect_dma source(%dma_start3A_43 : memref<10000x128xf32, #tpu.memory_space<hbm>>) target(%dma_start3A_33 : memref<100x128xf32, #tpu.memory_space<vmem>>) offsets(%dma_start3A_36 : memref<100xi32, #tpu.memory_space<vmem>>) semaphore(%dma_start3A_45 : memref<!tpu.dma_semaphore, #tpu.memory_space<semaphore_mem>>)
    %scan3A = arith.constant 0 : i32
    %scan3A_46 = arith.constant 25 : i32
    %scan3A_47 = arith.addi %scan3A, %scan3A_46 : i32
    %scan3A_48 = arith.constant 1 : i32
    scf.for %scan3A_255 = %scan3A to %scan3A_47 step %scan3A_48  : i32 {
      %mul3A_256 = arith.constant 1 : i32
      %mul3A_257 = arith.muli %scan3A_255, %mul3A_256 : i32
      %add3A = arith.constant 0 : i32
      %add3A_258 = arith.addi %add3A, %mul3A_257 : i32
      %rem3A_259 = arith.constant 3 : i32
      %rem3A_260 = arith.remsi %add3A_258, %rem3A_259 : i32
      %dma_wait3A_261 = arith.constant 0 : i32
      %dma_wait3A_262 = arith.constant 0 : i32
      %dma_wait3A_263 = tpu.memref_slice %arg9[%rem3A_260, %dma_wait3A_261, %dma_wait3A_262] : memref<3x100x128xf32, #tpu.memory_space<vmem>> -> memref<1x100x128xf32, #tpu.memory_space<vmem>>
      %dma_wait3A_264 = tpu.memref_squeeze %dma_wait3A_263 : memref<1x100x128xf32, #tpu.memory_space<vmem>> -> memref<100x128xf32, #tpu.memory_space<vmem>>
      %dma_wait3A_265 = arith.constant 0 : i32
      %dma_wait3A_266 = tpu.memref_slice %arg7[%add3A_258, %dma_wait3A_265] : memref<25x100xi32, #tpu.memory_space<vmem>> -> memref<1x100xi32, #tpu.memory_space<vmem>>
      %dma_wait3A_267 = tpu.memref_squeeze %dma_wait3A_266 : memref<1x100xi32, #tpu.memory_space<vmem>> -> memref<100xi32, #tpu.memory_space<vmem>>
      %dma_wait3A_268 = arith.constant 0 : i32
      %dma_wait3A_269 = arith.constant 0 : i32
      %dma_wait3A_270 = tpu.memref_slice %arg2[%arg0, %dma_wait3A_268, %dma_wait3A_269] : memref<2x10000x128xf32, #tpu.memory_space<hbm>> -> memref<1x10000x128xf32, #tpu.memory_space<hbm>>
      %dma_wait3A_271 = tpu.memref_squeeze %dma_wait3A_270 : memref<1x10000x128xf32, #tpu.memory_space<hbm>> -> memref<10000x128xf32, #tpu.memory_space<hbm>>
      %dma_wait3A_272 = arith.constant 0 : i32
      %dma_wait3A_273 = arith.constant 0 : i32
      %dma_wait3A_274 = tpu.memref_slice %dma_wait3A_271[%dma_wait3A_272, %dma_wait3A_273] : memref<10000x128xf32, #tpu.memory_space<hbm>> -> memref<10000x128xf32, #tpu.memory_space<hbm>>
      %dma_wait3A_275 = tpu.memref_slice %arg11[%rem3A_260] : memref<3x!tpu.dma_semaphore, #tpu.memory_space<semaphore_mem>> -> memref<1x!tpu.dma_semaphore, #tpu.memory_space<semaphore_mem>>
      %dma_wait3A_276 = tpu.memref_squeeze %dma_wait3A_275 : memref<1x!tpu.dma_semaphore, #tpu.memory_space<semaphore_mem>> -> memref<!tpu.dma_semaphore, #tpu.memory_space<semaphore_mem>>
      tpu.wait_indirect_dma semaphore(%dma_wait3A_276 : memref<!tpu.dma_semaphore, #tpu.memory_space<semaphore_mem>>) src(%dma_wait3A_274 : memref<10000x128xf32, #tpu.memory_space<hbm>>) dst(%dma_wait3A_264 : memref<100x128xf32, #tpu.memory_space<vmem>>)
      %rem3A_277 = arith.constant 3 : i32
      %rem3A_278 = arith.remsi %add3A_258, %rem3A_277 : i32
      %dma_start3A_279 = arith.constant 0 : i32
      %dma_start3A_280 = arith.constant 0 : i32
      %dma_start3A_281 = tpu.memref_slice %arg9[%rem3A_278, %dma_start3A_279, %dma_start3A_280] : memref<3x100x128xf32, #tpu.memory_space<vmem>> -> memref<1x100x128xf32, #tpu.memory_space<vmem>>
      %dma_start3A_282 = tpu.memref_squeeze %dma_start3A_281 : memref<1x100x128xf32, #tpu.memory_space<vmem>> -> memref<100x128xf32, #tpu.memory_space<vmem>>
      %dma_start3A_283 = arith.constant 0 : i32
      %dma_start3A_284 = tpu.memref_slice %arg8[%add3A_258, %dma_start3A_283] : memref<25x100xi32, #tpu.memory_space<vmem>> -> memref<1x100xi32, #tpu.memory_space<vmem>>
      %dma_start3A_285 = tpu.memref_squeeze %dma_start3A_284 : memref<1x100xi32, #tpu.memory_space<vmem>> -> memref<100xi32, #tpu.memory_space<vmem>>
      %dma_start3A_286 = arith.constant 0 : i32
      %dma_start3A_287 = arith.constant 0 : i32
      %dma_start3A_288 = tpu.memref_slice %arg10[%dma_start3A_286, %dma_start3A_287] : memref<10240x128xf32, #tpu.memory_space<vmem_shared>> -> memref<10240x128xf32, #tpu.memory_space<vmem_shared>>
      %dma_start3A_289 = tpu.memref_slice %arg12[%rem3A_278] : memref<3x!tpu.dma_semaphore, #tpu.memory_space<semaphore_mem>> -> memref<1x!tpu.dma_semaphore, #tpu.memory_space<semaphore_mem>>
      %dma_start3A_290 = tpu.memref_squeeze %dma_start3A_289 : memref<1x!tpu.dma_semaphore, #tpu.memory_space<semaphore_mem>> -> memref<!tpu.dma_semaphore, #tpu.memory_space<semaphore_mem>>
      tpu.enqueue_indirect_dma source(%dma_start3A_282 : memref<100x128xf32, #tpu.memory_space<vmem>>) target(%dma_start3A_288 : memref<10240x128xf32, #tpu.memory_space<vmem_shared>>) offsets(%dma_start3A_285 : memref<100xi32, #tpu.memory_space<vmem>>) semaphore(%dma_start3A_290 : memref<!tpu.dma_semaphore, #tpu.memory_space<semaphore_mem>>) {add = true}
      %ge3A = arith.constant 1 : i32
      %ge3A_291 = arith.cmpi sge, %add3A_258, %ge3A : i32
      %convert_element_type3A_292 = arith.extui %ge3A_291 : i1 to i32
      %cond3A_293 = arith.constant 0 : i32
      %cond3A_294 = arith.cmpi ne, %convert_element_type3A_292, %cond3A_293 : i32
      scf.if %cond3A_294 {
        %sub3A = arith.constant 1 : i32
        %sub3A_302 = arith.subi %add3A_258, %sub3A : i32
        %max3A = arith.constant 0 : i32
        %max3A_303 = arith.maxsi %sub3A_302, %max3A : i32
        %rem3A_304 = arith.constant 3 : i32
        %rem3A_305 = arith.remsi %max3A_303, %rem3A_304 : i32
        %dma_wait3A_306 = arith.constant 0 : i32
        %dma_wait3A_307 = arith.constant 0 : i32
        %dma_wait3A_308 = tpu.memref_slice %arg9[%rem3A_305, %dma_wait3A_306, %dma_wait3A_307] : memref<3x100x128xf32, #tpu.memory_space<vmem>> -> memref<1x100x128xf32, #tpu.memory_space<vmem>>
        %dma_wait3A_309 = tpu.memref_squeeze %dma_wait3A_308 : memref<1x100x128xf32, #tpu.memory_space<vmem>> -> memref<100x128xf32, #tpu.memory_space<vmem>>
        %dma_wait3A_310 = arith.constant 0 : i32
        %dma_wait3A_311 = tpu.memref_slice %arg8[%max3A_303, %dma_wait3A_310] : memref<25x100xi32, #tpu.memory_space<vmem>> -> memref<1x100xi32, #tpu.memory_space<vmem>>
        %dma_wait3A_312 = tpu.memref_squeeze %dma_wait3A_311 : memref<1x100xi32, #tpu.memory_space<vmem>> -> memref<100xi32, #tpu.memory_space<vmem>>
        %dma_wait3A_313 = arith.constant 0 : i32
        %dma_wait3A_314 = arith.constant 0 : i32
        %dma_wait3A_315 = tpu.memref_slice %arg10[%dma_wait3A_313, %dma_wait3A_314] : memref<10240x128xf32, #tpu.memory_space<vmem_shared>> -> memref<10240x128xf32, #tpu.memory_space<vmem_shared>>
        %dma_wait3A_316 = tpu.memref_slice %arg12[%rem3A_305] : memref<3x!tpu.dma_semaphore, #tpu.memory_space<semaphore_mem>> -> memref<1x!tpu.dma_semaphore, #tpu.memory_space<semaphore_mem>>
        %dma_wait3A_317 = tpu.memref_squeeze %dma_wait3A_316 : memref<1x!tpu.dma_semaphore, #tpu.memory_space<semaphore_mem>> -> memref<!tpu.dma_semaphore, #tpu.memory_space<semaphore_mem>>
        tpu.wait_indirect_dma semaphore(%dma_wait3A_317 : memref<!tpu.dma_semaphore, #tpu.memory_space<semaphore_mem>>) src(%dma_wait3A_309 : memref<100x128xf32, #tpu.memory_space<vmem>>) dst(%dma_wait3A_315 : memref<10240x128xf32, #tpu.memory_space<vmem_shared>>)
      } else {
      }
      %add3A_295 = arith.constant 2 : i32
      %add3A_296 = arith.addi %add3A_258, %add3A_295 : i32
      %lt3A_297 = arith.constant 25 : i32
      %lt3A_298 = arith.cmpi slt, %add3A_296, %lt3A_297 : i32
      %convert_element_type3A_299 = arith.extui %lt3A_298 : i1 to i32
      %cond3A_300 = arith.constant 0 : i32
      %cond3A_301 = arith.cmpi ne, %convert_element_type3A_299, %cond3A_300 : i32
      scf.if %cond3A_301 {
        %add3A_302 = arith.constant 2 : i32
        %add3A_303 = arith.addi %add3A_258, %add3A_302 : i32
        %min3A = arith.constant 24 : i32
        %min3A_304 = arith.minsi %add3A_303, %min3A : i32
        %rem3A_305 = arith.constant 3 : i32
        %rem3A_306 = arith.remsi %min3A_304, %rem3A_305 : i32
        %dma_start3A_307 = arith.constant 0 : i32
        %dma_start3A_308 = arith.constant 0 : i32
        %dma_start3A_309 = tpu.memref_slice %arg9[%rem3A_306, %dma_start3A_307, %dma_start3A_308] : memref<3x100x128xf32, #tpu.memory_space<vmem>> -> memref<1x100x128xf32, #tpu.memory_space<vmem>>
        %dma_start3A_310 = tpu.memref_squeeze %dma_start3A_309 : memref<1x100x128xf32, #tpu.memory_space<vmem>> -> memref<100x128xf32, #tpu.memory_space<vmem>>
        %dma_start3A_311 = arith.constant 0 : i32
        %dma_start3A_312 = tpu.memref_slice %arg7[%min3A_304, %dma_start3A_311] : memref<25x100xi32, #tpu.memory_space<vmem>> -> memref<1x100xi32, #tpu.memory_space<vmem>>
        %dma_start3A_313 = tpu.memref_squeeze %dma_start3A_312 : memref<1x100xi32, #tpu.memory_space<vmem>> -> memref<100xi32, #tpu.memory_space<vmem>>
        %dma_start3A_314 = arith.constant 0 : i32
        %dma_start3A_315 = arith.constant 0 : i32
        %dma_start3A_316 = tpu.memref_slice %arg2[%arg0, %dma_start3A_314, %dma_start3A_315] : memref<2x10000x128xf32, #tpu.memory_space<hbm>> -> memref<1x10000x128xf32, #tpu.memory_space<hbm>>
        %dma_start3A_317 = tpu.memref_squeeze %dma_start3A_316 : memref<1x10000x128xf32, #tpu.memory_space<hbm>> -> memref<10000x128xf32, #tpu.memory_space<hbm>>
        %dma_start3A_318 = arith.constant 0 : i32
        %dma_start3A_319 = arith.constant 0 : i32
        %dma_start3A_320 = tpu.memref_slice %dma_start3A_317[%dma_start3A_318, %dma_start3A_319] : memref<10000x128xf32, #tpu.memory_space<hbm>> -> memref<10000x128xf32, #tpu.memory_space<hbm>>
        %dma_start3A_321 = tpu.memref_slice %arg11[%rem3A_306] : memref<3x!tpu.dma_semaphore, #tpu.memory_space<semaphore_mem>> -> memref<1x!tpu.dma_semaphore, #tpu.memory_space<semaphore_mem>>
        %dma_start3A_322 = tpu.memref_squeeze %dma_start3A_321 : memref<1x!tpu.dma_semaphore, #tpu.memory_space<semaphore_mem>> -> memref<!tpu.dma_semaphore, #tpu.memory_space<semaphore_mem>>
        tpu.enqueue_indirect_dma source(%dma_start3A_320 : memref<10000x128xf32, #tpu.memory_space<hbm>>) target(%dma_start3A_310 : memref<100x128xf32, #tpu.memory_space<vmem>>) offsets(%dma_start3A_313 : memref<100xi32, #tpu.memory_space<vmem>>) semaphore(%dma_start3A_322 : memref<!tpu.dma_semaphore, #tpu.memory_space<semaphore_mem>>)
      } else {
      }
    }
    %scan3A_49 = arith.constant 25 : i32
    %rem3A_50 = arith.constant 24 : i32
    %rem3A_51 = arith.constant 3 : i32
    %rem3A_52 = arith.remsi %rem3A_50, %rem3A_51 : i32
    %dma_wait3A = arith.constant 24 : i32
    %dma_wait3A_53 = arith.constant 0 : i32
    %dma_wait3A_54 = arith.constant 0 : i32
    %dma_wait3A_55 = tpu.memref_slice %arg9[%rem3A_52, %dma_wait3A_53, %dma_wait3A_54] : memref<3x100x128xf32, #tpu.memory_space<vmem>> -> memref<1x100x128xf32, #tpu.memory_space<vmem>>
    %dma_wait3A_56 = tpu.memref_squeeze %dma_wait3A_55 : memref<1x100x128xf32, #tpu.memory_space<vmem>> -> memref<100x128xf32, #tpu.memory_space<vmem>>
    %dma_wait3A_57 = arith.constant 0 : i32
    %dma_wait3A_58 = tpu.memref_slice %arg8[%dma_wait3A, %dma_wait3A_57] : memref<25x100xi32, #tpu.memory_space<vmem>> -> memref<1x100xi32, #tpu.memory_space<vmem>>
    %dma_wait3A_59 = tpu.memref_squeeze %dma_wait3A_58 : memref<1x100xi32, #tpu.memory_space<vmem>> -> memref<100xi32, #tpu.memory_space<vmem>>
    %dma_wait3A_60 = arith.constant 0 : i32
    %dma_wait3A_61 = arith.constant 0 : i32
    %dma_wait3A_62 = tpu.memref_slice %arg10[%dma_wait3A_60, %dma_wait3A_61] : memref<10240x128xf32, #tpu.memory_space<vmem_shared>> -> memref<10240x128xf32, #tpu.memory_space<vmem_shared>>
    %dma_wait3A_63 = tpu.memref_slice %arg12[%rem3A_52] : memref<3x!tpu.dma_semaphore, #tpu.memory_space<semaphore_mem>> -> memref<1x!tpu.dma_semaphore, #tpu.memory_space<semaphore_mem>>
    %dma_wait3A_64 = tpu.memref_squeeze %dma_wait3A_63 : memref<1x!tpu.dma_semaphore, #tpu.memory_space<semaphore_mem>> -> memref<!tpu.dma_semaphore, #tpu.memory_space<semaphore_mem>>
    tpu.wait_indirect_dma semaphore(%dma_wait3A_64 : memref<!tpu.dma_semaphore, #tpu.memory_space<semaphore_mem>>) src(%dma_wait3A_56 : memref<100x128xf32, #tpu.memory_space<vmem>>) dst(%dma_wait3A_62 : memref<10240x128xf32, #tpu.memory_space<vmem_shared>>)
    %run_scoped3A_65 = arith.constant 1 : i32
    "tpu.region"() ({
      %run_scoped3A_255 = tpu.sem_alloc : memref<!tpu.dma_semaphore, #tpu.memory_space<semaphore_mem>>
      %dma_start3A_256 = arith.constant 0 : i32
      %dma_start3A_257 = arith.constant 0 : i32
      %dma_start3A_258 = tpu.memref_slice %arg3[%arg1, %run_scoped3A_65, %dma_start3A_256, %dma_start3A_257] : memref<16x4x25x100xi32, #tpu.memory_space<hbm>> -> memref<1x1x25x100xi32, #tpu.memory_space<hbm>>
      %dma_start3A_259 = tpu.memref_squeeze %dma_start3A_258 : memref<1x1x25x100xi32, #tpu.memory_space<hbm>> -> memref<25x100xi32, #tpu.memory_space<hbm>>
      %dma_start3A_260 = arith.constant 0 : i32
      %dma_start3A_261 = arith.constant 0 : i32
      %dma_start3A_262 = tpu.memref_slice %arg3[%arg1, %run_scoped3A_65, %dma_start3A_260, %dma_start3A_261] : memref<16x4x25x100xi32, #tpu.memory_space<hbm>> -> memref<1x1x25x100xi32, #tpu.memory_space<hbm>>
      %dma_start3A_263 = tpu.memref_squeeze %dma_start3A_262 : memref<1x1x25x100xi32, #tpu.memory_space<hbm>> -> memref<25x100xi32, #tpu.memory_space<hbm>>
      tpu.enqueue_dma source(%dma_start3A_263 : memref<25x100xi32, #tpu.memory_space<hbm>>) target(%arg7 : memref<25x100xi32, #tpu.memory_space<vmem>>) target_semaphore(%run_scoped3A_255 : memref<!tpu.dma_semaphore, #tpu.memory_space<semaphore_mem>>)
      %dma_wait3A_264 = arith.constant 0 : i32
      %dma_wait3A_265 = arith.constant 0 : i32
      %dma_wait3A_266 = tpu.memref_slice %arg3[%arg1, %run_scoped3A_65, %dma_wait3A_264, %dma_wait3A_265] : memref<16x4x25x100xi32, #tpu.memory_space<hbm>> -> memref<1x1x25x100xi32, #tpu.memory_space<hbm>>
      %dma_wait3A_267 = tpu.memref_squeeze %dma_wait3A_266 : memref<1x1x25x100xi32, #tpu.memory_space<hbm>> -> memref<25x100xi32, #tpu.memory_space<hbm>>
      %dma_wait3A_268 = arith.constant 0 : i32
      %dma_wait3A_269 = arith.constant 0 : i32
      %dma_wait3A_270 = tpu.memref_slice %arg3[%arg1, %run_scoped3A_65, %dma_wait3A_268, %dma_wait3A_269] : memref<16x4x25x100xi32, #tpu.memory_space<hbm>> -> memref<1x1x25x100xi32, #tpu.memory_space<hbm>>
      %dma_wait3A_271 = tpu.memref_squeeze %dma_wait3A_270 : memref<1x1x25x100xi32, #tpu.memory_space<hbm>> -> memref<25x100xi32, #tpu.memory_space<hbm>>
      tpu.wait_dma2 semaphore(%run_scoped3A_255 : memref<!tpu.dma_semaphore, #tpu.memory_space<semaphore_mem>>) src(%dma_wait3A_271 : memref<25x100xi32, #tpu.memory_space<hbm>>) dst(%arg7 : memref<25x100xi32, #tpu.memory_space<vmem>>)
      tpu.yield
    }) : () -> ()
    %run_scoped3A_66 = arith.constant 1 : i32
    "tpu.region"() ({
      %run_scoped3A_255 = tpu.sem_alloc : memref<!tpu.dma_semaphore, #tpu.memory_space<semaphore_mem>>
      %dma_start3A_256 = arith.constant 0 : i32
      %dma_start3A_257 = arith.constant 0 : i32
      %dma_start3A_258 = tpu.memref_slice %arg4[%arg1, %run_scoped3A_66, %dma_start3A_256, %dma_start3A_257] : memref<16x4x25x100xi32, #tpu.memory_space<hbm>> -> memref<1x1x25x100xi32, #tpu.memory_space<hbm>>
      %dma_start3A_259 = tpu.memref_squeeze %dma_start3A_258 : memref<1x1x25x100xi32, #tpu.memory_space<hbm>> -> memref<25x100xi32, #tpu.memory_space<hbm>>
      %dma_start3A_260 = arith.constant 0 : i32
      %dma_start3A_261 = arith.constant 0 : i32
      %dma_start3A_262 = tpu.memref_slice %arg4[%arg1, %run_scoped3A_66, %dma_start3A_260, %dma_start3A_261] : memref<16x4x25x100xi32, #tpu.memory_space<hbm>> -> memref<1x1x25x100xi32, #tpu.memory_space<hbm>>
      %dma_start3A_263 = tpu.memref_squeeze %dma_start3A_262 : memref<1x1x25x100xi32, #tpu.memory_space<hbm>> -> memref<25x100xi32, #tpu.memory_space<hbm>>
      tpu.enqueue_dma source(%dma_start3A_263 : memref<25x100xi32, #tpu.memory_space<hbm>>) target(%arg8 : memref<25x100xi32, #tpu.memory_space<vmem>>) target_semaphore(%run_scoped3A_255 : memref<!tpu.dma_semaphore, #tpu.memory_space<semaphore_mem>>)
      %dma_wait3A_264 = arith.constant 0 : i32
      %dma_wait3A_265 = arith.constant 0 : i32
      %dma_wait3A_266 = tpu.memref_slice %arg4[%arg1, %run_scoped3A_66, %dma_wait3A_264, %dma_wait3A_265] : memref<16x4x25x100xi32, #tpu.memory_space<hbm>> -> memref<1x1x25x100xi32, #tpu.memory_space<hbm>>
      %dma_wait3A_267 = tpu.memref_squeeze %dma_wait3A_266 : memref<1x1x25x100xi32, #tpu.memory_space<hbm>> -> memref<25x100xi32, #tpu.memory_space<hbm>>
      %dma_wait3A_268 = arith.constant 0 : i32
      %dma_wait3A_269 = arith.constant 0 : i32
      %dma_wait3A_270 = tpu.memref_slice %arg4[%arg1, %run_scoped3A_66, %dma_wait3A_268, %dma_wait3A_269] : memref<16x4x25x100xi32, #tpu.memory_space<hbm>> -> memref<1x1x25x100xi32, #tpu.memory_space<hbm>>
      %dma_wait3A_271 = tpu.memref_squeeze %dma_wait3A_270 : memref<1x1x25x100xi32, #tpu.memory_space<hbm>> -> memref<25x100xi32, #tpu.memory_space<hbm>>
      tpu.wait_dma2 semaphore(%run_scoped3A_255 : memref<!tpu.dma_semaphore, #tpu.memory_space<semaphore_mem>>) src(%dma_wait3A_271 : memref<25x100xi32, #tpu.memory_space<hbm>>) dst(%arg8 : memref<25x100xi32, #tpu.memory_space<vmem>>)
      tpu.yield
    }) : () -> ()
    %rem3A_67 = arith.constant 0 : i32
    %rem3A_68 = arith.constant 3 : i32
    %rem3A_69 = arith.remsi %rem3A_67, %rem3A_68 : i32
    %dma_start3A_70 = arith.constant 0 : i32
    %dma_start3A_71 = arith.constant 0 : i32
    %dma_start3A_72 = arith.constant 0 : i32
    %dma_start3A_73 = tpu.memref_slice %arg9[%rem3A_69, %dma_start3A_71, %dma_start3A_72] : memref<3x100x128xf32, #tpu.memory_space<vmem>> -> memref<1x100x128xf32, #tpu.memory_space<vmem>>
    %dma_start3A_74 = tpu.memref_squeeze %dma_start3A_73 : memref<1x100x128xf32, #tpu.memory_space<vmem>> -> memref<100x128xf32, #tpu.memory_space<vmem>>
    %dma_start3A_75 = arith.constant 0 : i32
    %dma_start3A_76 = tpu.memref_slice %arg7[%dma_start3A_70, %dma_start3A_75] : memref<25x100xi32, #tpu.memory_space<vmem>> -> memref<1x100xi32, #tpu.memory_space<vmem>>
    %dma_start3A_77 = tpu.memref_squeeze %dma_start3A_76 : memref<1x100xi32, #tpu.memory_space<vmem>> -> memref<100xi32, #tpu.memory_space<vmem>>
    %dma_start3A_78 = arith.constant 0 : i32
    %dma_start3A_79 = arith.constant 0 : i32
    %dma_start3A_80 = tpu.memref_slice %arg2[%arg0, %dma_start3A_78, %dma_start3A_79] : memref<2x10000x128xf32, #tpu.memory_space<hbm>> -> memref<1x10000x128xf32, #tpu.memory_space<hbm>>
    %dma_start3A_81 = tpu.memref_squeeze %dma_start3A_80 : memref<1x10000x128xf32, #tpu.memory_space<hbm>> -> memref<10000x128xf32, #tpu.memory_space<hbm>>
    %dma_start3A_82 = arith.constant 0 : i32
    %dma_start3A_83 = arith.constant 0 : i32
    %dma_start3A_84 = tpu.memref_slice %dma_start3A_81[%dma_start3A_82, %dma_start3A_83] : memref<10000x128xf32, #tpu.memory_space<hbm>> -> memref<10000x128xf32, #tpu.memory_space<hbm>>
    %dma_start3A_85 = tpu.memref_slice %arg11[%rem3A_69] : memref<3x!tpu.dma_semaphore, #tpu.memory_space<semaphore_mem>> -> memref<1x!tpu.dma_semaphore, #tpu.memory_space<semaphore_mem>>
    %dma_start3A_86 = tpu.memref_squeeze %dma_start3A_85 : memref<1x!tpu.dma_semaphore, #tpu.memory_space<semaphore_mem>> -> memref<!tpu.dma_semaphore, #tpu.memory_space<semaphore_mem>>
    tpu.enqueue_indirect_dma source(%dma_start3A_84 : memref<10000x128xf32, #tpu.memory_space<hbm>>) target(%dma_start3A_74 : memref<100x128xf32, #tpu.memory_space<vmem>>) offsets(%dma_start3A_77 : memref<100xi32, #tpu.memory_space<vmem>>) semaphore(%dma_start3A_86 : memref<!tpu.dma_semaphore, #tpu.memory_space<semaphore_mem>>)
    %rem3A_87 = arith.constant 1 : i32
    %rem3A_88 = arith.constant 3 : i32
    %rem3A_89 = arith.remsi %rem3A_87, %rem3A_88 : i32
    %dma_start3A_90 = arith.constant 1 : i32
    %dma_start3A_91 = arith.constant 0 : i32
    %dma_start3A_92 = arith.constant 0 : i32
    %dma_start3A_93 = tpu.memref_slice %arg9[%rem3A_89, %dma_start3A_91, %dma_start3A_92] : memref<3x100x128xf32, #tpu.memory_space<vmem>> -> memref<1x100x128xf32, #tpu.memory_space<vmem>>
    %dma_start3A_94 = tpu.memref_squeeze %dma_start3A_93 : memref<1x100x128xf32, #tpu.memory_space<vmem>> -> memref<100x128xf32, #tpu.memory_space<vmem>>
    %dma_start3A_95 = arith.constant 0 : i32
    %dma_start3A_96 = tpu.memref_slice %arg7[%dma_start3A_90, %dma_start3A_95] : memref<25x100xi32, #tpu.memory_space<vmem>> -> memref<1x100xi32, #tpu.memory_space<vmem>>
    %dma_start3A_97 = tpu.memref_squeeze %dma_start3A_96 : memref<1x100xi32, #tpu.memory_space<vmem>> -> memref<100xi32, #tpu.memory_space<vmem>>
    %dma_start3A_98 = arith.constant 0 : i32
    %dma_start3A_99 = arith.constant 0 : i32
    %dma_start3A_100 = tpu.memref_slice %arg2[%arg0, %dma_start3A_98, %dma_start3A_99] : memref<2x10000x128xf32, #tpu.memory_space<hbm>> -> memref<1x10000x128xf32, #tpu.memory_space<hbm>>
    %dma_start3A_101 = tpu.memref_squeeze %dma_start3A_100 : memref<1x10000x128xf32, #tpu.memory_space<hbm>> -> memref<10000x128xf32, #tpu.memory_space<hbm>>
    %dma_start3A_102 = arith.constant 0 : i32
    %dma_start3A_103 = arith.constant 0 : i32
    %dma_start3A_104 = tpu.memref_slice %dma_start3A_101[%dma_start3A_102, %dma_start3A_103] : memref<10000x128xf32, #tpu.memory_space<hbm>> -> memref<10000x128xf32, #tpu.memory_space<hbm>>
    %dma_start3A_105 = tpu.memref_slice %arg11[%rem3A_89] : memref<3x!tpu.dma_semaphore, #tpu.memory_space<semaphore_mem>> -> memref<1x!tpu.dma_semaphore, #tpu.memory_space<semaphore_mem>>
    %dma_start3A_106 = tpu.memref_squeeze %dma_start3A_105 : memref<1x!tpu.dma_semaphore, #tpu.memory_space<semaphore_mem>> -> memref<!tpu.dma_semaphore, #tpu.memory_space<semaphore_mem>>
    tpu.enqueue_indirect_dma source(%dma_start3A_104 : memref<10000x128xf32, #tpu.memory_space<hbm>>) target(%dma_start3A_94 : memref<100x128xf32, #tpu.memory_space<vmem>>) offsets(%dma_start3A_97 : memref<100xi32, #tpu.memory_space<vmem>>) semaphore(%dma_start3A_106 : memref<!tpu.dma_semaphore, #tpu.memory_space<semaphore_mem>>)
    %scan3A_107 = arith.constant 0 : i32
    %scan3A_108 = arith.constant 25 : i32
    %scan3A_109 = arith.addi %scan3A_107, %scan3A_108 : i32
    %scan3A_110 = arith.constant 1 : i32
    scf.for %scan3A_255 = %scan3A_107 to %scan3A_109 step %scan3A_110  : i32 {
      %mul3A_256 = arith.constant 1 : i32
      %mul3A_257 = arith.muli %scan3A_255, %mul3A_256 : i32
      %add3A = arith.constant 0 : i32
      %add3A_258 = arith.addi %add3A, %mul3A_257 : i32
      %rem3A_259 = arith.constant 3 : i32
      %rem3A_260 = arith.remsi %add3A_258, %rem3A_259 : i32
      %dma_wait3A_261 = arith.constant 0 : i32
      %dma_wait3A_262 = arith.constant 0 : i32
      %dma_wait3A_263 = tpu.memref_slice %arg9[%rem3A_260, %dma_wait3A_261, %dma_wait3A_262] : memref<3x100x128xf32, #tpu.memory_space<vmem>> -> memref<1x100x128xf32, #tpu.memory_space<vmem>>
      %dma_wait3A_264 = tpu.memref_squeeze %dma_wait3A_263 : memref<1x100x128xf32, #tpu.memory_space<vmem>> -> memref<100x128xf32, #tpu.memory_space<vmem>>
      %dma_wait3A_265 = arith.constant 0 : i32
      %dma_wait3A_266 = tpu.memref_slice %arg7[%add3A_258, %dma_wait3A_265] : memref<25x100xi32, #tpu.memory_space<vmem>> -> memref<1x100xi32, #tpu.memory_space<vmem>>
      %dma_wait3A_267 = tpu.memref_squeeze %dma_wait3A_266 : memref<1x100xi32, #tpu.memory_space<vmem>> -> memref<100xi32, #tpu.memory_space<vmem>>
      %dma_wait3A_268 = arith.constant 0 : i32
      %dma_wait3A_269 = arith.constant 0 : i32
      %dma_wait3A_270 = tpu.memref_slice %arg2[%arg0, %dma_wait3A_268, %dma_wait3A_269] : memref<2x10000x128xf32, #tpu.memory_space<hbm>> -> memref<1x10000x128xf32, #tpu.memory_space<hbm>>
      %dma_wait3A_271 = tpu.memref_squeeze %dma_wait3A_270 : memref<1x10000x128xf32, #tpu.memory_space<hbm>> -> memref<10000x128xf32, #tpu.memory_space<hbm>>
      %dma_wait3A_272 = arith.constant 0 : i32
      %dma_wait3A_273 = arith.constant 0 : i32
      %dma_wait3A_274 = tpu.memref_slice %dma_wait3A_271[%dma_wait3A_272, %dma_wait3A_273] : memref<10000x128xf32, #tpu.memory_space<hbm>> -> memref<10000x128xf32, #tpu.memory_space<hbm>>
      %dma_wait3A_275 = tpu.memref_slice %arg11[%rem3A_260] : memref<3x!tpu.dma_semaphore, #tpu.memory_space<semaphore_mem>> -> memref<1x!tpu.dma_semaphore, #tpu.memory_space<semaphore_mem>>
      %dma_wait3A_276 = tpu.memref_squeeze %dma_wait3A_275 : memref<1x!tpu.dma_semaphore, #tpu.memory_space<semaphore_mem>> -> memref<!tpu.dma_semaphore, #tpu.memory_space<semaphore_mem>>
      tpu.wait_indirect_dma semaphore(%dma_wait3A_276 : memref<!tpu.dma_semaphore, #tpu.memory_space<semaphore_mem>>) src(%dma_wait3A_274 : memref<10000x128xf32, #tpu.memory_space<hbm>>) dst(%dma_wait3A_264 : memref<100x128xf32, #tpu.memory_space<vmem>>)
      %rem3A_277 = arith.constant 3 : i32
      %rem3A_278 = arith.remsi %add3A_258, %rem3A_277 : i32
      %dma_start3A_279 = arith.constant 0 : i32
      %dma_start3A_280 = arith.constant 0 : i32
      %dma_start3A_281 = tpu.memref_slice %arg9[%rem3A_278, %dma_start3A_279, %dma_start3A_280] : memref<3x100x128xf32, #tpu.memory_space<vmem>> -> memref<1x100x128xf32, #tpu.memory_space<vmem>>
      %dma_start3A_282 = tpu.memref_squeeze %dma_start3A_281 : memref<1x100x128xf32, #tpu.memory_space<vmem>> -> memref<100x128xf32, #tpu.memory_space<vmem>>
      %dma_start3A_283 = arith.constant 0 : i32
      %dma_start3A_284 = tpu.memref_slice %arg8[%add3A_258, %dma_start3A_283] : memref<25x100xi32, #tpu.memory_space<vmem>> -> memref<1x100xi32, #tpu.memory_space<vmem>>
      %dma_start3A_285 = tpu.memref_squeeze %dma_start3A_284 : memref<1x100xi32, #tpu.memory_space<vmem>> -> memref<100xi32, #tpu.memory_space<vmem>>
      %dma_start3A_286 = arith.constant 0 : i32
      %dma_start3A_287 = arith.constant 0 : i32
      %dma_start3A_288 = tpu.memref_slice %arg10[%dma_start3A_286, %dma_start3A_287] : memref<10240x128xf32, #tpu.memory_space<vmem_shared>> -> memref<10240x128xf32, #tpu.memory_space<vmem_shared>>
      %dma_start3A_289 = tpu.memref_slice %arg12[%rem3A_278] : memref<3x!tpu.dma_semaphore, #tpu.memory_space<semaphore_mem>> -> memref<1x!tpu.dma_semaphore, #tpu.memory_space<semaphore_mem>>
      %dma_start3A_290 = tpu.memref_squeeze %dma_start3A_289 : memref<1x!tpu.dma_semaphore, #tpu.memory_space<semaphore_mem>> -> memref<!tpu.dma_semaphore, #tpu.memory_space<semaphore_mem>>
      tpu.enqueue_indirect_dma source(%dma_start3A_282 : memref<100x128xf32, #tpu.memory_space<vmem>>) target(%dma_start3A_288 : memref<10240x128xf32, #tpu.memory_space<vmem_shared>>) offsets(%dma_start3A_285 : memref<100xi32, #tpu.memory_space<vmem>>) semaphore(%dma_start3A_290 : memref<!tpu.dma_semaphore, #tpu.memory_space<semaphore_mem>>) {add = true}
      %ge3A = arith.constant 1 : i32
      %ge3A_291 = arith.cmpi sge, %add3A_258, %ge3A : i32
      %convert_element_type3A_292 = arith.extui %ge3A_291 : i1 to i32
      %cond3A_293 = arith.constant 0 : i32
      %cond3A_294 = arith.cmpi ne, %convert_element_type3A_292, %cond3A_293 : i32
      scf.if %cond3A_294 {
        %sub3A = arith.constant 1 : i32
        %sub3A_302 = arith.subi %add3A_258, %sub3A : i32
        %max3A = arith.constant 0 : i32
        %max3A_303 = arith.maxsi %sub3A_302, %max3A : i32
        %rem3A_304 = arith.constant 3 : i32
        %rem3A_305 = arith.remsi %max3A_303, %rem3A_304 : i32
        %dma_wait3A_306 = arith.constant 0 : i32
        %dma_wait3A_307 = arith.constant 0 : i32
        %dma_wait3A_308 = tpu.memref_slice %arg9[%rem3A_305, %dma_wait3A_306, %dma_wait3A_307] : memref<3x100x128xf32, #tpu.memory_space<vmem>> -> memref<1x100x128xf32, #tpu.memory_space<vmem>>
        %dma_wait3A_309 = tpu.memref_squeeze %dma_wait3A_308 : memref<1x100x128xf32, #tpu.memory_space<vmem>> -> memref<100x128xf32, #tpu.memory_space<vmem>>
        %dma_wait3A_310 = arith.constant 0 : i32
        %dma_wait3A_311 = tpu.memref_slice %arg8[%max3A_303, %dma_wait3A_310] : memref<25x100xi32, #tpu.memory_space<vmem>> -> memref<1x100xi32, #tpu.memory_space<vmem>>
        %dma_wait3A_312 = tpu.memref_squeeze %dma_wait3A_311 : memref<1x100xi32, #tpu.memory_space<vmem>> -> memref<100xi32, #tpu.memory_space<vmem>>
        %dma_wait3A_313 = arith.constant 0 : i32
        %dma_wait3A_314 = arith.constant 0 : i32
        %dma_wait3A_315 = tpu.memref_slice %arg10[%dma_wait3A_313, %dma_wait3A_314] : memref<10240x128xf32, #tpu.memory_space<vmem_shared>> -> memref<10240x128xf32, #tpu.memory_space<vmem_shared>>
        %dma_wait3A_316 = tpu.memref_slice %arg12[%rem3A_305] : memref<3x!tpu.dma_semaphore, #tpu.memory_space<semaphore_mem>> -> memref<1x!tpu.dma_semaphore, #tpu.memory_space<semaphore_mem>>
        %dma_wait3A_317 = tpu.memref_squeeze %dma_wait3A_316 : memref<1x!tpu.dma_semaphore, #tpu.memory_space<semaphore_mem>> -> memref<!tpu.dma_semaphore, #tpu.memory_space<semaphore_mem>>
        tpu.wait_indirect_dma semaphore(%dma_wait3A_317 : memref<!tpu.dma_semaphore, #tpu.memory_space<semaphore_mem>>) src(%dma_wait3A_309 : memref<100x128xf32, #tpu.memory_space<vmem>>) dst(%dma_wait3A_315 : memref<10240x128xf32, #tpu.memory_space<vmem_shared>>)
      } else {
      }
      %add3A_295 = arith.constant 2 : i32
      %add3A_296 = arith.addi %add3A_258, %add3A_295 : i32
      %lt3A_297 = arith.constant 25 : i32
      %lt3A_298 = arith.cmpi slt, %add3A_296, %lt3A_297 : i32
      %convert_element_type3A_299 = arith.extui %lt3A_298 : i1 to i32
      %cond3A_300 = arith.constant 0 : i32
      %cond3A_301 = arith.cmpi ne, %convert_element_type3A_299, %cond3A_300 : i32
      scf.if %cond3A_301 {
        %add3A_302 = arith.constant 2 : i32
        %add3A_303 = arith.addi %add3A_258, %add3A_302 : i32
        %min3A = arith.constant 24 : i32
        %min3A_304 = arith.minsi %add3A_303, %min3A : i32
        %rem3A_305 = arith.constant 3 : i32
        %rem3A_306 = arith.remsi %min3A_304, %rem3A_305 : i32
        %dma_start3A_307 = arith.constant 0 : i32
        %dma_start3A_308 = arith.constant 0 : i32
        %dma_start3A_309 = tpu.memref_slice %arg9[%rem3A_306, %dma_start3A_307, %dma_start3A_308] : memref<3x100x128xf32, #tpu.memory_space<vmem>> -> memref<1x100x128xf32, #tpu.memory_space<vmem>>
        %dma_start3A_310 = tpu.memref_squeeze %dma_start3A_309 : memref<1x100x128xf32, #tpu.memory_space<vmem>> -> memref<100x128xf32, #tpu.memory_space<vmem>>
        %dma_start3A_311 = arith.constant 0 : i32
        %dma_start3A_312 = tpu.memref_slice %arg7[%min3A_304, %dma_start3A_311] : memref<25x100xi32, #tpu.memory_space<vmem>> -> memref<1x100xi32, #tpu.memory_space<vmem>>
        %dma_start3A_313 = tpu.memref_squeeze %dma_start3A_312 : memref<1x100xi32, #tpu.memory_space<vmem>> -> memref<100xi32, #tpu.memory_space<vmem>>
        %dma_start3A_314 = arith.constant 0 : i32
        %dma_start3A_315 = arith.constant 0 : i32
        %dma_start3A_316 = tpu.memref_slice %arg2[%arg0, %dma_start3A_314, %dma_start3A_315] : memref<2x10000x128xf32, #tpu.memory_space<hbm>> -> memref<1x10000x128xf32, #tpu.memory_space<hbm>>
        %dma_start3A_317 = tpu.memref_squeeze %dma_start3A_316 : memref<1x10000x128xf32, #tpu.memory_space<hbm>> -> memref<10000x128xf32, #tpu.memory_space<hbm>>
        %dma_start3A_318 = arith.constant 0 : i32
        %dma_start3A_319 = arith.constant 0 : i32
        %dma_start3A_320 = tpu.memref_slice %dma_start3A_317[%dma_start3A_318, %dma_start3A_319] : memref<10000x128xf32, #tpu.memory_space<hbm>> -> memref<10000x128xf32, #tpu.memory_space<hbm>>
        %dma_start3A_321 = tpu.memref_slice %arg11[%rem3A_306] : memref<3x!tpu.dma_semaphore, #tpu.memory_space<semaphore_mem>> -> memref<1x!tpu.dma_semaphore, #tpu.memory_space<semaphore_mem>>
        %dma_start3A_322 = tpu.memref_squeeze %dma_start3A_321 : memref<1x!tpu.dma_semaphore, #tpu.memory_space<semaphore_mem>> -> memref<!tpu.dma_semaphore, #tpu.memory_space<semaphore_mem>>
        tpu.enqueue_indirect_dma source(%dma_start3A_320 : memref<10000x128xf32, #tpu.memory_space<hbm>>) target(%dma_start3A_310 : memref<100x128xf32, #tpu.memory_space<vmem>>) offsets(%dma_start3A_313 : memref<100xi32, #tpu.memory_space<vmem>>) semaphore(%dma_start3A_322 : memref<!tpu.dma_semaphore, #tpu.memory_space<semaphore_mem>>)
      } else {
      }
    }
    %scan3A_111 = arith.constant 25 : i32
    %rem3A_112 = arith.constant 24 : i32
    %rem3A_113 = arith.constant 3 : i32
    %rem3A_114 = arith.remsi %rem3A_112, %rem3A_113 : i32
    %dma_wait3A_115 = arith.constant 24 : i32
    %dma_wait3A_116 = arith.constant 0 : i32
    %dma_wait3A_117 = arith.constant 0 : i32
    %dma_wait3A_118 = tpu.memref_slice %arg9[%rem3A_114, %dma_wait3A_116, %dma_wait3A_117] : memref<3x100x128xf32, #tpu.memory_space<vmem>> -> memref<1x100x128xf32, #tpu.memory_space<vmem>>
    %dma_wait3A_119 = tpu.memref_squeeze %dma_wait3A_118 : memref<1x100x128xf32, #tpu.memory_space<vmem>> -> memref<100x128xf32, #tpu.memory_space<vmem>>
    %dma_wait3A_120 = arith.constant 0 : i32
    %dma_wait3A_121 = tpu.memref_slice %arg8[%dma_wait3A_115, %dma_wait3A_120] : memref<25x100xi32, #tpu.memory_space<vmem>> -> memref<1x100xi32, #tpu.memory_space<vmem>>
    %dma_wait3A_122 = tpu.memref_squeeze %dma_wait3A_121 : memref<1x100xi32, #tpu.memory_space<vmem>> -> memref<100xi32, #tpu.memory_space<vmem>>
    %dma_wait3A_123 = arith.constant 0 : i32
    %dma_wait3A_124 = arith.constant 0 : i32
    %dma_wait3A_125 = tpu.memref_slice %arg10[%dma_wait3A_123, %dma_wait3A_124] : memref<10240x128xf32, #tpu.memory_space<vmem_shared>> -> memref<10240x128xf32, #tpu.memory_space<vmem_shared>>
    %dma_wait3A_126 = tpu.memref_slice %arg12[%rem3A_114] : memref<3x!tpu.dma_semaphore, #tpu.memory_space<semaphore_mem>> -> memref<1x!tpu.dma_semaphore, #tpu.memory_space<semaphore_mem>>
    %dma_wait3A_127 = tpu.memref_squeeze %dma_wait3A_126 : memref<1x!tpu.dma_semaphore, #tpu.memory_space<semaphore_mem>> -> memref<!tpu.dma_semaphore, #tpu.memory_space<semaphore_mem>>
    tpu.wait_indirect_dma semaphore(%dma_wait3A_127 : memref<!tpu.dma_semaphore, #tpu.memory_space<semaphore_mem>>) src(%dma_wait3A_119 : memref<100x128xf32, #tpu.memory_space<vmem>>) dst(%dma_wait3A_125 : memref<10240x128xf32, #tpu.memory_space<vmem_shared>>)
    %run_scoped3A_128 = arith.constant 2 : i32
    "tpu.region"() ({
      %run_scoped3A_255 = tpu.sem_alloc : memref<!tpu.dma_semaphore, #tpu.memory_space<semaphore_mem>>
      %dma_start3A_256 = arith.constant 0 : i32
      %dma_start3A_257 = arith.constant 0 : i32
      %dma_start3A_258 = tpu.memref_slice %arg3[%arg1, %run_scoped3A_128, %dma_start3A_256, %dma_start3A_257] : memref<16x4x25x100xi32, #tpu.memory_space<hbm>> -> memref<1x1x25x100xi32, #tpu.memory_space<hbm>>
      %dma_start3A_259 = tpu.memref_squeeze %dma_start3A_258 : memref<1x1x25x100xi32, #tpu.memory_space<hbm>> -> memref<25x100xi32, #tpu.memory_space<hbm>>
      %dma_start3A_260 = arith.constant 0 : i32
      %dma_start3A_261 = arith.constant 0 : i32
      %dma_start3A_262 = tpu.memref_slice %arg3[%arg1, %run_scoped3A_128, %dma_start3A_260, %dma_start3A_261] : memref<16x4x25x100xi32, #tpu.memory_space<hbm>> -> memref<1x1x25x100xi32, #tpu.memory_space<hbm>>
      %dma_start3A_263 = tpu.memref_squeeze %dma_start3A_262 : memref<1x1x25x100xi32, #tpu.memory_space<hbm>> -> memref<25x100xi32, #tpu.memory_space<hbm>>
      tpu.enqueue_dma source(%dma_start3A_263 : memref<25x100xi32, #tpu.memory_space<hbm>>) target(%arg7 : memref<25x100xi32, #tpu.memory_space<vmem>>) target_semaphore(%run_scoped3A_255 : memref<!tpu.dma_semaphore, #tpu.memory_space<semaphore_mem>>)
      %dma_wait3A_264 = arith.constant 0 : i32
      %dma_wait3A_265 = arith.constant 0 : i32
      %dma_wait3A_266 = tpu.memref_slice %arg3[%arg1, %run_scoped3A_128, %dma_wait3A_264, %dma_wait3A_265] : memref<16x4x25x100xi32, #tpu.memory_space<hbm>> -> memref<1x1x25x100xi32, #tpu.memory_space<hbm>>
      %dma_wait3A_267 = tpu.memref_squeeze %dma_wait3A_266 : memref<1x1x25x100xi32, #tpu.memory_space<hbm>> -> memref<25x100xi32, #tpu.memory_space<hbm>>
      %dma_wait3A_268 = arith.constant 0 : i32
      %dma_wait3A_269 = arith.constant 0 : i32
      %dma_wait3A_270 = tpu.memref_slice %arg3[%arg1, %run_scoped3A_128, %dma_wait3A_268, %dma_wait3A_269] : memref<16x4x25x100xi32, #tpu.memory_space<hbm>> -> memref<1x1x25x100xi32, #tpu.memory_space<hbm>>
      %dma_wait3A_271 = tpu.memref_squeeze %dma_wait3A_270 : memref<1x1x25x100xi32, #tpu.memory_space<hbm>> -> memref<25x100xi32, #tpu.memory_space<hbm>>
      tpu.wait_dma2 semaphore(%run_scoped3A_255 : memref<!tpu.dma_semaphore, #tpu.memory_space<semaphore_mem>>) src(%dma_wait3A_271 : memref<25x100xi32, #tpu.memory_space<hbm>>) dst(%arg7 : memref<25x100xi32, #tpu.memory_space<vmem>>)
      tpu.yield
    }) : () -> ()
    %run_scoped3A_129 = arith.constant 2 : i32
    "tpu.region"() ({
      %run_scoped3A_255 = tpu.sem_alloc : memref<!tpu.dma_semaphore, #tpu.memory_space<semaphore_mem>>
      %dma_start3A_256 = arith.constant 0 : i32
      %dma_start3A_257 = arith.constant 0 : i32
      %dma_start3A_258 = tpu.memref_slice %arg4[%arg1, %run_scoped3A_129, %dma_start3A_256, %dma_start3A_257] : memref<16x4x25x100xi32, #tpu.memory_space<hbm>> -> memref<1x1x25x100xi32, #tpu.memory_space<hbm>>
      %dma_start3A_259 = tpu.memref_squeeze %dma_start3A_258 : memref<1x1x25x100xi32, #tpu.memory_space<hbm>> -> memref<25x100xi32, #tpu.memory_space<hbm>>
      %dma_start3A_260 = arith.constant 0 : i32
      %dma_start3A_261 = arith.constant 0 : i32
      %dma_start3A_262 = tpu.memref_slice %arg4[%arg1, %run_scoped3A_129, %dma_start3A_260, %dma_start3A_261] : memref<16x4x25x100xi32, #tpu.memory_space<hbm>> -> memref<1x1x25x100xi32, #tpu.memory_space<hbm>>
      %dma_start3A_263 = tpu.memref_squeeze %dma_start3A_262 : memref<1x1x25x100xi32, #tpu.memory_space<hbm>> -> memref<25x100xi32, #tpu.memory_space<hbm>>
      tpu.enqueue_dma source(%dma_start3A_263 : memref<25x100xi32, #tpu.memory_space<hbm>>) target(%arg8 : memref<25x100xi32, #tpu.memory_space<vmem>>) target_semaphore(%run_scoped3A_255 : memref<!tpu.dma_semaphore, #tpu.memory_space<semaphore_mem>>)
      %dma_wait3A_264 = arith.constant 0 : i32
      %dma_wait3A_265 = arith.constant 0 : i32
      %dma_wait3A_266 = tpu.memref_slice %arg4[%arg1, %run_scoped3A_129, %dma_wait3A_264, %dma_wait3A_265] : memref<16x4x25x100xi32, #tpu.memory_space<hbm>> -> memref<1x1x25x100xi32, #tpu.memory_space<hbm>>
      %dma_wait3A_267 = tpu.memref_squeeze %dma_wait3A_266 : memref<1x1x25x100xi32, #tpu.memory_space<hbm>> -> memref<25x100xi32, #tpu.memory_space<hbm>>
      %dma_wait3A_268 = arith.constant 0 : i32
      %dma_wait3A_269 = arith.constant 0 : i32
      %dma_wait3A_270 = tpu.memref_slice %arg4[%arg1, %run_scoped3A_129, %dma_wait3A_268, %dma_wait3A_269] : memref<16x4x25x100xi32, #tpu.memory_space<hbm>> -> memref<1x1x25x100xi32, #tpu.memory_space<hbm>>
      %dma_wait3A_271 = tpu.memref_squeeze %dma_wait3A_270 : memref<1x1x25x100xi32, #tpu.memory_space<hbm>> -> memref<25x100xi32, #tpu.memory_space<hbm>>
      tpu.wait_dma2 semaphore(%run_scoped3A_255 : memref<!tpu.dma_semaphore, #tpu.memory_space<semaphore_mem>>) src(%dma_wait3A_271 : memref<25x100xi32, #tpu.memory_space<hbm>>) dst(%arg8 : memref<25x100xi32, #tpu.memory_space<vmem>>)
      tpu.yield
    }) : () -> ()
    %rem3A_130 = arith.constant 0 : i32
    %rem3A_131 = arith.constant 3 : i32
    %rem3A_132 = arith.remsi %rem3A_130, %rem3A_131 : i32
    %dma_start3A_133 = arith.constant 0 : i32
    %dma_start3A_134 = arith.constant 0 : i32
    %dma_start3A_135 = arith.constant 0 : i32
    %dma_start3A_136 = tpu.memref_slice %arg9[%rem3A_132, %dma_start3A_134, %dma_start3A_135] : memref<3x100x128xf32, #tpu.memory_space<vmem>> -> memref<1x100x128xf32, #tpu.memory_space<vmem>>
    %dma_start3A_137 = tpu.memref_squeeze %dma_start3A_136 : memref<1x100x128xf32, #tpu.memory_space<vmem>> -> memref<100x128xf32, #tpu.memory_space<vmem>>
    %dma_start3A_138 = arith.constant 0 : i32
    %dma_start3A_139 = tpu.memref_slice %arg7[%dma_start3A_133, %dma_start3A_138] : memref<25x100xi32, #tpu.memory_space<vmem>> -> memref<1x100xi32, #tpu.memory_space<vmem>>
    %dma_start3A_140 = tpu.memref_squeeze %dma_start3A_139 : memref<1x100xi32, #tpu.memory_space<vmem>> -> memref<100xi32, #tpu.memory_space<vmem>>
    %dma_start3A_141 = arith.constant 0 : i32
    %dma_start3A_142 = arith.constant 0 : i32
    %dma_start3A_143 = tpu.memref_slice %arg2[%arg0, %dma_start3A_141, %dma_start3A_142] : memref<2x10000x128xf32, #tpu.memory_space<hbm>> -> memref<1x10000x128xf32, #tpu.memory_space<hbm>>
    %dma_start3A_144 = tpu.memref_squeeze %dma_start3A_143 : memref<1x10000x128xf32, #tpu.memory_space<hbm>> -> memref<10000x128xf32, #tpu.memory_space<hbm>>
    %dma_start3A_145 = arith.constant 0 : i32
    %dma_start3A_146 = arith.constant 0 : i32
    %dma_start3A_147 = tpu.memref_slice %dma_start3A_144[%dma_start3A_145, %dma_start3A_146] : memref<10000x128xf32, #tpu.memory_space<hbm>> -> memref<10000x128xf32, #tpu.memory_space<hbm>>
    %dma_start3A_148 = tpu.memref_slice %arg11[%rem3A_132] : memref<3x!tpu.dma_semaphore, #tpu.memory_space<semaphore_mem>> -> memref<1x!tpu.dma_semaphore, #tpu.memory_space<semaphore_mem>>
    %dma_start3A_149 = tpu.memref_squeeze %dma_start3A_148 : memref<1x!tpu.dma_semaphore, #tpu.memory_space<semaphore_mem>> -> memref<!tpu.dma_semaphore, #tpu.memory_space<semaphore_mem>>
    tpu.enqueue_indirect_dma source(%dma_start3A_147 : memref<10000x128xf32, #tpu.memory_space<hbm>>) target(%dma_start3A_137 : memref<100x128xf32, #tpu.memory_space<vmem>>) offsets(%dma_start3A_140 : memref<100xi32, #tpu.memory_space<vmem>>) semaphore(%dma_start3A_149 : memref<!tpu.dma_semaphore, #tpu.memory_space<semaphore_mem>>)
    %rem3A_150 = arith.constant 1 : i32
    %rem3A_151 = arith.constant 3 : i32
    %rem3A_152 = arith.remsi %rem3A_150, %rem3A_151 : i32
    %dma_start3A_153 = arith.constant 1 : i32
    %dma_start3A_154 = arith.constant 0 : i32
    %dma_start3A_155 = arith.constant 0 : i32
    %dma_start3A_156 = tpu.memref_slice %arg9[%rem3A_152, %dma_start3A_154, %dma_start3A_155] : memref<3x100x128xf32, #tpu.memory_space<vmem>> -> memref<1x100x128xf32, #tpu.memory_space<vmem>>
    %dma_start3A_157 = tpu.memref_squeeze %dma_start3A_156 : memref<1x100x128xf32, #tpu.memory_space<vmem>> -> memref<100x128xf32, #tpu.memory_space<vmem>>
    %dma_start3A_158 = arith.constant 0 : i32
    %dma_start3A_159 = tpu.memref_slice %arg7[%dma_start3A_153, %dma_start3A_158] : memref<25x100xi32, #tpu.memory_space<vmem>> -> memref<1x100xi32, #tpu.memory_space<vmem>>
    %dma_start3A_160 = tpu.memref_squeeze %dma_start3A_159 : memref<1x100xi32, #tpu.memory_space<vmem>> -> memref<100xi32, #tpu.memory_space<vmem>>
    %dma_start3A_161 = arith.constant 0 : i32
    %dma_start3A_162 = arith.constant 0 : i32
    %dma_start3A_163 = tpu.memref_slice %arg2[%arg0, %dma_start3A_161, %dma_start3A_162] : memref<2x10000x128xf32, #tpu.memory_space<hbm>> -> memref<1x10000x128xf32, #tpu.memory_space<hbm>>
    %dma_start3A_164 = tpu.memref_squeeze %dma_start3A_163 : memref<1x10000x128xf32, #tpu.memory_space<hbm>> -> memref<10000x128xf32, #tpu.memory_space<hbm>>
    %dma_start3A_165 = arith.constant 0 : i32
    %dma_start3A_166 = arith.constant 0 : i32
    %dma_start3A_167 = tpu.memref_slice %dma_start3A_164[%dma_start3A_165, %dma_start3A_166] : memref<10000x128xf32, #tpu.memory_space<hbm>> -> memref<10000x128xf32, #tpu.memory_space<hbm>>
    %dma_start3A_168 = tpu.memref_slice %arg11[%rem3A_152] : memref<3x!tpu.dma_semaphore, #tpu.memory_space<semaphore_mem>> -> memref<1x!tpu.dma_semaphore, #tpu.memory_space<semaphore_mem>>
    %dma_start3A_169 = tpu.memref_squeeze %dma_start3A_168 : memref<1x!tpu.dma_semaphore, #tpu.memory_space<semaphore_mem>> -> memref<!tpu.dma_semaphore, #tpu.memory_space<semaphore_mem>>
    tpu.enqueue_indirect_dma source(%dma_start3A_167 : memref<10000x128xf32, #tpu.memory_space<hbm>>) target(%dma_start3A_157 : memref<100x128xf32, #tpu.memory_space<vmem>>) offsets(%dma_start3A_160 : memref<100xi32, #tpu.memory_space<vmem>>) semaphore(%dma_start3A_169 : memref<!tpu.dma_semaphore, #tpu.memory_space<semaphore_mem>>)
    %scan3A_170 = arith.constant 0 : i32
    %scan3A_171 = arith.constant 25 : i32
    %scan3A_172 = arith.addi %scan3A_170, %scan3A_171 : i32
    %scan3A_173 = arith.constant 1 : i32
    scf.for %scan3A_255 = %scan3A_170 to %scan3A_172 step %scan3A_173  : i32 {
      %mul3A_256 = arith.constant 1 : i32
      %mul3A_257 = arith.muli %scan3A_255, %mul3A_256 : i32
      %add3A = arith.constant 0 : i32
      %add3A_258 = arith.addi %add3A, %mul3A_257 : i32
      %rem3A_259 = arith.constant 3 : i32
      %rem3A_260 = arith.remsi %add3A_258, %rem3A_259 : i32
      %dma_wait3A_261 = arith.constant 0 : i32
      %dma_wait3A_262 = arith.constant 0 : i32
      %dma_wait3A_263 = tpu.memref_slice %arg9[%rem3A_260, %dma_wait3A_261, %dma_wait3A_262] : memref<3x100x128xf32, #tpu.memory_space<vmem>> -> memref<1x100x128xf32, #tpu.memory_space<vmem>>
      %dma_wait3A_264 = tpu.memref_squeeze %dma_wait3A_263 : memref<1x100x128xf32, #tpu.memory_space<vmem>> -> memref<100x128xf32, #tpu.memory_space<vmem>>
      %dma_wait3A_265 = arith.constant 0 : i32
      %dma_wait3A_266 = tpu.memref_slice %arg7[%add3A_258, %dma_wait3A_265] : memref<25x100xi32, #tpu.memory_space<vmem>> -> memref<1x100xi32, #tpu.memory_space<vmem>>
      %dma_wait3A_267 = tpu.memref_squeeze %dma_wait3A_266 : memref<1x100xi32, #tpu.memory_space<vmem>> -> memref<100xi32, #tpu.memory_space<vmem>>
      %dma_wait3A_268 = arith.constant 0 : i32
      %dma_wait3A_269 = arith.constant 0 : i32
      %dma_wait3A_270 = tpu.memref_slice %arg2[%arg0, %dma_wait3A_268, %dma_wait3A_269] : memref<2x10000x128xf32, #tpu.memory_space<hbm>> -> memref<1x10000x128xf32, #tpu.memory_space<hbm>>
      %dma_wait3A_271 = tpu.memref_squeeze %dma_wait3A_270 : memref<1x10000x128xf32, #tpu.memory_space<hbm>> -> memref<10000x128xf32, #tpu.memory_space<hbm>>
      %dma_wait3A_272 = arith.constant 0 : i32
      %dma_wait3A_273 = arith.constant 0 : i32
      %dma_wait3A_274 = tpu.memref_slice %dma_wait3A_271[%dma_wait3A_272, %dma_wait3A_273] : memref<10000x128xf32, #tpu.memory_space<hbm>> -> memref<10000x128xf32, #tpu.memory_space<hbm>>
      %dma_wait3A_275 = tpu.memref_slice %arg11[%rem3A_260] : memref<3x!tpu.dma_semaphore, #tpu.memory_space<semaphore_mem>> -> memref<1x!tpu.dma_semaphore, #tpu.memory_space<semaphore_mem>>
      %dma_wait3A_276 = tpu.memref_squeeze %dma_wait3A_275 : memref<1x!tpu.dma_semaphore, #tpu.memory_space<semaphore_mem>> -> memref<!tpu.dma_semaphore, #tpu.memory_space<semaphore_mem>>
      tpu.wait_indirect_dma semaphore(%dma_wait3A_276 : memref<!tpu.dma_semaphore, #tpu.memory_space<semaphore_mem>>) src(%dma_wait3A_274 : memref<10000x128xf32, #tpu.memory_space<hbm>>) dst(%dma_wait3A_264 : memref<100x128xf32, #tpu.memory_space<vmem>>)
      %rem3A_277 = arith.constant 3 : i32
      %rem3A_278 = arith.remsi %add3A_258, %rem3A_277 : i32
      %dma_start3A_279 = arith.constant 0 : i32
      %dma_start3A_280 = arith.constant 0 : i32
      %dma_start3A_281 = tpu.memref_slice %arg9[%rem3A_278, %dma_start3A_279, %dma_start3A_280] : memref<3x100x128xf32, #tpu.memory_space<vmem>> -> memref<1x100x128xf32, #tpu.memory_space<vmem>>
      %dma_start3A_282 = tpu.memref_squeeze %dma_start3A_281 : memref<1x100x128xf32, #tpu.memory_space<vmem>> -> memref<100x128xf32, #tpu.memory_space<vmem>>
      %dma_start3A_283 = arith.constant 0 : i32
      %dma_start3A_284 = tpu.memref_slice %arg8[%add3A_258, %dma_start3A_283] : memref<25x100xi32, #tpu.memory_space<vmem>> -> memref<1x100xi32, #tpu.memory_space<vmem>>
      %dma_start3A_285 = tpu.memref_squeeze %dma_start3A_284 : memref<1x100xi32, #tpu.memory_space<vmem>> -> memref<100xi32, #tpu.memory_space<vmem>>
      %dma_start3A_286 = arith.constant 0 : i32
      %dma_start3A_287 = arith.constant 0 : i32
      %dma_start3A_288 = tpu.memref_slice %arg10[%dma_start3A_286, %dma_start3A_287] : memref<10240x128xf32, #tpu.memory_space<vmem_shared>> -> memref<10240x128xf32, #tpu.memory_space<vmem_shared>>
      %dma_start3A_289 = tpu.memref_slice %arg12[%rem3A_278] : memref<3x!tpu.dma_semaphore, #tpu.memory_space<semaphore_mem>> -> memref<1x!tpu.dma_semaphore, #tpu.memory_space<semaphore_mem>>
      %dma_start3A_290 = tpu.memref_squeeze %dma_start3A_289 : memref<1x!tpu.dma_semaphore, #tpu.memory_space<semaphore_mem>> -> memref<!tpu.dma_semaphore, #tpu.memory_space<semaphore_mem>>
      tpu.enqueue_indirect_dma source(%dma_start3A_282 : memref<100x128xf32, #tpu.memory_space<vmem>>) target(%dma_start3A_288 : memref<10240x128xf32, #tpu.memory_space<vmem_shared>>) offsets(%dma_start3A_285 : memref<100xi32, #tpu.memory_space<vmem>>) semaphore(%dma_start3A_290 : memref<!tpu.dma_semaphore, #tpu.memory_space<semaphore_mem>>) {add = true}
      %ge3A = arith.constant 1 : i32
      %ge3A_291 = arith.cmpi sge, %add3A_258, %ge3A : i32
      %convert_element_type3A_292 = arith.extui %ge3A_291 : i1 to i32
      %cond3A_293 = arith.constant 0 : i32
      %cond3A_294 = arith.cmpi ne, %convert_element_type3A_292, %cond3A_293 : i32
      scf.if %cond3A_294 {
        %sub3A = arith.constant 1 : i32
        %sub3A_302 = arith.subi %add3A_258, %sub3A : i32
        %max3A = arith.constant 0 : i32
        %max3A_303 = arith.maxsi %sub3A_302, %max3A : i32
        %rem3A_304 = arith.constant 3 : i32
        %rem3A_305 = arith.remsi %max3A_303, %rem3A_304 : i32
        %dma_wait3A_306 = arith.constant 0 : i32
        %dma_wait3A_307 = arith.constant 0 : i32
        %dma_wait3A_308 = tpu.memref_slice %arg9[%rem3A_305, %dma_wait3A_306, %dma_wait3A_307] : memref<3x100x128xf32, #tpu.memory_space<vmem>> -> memref<1x100x128xf32, #tpu.memory_space<vmem>>
        %dma_wait3A_309 = tpu.memref_squeeze %dma_wait3A_308 : memref<1x100x128xf32, #tpu.memory_space<vmem>> -> memref<100x128xf32, #tpu.memory_space<vmem>>
        %dma_wait3A_310 = arith.constant 0 : i32
        %dma_wait3A_311 = tpu.memref_slice %arg8[%max3A_303, %dma_wait3A_310] : memref<25x100xi32, #tpu.memory_space<vmem>> -> memref<1x100xi32, #tpu.memory_space<vmem>>
        %dma_wait3A_312 = tpu.memref_squeeze %dma_wait3A_311 : memref<1x100xi32, #tpu.memory_space<vmem>> -> memref<100xi32, #tpu.memory_space<vmem>>
        %dma_wait3A_313 = arith.constant 0 : i32
        %dma_wait3A_314 = arith.constant 0 : i32
        %dma_wait3A_315 = tpu.memref_slice %arg10[%dma_wait3A_313, %dma_wait3A_314] : memref<10240x128xf32, #tpu.memory_space<vmem_shared>> -> memref<10240x128xf32, #tpu.memory_space<vmem_shared>>
        %dma_wait3A_316 = tpu.memref_slice %arg12[%rem3A_305] : memref<3x!tpu.dma_semaphore, #tpu.memory_space<semaphore_mem>> -> memref<1x!tpu.dma_semaphore, #tpu.memory_space<semaphore_mem>>
        %dma_wait3A_317 = tpu.memref_squeeze %dma_wait3A_316 : memref<1x!tpu.dma_semaphore, #tpu.memory_space<semaphore_mem>> -> memref<!tpu.dma_semaphore, #tpu.memory_space<semaphore_mem>>
        tpu.wait_indirect_dma semaphore(%dma_wait3A_317 : memref<!tpu.dma_semaphore, #tpu.memory_space<semaphore_mem>>) src(%dma_wait3A_309 : memref<100x128xf32, #tpu.memory_space<vmem>>) dst(%dma_wait3A_315 : memref<10240x128xf32, #tpu.memory_space<vmem_shared>>)
      } else {
      }
      %add3A_295 = arith.constant 2 : i32
      %add3A_296 = arith.addi %add3A_258, %add3A_295 : i32
      %lt3A_297 = arith.constant 25 : i32
      %lt3A_298 = arith.cmpi slt, %add3A_296, %lt3A_297 : i32
      %convert_element_type3A_299 = arith.extui %lt3A_298 : i1 to i32
      %cond3A_300 = arith.constant 0 : i32
      %cond3A_301 = arith.cmpi ne, %convert_element_type3A_299, %cond3A_300 : i32
      scf.if %cond3A_301 {
        %add3A_302 = arith.constant 2 : i32
        %add3A_303 = arith.addi %add3A_258, %add3A_302 : i32
        %min3A = arith.constant 24 : i32
        %min3A_304 = arith.minsi %add3A_303, %min3A : i32
        %rem3A_305 = arith.constant 3 : i32
        %rem3A_306 = arith.remsi %min3A_304, %rem3A_305 : i32
        %dma_start3A_307 = arith.constant 0 : i32
        %dma_start3A_308 = arith.constant 0 : i32
        %dma_start3A_309 = tpu.memref_slice %arg9[%rem3A_306, %dma_start3A_307, %dma_start3A_308] : memref<3x100x128xf32, #tpu.memory_space<vmem>> -> memref<1x100x128xf32, #tpu.memory_space<vmem>>
        %dma_start3A_310 = tpu.memref_squeeze %dma_start3A_309 : memref<1x100x128xf32, #tpu.memory_space<vmem>> -> memref<100x128xf32, #tpu.memory_space<vmem>>
        %dma_start3A_311 = arith.constant 0 : i32
        %dma_start3A_312 = tpu.memref_slice %arg7[%min3A_304, %dma_start3A_311] : memref<25x100xi32, #tpu.memory_space<vmem>> -> memref<1x100xi32, #tpu.memory_space<vmem>>
        %dma_start3A_313 = tpu.memref_squeeze %dma_start3A_312 : memref<1x100xi32, #tpu.memory_space<vmem>> -> memref<100xi32, #tpu.memory_space<vmem>>
        %dma_start3A_314 = arith.constant 0 : i32
        %dma_start3A_315 = arith.constant 0 : i32
        %dma_start3A_316 = tpu.memref_slice %arg2[%arg0, %dma_start3A_314, %dma_start3A_315] : memref<2x10000x128xf32, #tpu.memory_space<hbm>> -> memref<1x10000x128xf32, #tpu.memory_space<hbm>>
        %dma_start3A_317 = tpu.memref_squeeze %dma_start3A_316 : memref<1x10000x128xf32, #tpu.memory_space<hbm>> -> memref<10000x128xf32, #tpu.memory_space<hbm>>
        %dma_start3A_318 = arith.constant 0 : i32
        %dma_start3A_319 = arith.constant 0 : i32
        %dma_start3A_320 = tpu.memref_slice %dma_start3A_317[%dma_start3A_318, %dma_start3A_319] : memref<10000x128xf32, #tpu.memory_space<hbm>> -> memref<10000x128xf32, #tpu.memory_space<hbm>>
        %dma_start3A_321 = tpu.memref_slice %arg11[%rem3A_306] : memref<3x!tpu.dma_semaphore, #tpu.memory_space<semaphore_mem>> -> memref<1x!tpu.dma_semaphore, #tpu.memory_space<semaphore_mem>>
        %dma_start3A_322 = tpu.memref_squeeze %dma_start3A_321 : memref<1x!tpu.dma_semaphore, #tpu.memory_space<semaphore_mem>> -> memref<!tpu.dma_semaphore, #tpu.memory_space<semaphore_mem>>
        tpu.enqueue_indirect_dma source(%dma_start3A_320 : memref<10000x128xf32, #tpu.memory_space<hbm>>) target(%dma_start3A_310 : memref<100x128xf32, #tpu.memory_space<vmem>>) offsets(%dma_start3A_313 : memref<100xi32, #tpu.memory_space<vmem>>) semaphore(%dma_start3A_322 : memref<!tpu.dma_semaphore, #tpu.memory_space<semaphore_mem>>)
      } else {
      }
    }
    %scan3A_174 = arith.constant 25 : i32
    %rem3A_175 = arith.constant 24 : i32
    %rem3A_176 = arith.constant 3 : i32
    %rem3A_177 = arith.remsi %rem3A_175, %rem3A_176 : i32
    %dma_wait3A_178 = arith.constant 24 : i32
    %dma_wait3A_179 = arith.constant 0 : i32
    %dma_wait3A_180 = arith.constant 0 : i32
    %dma_wait3A_181 = tpu.memref_slice %arg9[%rem3A_177, %dma_wait3A_179, %dma_wait3A_180] : memref<3x100x128xf32, #tpu.memory_space<vmem>> -> memref<1x100x128xf32, #tpu.memory_space<vmem>>
    %dma_wait3A_182 = tpu.memref_squeeze %dma_wait3A_181 : memref<1x100x128xf32, #tpu.memory_space<vmem>> -> memref<100x128xf32, #tpu.memory_space<vmem>>
    %dma_wait3A_183 = arith.constant 0 : i32
    %dma_wait3A_184 = tpu.memref_slice %arg8[%dma_wait3A_178, %dma_wait3A_183] : memref<25x100xi32, #tpu.memory_space<vmem>> -> memref<1x100xi32, #tpu.memory_space<vmem>>
    %dma_wait3A_185 = tpu.memref_squeeze %dma_wait3A_184 : memref<1x100xi32, #tpu.memory_space<vmem>> -> memref<100xi32, #tpu.memory_space<vmem>>
    %dma_wait3A_186 = arith.constant 0 : i32
    %dma_wait3A_187 = arith.constant 0 : i32
    %dma_wait3A_188 = tpu.memref_slice %arg10[%dma_wait3A_186, %dma_wait3A_187] : memref<10240x128xf32, #tpu.memory_space<vmem_shared>> -> memref<10240x128xf32, #tpu.memory_space<vmem_shared>>
    %dma_wait3A_189 = tpu.memref_slice %arg12[%rem3A_177] : memref<3x!tpu.dma_semaphore, #tpu.memory_space<semaphore_mem>> -> memref<1x!tpu.dma_semaphore, #tpu.memory_space<semaphore_mem>>
    %dma_wait3A_190 = tpu.memref_squeeze %dma_wait3A_189 : memref<1x!tpu.dma_semaphore, #tpu.memory_space<semaphore_mem>> -> memref<!tpu.dma_semaphore, #tpu.memory_space<semaphore_mem>>
    tpu.wait_indirect_dma semaphore(%dma_wait3A_190 : memref<!tpu.dma_semaphore, #tpu.memory_space<semaphore_mem>>) src(%dma_wait3A_182 : memref<100x128xf32, #tpu.memory_space<vmem>>) dst(%dma_wait3A_188 : memref<10240x128xf32, #tpu.memory_space<vmem_shared>>)
    %run_scoped3A_191 = arith.constant 3 : i32
    "tpu.region"() ({
      %run_scoped3A_255 = tpu.sem_alloc : memref<!tpu.dma_semaphore, #tpu.memory_space<semaphore_mem>>
      %dma_start3A_256 = arith.constant 0 : i32
      %dma_start3A_257 = arith.constant 0 : i32
      %dma_start3A_258 = tpu.memref_slice %arg3[%arg1, %run_scoped3A_191, %dma_start3A_256, %dma_start3A_257] : memref<16x4x25x100xi32, #tpu.memory_space<hbm>> -> memref<1x1x25x100xi32, #tpu.memory_space<hbm>>
      %dma_start3A_259 = tpu.memref_squeeze %dma_start3A_258 : memref<1x1x25x100xi32, #tpu.memory_space<hbm>> -> memref<25x100xi32, #tpu.memory_space<hbm>>
      %dma_start3A_260 = arith.constant 0 : i32
      %dma_start3A_261 = arith.constant 0 : i32
      %dma_start3A_262 = tpu.memref_slice %arg3[%arg1, %run_scoped3A_191, %dma_start3A_260, %dma_start3A_261] : memref<16x4x25x100xi32, #tpu.memory_space<hbm>> -> memref<1x1x25x100xi32, #tpu.memory_space<hbm>>
      %dma_start3A_263 = tpu.memref_squeeze %dma_start3A_262 : memref<1x1x25x100xi32, #tpu.memory_space<hbm>> -> memref<25x100xi32, #tpu.memory_space<hbm>>
      tpu.enqueue_dma source(%dma_start3A_263 : memref<25x100xi32, #tpu.memory_space<hbm>>) target(%arg7 : memref<25x100xi32, #tpu.memory_space<vmem>>) target_semaphore(%run_scoped3A_255 : memref<!tpu.dma_semaphore, #tpu.memory_space<semaphore_mem>>)
      %dma_wait3A_264 = arith.constant 0 : i32
      %dma_wait3A_265 = arith.constant 0 : i32
      %dma_wait3A_266 = tpu.memref_slice %arg3[%arg1, %run_scoped3A_191, %dma_wait3A_264, %dma_wait3A_265] : memref<16x4x25x100xi32, #tpu.memory_space<hbm>> -> memref<1x1x25x100xi32, #tpu.memory_space<hbm>>
      %dma_wait3A_267 = tpu.memref_squeeze %dma_wait3A_266 : memref<1x1x25x100xi32, #tpu.memory_space<hbm>> -> memref<25x100xi32, #tpu.memory_space<hbm>>
      %dma_wait3A_268 = arith.constant 0 : i32
      %dma_wait3A_269 = arith.constant 0 : i32
      %dma_wait3A_270 = tpu.memref_slice %arg3[%arg1, %run_scoped3A_191, %dma_wait3A_268, %dma_wait3A_269] : memref<16x4x25x100xi32, #tpu.memory_space<hbm>> -> memref<1x1x25x100xi32, #tpu.memory_space<hbm>>
      %dma_wait3A_271 = tpu.memref_squeeze %dma_wait3A_270 : memref<1x1x25x100xi32, #tpu.memory_space<hbm>> -> memref<25x100xi32, #tpu.memory_space<hbm>>
      tpu.wait_dma2 semaphore(%run_scoped3A_255 : memref<!tpu.dma_semaphore, #tpu.memory_space<semaphore_mem>>) src(%dma_wait3A_271 : memref<25x100xi32, #tpu.memory_space<hbm>>) dst(%arg7 : memref<25x100xi32, #tpu.memory_space<vmem>>)
      tpu.yield
    }) : () -> ()
    %run_scoped3A_192 = arith.constant 3 : i32
    "tpu.region"() ({
      %run_scoped3A_255 = tpu.sem_alloc : memref<!tpu.dma_semaphore, #tpu.memory_space<semaphore_mem>>
      %dma_start3A_256 = arith.constant 0 : i32
      %dma_start3A_257 = arith.constant 0 : i32
      %dma_start3A_258 = tpu.memref_slice %arg4[%arg1, %run_scoped3A_192, %dma_start3A_256, %dma_start3A_257] : memref<16x4x25x100xi32, #tpu.memory_space<hbm>> -> memref<1x1x25x100xi32, #tpu.memory_space<hbm>>
      %dma_start3A_259 = tpu.memref_squeeze %dma_start3A_258 : memref<1x1x25x100xi32, #tpu.memory_space<hbm>> -> memref<25x100xi32, #tpu.memory_space<hbm>>
      %dma_start3A_260 = arith.constant 0 : i32
      %dma_start3A_261 = arith.constant 0 : i32
      %dma_start3A_262 = tpu.memref_slice %arg4[%arg1, %run_scoped3A_192, %dma_start3A_260, %dma_start3A_261] : memref<16x4x25x100xi32, #tpu.memory_space<hbm>> -> memref<1x1x25x100xi32, #tpu.memory_space<hbm>>
      %dma_start3A_263 = tpu.memref_squeeze %dma_start3A_262 : memref<1x1x25x100xi32, #tpu.memory_space<hbm>> -> memref<25x100xi32, #tpu.memory_space<hbm>>
      tpu.enqueue_dma source(%dma_start3A_263 : memref<25x100xi32, #tpu.memory_space<hbm>>) target(%arg8 : memref<25x100xi32, #tpu.memory_space<vmem>>) target_semaphore(%run_scoped3A_255 : memref<!tpu.dma_semaphore, #tpu.memory_space<semaphore_mem>>)
      %dma_wait3A_264 = arith.constant 0 : i32
      %dma_wait3A_265 = arith.constant 0 : i32
      %dma_wait3A_266 = tpu.memref_slice %arg4[%arg1, %run_scoped3A_192, %dma_wait3A_264, %dma_wait3A_265] : memref<16x4x25x100xi32, #tpu.memory_space<hbm>> -> memref<1x1x25x100xi32, #tpu.memory_space<hbm>>
      %dma_wait3A_267 = tpu.memref_squeeze %dma_wait3A_266 : memref<1x1x25x100xi32, #tpu.memory_space<hbm>> -> memref<25x100xi32, #tpu.memory_space<hbm>>
      %dma_wait3A_268 = arith.constant 0 : i32
      %dma_wait3A_269 = arith.constant 0 : i32
      %dma_wait3A_270 = tpu.memref_slice %arg4[%arg1, %run_scoped3A_192, %dma_wait3A_268, %dma_wait3A_269] : memref<16x4x25x100xi32, #tpu.memory_space<hbm>> -> memref<1x1x25x100xi32, #tpu.memory_space<hbm>>
      %dma_wait3A_271 = tpu.memref_squeeze %dma_wait3A_270 : memref<1x1x25x100xi32, #tpu.memory_space<hbm>> -> memref<25x100xi32, #tpu.memory_space<hbm>>
      tpu.wait_dma2 semaphore(%run_scoped3A_255 : memref<!tpu.dma_semaphore, #tpu.memory_space<semaphore_mem>>) src(%dma_wait3A_271 : memref<25x100xi32, #tpu.memory_space<hbm>>) dst(%arg8 : memref<25x100xi32, #tpu.memory_space<vmem>>)
      tpu.yield
    }) : () -> ()
    %rem3A_193 = arith.constant 0 : i32
    %rem3A_194 = arith.constant 3 : i32
    %rem3A_195 = arith.remsi %rem3A_193, %rem3A_194 : i32
    %dma_start3A_196 = arith.constant 0 : i32
    %dma_start3A_197 = arith.constant 0 : i32
    %dma_start3A_198 = arith.constant 0 : i32
    %dma_start3A_199 = tpu.memref_slice %arg9[%rem3A_195, %dma_start3A_197, %dma_start3A_198] : memref<3x100x128xf32, #tpu.memory_space<vmem>> -> memref<1x100x128xf32, #tpu.memory_space<vmem>>
    %dma_start3A_200 = tpu.memref_squeeze %dma_start3A_199 : memref<1x100x128xf32, #tpu.memory_space<vmem>> -> memref<100x128xf32, #tpu.memory_space<vmem>>
    %dma_start3A_201 = arith.constant 0 : i32
    %dma_start3A_202 = tpu.memref_slice %arg7[%dma_start3A_196, %dma_start3A_201] : memref<25x100xi32, #tpu.memory_space<vmem>> -> memref<1x100xi32, #tpu.memory_space<vmem>>
    %dma_start3A_203 = tpu.memref_squeeze %dma_start3A_202 : memref<1x100xi32, #tpu.memory_space<vmem>> -> memref<100xi32, #tpu.memory_space<vmem>>
    %dma_start3A_204 = arith.constant 0 : i32
    %dma_start3A_205 = arith.constant 0 : i32
    %dma_start3A_206 = tpu.memref_slice %arg2[%arg0, %dma_start3A_204, %dma_start3A_205] : memref<2x10000x128xf32, #tpu.memory_space<hbm>> -> memref<1x10000x128xf32, #tpu.memory_space<hbm>>
    %dma_start3A_207 = tpu.memref_squeeze %dma_start3A_206 : memref<1x10000x128xf32, #tpu.memory_space<hbm>> -> memref<10000x128xf32, #tpu.memory_space<hbm>>
    %dma_start3A_208 = arith.constant 0 : i32
    %dma_start3A_209 = arith.constant 0 : i32
    %dma_start3A_210 = tpu.memref_slice %dma_start3A_207[%dma_start3A_208, %dma_start3A_209] : memref<10000x128xf32, #tpu.memory_space<hbm>> -> memref<10000x128xf32, #tpu.memory_space<hbm>>
    %dma_start3A_211 = tpu.memref_slice %arg11[%rem3A_195] : memref<3x!tpu.dma_semaphore, #tpu.memory_space<semaphore_mem>> -> memref<1x!tpu.dma_semaphore, #tpu.memory_space<semaphore_mem>>
    %dma_start3A_212 = tpu.memref_squeeze %dma_start3A_211 : memref<1x!tpu.dma_semaphore, #tpu.memory_space<semaphore_mem>> -> memref<!tpu.dma_semaphore, #tpu.memory_space<semaphore_mem>>
    tpu.enqueue_indirect_dma source(%dma_start3A_210 : memref<10000x128xf32, #tpu.memory_space<hbm>>) target(%dma_start3A_200 : memref<100x128xf32, #tpu.memory_space<vmem>>) offsets(%dma_start3A_203 : memref<100xi32, #tpu.memory_space<vmem>>) semaphore(%dma_start3A_212 : memref<!tpu.dma_semaphore, #tpu.memory_space<semaphore_mem>>)
    %rem3A_213 = arith.constant 1 : i32
    %rem3A_214 = arith.constant 3 : i32
    %rem3A_215 = arith.remsi %rem3A_213, %rem3A_214 : i32
    %dma_start3A_216 = arith.constant 1 : i32
    %dma_start3A_217 = arith.constant 0 : i32
    %dma_start3A_218 = arith.constant 0 : i32
    %dma_start3A_219 = tpu.memref_slice %arg9[%rem3A_215, %dma_start3A_217, %dma_start3A_218] : memref<3x100x128xf32, #tpu.memory_space<vmem>> -> memref<1x100x128xf32, #tpu.memory_space<vmem>>
    %dma_start3A_220 = tpu.memref_squeeze %dma_start3A_219 : memref<1x100x128xf32, #tpu.memory_space<vmem>> -> memref<100x128xf32, #tpu.memory_space<vmem>>
    %dma_start3A_221 = arith.constant 0 : i32
    %dma_start3A_222 = tpu.memref_slice %arg7[%dma_start3A_216, %dma_start3A_221] : memref<25x100xi32, #tpu.memory_space<vmem>> -> memref<1x100xi32, #tpu.memory_space<vmem>>
    %dma_start3A_223 = tpu.memref_squeeze %dma_start3A_222 : memref<1x100xi32, #tpu.memory_space<vmem>> -> memref<100xi32, #tpu.memory_space<vmem>>
    %dma_start3A_224 = arith.constant 0 : i32
    %dma_start3A_225 = arith.constant 0 : i32
    %dma_start3A_226 = tpu.memref_slice %arg2[%arg0, %dma_start3A_224, %dma_start3A_225] : memref<2x10000x128xf32, #tpu.memory_space<hbm>> -> memref<1x10000x128xf32, #tpu.memory_space<hbm>>
    %dma_start3A_227 = tpu.memref_squeeze %dma_start3A_226 : memref<1x10000x128xf32, #tpu.memory_space<hbm>> -> memref<10000x128xf32, #tpu.memory_space<hbm>>
    %dma_start3A_228 = arith.constant 0 : i32
    %dma_start3A_229 = arith.constant 0 : i32
    %dma_start3A_230 = tpu.memref_slice %dma_start3A_227[%dma_start3A_228, %dma_start3A_229] : memref<10000x128xf32, #tpu.memory_space<hbm>> -> memref<10000x128xf32, #tpu.memory_space<hbm>>
    %dma_start3A_231 = tpu.memref_slice %arg11[%rem3A_215] : memref<3x!tpu.dma_semaphore, #tpu.memory_space<semaphore_mem>> -> memref<1x!tpu.dma_semaphore, #tpu.memory_space<semaphore_mem>>
    %dma_start3A_232 = tpu.memref_squeeze %dma_start3A_231 : memref<1x!tpu.dma_semaphore, #tpu.memory_space<semaphore_mem>> -> memref<!tpu.dma_semaphore, #tpu.memory_space<semaphore_mem>>
    tpu.enqueue_indirect_dma source(%dma_start3A_230 : memref<10000x128xf32, #tpu.memory_space<hbm>>) target(%dma_start3A_220 : memref<100x128xf32, #tpu.memory_space<vmem>>) offsets(%dma_start3A_223 : memref<100xi32, #tpu.memory_space<vmem>>) semaphore(%dma_start3A_232 : memref<!tpu.dma_semaphore, #tpu.memory_space<semaphore_mem>>)
    %scan3A_233 = arith.constant 0 : i32
    %scan3A_234 = arith.constant 25 : i32
    %scan3A_235 = arith.addi %scan3A_233, %scan3A_234 : i32
    %scan3A_236 = arith.constant 1 : i32
    scf.for %scan3A_255 = %scan3A_233 to %scan3A_235 step %scan3A_236  : i32 {
      %mul3A_256 = arith.constant 1 : i32
      %mul3A_257 = arith.muli %scan3A_255, %mul3A_256 : i32
      %add3A = arith.constant 0 : i32
      %add3A_258 = arith.addi %add3A, %mul3A_257 : i32
      %rem3A_259 = arith.constant 3 : i32
      %rem3A_260 = arith.remsi %add3A_258, %rem3A_259 : i32
      %dma_wait3A_261 = arith.constant 0 : i32
      %dma_wait3A_262 = arith.constant 0 : i32
      %dma_wait3A_263 = tpu.memref_slice %arg9[%rem3A_260, %dma_wait3A_261, %dma_wait3A_262] : memref<3x100x128xf32, #tpu.memory_space<vmem>> -> memref<1x100x128xf32, #tpu.memory_space<vmem>>
      %dma_wait3A_264 = tpu.memref_squeeze %dma_wait3A_263 : memref<1x100x128xf32, #tpu.memory_space<vmem>> -> memref<100x128xf32, #tpu.memory_space<vmem>>
      %dma_wait3A_265 = arith.constant 0 : i32
      %dma_wait3A_266 = tpu.memref_slice %arg7[%add3A_258, %dma_wait3A_265] : memref<25x100xi32, #tpu.memory_space<vmem>> -> memref<1x100xi32, #tpu.memory_space<vmem>>
      %dma_wait3A_267 = tpu.memref_squeeze %dma_wait3A_266 : memref<1x100xi32, #tpu.memory_space<vmem>> -> memref<100xi32, #tpu.memory_space<vmem>>
      %dma_wait3A_268 = arith.constant 0 : i32
      %dma_wait3A_269 = arith.constant 0 : i32
      %dma_wait3A_270 = tpu.memref_slice %arg2[%arg0, %dma_wait3A_268, %dma_wait3A_269] : memref<2x10000x128xf32, #tpu.memory_space<hbm>> -> memref<1x10000x128xf32, #tpu.memory_space<hbm>>
      %dma_wait3A_271 = tpu.memref_squeeze %dma_wait3A_270 : memref<1x10000x128xf32, #tpu.memory_space<hbm>> -> memref<10000x128xf32, #tpu.memory_space<hbm>>
      %dma_wait3A_272 = arith.constant 0 : i32
      %dma_wait3A_273 = arith.constant 0 : i32
      %dma_wait3A_274 = tpu.memref_slice %dma_wait3A_271[%dma_wait3A_272, %dma_wait3A_273] : memref<10000x128xf32, #tpu.memory_space<hbm>> -> memref<10000x128xf32, #tpu.memory_space<hbm>>
      %dma_wait3A_275 = tpu.memref_slice %arg11[%rem3A_260] : memref<3x!tpu.dma_semaphore, #tpu.memory_space<semaphore_mem>> -> memref<1x!tpu.dma_semaphore, #tpu.memory_space<semaphore_mem>>
      %dma_wait3A_276 = tpu.memref_squeeze %dma_wait3A_275 : memref<1x!tpu.dma_semaphore, #tpu.memory_space<semaphore_mem>> -> memref<!tpu.dma_semaphore, #tpu.memory_space<semaphore_mem>>
      tpu.wait_indirect_dma semaphore(%dma_wait3A_276 : memref<!tpu.dma_semaphore, #tpu.memory_space<semaphore_mem>>) src(%dma_wait3A_274 : memref<10000x128xf32, #tpu.memory_space<hbm>>) dst(%dma_wait3A_264 : memref<100x128xf32, #tpu.memory_space<vmem>>)
      %rem3A_277 = arith.constant 3 : i32
      %rem3A_278 = arith.remsi %add3A_258, %rem3A_277 : i32
      %dma_start3A_279 = arith.constant 0 : i32
      %dma_start3A_280 = arith.constant 0 : i32
      %dma_start3A_281 = tpu.memref_slice %arg9[%rem3A_278, %dma_start3A_279, %dma_start3A_280] : memref<3x100x128xf32, #tpu.memory_space<vmem>> -> memref<1x100x128xf32, #tpu.memory_space<vmem>>
      %dma_start3A_282 = tpu.memref_squeeze %dma_start3A_281 : memref<1x100x128xf32, #tpu.memory_space<vmem>> -> memref<100x128xf32, #tpu.memory_space<vmem>>
      %dma_start3A_283 = arith.constant 0 : i32
      %dma_start3A_284 = tpu.memref_slice %arg8[%add3A_258, %dma_start3A_283] : memref<25x100xi32, #tpu.memory_space<vmem>> -> memref<1x100xi32, #tpu.memory_space<vmem>>
      %dma_start3A_285 = tpu.memref_squeeze %dma_start3A_284 : memref<1x100xi32, #tpu.memory_space<vmem>> -> memref<100xi32, #tpu.memory_space<vmem>>
      %dma_start3A_286 = arith.constant 0 : i32
      %dma_start3A_287 = arith.constant 0 : i32
      %dma_start3A_288 = tpu.memref_slice %arg10[%dma_start3A_286, %dma_start3A_287] : memref<10240x128xf32, #tpu.memory_space<vmem_shared>> -> memref<10240x128xf32, #tpu.memory_space<vmem_shared>>
      %dma_start3A_289 = tpu.memref_slice %arg12[%rem3A_278] : memref<3x!tpu.dma_semaphore, #tpu.memory_space<semaphore_mem>> -> memref<1x!tpu.dma_semaphore, #tpu.memory_space<semaphore_mem>>
      %dma_start3A_290 = tpu.memref_squeeze %dma_start3A_289 : memref<1x!tpu.dma_semaphore, #tpu.memory_space<semaphore_mem>> -> memref<!tpu.dma_semaphore, #tpu.memory_space<semaphore_mem>>
      tpu.enqueue_indirect_dma source(%dma_start3A_282 : memref<100x128xf32, #tpu.memory_space<vmem>>) target(%dma_start3A_288 : memref<10240x128xf32, #tpu.memory_space<vmem_shared>>) offsets(%dma_start3A_285 : memref<100xi32, #tpu.memory_space<vmem>>) semaphore(%dma_start3A_290 : memref<!tpu.dma_semaphore, #tpu.memory_space<semaphore_mem>>) {add = true}
      %ge3A = arith.constant 1 : i32
      %ge3A_291 = arith.cmpi sge, %add3A_258, %ge3A : i32
      %convert_element_type3A_292 = arith.extui %ge3A_291 : i1 to i32
      %cond3A_293 = arith.constant 0 : i32
      %cond3A_294 = arith.cmpi ne, %convert_element_type3A_292, %cond3A_293 : i32
      scf.if %cond3A_294 {
        %sub3A = arith.constant 1 : i32
        %sub3A_302 = arith.subi %add3A_258, %sub3A : i32
        %max3A = arith.constant 0 : i32
        %max3A_303 = arith.maxsi %sub3A_302, %max3A : i32
        %rem3A_304 = arith.constant 3 : i32
        %rem3A_305 = arith.remsi %max3A_303, %rem3A_304 : i32
        %dma_wait3A_306 = arith.constant 0 : i32
        %dma_wait3A_307 = arith.constant 0 : i32
        %dma_wait3A_308 = tpu.memref_slice %arg9[%rem3A_305, %dma_wait3A_306, %dma_wait3A_307] : memref<3x100x128xf32, #tpu.memory_space<vmem>> -> memref<1x100x128xf32, #tpu.memory_space<vmem>>
        %dma_wait3A_309 = tpu.memref_squeeze %dma_wait3A_308 : memref<1x100x128xf32, #tpu.memory_space<vmem>> -> memref<100x128xf32, #tpu.memory_space<vmem>>
        %dma_wait3A_310 = arith.constant 0 : i32
        %dma_wait3A_311 = tpu.memref_slice %arg8[%max3A_303, %dma_wait3A_310] : memref<25x100xi32, #tpu.memory_space<vmem>> -> memref<1x100xi32, #tpu.memory_space<vmem>>
        %dma_wait3A_312 = tpu.memref_squeeze %dma_wait3A_311 : memref<1x100xi32, #tpu.memory_space<vmem>> -> memref<100xi32, #tpu.memory_space<vmem>>
        %dma_wait3A_313 = arith.constant 0 : i32
        %dma_wait3A_314 = arith.constant 0 : i32
        %dma_wait3A_315 = tpu.memref_slice %arg10[%dma_wait3A_313, %dma_wait3A_314] : memref<10240x128xf32, #tpu.memory_space<vmem_shared>> -> memref<10240x128xf32, #tpu.memory_space<vmem_shared>>
        %dma_wait3A_316 = tpu.memref_slice %arg12[%rem3A_305] : memref<3x!tpu.dma_semaphore, #tpu.memory_space<semaphore_mem>> -> memref<1x!tpu.dma_semaphore, #tpu.memory_space<semaphore_mem>>
        %dma_wait3A_317 = tpu.memref_squeeze %dma_wait3A_316 : memref<1x!tpu.dma_semaphore, #tpu.memory_space<semaphore_mem>> -> memref<!tpu.dma_semaphore, #tpu.memory_space<semaphore_mem>>
        tpu.wait_indirect_dma semaphore(%dma_wait3A_317 : memref<!tpu.dma_semaphore, #tpu.memory_space<semaphore_mem>>) src(%dma_wait3A_309 : memref<100x128xf32, #tpu.memory_space<vmem>>) dst(%dma_wait3A_315 : memref<10240x128xf32, #tpu.memory_space<vmem_shared>>)
      } else {
      }
      %add3A_295 = arith.constant 2 : i32
      %add3A_296 = arith.addi %add3A_258, %add3A_295 : i32
      %lt3A_297 = arith.constant 25 : i32
      %lt3A_298 = arith.cmpi slt, %add3A_296, %lt3A_297 : i32
      %convert_element_type3A_299 = arith.extui %lt3A_298 : i1 to i32
      %cond3A_300 = arith.constant 0 : i32
      %cond3A_301 = arith.cmpi ne, %convert_element_type3A_299, %cond3A_300 : i32
      scf.if %cond3A_301 {
        %add3A_302 = arith.constant 2 : i32
        %add3A_303 = arith.addi %add3A_258, %add3A_302 : i32
        %min3A = arith.constant 24 : i32
        %min3A_304 = arith.minsi %add3A_303, %min3A : i32
        %rem3A_305 = arith.constant 3 : i32
        %rem3A_306 = arith.remsi %min3A_304, %rem3A_305 : i32
        %dma_start3A_307 = arith.constant 0 : i32
        %dma_start3A_308 = arith.constant 0 : i32
        %dma_start3A_309 = tpu.memref_slice %arg9[%rem3A_306, %dma_start3A_307, %dma_start3A_308] : memref<3x100x128xf32, #tpu.memory_space<vmem>> -> memref<1x100x128xf32, #tpu.memory_space<vmem>>
        %dma_start3A_310 = tpu.memref_squeeze %dma_start3A_309 : memref<1x100x128xf32, #tpu.memory_space<vmem>> -> memref<100x128xf32, #tpu.memory_space<vmem>>
        %dma_start3A_311 = arith.constant 0 : i32
        %dma_start3A_312 = tpu.memref_slice %arg7[%min3A_304, %dma_start3A_311] : memref<25x100xi32, #tpu.memory_space<vmem>> -> memref<1x100xi32, #tpu.memory_space<vmem>>
        %dma_start3A_313 = tpu.memref_squeeze %dma_start3A_312 : memref<1x100xi32, #tpu.memory_space<vmem>> -> memref<100xi32, #tpu.memory_space<vmem>>
        %dma_start3A_314 = arith.constant 0 : i32
        %dma_start3A_315 = arith.constant 0 : i32
        %dma_start3A_316 = tpu.memref_slice %arg2[%arg0, %dma_start3A_314, %dma_start3A_315] : memref<2x10000x128xf32, #tpu.memory_space<hbm>> -> memref<1x10000x128xf32, #tpu.memory_space<hbm>>
        %dma_start3A_317 = tpu.memref_squeeze %dma_start3A_316 : memref<1x10000x128xf32, #tpu.memory_space<hbm>> -> memref<10000x128xf32, #tpu.memory_space<hbm>>
        %dma_start3A_318 = arith.constant 0 : i32
        %dma_start3A_319 = arith.constant 0 : i32
        %dma_start3A_320 = tpu.memref_slice %dma_start3A_317[%dma_start3A_318, %dma_start3A_319] : memref<10000x128xf32, #tpu.memory_space<hbm>> -> memref<10000x128xf32, #tpu.memory_space<hbm>>
        %dma_start3A_321 = tpu.memref_slice %arg11[%rem3A_306] : memref<3x!tpu.dma_semaphore, #tpu.memory_space<semaphore_mem>> -> memref<1x!tpu.dma_semaphore, #tpu.memory_space<semaphore_mem>>
        %dma_start3A_322 = tpu.memref_squeeze %dma_start3A_321 : memref<1x!tpu.dma_semaphore, #tpu.memory_space<semaphore_mem>> -> memref<!tpu.dma_semaphore, #tpu.memory_space<semaphore_mem>>
        tpu.enqueue_indirect_dma source(%dma_start3A_320 : memref<10000x128xf32, #tpu.memory_space<hbm>>) target(%dma_start3A_310 : memref<100x128xf32, #tpu.memory_space<vmem>>) offsets(%dma_start3A_313 : memref<100xi32, #tpu.memory_space<vmem>>) semaphore(%dma_start3A_322 : memref<!tpu.dma_semaphore, #tpu.memory_space<semaphore_mem>>)
      } else {
      }
    }
    %scan3A_237 = arith.constant 25 : i32
    %rem3A_238 = arith.constant 24 : i32
    %rem3A_239 = arith.constant 3 : i32
    %rem3A_240 = arith.remsi %rem3A_238, %rem3A_239 : i32
    %dma_wait3A_241 = arith.constant 24 : i32
    %dma_wait3A_242 = arith.constant 0 : i32
    %dma_wait3A_243 = arith.constant 0 : i32
    %dma_wait3A_244 = tpu.memref_slice %arg9[%rem3A_240, %dma_wait3A_242, %dma_wait3A_243] : memref<3x100x128xf32, #tpu.memory_space<vmem>> -> memref<1x100x128xf32, #tpu.memory_space<vmem>>
    %dma_wait3A_245 = tpu.memref_squeeze %dma_wait3A_244 : memref<1x100x128xf32, #tpu.memory_space<vmem>> -> memref<100x128xf32, #tpu.memory_space<vmem>>
    %dma_wait3A_246 = arith.constant 0 : i32
    %dma_wait3A_247 = tpu.memref_slice %arg8[%dma_wait3A_241, %dma_wait3A_246] : memref<25x100xi32, #tpu.memory_space<vmem>> -> memref<1x100xi32, #tpu.memory_space<vmem>>
    %dma_wait3A_248 = tpu.memref_squeeze %dma_wait3A_247 : memref<1x100xi32, #tpu.memory_space<vmem>> -> memref<100xi32, #tpu.memory_space<vmem>>
    %dma_wait3A_249 = arith.constant 0 : i32
    %dma_wait3A_250 = arith.constant 0 : i32
    %dma_wait3A_251 = tpu.memref_slice %arg10[%dma_wait3A_249, %dma_wait3A_250] : memref<10240x128xf32, #tpu.memory_space<vmem_shared>> -> memref<10240x128xf32, #tpu.memory_space<vmem_shared>>
    %dma_wait3A_252 = tpu.memref_slice %arg12[%rem3A_240] : memref<3x!tpu.dma_semaphore, #tpu.memory_space<semaphore_mem>> -> memref<1x!tpu.dma_semaphore, #tpu.memory_space<semaphore_mem>>
    %dma_wait3A_253 = tpu.memref_squeeze %dma_wait3A_252 : memref<1x!tpu.dma_semaphore, #tpu.memory_space<semaphore_mem>> -> memref<!tpu.dma_semaphore, #tpu.memory_space<semaphore_mem>>
    tpu.wait_indirect_dma semaphore(%dma_wait3A_253 : memref<!tpu.dma_semaphore, #tpu.memory_space<semaphore_mem>>) src(%dma_wait3A_245 : memref<100x128xf32, #tpu.memory_space<vmem>>) dst(%dma_wait3A_251 : memref<10240x128xf32, #tpu.memory_space<vmem_shared>>)
    %barrier3A_254 = arith.constant 0 : index
    tpu.barrier barrier_id(%barrier3A_254)
    "tpu.region"() ({
      %run_scoped3A_255 = tpu.sem_alloc : memref<!tpu.dma_semaphore, #tpu.memory_space<semaphore_mem>>
      %dma_start3A_256 = arith.constant 0 : i32
      %dma_start3A_257 = tpu.memref_slice %arg6[%arg0, %mul3A_0, %dma_start3A_256] : memref<2x10240x128xf32, #tpu.memory_space<hbm>> -> memref<1x640x128xf32, #tpu.memory_space<hbm>>
      %dma_start3A_258 = tpu.memref_squeeze %dma_start3A_257 : memref<1x640x128xf32, #tpu.memory_space<hbm>> -> memref<640x128xf32, #tpu.memory_space<hbm>>
      %dma_start3A_259 = arith.constant 0 : i32
      %dma_start3A_260 = tpu.memref_slice %arg10[%mul3A_0, %dma_start3A_259] : memref<10240x128xf32, #tpu.memory_space<vmem_shared>> -> memref<640x128xf32, #tpu.memory_space<vmem_shared>>
      tpu.enqueue_dma source(%dma_start3A_260 : memref<640x128xf32, #tpu.memory_space<vmem_shared>>) target(%dma_start3A_258 : memref<640x128xf32, #tpu.memory_space<hbm>>) target_semaphore(%run_scoped3A_255 : memref<!tpu.dma_semaphore, #tpu.memory_space<semaphore_mem>>)
      %dma_wait3A_261 = arith.constant 0 : i32
      %dma_wait3A_262 = tpu.memref_slice %arg6[%arg0, %mul3A_0, %dma_wait3A_261] : memref<2x10240x128xf32, #tpu.memory_space<hbm>> -> memref<1x640x128xf32, #tpu.memory_space<hbm>>
      %dma_wait3A_263 = tpu.memref_squeeze %dma_wait3A_262 : memref<1x640x128xf32, #tpu.memory_space<hbm>> -> memref<640x128xf32, #tpu.memory_space<hbm>>
      %dma_wait3A_264 = arith.constant 0 : i32
      %dma_wait3A_265 = tpu.memref_slice %arg10[%mul3A_0, %dma_wait3A_264] : memref<10240x128xf32, #tpu.memory_space<vmem_shared>> -> memref<640x128xf32, #tpu.memory_space<vmem_shared>>
      tpu.wait_dma2 semaphore(%run_scoped3A_255 : memref<!tpu.dma_semaphore, #tpu.memory_space<semaphore_mem>>) src(%dma_wait3A_265 : memref<640x128xf32, #tpu.memory_space<vmem_shared>>) dst(%dma_wait3A_263 : memref<640x128xf32, #tpu.memory_space<hbm>>)
      tpu.yield
    }) : () -> ()
    return
  }
}

#map = affine_map<(d0, d1) -> (0)>
#map1 = affine_map<(d0, d1) -> (0, 0, 0)>
module attributes {stable_mosaic.version = 14 : i64} {
  func.func @_deg_body(%arg0: i32, %arg1: i32, %arg2: memref<320000xi32, #tpu.memory_space<hbm>>, %arg3: memref<10240xi32, #tpu.memory_space<hbm>>, %arg4: memref<2x16x10240xi32, #tpu.memory_space<hbm>>, %arg5: memref<5008xi32, #tpu.memory_space<vmem>>, %arg6: memref<10240xi32, #tpu.memory_space<vmem>>) attributes {dimension_semantics = [#tpu.dimension_semantics<core_parallel>, #tpu.dimension_semantics<subcore_parallel>], iteration_bounds = array<i64: 2, 16>, scalar_prefetch = 0 : i64, scratch_operands = 2 : i64, tpu.core_type = #tpu.core_type<sc_vector_subcore>, window_params = [{transform_indices = #map}, {transform_indices = #map}, {transform_indices = #map1}]} {
    %mul3A = arith.constant 16 : i32
    %mul3A_0 = arith.muli %arg0, %mul3A : i32
    %add3A = arith.addi %mul3A_0, %arg1 : i32
    %mul3A_1 = arith.constant 5000 : i32
    %mul3A_2 = arith.muli %add3A, %mul3A_1 : i32
    %add3A_3 = arith.constant 160000 : i32
    %add3A_4 = arith.addi %add3A_3, %mul3A_2 : i32
    "tpu.region"() ({
      %run_scoped3A = tpu.sem_alloc : memref<!tpu.dma_semaphore, #tpu.memory_space<semaphore_mem>>
      %dma_start3A = arith.constant 0 : i32
      %dma_start3A_13 = tpu.memref_slice %arg5[%dma_start3A] : memref<5008xi32, #tpu.memory_space<vmem>> -> memref<5000xi32, #tpu.memory_space<vmem>>
      %dma_start3A_14 = tpu.memref_slice %arg2[%add3A_4] : memref<320000xi32, #tpu.memory_space<hbm>> -> memref<5000xi32, #tpu.memory_space<hbm>>
      %dma_start3A_15 = arith.constant 0 : i32
      %dma_start3A_16 = tpu.memref_slice %arg5[%dma_start3A_15] : memref<5008xi32, #tpu.memory_space<vmem>> -> memref<5000xi32, #tpu.memory_space<vmem>>
      %dma_start3A_17 = tpu.memref_slice %arg2[%add3A_4] : memref<320000xi32, #tpu.memory_space<hbm>> -> memref<5000xi32, #tpu.memory_space<hbm>>
      tpu.enqueue_dma source(%dma_start3A_17 : memref<5000xi32, #tpu.memory_space<hbm>>) target(%dma_start3A_16 : memref<5000xi32, #tpu.memory_space<vmem>>) target_semaphore(%run_scoped3A : memref<!tpu.dma_semaphore, #tpu.memory_space<semaphore_mem>>)
      %dma_wait3A = arith.constant 0 : i32
      %dma_wait3A_18 = tpu.memref_slice %arg5[%dma_wait3A] : memref<5008xi32, #tpu.memory_space<vmem>> -> memref<5000xi32, #tpu.memory_space<vmem>>
      %dma_wait3A_19 = tpu.memref_slice %arg2[%add3A_4] : memref<320000xi32, #tpu.memory_space<hbm>> -> memref<5000xi32, #tpu.memory_space<hbm>>
      %dma_wait3A_20 = arith.constant 0 : i32
      %dma_wait3A_21 = tpu.memref_slice %arg5[%dma_wait3A_20] : memref<5008xi32, #tpu.memory_space<vmem>> -> memref<5000xi32, #tpu.memory_space<vmem>>
      %dma_wait3A_22 = tpu.memref_slice %arg2[%add3A_4] : memref<320000xi32, #tpu.memory_space<hbm>> -> memref<5000xi32, #tpu.memory_space<hbm>>
      tpu.wait_dma2 semaphore(%run_scoped3A : memref<!tpu.dma_semaphore, #tpu.memory_space<semaphore_mem>>) src(%dma_wait3A_22 : memref<5000xi32, #tpu.memory_space<hbm>>) dst(%dma_wait3A_21 : memref<5000xi32, #tpu.memory_space<vmem>>)
      tpu.yield
    }) : () -> ()
    "tpu.region"() ({
      %run_scoped3A = tpu.sem_alloc : memref<!tpu.dma_semaphore, #tpu.memory_space<semaphore_mem>>
      tpu.enqueue_dma source(%arg3 : memref<10240xi32, #tpu.memory_space<hbm>>) target(%arg6 : memref<10240xi32, #tpu.memory_space<vmem>>) target_semaphore(%run_scoped3A : memref<!tpu.dma_semaphore, #tpu.memory_space<semaphore_mem>>)
      tpu.wait_dma2 semaphore(%run_scoped3A : memref<!tpu.dma_semaphore, #tpu.memory_space<semaphore_mem>>) src(%arg3 : memref<10240xi32, #tpu.memory_space<hbm>>) dst(%arg6 : memref<10240xi32, #tpu.memory_space<vmem>>)
      tpu.yield
    }) : () -> ()
    %scan3A = arith.constant 0 : i32
    %scan3A_5 = arith.constant 312 : i32
    %scan3A_6 = arith.addi %scan3A, %scan3A_5 : i32
    %scan3A_7 = arith.constant 4 : i32
    scf.for %scan3A_13 = %scan3A to %scan3A_6 step %scan3A_7  : i32 {
      %mul3A_14 = arith.constant 1 : i32
      %mul3A_15 = arith.muli %scan3A_13, %mul3A_14 : i32
      %add3A_16 = arith.constant 0 : i32
      %add3A_17 = arith.addi %add3A_16, %mul3A_15 : i32
      %mul3A_18 = arith.constant 16 : i32
      %mul3A_19 = arith.muli %add3A_17, %mul3A_18 : i32
      %get3A_20 = arith.index_cast %mul3A_19 : i32 to index
      %get3A_21 = tpu.vector_load %arg5[%get3A_20] {strides = array<i32>} : memref<5008xi32, #tpu.memory_space<vmem>>, vector<16xi32>,
      %broadcast_in_dim3A = arith.constant true
      %broadcast_in_dim3A_22 = vector.broadcast %broadcast_in_dim3A : i1 to vector<16xi1>
      %unique3A_23, %unique3A_24 = tpu.scan_count mask(%broadcast_in_dim3A_22 : vector<16xi1>) value(%get3A_21 : vector<16xi32>) : vector<16xi1>, vector<16xi32>
      tpu.vector_store_idx %arg6[%get3A_21], %unique3A_24 masked %unique3A_23 {add = true} : memref<10240xi32, #tpu.memory_space<vmem>>[vector<16xi32>], vector<16xi32>, vector<16xi1>
      %scan3A_25 = arith.constant 1 : i32
      %scan3A_26 = arith.addi %scan3A_13, %scan3A_25 : i32
      %mul3A_27 = arith.constant 1 : i32
      %mul3A_28 = arith.muli %scan3A_26, %mul3A_27 : i32
      %add3A_29 = arith.constant 0 : i32
      %add3A_30 = arith.addi %add3A_29, %mul3A_28 : i32
      %mul3A_31 = arith.constant 16 : i32
      %mul3A_32 = arith.muli %add3A_30, %mul3A_31 : i32
      %get3A_33 = arith.index_cast %mul3A_32 : i32 to index
      %get3A_34 = tpu.vector_load %arg5[%get3A_33] {strides = array<i32>} : memref<5008xi32, #tpu.memory_space<vmem>>, vector<16xi32>,
      %broadcast_in_dim3A_35 = arith.constant true
      %broadcast_in_dim3A_36 = vector.broadcast %broadcast_in_dim3A_35 : i1 to vector<16xi1>
      %unique3A_37, %unique3A_38 = tpu.scan_count mask(%broadcast_in_dim3A_36 : vector<16xi1>) value(%get3A_34 : vector<16xi32>) : vector<16xi1>, vector<16xi32>
      tpu.vector_store_idx %arg6[%get3A_34], %unique3A_38 masked %unique3A_37 {add = true} : memref<10240xi32, #tpu.memory_space<vmem>>[vector<16xi32>], vector<16xi32>, vector<16xi1>
      %scan3A_39 = arith.constant 2 : i32
      %scan3A_40 = arith.addi %scan3A_13, %scan3A_39 : i32
      %mul3A_41 = arith.constant 1 : i32
      %mul3A_42 = arith.muli %scan3A_40, %mul3A_41 : i32
      %add3A_43 = arith.constant 0 : i32
      %add3A_44 = arith.addi %add3A_43, %mul3A_42 : i32
      %mul3A_45 = arith.constant 16 : i32
      %mul3A_46 = arith.muli %add3A_44, %mul3A_45 : i32
      %get3A_47 = arith.index_cast %mul3A_46 : i32 to index
      %get3A_48 = tpu.vector_load %arg5[%get3A_47] {strides = array<i32>} : memref<5008xi32, #tpu.memory_space<vmem>>, vector<16xi32>,
      %broadcast_in_dim3A_49 = arith.constant true
      %broadcast_in_dim3A_50 = vector.broadcast %broadcast_in_dim3A_49 : i1 to vector<16xi1>
      %unique3A_51, %unique3A_52 = tpu.scan_count mask(%broadcast_in_dim3A_50 : vector<16xi1>) value(%get3A_48 : vector<16xi32>) : vector<16xi1>, vector<16xi32>
      tpu.vector_store_idx %arg6[%get3A_48], %unique3A_52 masked %unique3A_51 {add = true} : memref<10240xi32, #tpu.memory_space<vmem>>[vector<16xi32>], vector<16xi32>, vector<16xi1>
      %scan3A_53 = arith.constant 3 : i32
      %scan3A_54 = arith.addi %scan3A_13, %scan3A_53 : i32
      %mul3A_55 = arith.constant 1 : i32
      %mul3A_56 = arith.muli %scan3A_54, %mul3A_55 : i32
      %add3A_57 = arith.constant 0 : i32
      %add3A_58 = arith.addi %add3A_57, %mul3A_56 : i32
      %mul3A_59 = arith.constant 16 : i32
      %mul3A_60 = arith.muli %add3A_58, %mul3A_59 : i32
      %get3A_61 = arith.index_cast %mul3A_60 : i32 to index
      %get3A_62 = tpu.vector_load %arg5[%get3A_61] {strides = array<i32>} : memref<5008xi32, #tpu.memory_space<vmem>>, vector<16xi32>,
      %broadcast_in_dim3A_63 = arith.constant true
      %broadcast_in_dim3A_64 = vector.broadcast %broadcast_in_dim3A_63 : i1 to vector<16xi1>
      %unique3A_65, %unique3A_66 = tpu.scan_count mask(%broadcast_in_dim3A_64 : vector<16xi1>) value(%get3A_62 : vector<16xi32>) : vector<16xi1>, vector<16xi32>
      tpu.vector_store_idx %arg6[%get3A_62], %unique3A_66 masked %unique3A_65 {add = true} : memref<10240xi32, #tpu.memory_space<vmem>>[vector<16xi32>], vector<16xi32>, vector<16xi1>
    }
    %scan3A_8 = arith.constant 312 : i32
    %iota3A = tpu.iota {dimensions = array<i32: 0>} : vector<16xi32>
    %lt3A = arith.constant 8 : i32
    %lt3A_9 = vector.broadcast %lt3A : i32 to vector<16xi32>
    %lt3A_10 = arith.cmpi slt, %iota3A, %lt3A_9 : vector<16xi32>
    %get3A = arith.constant 4992 : index
    %get3A_11 = tpu.vector_load %arg5[%get3A] {strides = array<i32>} : memref<5008xi32, #tpu.memory_space<vmem>>, vector<16xi32>,
    %unique3A, %unique3A_12 = tpu.scan_count mask(%lt3A_10 : vector<16xi1>) value(%get3A_11 : vector<16xi32>) : vector<16xi1>, vector<16xi32>
    %and3A = arith.andi %unique3A, %lt3A_10 : vector<16xi1>
    tpu.vector_store_idx %arg6[%get3A_11], %unique3A_12 masked %and3A {add = true} : memref<10240xi32, #tpu.memory_space<vmem>>[vector<16xi32>], vector<16xi32>, vector<16xi1>
    "tpu.region"() ({
      %run_scoped3A = tpu.sem_alloc : memref<!tpu.dma_semaphore, #tpu.memory_space<semaphore_mem>>
      %dma_start3A = arith.constant 0 : i32
      %dma_start3A_13 = tpu.memref_slice %arg4[%arg0, %arg1, %dma_start3A] : memref<2x16x10240xi32, #tpu.memory_space<hbm>> -> memref<1x1x10240xi32, #tpu.memory_space<hbm>>
      %dma_start3A_14 = tpu.memref_squeeze %dma_start3A_13 : memref<1x1x10240xi32, #tpu.memory_space<hbm>> -> memref<10240xi32, #tpu.memory_space<hbm>>
      %dma_start3A_15 = arith.constant 0 : i32
      %dma_start3A_16 = tpu.memref_slice %arg4[%arg0, %arg1, %dma_start3A_15] : memref<2x16x10240xi32, #tpu.memory_space<hbm>> -> memref<1x1x10240xi32, #tpu.memory_space<hbm>>
      %dma_start3A_17 = tpu.memref_squeeze %dma_start3A_16 : memref<1x1x10240xi32, #tpu.memory_space<hbm>> -> memref<10240xi32, #tpu.memory_space<hbm>>
      tpu.enqueue_dma source(%arg6 : memref<10240xi32, #tpu.memory_space<vmem>>) target(%dma_start3A_17 : memref<10240xi32, #tpu.memory_space<hbm>>) target_semaphore(%run_scoped3A : memref<!tpu.dma_semaphore, #tpu.memory_space<semaphore_mem>>)
      %dma_wait3A = arith.constant 0 : i32
      %dma_wait3A_18 = tpu.memref_slice %arg4[%arg0, %arg1, %dma_wait3A] : memref<2x16x10240xi32, #tpu.memory_space<hbm>> -> memref<1x1x10240xi32, #tpu.memory_space<hbm>>
      %dma_wait3A_19 = tpu.memref_squeeze %dma_wait3A_18 : memref<1x1x10240xi32, #tpu.memory_space<hbm>> -> memref<10240xi32, #tpu.memory_space<hbm>>
      %dma_wait3A_20 = arith.constant 0 : i32
      %dma_wait3A_21 = tpu.memref_slice %arg4[%arg0, %arg1, %dma_wait3A_20] : memref<2x16x10240xi32, #tpu.memory_space<hbm>> -> memref<1x1x10240xi32, #tpu.memory_space<hbm>>
      %dma_wait3A_22 = tpu.memref_squeeze %dma_wait3A_21 : memref<1x1x10240xi32, #tpu.memory_space<hbm>> -> memref<10240xi32, #tpu.memory_space<hbm>>
      tpu.wait_dma2 semaphore(%run_scoped3A : memref<!tpu.dma_semaphore, #tpu.memory_space<semaphore_mem>>) src(%arg6 : memref<10240xi32, #tpu.memory_space<vmem>>) dst(%dma_wait3A_22 : memref<10240xi32, #tpu.memory_space<hbm>>)
      tpu.yield
    }) : () -> ()
    return
  }
}

#map = affine_map<(d0, d1) -> (0, 0, 0)>
#map1 = affine_map<(d0, d1) -> (0, 0, 0, 0)>
#map2 = affine_map<(d0, d1) -> (0, 0)>
module attributes {stable_mosaic.version = 14 : i64} {
  func.func @_scatter_body(%arg0: i32, %arg1: i32, %arg2: memref<2x10000x128xf32, #tpu.memory_space<hbm>>, %arg3: memref<16x4x25x100xi32, #tpu.memory_space<hbm>>, %arg4: memref<16x4x25x100xi32, #tpu.memory_space<hbm>>, %arg5: memref<128x128xf32, #tpu.memory_space<hbm>>, %arg6: memref<2x10240x128xf32, #tpu.memory_space<hbm>>, %arg7: memref<25x100xi32, #tpu.memory_space<vmem>>, %arg8: memref<25x100xi32, #tpu.memory_space<vmem>>, %arg9: memref<3x100x128xf32, #tpu.memory_space<vmem>>, %arg10: memref<10240x128xf32, #tpu.memory_space<vmem_shared>>, %arg11: memref<3x!tpu.dma_semaphore, #tpu.memory_space<semaphore_mem>>, %arg12: memref<3x!tpu.dma_semaphore, #tpu.memory_space<semaphore_mem>>, %arg13: memref<!tpu.dma_semaphore, #tpu.memory_space<semaphore_mem>>) attributes {dimension_semantics = [#tpu.dimension_semantics<core_parallel>, #tpu.dimension_semantics<subcore_parallel>], iteration_bounds = array<i64: 2, 16>, scalar_prefetch = 0 : i64, scratch_operands = 7 : i64, tpu.core_type = #tpu.core_type<sc_vector_subcore>, window_params = [{transform_indices = #map}, {transform_indices = #map1}, {transform_indices = #map1}, {transform_indices = #map2}, {transform_indices = #map}]} {
    %mul3A = arith.constant 640 : i32
    %mul3A_0 = arith.muli %arg1, %mul3A : i32
    %lt3A = arith.constant 15 : i32
    %lt3A_1 = arith.cmpi slt, %arg1, %lt3A : i32
    %convert_element_type3A = arith.extui %lt3A_1 : i1 to i32
    %cond3A = arith.constant 0 : i32
    %cond3A_2 = arith.cmpi ne, %convert_element_type3A, %cond3A : i32
    scf.if %cond3A_2 {
      %add3A = arith.constant 0 : i32
      %add3A_255 = arith.addi %mul3A_0, %add3A : i32
      %add3A_256 = arith.constant 0 : i32
      %add3A_257 = arith.addi %mul3A_0, %add3A_256 : i32
      %dma_start3A_258 = arith.constant 0 : i32
      %dma_start3A_259 = tpu.memref_slice %arg10[%add3A_257, %dma_start3A_258] : memref<10240x128xf32, #tpu.memory_space<vmem_shared>> -> memref<128x128xf32, #tpu.memory_space<vmem_shared>>
      %dma_start3A_260 = arith.constant 0 : i32
      %dma_start3A_261 = arith.constant 0 : i32
      %dma_start3A_262 = tpu.memref_slice %arg2[%arg0, %dma_start3A_260, %dma_start3A_261] : memref<2x10000x128xf32, #tpu.memory_space<hbm>> -> memref<1x10000x128xf32, #tpu.memory_space<hbm>>
      %dma_start3A_263 = tpu.memref_squeeze %dma_start3A_262 : memref<1x10000x128xf32, #tpu.memory_space<hbm>> -> memref<10000x128xf32, #tpu.memory_space<hbm>>
      %dma_start3A_264 = arith.constant 0 : i32
      %dma_start3A_265 = tpu.memref_slice %dma_start3A_263[%add3A_255, %dma_start3A_264] : memref<10000x128xf32, #tpu.memory_space<hbm>> -> memref<128x128xf32, #tpu.memory_space<hbm>>
      tpu.enqueue_dma source(%dma_start3A_265 : memref<128x128xf32, #tpu.memory_space<hbm>>) target(%dma_start3A_259 : memref<128x128xf32, #tpu.memory_space<vmem_shared>>) target_semaphore(%arg13 : memref<!tpu.dma_semaphore, #tpu.memory_space<semaphore_mem>>)
      %add3A_266 = arith.constant 128 : i32
      %add3A_267 = arith.addi %mul3A_0, %add3A_266 : i32
      %add3A_268 = arith.constant 128 : i32
      %add3A_269 = arith.addi %mul3A_0, %add3A_268 : i32
      %dma_start3A_270 = arith.constant 0 : i32
      %dma_start3A_271 = tpu.memref_slice %arg10[%add3A_269, %dma_start3A_270] : memref<10240x128xf32, #tpu.memory_space<vmem_shared>> -> memref<128x128xf32, #tpu.memory_space<vmem_shared>>
      %dma_start3A_272 = arith.constant 0 : i32
      %dma_start3A_273 = arith.constant 0 : i32
      %dma_start3A_274 = tpu.memref_slice %arg2[%arg0, %dma_start3A_272, %dma_start3A_273] : memref<2x10000x128xf32, #tpu.memory_space<hbm>> -> memref<1x10000x128xf32, #tpu.memory_space<hbm>>
      %dma_start3A_275 = tpu.memref_squeeze %dma_start3A_274 : memref<1x10000x128xf32, #tpu.memory_space<hbm>> -> memref<10000x128xf32, #tpu.memory_space<hbm>>
      %dma_start3A_276 = arith.constant 0 : i32
      %dma_start3A_277 = tpu.memref_slice %dma_start3A_275[%add3A_267, %dma_start3A_276] : memref<10000x128xf32, #tpu.memory_space<hbm>> -> memref<128x128xf32, #tpu.memory_space<hbm>>
      tpu.enqueue_dma source(%dma_start3A_277 : memref<128x128xf32, #tpu.memory_space<hbm>>) target(%dma_start3A_271 : memref<128x128xf32, #tpu.memory_space<vmem_shared>>) target_semaphore(%arg13 : memref<!tpu.dma_semaphore, #tpu.memory_space<semaphore_mem>>)
      %add3A_278 = arith.constant 256 : i32
      %add3A_279 = arith.addi %mul3A_0, %add3A_278 : i32
      %add3A_280 = arith.constant 256 : i32
      %add3A_281 = arith.addi %mul3A_0, %add3A_280 : i32
      %dma_start3A_282 = arith.constant 0 : i32
      %dma_start3A_283 = tpu.memref_slice %arg10[%add3A_281, %dma_start3A_282] : memref<10240x128xf32, #tpu.memory_space<vmem_shared>> -> memref<128x128xf32, #tpu.memory_space<vmem_shared>>
      %dma_start3A_284 = arith.constant 0 : i32
      %dma_start3A_285 = arith.constant 0 : i32
      %dma_start3A_286 = tpu.memref_slice %arg2[%arg0, %dma_start3A_284, %dma_start3A_285] : memref<2x10000x128xf32, #tpu.memory_space<hbm>> -> memref<1x10000x128xf32, #tpu.memory_space<hbm>>
      %dma_start3A_287 = tpu.memref_squeeze %dma_start3A_286 : memref<1x10000x128xf32, #tpu.memory_space<hbm>> -> memref<10000x128xf32, #tpu.memory_space<hbm>>
      %dma_start3A_288 = arith.constant 0 : i32
      %dma_start3A_289 = tpu.memref_slice %dma_start3A_287[%add3A_279, %dma_start3A_288] : memref<10000x128xf32, #tpu.memory_space<hbm>> -> memref<128x128xf32, #tpu.memory_space<hbm>>
      tpu.enqueue_dma source(%dma_start3A_289 : memref<128x128xf32, #tpu.memory_space<hbm>>) target(%dma_start3A_283 : memref<128x128xf32, #tpu.memory_space<vmem_shared>>) target_semaphore(%arg13 : memref<!tpu.dma_semaphore, #tpu.memory_space<semaphore_mem>>)
      %add3A_290 = arith.constant 384 : i32
      %add3A_291 = arith.addi %mul3A_0, %add3A_290 : i32
      %add3A_292 = arith.constant 384 : i32
      %add3A_293 = arith.addi %mul3A_0, %add3A_292 : i32
      %dma_start3A_294 = arith.constant 0 : i32
      %dma_start3A_295 = tpu.memref_slice %arg10[%add3A_293, %dma_start3A_294] : memref<10240x128xf32, #tpu.memory_space<vmem_shared>> -> memref<128x128xf32, #tpu.memory_space<vmem_shared>>
      %dma_start3A_296 = arith.constant 0 : i32
      %dma_start3A_297 = arith.constant 0 : i32
      %dma_start3A_298 = tpu.memref_slice %arg2[%arg0, %dma_start3A_296, %dma_start3A_297] : memref<2x10000x128xf32, #tpu.memory_space<hbm>> -> memref<1x10000x128xf32, #tpu.memory_space<hbm>>
      %dma_start3A_299 = tpu.memref_squeeze %dma_start3A_298 : memref<1x10000x128xf32, #tpu.memory_space<hbm>> -> memref<10000x128xf32, #tpu.memory_space<hbm>>
      %dma_start3A_300 = arith.constant 0 : i32
      %dma_start3A_301 = tpu.memref_slice %dma_start3A_299[%add3A_291, %dma_start3A_300] : memref<10000x128xf32, #tpu.memory_space<hbm>> -> memref<128x128xf32, #tpu.memory_space<hbm>>
      tpu.enqueue_dma source(%dma_start3A_301 : memref<128x128xf32, #tpu.memory_space<hbm>>) target(%dma_start3A_295 : memref<128x128xf32, #tpu.memory_space<vmem_shared>>) target_semaphore(%arg13 : memref<!tpu.dma_semaphore, #tpu.memory_space<semaphore_mem>>)
      %add3A_302 = arith.constant 512 : i32
      %add3A_303 = arith.addi %mul3A_0, %add3A_302 : i32
      %add3A_304 = arith.constant 512 : i32
      %add3A_305 = arith.addi %mul3A_0, %add3A_304 : i32
      %dma_start3A_306 = arith.constant 0 : i32
      %dma_start3A_307 = tpu.memref_slice %arg10[%add3A_305, %dma_start3A_306] : memref<10240x128xf32, #tpu.memory_space<vmem_shared>> -> memref<128x128xf32, #tpu.memory_space<vmem_shared>>
      %dma_start3A_308 = arith.constant 0 : i32
      %dma_start3A_309 = arith.constant 0 : i32
      %dma_start3A_310 = tpu.memref_slice %arg2[%arg0, %dma_start3A_308, %dma_start3A_309] : memref<2x10000x128xf32, #tpu.memory_space<hbm>> -> memref<1x10000x128xf32, #tpu.memory_space<hbm>>
      %dma_start3A_311 = tpu.memref_squeeze %dma_start3A_310 : memref<1x10000x128xf32, #tpu.memory_space<hbm>> -> memref<10000x128xf32, #tpu.memory_space<hbm>>
      %dma_start3A_312 = arith.constant 0 : i32
      %dma_start3A_313 = tpu.memref_slice %dma_start3A_311[%add3A_303, %dma_start3A_312] : memref<10000x128xf32, #tpu.memory_space<hbm>> -> memref<128x128xf32, #tpu.memory_space<hbm>>
      tpu.enqueue_dma source(%dma_start3A_313 : memref<128x128xf32, #tpu.memory_space<hbm>>) target(%dma_start3A_307 : memref<128x128xf32, #tpu.memory_space<vmem_shared>>) target_semaphore(%arg13 : memref<!tpu.dma_semaphore, #tpu.memory_space<semaphore_mem>>)
      %add3A_314 = arith.constant 0 : i32
      %add3A_315 = arith.addi %mul3A_0, %add3A_314 : i32
      %add3A_316 = arith.constant 0 : i32
      %add3A_317 = arith.addi %mul3A_0, %add3A_316 : i32
      %dma_wait3A_318 = arith.constant 0 : i32
      %dma_wait3A_319 = tpu.memref_slice %arg10[%add3A_317, %dma_wait3A_318] : memref<10240x128xf32, #tpu.memory_space<vmem_shared>> -> memref<128x128xf32, #tpu.memory_space<vmem_shared>>
      %dma_wait3A_320 = arith.constant 0 : i32
      %dma_wait3A_321 = arith.constant 0 : i32
      %dma_wait3A_322 = tpu.memref_slice %arg2[%arg0, %dma_wait3A_320, %dma_wait3A_321] : memref<2x10000x128xf32, #tpu.memory_space<hbm>> -> memref<1x10000x128xf32, #tpu.memory_space<hbm>>
      %dma_wait3A_323 = tpu.memref_squeeze %dma_wait3A_322 : memref<1x10000x128xf32, #tpu.memory_space<hbm>> -> memref<10000x128xf32, #tpu.memory_space<hbm>>
      %dma_wait3A_324 = arith.constant 0 : i32
      %dma_wait3A_325 = tpu.memref_slice %dma_wait3A_323[%add3A_315, %dma_wait3A_324] : memref<10000x128xf32, #tpu.memory_space<hbm>> -> memref<128x128xf32, #tpu.memory_space<hbm>>
      tpu.wait_dma2 semaphore(%arg13 : memref<!tpu.dma_semaphore, #tpu.memory_space<semaphore_mem>>) src(%dma_wait3A_325 : memref<128x128xf32, #tpu.memory_space<hbm>>) dst(%dma_wait3A_319 : memref<128x128xf32, #tpu.memory_space<vmem_shared>>)
      %add3A_326 = arith.constant 128 : i32
      %add3A_327 = arith.addi %mul3A_0, %add3A_326 : i32
      %add3A_328 = arith.constant 128 : i32
      %add3A_329 = arith.addi %mul3A_0, %add3A_328 : i32
      %dma_wait3A_330 = arith.constant 0 : i32
      %dma_wait3A_331 = tpu.memref_slice %arg10[%add3A_329, %dma_wait3A_330] : memref<10240x128xf32, #tpu.memory_space<vmem_shared>> -> memref<128x128xf32, #tpu.memory_space<vmem_shared>>
      %dma_wait3A_332 = arith.constant 0 : i32
      %dma_wait3A_333 = arith.constant 0 : i32
      %dma_wait3A_334 = tpu.memref_slice %arg2[%arg0, %dma_wait3A_332, %dma_wait3A_333] : memref<2x10000x128xf32, #tpu.memory_space<hbm>> -> memref<1x10000x128xf32, #tpu.memory_space<hbm>>
      %dma_wait3A_335 = tpu.memref_squeeze %dma_wait3A_334 : memref<1x10000x128xf32, #tpu.memory_space<hbm>> -> memref<10000x128xf32, #tpu.memory_space<hbm>>
      %dma_wait3A_336 = arith.constant 0 : i32
      %dma_wait3A_337 = tpu.memref_slice %dma_wait3A_335[%add3A_327, %dma_wait3A_336] : memref<10000x128xf32, #tpu.memory_space<hbm>> -> memref<128x128xf32, #tpu.memory_space<hbm>>
      tpu.wait_dma2 semaphore(%arg13 : memref<!tpu.dma_semaphore, #tpu.memory_space<semaphore_mem>>) src(%dma_wait3A_337 : memref<128x128xf32, #tpu.memory_space<hbm>>) dst(%dma_wait3A_331 : memref<128x128xf32, #tpu.memory_space<vmem_shared>>)
      %add3A_338 = arith.constant 256 : i32
      %add3A_339 = arith.addi %mul3A_0, %add3A_338 : i32
      %add3A_340 = arith.constant 256 : i32
      %add3A_341 = arith.addi %mul3A_0, %add3A_340 : i32
      %dma_wait3A_342 = arith.constant 0 : i32
      %dma_wait3A_343 = tpu.memref_slice %arg10[%add3A_341, %dma_wait3A_342] : memref<10240x128xf32, #tpu.memory_space<vmem_shared>> -> memref<128x128xf32, #tpu.memory_space<vmem_shared>>
      %dma_wait3A_344 = arith.constant 0 : i32
      %dma_wait3A_345 = arith.constant 0 : i32
      %dma_wait3A_346 = tpu.memref_slice %arg2[%arg0, %dma_wait3A_344, %dma_wait3A_345] : memref<2x10000x128xf32, #tpu.memory_space<hbm>> -> memref<1x10000x128xf32, #tpu.memory_space<hbm>>
      %dma_wait3A_347 = tpu.memref_squeeze %dma_wait3A_346 : memref<1x10000x128xf32, #tpu.memory_space<hbm>> -> memref<10000x128xf32, #tpu.memory_space<hbm>>
      %dma_wait3A_348 = arith.constant 0 : i32
      %dma_wait3A_349 = tpu.memref_slice %dma_wait3A_347[%add3A_339, %dma_wait3A_348] : memref<10000x128xf32, #tpu.memory_space<hbm>> -> memref<128x128xf32, #tpu.memory_space<hbm>>
      tpu.wait_dma2 semaphore(%arg13 : memref<!tpu.dma_semaphore, #tpu.memory_space<semaphore_mem>>) src(%dma_wait3A_349 : memref<128x128xf32, #tpu.memory_space<hbm>>) dst(%dma_wait3A_343 : memref<128x128xf32, #tpu.memory_space<vmem_shared>>)
      %add3A_350 = arith.constant 384 : i32
      %add3A_351 = arith.addi %mul3A_0, %add3A_350 : i32
      %add3A_352 = arith.constant 384 : i32
      %add3A_353 = arith.addi %mul3A_0, %add3A_352 : i32
      %dma_wait3A_354 = arith.constant 0 : i32
      %dma_wait3A_355 = tpu.memref_slice %arg10[%add3A_353, %dma_wait3A_354] : memref<10240x128xf32, #tpu.memory_space<vmem_shared>> -> memref<128x128xf32, #tpu.memory_space<vmem_shared>>
      %dma_wait3A_356 = arith.constant 0 : i32
      %dma_wait3A_357 = arith.constant 0 : i32
      %dma_wait3A_358 = tpu.memref_slice %arg2[%arg0, %dma_wait3A_356, %dma_wait3A_357] : memref<2x10000x128xf32, #tpu.memory_space<hbm>> -> memref<1x10000x128xf32, #tpu.memory_space<hbm>>
      %dma_wait3A_359 = tpu.memref_squeeze %dma_wait3A_358 : memref<1x10000x128xf32, #tpu.memory_space<hbm>> -> memref<10000x128xf32, #tpu.memory_space<hbm>>
      %dma_wait3A_360 = arith.constant 0 : i32
      %dma_wait3A_361 = tpu.memref_slice %dma_wait3A_359[%add3A_351, %dma_wait3A_360] : memref<10000x128xf32, #tpu.memory_space<hbm>> -> memref<128x128xf32, #tpu.memory_space<hbm>>
      tpu.wait_dma2 semaphore(%arg13 : memref<!tpu.dma_semaphore, #tpu.memory_space<semaphore_mem>>) src(%dma_wait3A_361 : memref<128x128xf32, #tpu.memory_space<hbm>>) dst(%dma_wait3A_355 : memref<128x128xf32, #tpu.memory_space<vmem_shared>>)
      %add3A_362 = arith.constant 512 : i32
      %add3A_363 = arith.addi %mul3A_0, %add3A_362 : i32
      %add3A_364 = arith.constant 512 : i32
      %add3A_365 = arith.addi %mul3A_0, %add3A_364 : i32
      %dma_wait3A_366 = arith.constant 0 : i32
      %dma_wait3A_367 = tpu.memref_slice %arg10[%add3A_365, %dma_wait3A_366] : memref<10240x128xf32, #tpu.memory_space<vmem_shared>> -> memref<128x128xf32, #tpu.memory_space<vmem_shared>>
      %dma_wait3A_368 = arith.constant 0 : i32
      %dma_wait3A_369 = arith.constant 0 : i32
      %dma_wait3A_370 = tpu.memref_slice %arg2[%arg0, %dma_wait3A_368, %dma_wait3A_369] : memref<2x10000x128xf32, #tpu.memory_space<hbm>> -> memref<1x10000x128xf32, #tpu.memory_space<hbm>>
      %dma_wait3A_371 = tpu.memref_squeeze %dma_wait3A_370 : memref<1x10000x128xf32, #tpu.memory_space<hbm>> -> memref<10000x128xf32, #tpu.memory_space<hbm>>
      %dma_wait3A_372 = arith.constant 0 : i32
      %dma_wait3A_373 = tpu.memref_slice %dma_wait3A_371[%add3A_363, %dma_wait3A_372] : memref<10000x128xf32, #tpu.memory_space<hbm>> -> memref<128x128xf32, #tpu.memory_space<hbm>>
      tpu.wait_dma2 semaphore(%arg13 : memref<!tpu.dma_semaphore, #tpu.memory_space<semaphore_mem>>) src(%dma_wait3A_373 : memref<128x128xf32, #tpu.memory_space<hbm>>) dst(%dma_wait3A_367 : memref<128x128xf32, #tpu.memory_space<vmem_shared>>)
    } else {
    }
    %eq3A = arith.constant 15 : i32
    %eq3A_3 = arith.cmpi eq, %arg1, %eq3A : i32
    %convert_element_type3A_4 = arith.extui %eq3A_3 : i1 to i32
    %cond3A_5 = arith.constant 0 : i32
    %cond3A_6 = arith.cmpi ne, %convert_element_type3A_4, %cond3A_5 : i32
    scf.if %cond3A_6 {
      %add3A = arith.constant 128 : i32
      %add3A_255 = arith.addi %mul3A_0, %add3A : i32
      %add3A_256 = arith.constant 128 : i32
      %add3A_257 = arith.addi %mul3A_0, %add3A_256 : i32
      %add3A_258 = arith.constant 256 : i32
      %add3A_259 = arith.addi %mul3A_0, %add3A_258 : i32
      %add3A_260 = arith.constant 256 : i32
      %add3A_261 = arith.addi %mul3A_0, %add3A_260 : i32
      %add3A_262 = arith.constant 384 : i32
      %add3A_263 = arith.addi %mul3A_0, %add3A_262 : i32
      %add3A_264 = arith.constant 384 : i32
      %add3A_265 = arith.addi %mul3A_0, %add3A_264 : i32
      %dma_start3A_266 = arith.constant 0 : i32
      %dma_start3A_267 = tpu.memref_slice %arg10[%mul3A_0, %dma_start3A_266] : memref<10240x128xf32, #tpu.memory_space<vmem_shared>> -> memref<128x128xf32, #tpu.memory_space<vmem_shared>>
      %dma_start3A_268 = arith.constant 0 : i32
      %dma_start3A_269 = arith.constant 0 : i32
      %dma_start3A_270 = tpu.memref_slice %arg2[%arg0, %dma_start3A_268, %dma_start3A_269] : memref<2x10000x128xf32, #tpu.memory_space<hbm>> -> memref<1x10000x128xf32, #tpu.memory_space<hbm>>
      %dma_start3A_271 = tpu.memref_squeeze %dma_start3A_270 : memref<1x10000x128xf32, #tpu.memory_space<hbm>> -> memref<10000x128xf32, #tpu.memory_space<hbm>>
      %dma_start3A_272 = arith.constant 0 : i32
      %dma_start3A_273 = tpu.memref_slice %dma_start3A_271[%mul3A_0, %dma_start3A_272] : memref<10000x128xf32, #tpu.memory_space<hbm>> -> memref<128x128xf32, #tpu.memory_space<hbm>>
      tpu.enqueue_dma source(%dma_start3A_273 : memref<128x128xf32, #tpu.memory_space<hbm>>) target(%dma_start3A_267 : memref<128x128xf32, #tpu.memory_space<vmem_shared>>) target_semaphore(%arg13 : memref<!tpu.dma_semaphore, #tpu.memory_space<semaphore_mem>>)
      %dma_start3A_274 = arith.constant 0 : i32
      %dma_start3A_275 = tpu.memref_slice %arg10[%add3A_257, %dma_start3A_274] : memref<10240x128xf32, #tpu.memory_space<vmem_shared>> -> memref<128x128xf32, #tpu.memory_space<vmem_shared>>
      %dma_start3A_276 = arith.constant 0 : i32
      %dma_start3A_277 = arith.constant 0 : i32
      %dma_start3A_278 = tpu.memref_slice %arg2[%arg0, %dma_start3A_276, %dma_start3A_277] : memref<2x10000x128xf32, #tpu.memory_space<hbm>> -> memref<1x10000x128xf32, #tpu.memory_space<hbm>>
      %dma_start3A_279 = tpu.memref_squeeze %dma_start3A_278 : memref<1x10000x128xf32, #tpu.memory_space<hbm>> -> memref<10000x128xf32, #tpu.memory_space<hbm>>
      %dma_start3A_280 = arith.constant 0 : i32
      %dma_start3A_281 = tpu.memref_slice %dma_start3A_279[%add3A_255, %dma_start3A_280] : memref<10000x128xf32, #tpu.memory_space<hbm>> -> memref<128x128xf32, #tpu.memory_space<hbm>>
      tpu.enqueue_dma source(%dma_start3A_281 : memref<128x128xf32, #tpu.memory_space<hbm>>) target(%dma_start3A_275 : memref<128x128xf32, #tpu.memory_space<vmem_shared>>) target_semaphore(%arg13 : memref<!tpu.dma_semaphore, #tpu.memory_space<semaphore_mem>>)
      %dma_start3A_282 = arith.constant 0 : i32
      %dma_start3A_283 = tpu.memref_slice %arg10[%add3A_261, %dma_start3A_282] : memref<10240x128xf32, #tpu.memory_space<vmem_shared>> -> memref<128x128xf32, #tpu.memory_space<vmem_shared>>
      %dma_start3A_284 = arith.constant 0 : i32
      %dma_start3A_285 = arith.constant 0 : i32
      %dma_start3A_286 = tpu.memref_slice %arg2[%arg0, %dma_start3A_284, %dma_start3A_285] : memref<2x10000x128xf32, #tpu.memory_space<hbm>> -> memref<1x10000x128xf32, #tpu.memory_space<hbm>>
      %dma_start3A_287 = tpu.memref_squeeze %dma_start3A_286 : memref<1x10000x128xf32, #tpu.memory_space<hbm>> -> memref<10000x128xf32, #tpu.memory_space<hbm>>
      %dma_start3A_288 = arith.constant 0 : i32
      %dma_start3A_289 = tpu.memref_slice %dma_start3A_287[%add3A_259, %dma_start3A_288] : memref<10000x128xf32, #tpu.memory_space<hbm>> -> memref<128x128xf32, #tpu.memory_space<hbm>>
      tpu.enqueue_dma source(%dma_start3A_289 : memref<128x128xf32, #tpu.memory_space<hbm>>) target(%dma_start3A_283 : memref<128x128xf32, #tpu.memory_space<vmem_shared>>) target_semaphore(%arg13 : memref<!tpu.dma_semaphore, #tpu.memory_space<semaphore_mem>>)
      %dma_start3A_290 = arith.constant 0 : i32
      %dma_start3A_291 = tpu.memref_slice %arg10[%add3A_265, %dma_start3A_290] : memref<10240x128xf32, #tpu.memory_space<vmem_shared>> -> memref<16x128xf32, #tpu.memory_space<vmem_shared>>
      %dma_start3A_292 = arith.constant 0 : i32
      %dma_start3A_293 = arith.constant 0 : i32
      %dma_start3A_294 = tpu.memref_slice %arg2[%arg0, %dma_start3A_292, %dma_start3A_293] : memref<2x10000x128xf32, #tpu.memory_space<hbm>> -> memref<1x10000x128xf32, #tpu.memory_space<hbm>>
      %dma_start3A_295 = tpu.memref_squeeze %dma_start3A_294 : memref<1x10000x128xf32, #tpu.memory_space<hbm>> -> memref<10000x128xf32, #tpu.memory_space<hbm>>
      %dma_start3A_296 = arith.constant 0 : i32
      %dma_start3A_297 = tpu.memref_slice %dma_start3A_295[%add3A_263, %dma_start3A_296] : memref<10000x128xf32, #tpu.memory_space<hbm>> -> memref<16x128xf32, #tpu.memory_space<hbm>>
      tpu.enqueue_dma source(%dma_start3A_297 : memref<16x128xf32, #tpu.memory_space<hbm>>) target(%dma_start3A_291 : memref<16x128xf32, #tpu.memory_space<vmem_shared>>) target_semaphore(%arg13 : memref<!tpu.dma_semaphore, #tpu.memory_space<semaphore_mem>>)
      %dma_start3A_298 = arith.constant 10000 : i32
      %dma_start3A_299 = arith.constant 0 : i32
      %dma_start3A_300 = tpu.memref_slice %arg10[%dma_start3A_298, %dma_start3A_299] : memref<10240x128xf32, #tpu.memory_space<vmem_shared>> -> memref<128x128xf32, #tpu.memory_space<vmem_shared>>
      tpu.enqueue_dma source(%arg5 : memref<128x128xf32, #tpu.memory_space<hbm>>) target(%dma_start3A_300 : memref<128x128xf32, #tpu.memory_space<vmem_shared>>) target_semaphore(%arg13 : memref<!tpu.dma_semaphore, #tpu.memory_space<semaphore_mem>>)
      %dma_start3A_301 = arith.constant 10128 : i32
      %dma_start3A_302 = arith.constant 0 : i32
      %dma_start3A_303 = tpu.memref_slice %arg10[%dma_start3A_301, %dma_start3A_302] : memref<10240x128xf32, #tpu.memory_space<vmem_shared>> -> memref<112x128xf32, #tpu.memory_space<vmem_shared>>
      %dma_start3A_304 = arith.constant 0 : i32
      %dma_start3A_305 = arith.constant 0 : i32
      %dma_start3A_306 = tpu.memref_slice %arg5[%dma_start3A_304, %dma_start3A_305] : memref<128x128xf32, #tpu.memory_space<hbm>> -> memref<112x128xf32, #tpu.memory_space<hbm>>
      tpu.enqueue_dma source(%dma_start3A_306 : memref<112x128xf32, #tpu.memory_space<hbm>>) target(%dma_start3A_303 : memref<112x128xf32, #tpu.memory_space<vmem_shared>>) target_semaphore(%arg13 : memref<!tpu.dma_semaphore, #tpu.memory_space<semaphore_mem>>)
      %dma_wait3A_307 = arith.constant 0 : i32
      %dma_wait3A_308 = tpu.memref_slice %arg10[%mul3A_0, %dma_wait3A_307] : memref<10240x128xf32, #tpu.memory_space<vmem_shared>> -> memref<128x128xf32, #tpu.memory_space<vmem_shared>>
      %dma_wait3A_309 = arith.constant 0 : i32
      %dma_wait3A_310 = arith.constant 0 : i32
      %dma_wait3A_311 = tpu.memref_slice %arg2[%arg0, %dma_wait3A_309, %dma_wait3A_310] : memref<2x10000x128xf32, #tpu.memory_space<hbm>> -> memref<1x10000x128xf32, #tpu.memory_space<hbm>>
      %dma_wait3A_312 = tpu.memref_squeeze %dma_wait3A_311 : memref<1x10000x128xf32, #tpu.memory_space<hbm>> -> memref<10000x128xf32, #tpu.memory_space<hbm>>
      %dma_wait3A_313 = arith.constant 0 : i32
      %dma_wait3A_314 = tpu.memref_slice %dma_wait3A_312[%mul3A_0, %dma_wait3A_313] : memref<10000x128xf32, #tpu.memory_space<hbm>> -> memref<128x128xf32, #tpu.memory_space<hbm>>
      tpu.wait_dma2 semaphore(%arg13 : memref<!tpu.dma_semaphore, #tpu.memory_space<semaphore_mem>>) src(%dma_wait3A_314 : memref<128x128xf32, #tpu.memory_space<hbm>>) dst(%dma_wait3A_308 : memref<128x128xf32, #tpu.memory_space<vmem_shared>>)
      %dma_wait3A_315 = arith.constant 0 : i32
      %dma_wait3A_316 = tpu.memref_slice %arg10[%add3A_257, %dma_wait3A_315] : memref<10240x128xf32, #tpu.memory_space<vmem_shared>> -> memref<128x128xf32, #tpu.memory_space<vmem_shared>>
      %dma_wait3A_317 = arith.constant 0 : i32
      %dma_wait3A_318 = arith.constant 0 : i32
      %dma_wait3A_319 = tpu.memref_slice %arg2[%arg0, %dma_wait3A_317, %dma_wait3A_318] : memref<2x10000x128xf32, #tpu.memory_space<hbm>> -> memref<1x10000x128xf32, #tpu.memory_space<hbm>>
      %dma_wait3A_320 = tpu.memref_squeeze %dma_wait3A_319 : memref<1x10000x128xf32, #tpu.memory_space<hbm>> -> memref<10000x128xf32, #tpu.memory_space<hbm>>
      %dma_wait3A_321 = arith.constant 0 : i32
      %dma_wait3A_322 = tpu.memref_slice %dma_wait3A_320[%add3A_255, %dma_wait3A_321] : memref<10000x128xf32, #tpu.memory_space<hbm>> -> memref<128x128xf32, #tpu.memory_space<hbm>>
      tpu.wait_dma2 semaphore(%arg13 : memref<!tpu.dma_semaphore, #tpu.memory_space<semaphore_mem>>) src(%dma_wait3A_322 : memref<128x128xf32, #tpu.memory_space<hbm>>) dst(%dma_wait3A_316 : memref<128x128xf32, #tpu.memory_space<vmem_shared>>)
      %dma_wait3A_323 = arith.constant 0 : i32
      %dma_wait3A_324 = tpu.memref_slice %arg10[%add3A_261, %dma_wait3A_323] : memref<10240x128xf32, #tpu.memory_space<vmem_shared>> -> memref<128x128xf32, #tpu.memory_space<vmem_shared>>
      %dma_wait3A_325 = arith.constant 0 : i32
      %dma_wait3A_326 = arith.constant 0 : i32
      %dma_wait3A_327 = tpu.memref_slice %arg2[%arg0, %dma_wait3A_325, %dma_wait3A_326] : memref<2x10000x128xf32, #tpu.memory_space<hbm>> -> memref<1x10000x128xf32, #tpu.memory_space<hbm>>
      %dma_wait3A_328 = tpu.memref_squeeze %dma_wait3A_327 : memref<1x10000x128xf32, #tpu.memory_space<hbm>> -> memref<10000x128xf32, #tpu.memory_space<hbm>>
      %dma_wait3A_329 = arith.constant 0 : i32
      %dma_wait3A_330 = tpu.memref_slice %dma_wait3A_328[%add3A_259, %dma_wait3A_329] : memref<10000x128xf32, #tpu.memory_space<hbm>> -> memref<128x128xf32, #tpu.memory_space<hbm>>
      tpu.wait_dma2 semaphore(%arg13 : memref<!tpu.dma_semaphore, #tpu.memory_space<semaphore_mem>>) src(%dma_wait3A_330 : memref<128x128xf32, #tpu.memory_space<hbm>>) dst(%dma_wait3A_324 : memref<128x128xf32, #tpu.memory_space<vmem_shared>>)
      %dma_wait3A_331 = arith.constant 0 : i32
      %dma_wait3A_332 = tpu.memref_slice %arg10[%add3A_265, %dma_wait3A_331] : memref<10240x128xf32, #tpu.memory_space<vmem_shared>> -> memref<16x128xf32, #tpu.memory_space<vmem_shared>>
      %dma_wait3A_333 = arith.constant 0 : i32
      %dma_wait3A_334 = arith.constant 0 : i32
      %dma_wait3A_335 = tpu.memref_slice %arg2[%arg0, %dma_wait3A_333, %dma_wait3A_334] : memref<2x10000x128xf32, #tpu.memory_space<hbm>> -> memref<1x10000x128xf32, #tpu.memory_space<hbm>>
      %dma_wait3A_336 = tpu.memref_squeeze %dma_wait3A_335 : memref<1x10000x128xf32, #tpu.memory_space<hbm>> -> memref<10000x128xf32, #tpu.memory_space<hbm>>
      %dma_wait3A_337 = arith.constant 0 : i32
      %dma_wait3A_338 = tpu.memref_slice %dma_wait3A_336[%add3A_263, %dma_wait3A_337] : memref<10000x128xf32, #tpu.memory_space<hbm>> -> memref<16x128xf32, #tpu.memory_space<hbm>>
      tpu.wait_dma2 semaphore(%arg13 : memref<!tpu.dma_semaphore, #tpu.memory_space<semaphore_mem>>) src(%dma_wait3A_338 : memref<16x128xf32, #tpu.memory_space<hbm>>) dst(%dma_wait3A_332 : memref<16x128xf32, #tpu.memory_space<vmem_shared>>)
      %dma_wait3A_339 = arith.constant 10000 : i32
      %dma_wait3A_340 = arith.constant 0 : i32
      %dma_wait3A_341 = tpu.memref_slice %arg10[%dma_wait3A_339, %dma_wait3A_340] : memref<10240x128xf32, #tpu.memory_space<vmem_shared>> -> memref<128x128xf32, #tpu.memory_space<vmem_shared>>
      tpu.wait_dma2 semaphore(%arg13 : memref<!tpu.dma_semaphore, #tpu.memory_space<semaphore_mem>>) src(%arg5 : memref<128x128xf32, #tpu.memory_space<hbm>>) dst(%dma_wait3A_341 : memref<128x128xf32, #tpu.memory_space<vmem_shared>>)
      %dma_wait3A_342 = arith.constant 10128 : i32
      %dma_wait3A_343 = arith.constant 0 : i32
      %dma_wait3A_344 = tpu.memref_slice %arg10[%dma_wait3A_342, %dma_wait3A_343] : memref<10240x128xf32, #tpu.memory_space<vmem_shared>> -> memref<112x128xf32, #tpu.memory_space<vmem_shared>>
      %dma_wait3A_345 = arith.constant 0 : i32
      %dma_wait3A_346 = arith.constant 0 : i32
      %dma_wait3A_347 = tpu.memref_slice %arg5[%dma_wait3A_345, %dma_wait3A_346] : memref<128x128xf32, #tpu.memory_space<hbm>> -> memref<112x128xf32, #tpu.memory_space<hbm>>
      tpu.wait_dma2 semaphore(%arg13 : memref<!tpu.dma_semaphore, #tpu.memory_space<semaphore_mem>>) src(%dma_wait3A_347 : memref<112x128xf32, #tpu.memory_space<hbm>>) dst(%dma_wait3A_344 : memref<112x128xf32, #tpu.memory_space<vmem_shared>>)
    } else {
    }
    %barrier3A = arith.constant 0 : index
    tpu.barrier barrier_id(%barrier3A)
    %run_scoped3A = arith.constant 0 : i32
    "tpu.region"() ({
      %run_scoped3A_255 = tpu.sem_alloc : memref<!tpu.dma_semaphore, #tpu.memory_space<semaphore_mem>>
      %dma_start3A_256 = arith.constant 0 : i32
      %dma_start3A_257 = arith.constant 0 : i32
      %dma_start3A_258 = tpu.memref_slice %arg3[%arg1, %run_scoped3A, %dma_start3A_256, %dma_start3A_257] : memref<16x4x25x100xi32, #tpu.memory_space<hbm>> -> memref<1x1x25x100xi32, #tpu.memory_space<hbm>>
      %dma_start3A_259 = tpu.memref_squeeze %dma_start3A_258 : memref<1x1x25x100xi32, #tpu.memory_space<hbm>> -> memref<25x100xi32, #tpu.memory_space<hbm>>
      %dma_start3A_260 = arith.constant 0 : i32
      %dma_start3A_261 = arith.constant 0 : i32
      %dma_start3A_262 = tpu.memref_slice %arg3[%arg1, %run_scoped3A, %dma_start3A_260, %dma_start3A_261] : memref<16x4x25x100xi32, #tpu.memory_space<hbm>> -> memref<1x1x25x100xi32, #tpu.memory_space<hbm>>
      %dma_start3A_263 = tpu.memref_squeeze %dma_start3A_262 : memref<1x1x25x100xi32, #tpu.memory_space<hbm>> -> memref<25x100xi32, #tpu.memory_space<hbm>>
      tpu.enqueue_dma source(%dma_start3A_263 : memref<25x100xi32, #tpu.memory_space<hbm>>) target(%arg7 : memref<25x100xi32, #tpu.memory_space<vmem>>) target_semaphore(%run_scoped3A_255 : memref<!tpu.dma_semaphore, #tpu.memory_space<semaphore_mem>>)
      %dma_wait3A_264 = arith.constant 0 : i32
      %dma_wait3A_265 = arith.constant 0 : i32
      %dma_wait3A_266 = tpu.memref_slice %arg3[%arg1, %run_scoped3A, %dma_wait3A_264, %dma_wait3A_265] : memref<16x4x25x100xi32, #tpu.memory_space<hbm>> -> memref<1x1x25x100xi32, #tpu.memory_space<hbm>>
      %dma_wait3A_267 = tpu.memref_squeeze %dma_wait3A_266 : memref<1x1x25x100xi32, #tpu.memory_space<hbm>> -> memref<25x100xi32, #tpu.memory_space<hbm>>
      %dma_wait3A_268 = arith.constant 0 : i32
      %dma_wait3A_269 = arith.constant 0 : i32
      %dma_wait3A_270 = tpu.memref_slice %arg3[%arg1, %run_scoped3A, %dma_wait3A_268, %dma_wait3A_269] : memref<16x4x25x100xi32, #tpu.memory_space<hbm>> -> memref<1x1x25x100xi32, #tpu.memory_space<hbm>>
      %dma_wait3A_271 = tpu.memref_squeeze %dma_wait3A_270 : memref<1x1x25x100xi32, #tpu.memory_space<hbm>> -> memref<25x100xi32, #tpu.memory_space<hbm>>
      tpu.wait_dma2 semaphore(%run_scoped3A_255 : memref<!tpu.dma_semaphore, #tpu.memory_space<semaphore_mem>>) src(%dma_wait3A_271 : memref<25x100xi32, #tpu.memory_space<hbm>>) dst(%arg7 : memref<25x100xi32, #tpu.memory_space<vmem>>)
      tpu.yield
    }) : () -> ()
    %run_scoped3A_7 = arith.constant 0 : i32
    "tpu.region"() ({
      %run_scoped3A_255 = tpu.sem_alloc : memref<!tpu.dma_semaphore, #tpu.memory_space<semaphore_mem>>
      %dma_start3A_256 = arith.constant 0 : i32
      %dma_start3A_257 = arith.constant 0 : i32
      %dma_start3A_258 = tpu.memref_slice %arg4[%arg1, %run_scoped3A_7, %dma_start3A_256, %dma_start3A_257] : memref<16x4x25x100xi32, #tpu.memory_space<hbm>> -> memref<1x1x25x100xi32, #tpu.memory_space<hbm>>
      %dma_start3A_259 = tpu.memref_squeeze %dma_start3A_258 : memref<1x1x25x100xi32, #tpu.memory_space<hbm>> -> memref<25x100xi32, #tpu.memory_space<hbm>>
      %dma_start3A_260 = arith.constant 0 : i32
      %dma_start3A_261 = arith.constant 0 : i32
      %dma_start3A_262 = tpu.memref_slice %arg4[%arg1, %run_scoped3A_7, %dma_start3A_260, %dma_start3A_261] : memref<16x4x25x100xi32, #tpu.memory_space<hbm>> -> memref<1x1x25x100xi32, #tpu.memory_space<hbm>>
      %dma_start3A_263 = tpu.memref_squeeze %dma_start3A_262 : memref<1x1x25x100xi32, #tpu.memory_space<hbm>> -> memref<25x100xi32, #tpu.memory_space<hbm>>
      tpu.enqueue_dma source(%dma_start3A_263 : memref<25x100xi32, #tpu.memory_space<hbm>>) target(%arg8 : memref<25x100xi32, #tpu.memory_space<vmem>>) target_semaphore(%run_scoped3A_255 : memref<!tpu.dma_semaphore, #tpu.memory_space<semaphore_mem>>)
      %dma_wait3A_264 = arith.constant 0 : i32
      %dma_wait3A_265 = arith.constant 0 : i32
      %dma_wait3A_266 = tpu.memref_slice %arg4[%arg1, %run_scoped3A_7, %dma_wait3A_264, %dma_wait3A_265] : memref<16x4x25x100xi32, #tpu.memory_space<hbm>> -> memref<1x1x25x100xi32, #tpu.memory_space<hbm>>
      %dma_wait3A_267 = tpu.memref_squeeze %dma_wait3A_266 : memref<1x1x25x100xi32, #tpu.memory_space<hbm>> -> memref<25x100xi32, #tpu.memory_space<hbm>>
      %dma_wait3A_268 = arith.constant 0 : i32
      %dma_wait3A_269 = arith.constant 0 : i32
      %dma_wait3A_270 = tpu.memref_slice %arg4[%arg1, %run_scoped3A_7, %dma_wait3A_268, %dma_wait3A_269] : memref<16x4x25x100xi32, #tpu.memory_space<hbm>> -> memref<1x1x25x100xi32, #tpu.memory_space<hbm>>
      %dma_wait3A_271 = tpu.memref_squeeze %dma_wait3A_270 : memref<1x1x25x100xi32, #tpu.memory_space<hbm>> -> memref<25x100xi32, #tpu.memory_space<hbm>>
      tpu.wait_dma2 semaphore(%run_scoped3A_255 : memref<!tpu.dma_semaphore, #tpu.memory_space<semaphore_mem>>) src(%dma_wait3A_271 : memref<25x100xi32, #tpu.memory_space<hbm>>) dst(%arg8 : memref<25x100xi32, #tpu.memory_space<vmem>>)
      tpu.yield
    }) : () -> ()
    %rem3A = arith.constant 0 : i32
    %rem3A_8 = arith.constant 3 : i32
    %rem3A_9 = arith.remsi %rem3A, %rem3A_8 : i32
    %dma_start3A = arith.constant 0 : i32
    %dma_start3A_10 = arith.constant 0 : i32
    %dma_start3A_11 = arith.constant 0 : i32
    %dma_start3A_12 = tpu.memref_slice %arg9[%rem3A_9, %dma_start3A_10, %dma_start3A_11] : memref<3x100x128xf32, #tpu.memory_space<vmem>> -> memref<1x100x128xf32, #tpu.memory_space<vmem>>
    %dma_start3A_13 = tpu.memref_squeeze %dma_start3A_12 : memref<1x100x128xf32, #tpu.memory_space<vmem>> -> memref<100x128xf32, #tpu.memory_space<vmem>>
    %dma_start3A_14 = arith.constant 0 : i32
    %dma_start3A_15 = tpu.memref_slice %arg7[%dma_start3A, %dma_start3A_14] : memref<25x100xi32, #tpu.memory_space<vmem>> -> memref<1x100xi32, #tpu.memory_space<vmem>>
    %dma_start3A_16 = tpu.memref_squeeze %dma_start3A_15 : memref<1x100xi32, #tpu.memory_space<vmem>> -> memref<100xi32, #tpu.memory_space<vmem>>
    %dma_start3A_17 = arith.constant 0 : i32
    %dma_start3A_18 = arith.constant 0 : i32
    %dma_start3A_19 = tpu.memref_slice %arg2[%arg0, %dma_start3A_17, %dma_start3A_18] : memref<2x10000x128xf32, #tpu.memory_space<hbm>> -> memref<1x10000x128xf32, #tpu.memory_space<hbm>>
    %dma_start3A_20 = tpu.memref_squeeze %dma_start3A_19 : memref<1x10000x128xf32, #tpu.memory_space<hbm>> -> memref<10000x128xf32, #tpu.memory_space<hbm>>
    %dma_start3A_21 = arith.constant 0 : i32
    %dma_start3A_22 = arith.constant 0 : i32
    %dma_start3A_23 = tpu.memref_slice %dma_start3A_20[%dma_start3A_21, %dma_start3A_22] : memref<10000x128xf32, #tpu.memory_space<hbm>> -> memref<10000x128xf32, #tpu.memory_space<hbm>>
    %dma_start3A_24 = tpu.memref_slice %arg11[%rem3A_9] : memref<3x!tpu.dma_semaphore, #tpu.memory_space<semaphore_mem>> -> memref<1x!tpu.dma_semaphore, #tpu.memory_space<semaphore_mem>>
    %dma_start3A_25 = tpu.memref_squeeze %dma_start3A_24 : memref<1x!tpu.dma_semaphore, #tpu.memory_space<semaphore_mem>> -> memref<!tpu.dma_semaphore, #tpu.memory_space<semaphore_mem>>
    tpu.enqueue_indirect_dma source(%dma_start3A_23 : memref<10000x128xf32, #tpu.memory_space<hbm>>) target(%dma_start3A_13 : memref<100x128xf32, #tpu.memory_space<vmem>>) offsets(%dma_start3A_16 : memref<100xi32, #tpu.memory_space<vmem>>) semaphore(%dma_start3A_25 : memref<!tpu.dma_semaphore, #tpu.memory_space<semaphore_mem>>)
    %rem3A_26 = arith.constant 1 : i32
    %rem3A_27 = arith.constant 3 : i32
    %rem3A_28 = arith.remsi %rem3A_26, %rem3A_27 : i32
    %dma_start3A_29 = arith.constant 1 : i32
    %dma_start3A_30 = arith.constant 0 : i32
    %dma_start3A_31 = arith.constant 0 : i32
    %dma_start3A_32 = tpu.memref_slice %arg9[%rem3A_28, %dma_start3A_30, %dma_start3A_31] : memref<3x100x128xf32, #tpu.memory_space<vmem>> -> memref<1x100x128xf32, #tpu.memory_space<vmem>>
    %dma_start3A_33 = tpu.memref_squeeze %dma_start3A_32 : memref<1x100x128xf32, #tpu.memory_space<vmem>> -> memref<100x128xf32, #tpu.memory_space<vmem>>
    %dma_start3A_34 = arith.constant 0 : i32
    %dma_start3A_35 = tpu.memref_slice %arg7[%dma_start3A_29, %dma_start3A_34] : memref<25x100xi32, #tpu.memory_space<vmem>> -> memref<1x100xi32, #tpu.memory_space<vmem>>
    %dma_start3A_36 = tpu.memref_squeeze %dma_start3A_35 : memref<1x100xi32, #tpu.memory_space<vmem>> -> memref<100xi32, #tpu.memory_space<vmem>>
    %dma_start3A_37 = arith.constant 0 : i32
    %dma_start3A_38 = arith.constant 0 : i32
    %dma_start3A_39 = tpu.memref_slice %arg2[%arg0, %dma_start3A_37, %dma_start3A_38] : memref<2x10000x128xf32, #tpu.memory_space<hbm>> -> memref<1x10000x128xf32, #tpu.memory_space<hbm>>
    %dma_start3A_40 = tpu.memref_squeeze %dma_start3A_39 : memref<1x10000x128xf32, #tpu.memory_space<hbm>> -> memref<10000x128xf32, #tpu.memory_space<hbm>>
    %dma_start3A_41 = arith.constant 0 : i32
    %dma_start3A_42 = arith.constant 0 : i32
    %dma_start3A_43 = tpu.memref_slice %dma_start3A_40[%dma_start3A_41, %dma_start3A_42] : memref<10000x128xf32, #tpu.memory_space<hbm>> -> memref<10000x128xf32, #tpu.memory_space<hbm>>
    %dma_start3A_44 = tpu.memref_slice %arg11[%rem3A_28] : memref<3x!tpu.dma_semaphore, #tpu.memory_space<semaphore_mem>> -> memref<1x!tpu.dma_semaphore, #tpu.memory_space<semaphore_mem>>
    %dma_start3A_45 = tpu.memref_squeeze %dma_start3A_44 : memref<1x!tpu.dma_semaphore, #tpu.memory_space<semaphore_mem>> -> memref<!tpu.dma_semaphore, #tpu.memory_space<semaphore_mem>>
    tpu.enqueue_indirect_dma source(%dma_start3A_43 : memref<10000x128xf32, #tpu.memory_space<hbm>>) target(%dma_start3A_33 : memref<100x128xf32, #tpu.memory_space<vmem>>) offsets(%dma_start3A_36 : memref<100xi32, #tpu.memory_space<vmem>>) semaphore(%dma_start3A_45 : memref<!tpu.dma_semaphore, #tpu.memory_space<semaphore_mem>>)
    %scan3A = arith.constant 0 : i32
    %scan3A_46 = arith.constant 25 : i32
    %scan3A_47 = arith.addi %scan3A, %scan3A_46 : i32
    %scan3A_48 = arith.constant 1 : i32
    scf.for %scan3A_255 = %scan3A to %scan3A_47 step %scan3A_48  : i32 {
      %mul3A_256 = arith.constant 1 : i32
      %mul3A_257 = arith.muli %scan3A_255, %mul3A_256 : i32
      %add3A = arith.constant 0 : i32
      %add3A_258 = arith.addi %add3A, %mul3A_257 : i32
      %rem3A_259 = arith.constant 3 : i32
      %rem3A_260 = arith.remsi %add3A_258, %rem3A_259 : i32
      %dma_wait3A_261 = arith.constant 0 : i32
      %dma_wait3A_262 = arith.constant 0 : i32
      %dma_wait3A_263 = tpu.memref_slice %arg9[%rem3A_260, %dma_wait3A_261, %dma_wait3A_262] : memref<3x100x128xf32, #tpu.memory_space<vmem>> -> memref<1x100x128xf32, #tpu.memory_space<vmem>>
      %dma_wait3A_264 = tpu.memref_squeeze %dma_wait3A_263 : memref<1x100x128xf32, #tpu.memory_space<vmem>> -> memref<100x128xf32, #tpu.memory_space<vmem>>
      %dma_wait3A_265 = arith.constant 0 : i32
      %dma_wait3A_266 = tpu.memref_slice %arg7[%add3A_258, %dma_wait3A_265] : memref<25x100xi32, #tpu.memory_space<vmem>> -> memref<1x100xi32, #tpu.memory_space<vmem>>
      %dma_wait3A_267 = tpu.memref_squeeze %dma_wait3A_266 : memref<1x100xi32, #tpu.memory_space<vmem>> -> memref<100xi32, #tpu.memory_space<vmem>>
      %dma_wait3A_268 = arith.constant 0 : i32
      %dma_wait3A_269 = arith.constant 0 : i32
      %dma_wait3A_270 = tpu.memref_slice %arg2[%arg0, %dma_wait3A_268, %dma_wait3A_269] : memref<2x10000x128xf32, #tpu.memory_space<hbm>> -> memref<1x10000x128xf32, #tpu.memory_space<hbm>>
      %dma_wait3A_271 = tpu.memref_squeeze %dma_wait3A_270 : memref<1x10000x128xf32, #tpu.memory_space<hbm>> -> memref<10000x128xf32, #tpu.memory_space<hbm>>
      %dma_wait3A_272 = arith.constant 0 : i32
      %dma_wait3A_273 = arith.constant 0 : i32
      %dma_wait3A_274 = tpu.memref_slice %dma_wait3A_271[%dma_wait3A_272, %dma_wait3A_273] : memref<10000x128xf32, #tpu.memory_space<hbm>> -> memref<10000x128xf32, #tpu.memory_space<hbm>>
      %dma_wait3A_275 = tpu.memref_slice %arg11[%rem3A_260] : memref<3x!tpu.dma_semaphore, #tpu.memory_space<semaphore_mem>> -> memref<1x!tpu.dma_semaphore, #tpu.memory_space<semaphore_mem>>
      %dma_wait3A_276 = tpu.memref_squeeze %dma_wait3A_275 : memref<1x!tpu.dma_semaphore, #tpu.memory_space<semaphore_mem>> -> memref<!tpu.dma_semaphore, #tpu.memory_space<semaphore_mem>>
      tpu.wait_indirect_dma semaphore(%dma_wait3A_276 : memref<!tpu.dma_semaphore, #tpu.memory_space<semaphore_mem>>) src(%dma_wait3A_274 : memref<10000x128xf32, #tpu.memory_space<hbm>>) dst(%dma_wait3A_264 : memref<100x128xf32, #tpu.memory_space<vmem>>)
      %rem3A_277 = arith.constant 3 : i32
      %rem3A_278 = arith.remsi %add3A_258, %rem3A_277 : i32
      %dma_start3A_279 = arith.constant 0 : i32
      %dma_start3A_280 = arith.constant 0 : i32
      %dma_start3A_281 = tpu.memref_slice %arg9[%rem3A_278, %dma_start3A_279, %dma_start3A_280] : memref<3x100x128xf32, #tpu.memory_space<vmem>> -> memref<1x100x128xf32, #tpu.memory_space<vmem>>
      %dma_start3A_282 = tpu.memref_squeeze %dma_start3A_281 : memref<1x100x128xf32, #tpu.memory_space<vmem>> -> memref<100x128xf32, #tpu.memory_space<vmem>>
      %dma_start3A_283 = arith.constant 0 : i32
      %dma_start3A_284 = tpu.memref_slice %arg8[%add3A_258, %dma_start3A_283] : memref<25x100xi32, #tpu.memory_space<vmem>> -> memref<1x100xi32, #tpu.memory_space<vmem>>
      %dma_start3A_285 = tpu.memref_squeeze %dma_start3A_284 : memref<1x100xi32, #tpu.memory_space<vmem>> -> memref<100xi32, #tpu.memory_space<vmem>>
      %dma_start3A_286 = arith.constant 0 : i32
      %dma_start3A_287 = arith.constant 0 : i32
      %dma_start3A_288 = tpu.memref_slice %arg10[%dma_start3A_286, %dma_start3A_287] : memref<10240x128xf32, #tpu.memory_space<vmem_shared>> -> memref<10240x128xf32, #tpu.memory_space<vmem_shared>>
      %dma_start3A_289 = tpu.memref_slice %arg12[%rem3A_278] : memref<3x!tpu.dma_semaphore, #tpu.memory_space<semaphore_mem>> -> memref<1x!tpu.dma_semaphore, #tpu.memory_space<semaphore_mem>>
      %dma_start3A_290 = tpu.memref_squeeze %dma_start3A_289 : memref<1x!tpu.dma_semaphore, #tpu.memory_space<semaphore_mem>> -> memref<!tpu.dma_semaphore, #tpu.memory_space<semaphore_mem>>
      tpu.enqueue_indirect_dma source(%dma_start3A_282 : memref<100x128xf32, #tpu.memory_space<vmem>>) target(%dma_start3A_288 : memref<10240x128xf32, #tpu.memory_space<vmem_shared>>) offsets(%dma_start3A_285 : memref<100xi32, #tpu.memory_space<vmem>>) semaphore(%dma_start3A_290 : memref<!tpu.dma_semaphore, #tpu.memory_space<semaphore_mem>>) {add = true}
      %ge3A = arith.constant 1 : i32
      %ge3A_291 = arith.cmpi sge, %add3A_258, %ge3A : i32
      %convert_element_type3A_292 = arith.extui %ge3A_291 : i1 to i32
      %cond3A_293 = arith.constant 0 : i32
      %cond3A_294 = arith.cmpi ne, %convert_element_type3A_292, %cond3A_293 : i32
      scf.if %cond3A_294 {
        %sub3A = arith.constant 1 : i32
        %sub3A_302 = arith.subi %add3A_258, %sub3A : i32
        %max3A = arith.constant 0 : i32
        %max3A_303 = arith.maxsi %sub3A_302, %max3A : i32
        %rem3A_304 = arith.constant 3 : i32
        %rem3A_305 = arith.remsi %max3A_303, %rem3A_304 : i32
        %dma_wait3A_306 = arith.constant 0 : i32
        %dma_wait3A_307 = arith.constant 0 : i32
        %dma_wait3A_308 = tpu.memref_slice %arg9[%rem3A_305, %dma_wait3A_306, %dma_wait3A_307] : memref<3x100x128xf32, #tpu.memory_space<vmem>> -> memref<1x100x128xf32, #tpu.memory_space<vmem>>
        %dma_wait3A_309 = tpu.memref_squeeze %dma_wait3A_308 : memref<1x100x128xf32, #tpu.memory_space<vmem>> -> memref<100x128xf32, #tpu.memory_space<vmem>>
        %dma_wait3A_310 = arith.constant 0 : i32
        %dma_wait3A_311 = tpu.memref_slice %arg8[%max3A_303, %dma_wait3A_310] : memref<25x100xi32, #tpu.memory_space<vmem>> -> memref<1x100xi32, #tpu.memory_space<vmem>>
        %dma_wait3A_312 = tpu.memref_squeeze %dma_wait3A_311 : memref<1x100xi32, #tpu.memory_space<vmem>> -> memref<100xi32, #tpu.memory_space<vmem>>
        %dma_wait3A_313 = arith.constant 0 : i32
        %dma_wait3A_314 = arith.constant 0 : i32
        %dma_wait3A_315 = tpu.memref_slice %arg10[%dma_wait3A_313, %dma_wait3A_314] : memref<10240x128xf32, #tpu.memory_space<vmem_shared>> -> memref<10240x128xf32, #tpu.memory_space<vmem_shared>>
        %dma_wait3A_316 = tpu.memref_slice %arg12[%rem3A_305] : memref<3x!tpu.dma_semaphore, #tpu.memory_space<semaphore_mem>> -> memref<1x!tpu.dma_semaphore, #tpu.memory_space<semaphore_mem>>
        %dma_wait3A_317 = tpu.memref_squeeze %dma_wait3A_316 : memref<1x!tpu.dma_semaphore, #tpu.memory_space<semaphore_mem>> -> memref<!tpu.dma_semaphore, #tpu.memory_space<semaphore_mem>>
        tpu.wait_indirect_dma semaphore(%dma_wait3A_317 : memref<!tpu.dma_semaphore, #tpu.memory_space<semaphore_mem>>) src(%dma_wait3A_309 : memref<100x128xf32, #tpu.memory_space<vmem>>) dst(%dma_wait3A_315 : memref<10240x128xf32, #tpu.memory_space<vmem_shared>>)
      } else {
      }
      %add3A_295 = arith.constant 2 : i32
      %add3A_296 = arith.addi %add3A_258, %add3A_295 : i32
      %lt3A_297 = arith.constant 25 : i32
      %lt3A_298 = arith.cmpi slt, %add3A_296, %lt3A_297 : i32
      %convert_element_type3A_299 = arith.extui %lt3A_298 : i1 to i32
      %cond3A_300 = arith.constant 0 : i32
      %cond3A_301 = arith.cmpi ne, %convert_element_type3A_299, %cond3A_300 : i32
      scf.if %cond3A_301 {
        %add3A_302 = arith.constant 2 : i32
        %add3A_303 = arith.addi %add3A_258, %add3A_302 : i32
        %min3A = arith.constant 24 : i32
        %min3A_304 = arith.minsi %add3A_303, %min3A : i32
        %rem3A_305 = arith.constant 3 : i32
        %rem3A_306 = arith.remsi %min3A_304, %rem3A_305 : i32
        %dma_start3A_307 = arith.constant 0 : i32
        %dma_start3A_308 = arith.constant 0 : i32
        %dma_start3A_309 = tpu.memref_slice %arg9[%rem3A_306, %dma_start3A_307, %dma_start3A_308] : memref<3x100x128xf32, #tpu.memory_space<vmem>> -> memref<1x100x128xf32, #tpu.memory_space<vmem>>
        %dma_start3A_310 = tpu.memref_squeeze %dma_start3A_309 : memref<1x100x128xf32, #tpu.memory_space<vmem>> -> memref<100x128xf32, #tpu.memory_space<vmem>>
        %dma_start3A_311 = arith.constant 0 : i32
        %dma_start3A_312 = tpu.memref_slice %arg7[%min3A_304, %dma_start3A_311] : memref<25x100xi32, #tpu.memory_space<vmem>> -> memref<1x100xi32, #tpu.memory_space<vmem>>
        %dma_start3A_313 = tpu.memref_squeeze %dma_start3A_312 : memref<1x100xi32, #tpu.memory_space<vmem>> -> memref<100xi32, #tpu.memory_space<vmem>>
        %dma_start3A_314 = arith.constant 0 : i32
        %dma_start3A_315 = arith.constant 0 : i32
        %dma_start3A_316 = tpu.memref_slice %arg2[%arg0, %dma_start3A_314, %dma_start3A_315] : memref<2x10000x128xf32, #tpu.memory_space<hbm>> -> memref<1x10000x128xf32, #tpu.memory_space<hbm>>
        %dma_start3A_317 = tpu.memref_squeeze %dma_start3A_316 : memref<1x10000x128xf32, #tpu.memory_space<hbm>> -> memref<10000x128xf32, #tpu.memory_space<hbm>>
        %dma_start3A_318 = arith.constant 0 : i32
        %dma_start3A_319 = arith.constant 0 : i32
        %dma_start3A_320 = tpu.memref_slice %dma_start3A_317[%dma_start3A_318, %dma_start3A_319] : memref<10000x128xf32, #tpu.memory_space<hbm>> -> memref<10000x128xf32, #tpu.memory_space<hbm>>
        %dma_start3A_321 = tpu.memref_slice %arg11[%rem3A_306] : memref<3x!tpu.dma_semaphore, #tpu.memory_space<semaphore_mem>> -> memref<1x!tpu.dma_semaphore, #tpu.memory_space<semaphore_mem>>
        %dma_start3A_322 = tpu.memref_squeeze %dma_start3A_321 : memref<1x!tpu.dma_semaphore, #tpu.memory_space<semaphore_mem>> -> memref<!tpu.dma_semaphore, #tpu.memory_space<semaphore_mem>>
        tpu.enqueue_indirect_dma source(%dma_start3A_320 : memref<10000x128xf32, #tpu.memory_space<hbm>>) target(%dma_start3A_310 : memref<100x128xf32, #tpu.memory_space<vmem>>) offsets(%dma_start3A_313 : memref<100xi32, #tpu.memory_space<vmem>>) semaphore(%dma_start3A_322 : memref<!tpu.dma_semaphore, #tpu.memory_space<semaphore_mem>>)
      } else {
      }
    }
    %scan3A_49 = arith.constant 25 : i32
    %rem3A_50 = arith.constant 24 : i32
    %rem3A_51 = arith.constant 3 : i32
    %rem3A_52 = arith.remsi %rem3A_50, %rem3A_51 : i32
    %dma_wait3A = arith.constant 24 : i32
    %dma_wait3A_53 = arith.constant 0 : i32
    %dma_wait3A_54 = arith.constant 0 : i32
    %dma_wait3A_55 = tpu.memref_slice %arg9[%rem3A_52, %dma_wait3A_53, %dma_wait3A_54] : memref<3x100x128xf32, #tpu.memory_space<vmem>> -> memref<1x100x128xf32, #tpu.memory_space<vmem>>
    %dma_wait3A_56 = tpu.memref_squeeze %dma_wait3A_55 : memref<1x100x128xf32, #tpu.memory_space<vmem>> -> memref<100x128xf32, #tpu.memory_space<vmem>>
    %dma_wait3A_57 = arith.constant 0 : i32
    %dma_wait3A_58 = tpu.memref_slice %arg8[%dma_wait3A, %dma_wait3A_57] : memref<25x100xi32, #tpu.memory_space<vmem>> -> memref<1x100xi32, #tpu.memory_space<vmem>>
    %dma_wait3A_59 = tpu.memref_squeeze %dma_wait3A_58 : memref<1x100xi32, #tpu.memory_space<vmem>> -> memref<100xi32, #tpu.memory_space<vmem>>
    %dma_wait3A_60 = arith.constant 0 : i32
    %dma_wait3A_61 = arith.constant 0 : i32
    %dma_wait3A_62 = tpu.memref_slice %arg10[%dma_wait3A_60, %dma_wait3A_61] : memref<10240x128xf32, #tpu.memory_space<vmem_shared>> -> memref<10240x128xf32, #tpu.memory_space<vmem_shared>>
    %dma_wait3A_63 = tpu.memref_slice %arg12[%rem3A_52] : memref<3x!tpu.dma_semaphore, #tpu.memory_space<semaphore_mem>> -> memref<1x!tpu.dma_semaphore, #tpu.memory_space<semaphore_mem>>
    %dma_wait3A_64 = tpu.memref_squeeze %dma_wait3A_63 : memref<1x!tpu.dma_semaphore, #tpu.memory_space<semaphore_mem>> -> memref<!tpu.dma_semaphore, #tpu.memory_space<semaphore_mem>>
    tpu.wait_indirect_dma semaphore(%dma_wait3A_64 : memref<!tpu.dma_semaphore, #tpu.memory_space<semaphore_mem>>) src(%dma_wait3A_56 : memref<100x128xf32, #tpu.memory_space<vmem>>) dst(%dma_wait3A_62 : memref<10240x128xf32, #tpu.memory_space<vmem_shared>>)
    %run_scoped3A_65 = arith.constant 1 : i32
    "tpu.region"() ({
      %run_scoped3A_255 = tpu.sem_alloc : memref<!tpu.dma_semaphore, #tpu.memory_space<semaphore_mem>>
      %dma_start3A_256 = arith.constant 0 : i32
      %dma_start3A_257 = arith.constant 0 : i32
      %dma_start3A_258 = tpu.memref_slice %arg3[%arg1, %run_scoped3A_65, %dma_start3A_256, %dma_start3A_257] : memref<16x4x25x100xi32, #tpu.memory_space<hbm>> -> memref<1x1x25x100xi32, #tpu.memory_space<hbm>>
      %dma_start3A_259 = tpu.memref_squeeze %dma_start3A_258 : memref<1x1x25x100xi32, #tpu.memory_space<hbm>> -> memref<25x100xi32, #tpu.memory_space<hbm>>
      %dma_start3A_260 = arith.constant 0 : i32
      %dma_start3A_261 = arith.constant 0 : i32
      %dma_start3A_262 = tpu.memref_slice %arg3[%arg1, %run_scoped3A_65, %dma_start3A_260, %dma_start3A_261] : memref<16x4x25x100xi32, #tpu.memory_space<hbm>> -> memref<1x1x25x100xi32, #tpu.memory_space<hbm>>
      %dma_start3A_263 = tpu.memref_squeeze %dma_start3A_262 : memref<1x1x25x100xi32, #tpu.memory_space<hbm>> -> memref<25x100xi32, #tpu.memory_space<hbm>>
      tpu.enqueue_dma source(%dma_start3A_263 : memref<25x100xi32, #tpu.memory_space<hbm>>) target(%arg7 : memref<25x100xi32, #tpu.memory_space<vmem>>) target_semaphore(%run_scoped3A_255 : memref<!tpu.dma_semaphore, #tpu.memory_space<semaphore_mem>>)
      %dma_wait3A_264 = arith.constant 0 : i32
      %dma_wait3A_265 = arith.constant 0 : i32
      %dma_wait3A_266 = tpu.memref_slice %arg3[%arg1, %run_scoped3A_65, %dma_wait3A_264, %dma_wait3A_265] : memref<16x4x25x100xi32, #tpu.memory_space<hbm>> -> memref<1x1x25x100xi32, #tpu.memory_space<hbm>>
      %dma_wait3A_267 = tpu.memref_squeeze %dma_wait3A_266 : memref<1x1x25x100xi32, #tpu.memory_space<hbm>> -> memref<25x100xi32, #tpu.memory_space<hbm>>
      %dma_wait3A_268 = arith.constant 0 : i32
      %dma_wait3A_269 = arith.constant 0 : i32
      %dma_wait3A_270 = tpu.memref_slice %arg3[%arg1, %run_scoped3A_65, %dma_wait3A_268, %dma_wait3A_269] : memref<16x4x25x100xi32, #tpu.memory_space<hbm>> -> memref<1x1x25x100xi32, #tpu.memory_space<hbm>>
      %dma_wait3A_271 = tpu.memref_squeeze %dma_wait3A_270 : memref<1x1x25x100xi32, #tpu.memory_space<hbm>> -> memref<25x100xi32, #tpu.memory_space<hbm>>
      tpu.wait_dma2 semaphore(%run_scoped3A_255 : memref<!tpu.dma_semaphore, #tpu.memory_space<semaphore_mem>>) src(%dma_wait3A_271 : memref<25x100xi32, #tpu.memory_space<hbm>>) dst(%arg7 : memref<25x100xi32, #tpu.memory_space<vmem>>)
      tpu.yield
    }) : () -> ()
    %run_scoped3A_66 = arith.constant 1 : i32
    "tpu.region"() ({
      %run_scoped3A_255 = tpu.sem_alloc : memref<!tpu.dma_semaphore, #tpu.memory_space<semaphore_mem>>
      %dma_start3A_256 = arith.constant 0 : i32
      %dma_start3A_257 = arith.constant 0 : i32
      %dma_start3A_258 = tpu.memref_slice %arg4[%arg1, %run_scoped3A_66, %dma_start3A_256, %dma_start3A_257] : memref<16x4x25x100xi32, #tpu.memory_space<hbm>> -> memref<1x1x25x100xi32, #tpu.memory_space<hbm>>
      %dma_start3A_259 = tpu.memref_squeeze %dma_start3A_258 : memref<1x1x25x100xi32, #tpu.memory_space<hbm>> -> memref<25x100xi32, #tpu.memory_space<hbm>>
      %dma_start3A_260 = arith.constant 0 : i32
      %dma_start3A_261 = arith.constant 0 : i32
      %dma_start3A_262 = tpu.memref_slice %arg4[%arg1, %run_scoped3A_66, %dma_start3A_260, %dma_start3A_261] : memref<16x4x25x100xi32, #tpu.memory_space<hbm>> -> memref<1x1x25x100xi32, #tpu.memory_space<hbm>>
      %dma_start3A_263 = tpu.memref_squeeze %dma_start3A_262 : memref<1x1x25x100xi32, #tpu.memory_space<hbm>> -> memref<25x100xi32, #tpu.memory_space<hbm>>
      tpu.enqueue_dma source(%dma_start3A_263 : memref<25x100xi32, #tpu.memory_space<hbm>>) target(%arg8 : memref<25x100xi32, #tpu.memory_space<vmem>>) target_semaphore(%run_scoped3A_255 : memref<!tpu.dma_semaphore, #tpu.memory_space<semaphore_mem>>)
      %dma_wait3A_264 = arith.constant 0 : i32
      %dma_wait3A_265 = arith.constant 0 : i32
      %dma_wait3A_266 = tpu.memref_slice %arg4[%arg1, %run_scoped3A_66, %dma_wait3A_264, %dma_wait3A_265] : memref<16x4x25x100xi32, #tpu.memory_space<hbm>> -> memref<1x1x25x100xi32, #tpu.memory_space<hbm>>
      %dma_wait3A_267 = tpu.memref_squeeze %dma_wait3A_266 : memref<1x1x25x100xi32, #tpu.memory_space<hbm>> -> memref<25x100xi32, #tpu.memory_space<hbm>>
      %dma_wait3A_268 = arith.constant 0 : i32
      %dma_wait3A_269 = arith.constant 0 : i32
      %dma_wait3A_270 = tpu.memref_slice %arg4[%arg1, %run_scoped3A_66, %dma_wait3A_268, %dma_wait3A_269] : memref<16x4x25x100xi32, #tpu.memory_space<hbm>> -> memref<1x1x25x100xi32, #tpu.memory_space<hbm>>
      %dma_wait3A_271 = tpu.memref_squeeze %dma_wait3A_270 : memref<1x1x25x100xi32, #tpu.memory_space<hbm>> -> memref<25x100xi32, #tpu.memory_space<hbm>>
      tpu.wait_dma2 semaphore(%run_scoped3A_255 : memref<!tpu.dma_semaphore, #tpu.memory_space<semaphore_mem>>) src(%dma_wait3A_271 : memref<25x100xi32, #tpu.memory_space<hbm>>) dst(%arg8 : memref<25x100xi32, #tpu.memory_space<vmem>>)
      tpu.yield
    }) : () -> ()
    %rem3A_67 = arith.constant 0 : i32
    %rem3A_68 = arith.constant 3 : i32
    %rem3A_69 = arith.remsi %rem3A_67, %rem3A_68 : i32
    %dma_start3A_70 = arith.constant 0 : i32
    %dma_start3A_71 = arith.constant 0 : i32
    %dma_start3A_72 = arith.constant 0 : i32
    %dma_start3A_73 = tpu.memref_slice %arg9[%rem3A_69, %dma_start3A_71, %dma_start3A_72] : memref<3x100x128xf32, #tpu.memory_space<vmem>> -> memref<1x100x128xf32, #tpu.memory_space<vmem>>
    %dma_start3A_74 = tpu.memref_squeeze %dma_start3A_73 : memref<1x100x128xf32, #tpu.memory_space<vmem>> -> memref<100x128xf32, #tpu.memory_space<vmem>>
    %dma_start3A_75 = arith.constant 0 : i32
    %dma_start3A_76 = tpu.memref_slice %arg7[%dma_start3A_70, %dma_start3A_75] : memref<25x100xi32, #tpu.memory_space<vmem>> -> memref<1x100xi32, #tpu.memory_space<vmem>>
    %dma_start3A_77 = tpu.memref_squeeze %dma_start3A_76 : memref<1x100xi32, #tpu.memory_space<vmem>> -> memref<100xi32, #tpu.memory_space<vmem>>
    %dma_start3A_78 = arith.constant 0 : i32
    %dma_start3A_79 = arith.constant 0 : i32
    %dma_start3A_80 = tpu.memref_slice %arg2[%arg0, %dma_start3A_78, %dma_start3A_79] : memref<2x10000x128xf32, #tpu.memory_space<hbm>> -> memref<1x10000x128xf32, #tpu.memory_space<hbm>>
    %dma_start3A_81 = tpu.memref_squeeze %dma_start3A_80 : memref<1x10000x128xf32, #tpu.memory_space<hbm>> -> memref<10000x128xf32, #tpu.memory_space<hbm>>
    %dma_start3A_82 = arith.constant 0 : i32
    %dma_start3A_83 = arith.constant 0 : i32
    %dma_start3A_84 = tpu.memref_slice %dma_start3A_81[%dma_start3A_82, %dma_start3A_83] : memref<10000x128xf32, #tpu.memory_space<hbm>> -> memref<10000x128xf32, #tpu.memory_space<hbm>>
    %dma_start3A_85 = tpu.memref_slice %arg11[%rem3A_69] : memref<3x!tpu.dma_semaphore, #tpu.memory_space<semaphore_mem>> -> memref<1x!tpu.dma_semaphore, #tpu.memory_space<semaphore_mem>>
    %dma_start3A_86 = tpu.memref_squeeze %dma_start3A_85 : memref<1x!tpu.dma_semaphore, #tpu.memory_space<semaphore_mem>> -> memref<!tpu.dma_semaphore, #tpu.memory_space<semaphore_mem>>
    tpu.enqueue_indirect_dma source(%dma_start3A_84 : memref<10000x128xf32, #tpu.memory_space<hbm>>) target(%dma_start3A_74 : memref<100x128xf32, #tpu.memory_space<vmem>>) offsets(%dma_start3A_77 : memref<100xi32, #tpu.memory_space<vmem>>) semaphore(%dma_start3A_86 : memref<!tpu.dma_semaphore, #tpu.memory_space<semaphore_mem>>)
    %rem3A_87 = arith.constant 1 : i32
    %rem3A_88 = arith.constant 3 : i32
    %rem3A_89 = arith.remsi %rem3A_87, %rem3A_88 : i32
    %dma_start3A_90 = arith.constant 1 : i32
    %dma_start3A_91 = arith.constant 0 : i32
    %dma_start3A_92 = arith.constant 0 : i32
    %dma_start3A_93 = tpu.memref_slice %arg9[%rem3A_89, %dma_start3A_91, %dma_start3A_92] : memref<3x100x128xf32, #tpu.memory_space<vmem>> -> memref<1x100x128xf32, #tpu.memory_space<vmem>>
    %dma_start3A_94 = tpu.memref_squeeze %dma_start3A_93 : memref<1x100x128xf32, #tpu.memory_space<vmem>> -> memref<100x128xf32, #tpu.memory_space<vmem>>
    %dma_start3A_95 = arith.constant 0 : i32
    %dma_start3A_96 = tpu.memref_slice %arg7[%dma_start3A_90, %dma_start3A_95] : memref<25x100xi32, #tpu.memory_space<vmem>> -> memref<1x100xi32, #tpu.memory_space<vmem>>
    %dma_start3A_97 = tpu.memref_squeeze %dma_start3A_96 : memref<1x100xi32, #tpu.memory_space<vmem>> -> memref<100xi32, #tpu.memory_space<vmem>>
    %dma_start3A_98 = arith.constant 0 : i32
    %dma_start3A_99 = arith.constant 0 : i32
    %dma_start3A_100 = tpu.memref_slice %arg2[%arg0, %dma_start3A_98, %dma_start3A_99] : memref<2x10000x128xf32, #tpu.memory_space<hbm>> -> memref<1x10000x128xf32, #tpu.memory_space<hbm>>
    %dma_start3A_101 = tpu.memref_squeeze %dma_start3A_100 : memref<1x10000x128xf32, #tpu.memory_space<hbm>> -> memref<10000x128xf32, #tpu.memory_space<hbm>>
    %dma_start3A_102 = arith.constant 0 : i32
    %dma_start3A_103 = arith.constant 0 : i32
    %dma_start3A_104 = tpu.memref_slice %dma_start3A_101[%dma_start3A_102, %dma_start3A_103] : memref<10000x128xf32, #tpu.memory_space<hbm>> -> memref<10000x128xf32, #tpu.memory_space<hbm>>
    %dma_start3A_105 = tpu.memref_slice %arg11[%rem3A_89] : memref<3x!tpu.dma_semaphore, #tpu.memory_space<semaphore_mem>> -> memref<1x!tpu.dma_semaphore, #tpu.memory_space<semaphore_mem>>
    %dma_start3A_106 = tpu.memref_squeeze %dma_start3A_105 : memref<1x!tpu.dma_semaphore, #tpu.memory_space<semaphore_mem>> -> memref<!tpu.dma_semaphore, #tpu.memory_space<semaphore_mem>>
    tpu.enqueue_indirect_dma source(%dma_start3A_104 : memref<10000x128xf32, #tpu.memory_space<hbm>>) target(%dma_start3A_94 : memref<100x128xf32, #tpu.memory_space<vmem>>) offsets(%dma_start3A_97 : memref<100xi32, #tpu.memory_space<vmem>>) semaphore(%dma_start3A_106 : memref<!tpu.dma_semaphore, #tpu.memory_space<semaphore_mem>>)
    %scan3A_107 = arith.constant 0 : i32
    %scan3A_108 = arith.constant 25 : i32
    %scan3A_109 = arith.addi %scan3A_107, %scan3A_108 : i32
    %scan3A_110 = arith.constant 1 : i32
    scf.for %scan3A_255 = %scan3A_107 to %scan3A_109 step %scan3A_110  : i32 {
      %mul3A_256 = arith.constant 1 : i32
      %mul3A_257 = arith.muli %scan3A_255, %mul3A_256 : i32
      %add3A = arith.constant 0 : i32
      %add3A_258 = arith.addi %add3A, %mul3A_257 : i32
      %rem3A_259 = arith.constant 3 : i32
      %rem3A_260 = arith.remsi %add3A_258, %rem3A_259 : i32
      %dma_wait3A_261 = arith.constant 0 : i32
      %dma_wait3A_262 = arith.constant 0 : i32
      %dma_wait3A_263 = tpu.memref_slice %arg9[%rem3A_260, %dma_wait3A_261, %dma_wait3A_262] : memref<3x100x128xf32, #tpu.memory_space<vmem>> -> memref<1x100x128xf32, #tpu.memory_space<vmem>>
      %dma_wait3A_264 = tpu.memref_squeeze %dma_wait3A_263 : memref<1x100x128xf32, #tpu.memory_space<vmem>> -> memref<100x128xf32, #tpu.memory_space<vmem>>
      %dma_wait3A_265 = arith.constant 0 : i32
      %dma_wait3A_266 = tpu.memref_slice %arg7[%add3A_258, %dma_wait3A_265] : memref<25x100xi32, #tpu.memory_space<vmem>> -> memref<1x100xi32, #tpu.memory_space<vmem>>
      %dma_wait3A_267 = tpu.memref_squeeze %dma_wait3A_266 : memref<1x100xi32, #tpu.memory_space<vmem>> -> memref<100xi32, #tpu.memory_space<vmem>>
      %dma_wait3A_268 = arith.constant 0 : i32
      %dma_wait3A_269 = arith.constant 0 : i32
      %dma_wait3A_270 = tpu.memref_slice %arg2[%arg0, %dma_wait3A_268, %dma_wait3A_269] : memref<2x10000x128xf32, #tpu.memory_space<hbm>> -> memref<1x10000x128xf32, #tpu.memory_space<hbm>>
      %dma_wait3A_271 = tpu.memref_squeeze %dma_wait3A_270 : memref<1x10000x128xf32, #tpu.memory_space<hbm>> -> memref<10000x128xf32, #tpu.memory_space<hbm>>
      %dma_wait3A_272 = arith.constant 0 : i32
      %dma_wait3A_273 = arith.constant 0 : i32
      %dma_wait3A_274 = tpu.memref_slice %dma_wait3A_271[%dma_wait3A_272, %dma_wait3A_273] : memref<10000x128xf32, #tpu.memory_space<hbm>> -> memref<10000x128xf32, #tpu.memory_space<hbm>>
      %dma_wait3A_275 = tpu.memref_slice %arg11[%rem3A_260] : memref<3x!tpu.dma_semaphore, #tpu.memory_space<semaphore_mem>> -> memref<1x!tpu.dma_semaphore, #tpu.memory_space<semaphore_mem>>
      %dma_wait3A_276 = tpu.memref_squeeze %dma_wait3A_275 : memref<1x!tpu.dma_semaphore, #tpu.memory_space<semaphore_mem>> -> memref<!tpu.dma_semaphore, #tpu.memory_space<semaphore_mem>>
      tpu.wait_indirect_dma semaphore(%dma_wait3A_276 : memref<!tpu.dma_semaphore, #tpu.memory_space<semaphore_mem>>) src(%dma_wait3A_274 : memref<10000x128xf32, #tpu.memory_space<hbm>>) dst(%dma_wait3A_264 : memref<100x128xf32, #tpu.memory_space<vmem>>)
      %rem3A_277 = arith.constant 3 : i32
      %rem3A_278 = arith.remsi %add3A_258, %rem3A_277 : i32
      %dma_start3A_279 = arith.constant 0 : i32
      %dma_start3A_280 = arith.constant 0 : i32
      %dma_start3A_281 = tpu.memref_slice %arg9[%rem3A_278, %dma_start3A_279, %dma_start3A_280] : memref<3x100x128xf32, #tpu.memory_space<vmem>> -> memref<1x100x128xf32, #tpu.memory_space<vmem>>
      %dma_start3A_282 = tpu.memref_squeeze %dma_start3A_281 : memref<1x100x128xf32, #tpu.memory_space<vmem>> -> memref<100x128xf32, #tpu.memory_space<vmem>>
      %dma_start3A_283 = arith.constant 0 : i32
      %dma_start3A_284 = tpu.memref_slice %arg8[%add3A_258, %dma_start3A_283] : memref<25x100xi32, #tpu.memory_space<vmem>> -> memref<1x100xi32, #tpu.memory_space<vmem>>
      %dma_start3A_285 = tpu.memref_squeeze %dma_start3A_284 : memref<1x100xi32, #tpu.memory_space<vmem>> -> memref<100xi32, #tpu.memory_space<vmem>>
      %dma_start3A_286 = arith.constant 0 : i32
      %dma_start3A_287 = arith.constant 0 : i32
      %dma_start3A_288 = tpu.memref_slice %arg10[%dma_start3A_286, %dma_start3A_287] : memref<10240x128xf32, #tpu.memory_space<vmem_shared>> -> memref<10240x128xf32, #tpu.memory_space<vmem_shared>>
      %dma_start3A_289 = tpu.memref_slice %arg12[%rem3A_278] : memref<3x!tpu.dma_semaphore, #tpu.memory_space<semaphore_mem>> -> memref<1x!tpu.dma_semaphore, #tpu.memory_space<semaphore_mem>>
      %dma_start3A_290 = tpu.memref_squeeze %dma_start3A_289 : memref<1x!tpu.dma_semaphore, #tpu.memory_space<semaphore_mem>> -> memref<!tpu.dma_semaphore, #tpu.memory_space<semaphore_mem>>
      tpu.enqueue_indirect_dma source(%dma_start3A_282 : memref<100x128xf32, #tpu.memory_space<vmem>>) target(%dma_start3A_288 : memref<10240x128xf32, #tpu.memory_space<vmem_shared>>) offsets(%dma_start3A_285 : memref<100xi32, #tpu.memory_space<vmem>>) semaphore(%dma_start3A_290 : memref<!tpu.dma_semaphore, #tpu.memory_space<semaphore_mem>>) {add = true}
      %ge3A = arith.constant 1 : i32
      %ge3A_291 = arith.cmpi sge, %add3A_258, %ge3A : i32
      %convert_element_type3A_292 = arith.extui %ge3A_291 : i1 to i32
      %cond3A_293 = arith.constant 0 : i32
      %cond3A_294 = arith.cmpi ne, %convert_element_type3A_292, %cond3A_293 : i32
      scf.if %cond3A_294 {
        %sub3A = arith.constant 1 : i32
        %sub3A_302 = arith.subi %add3A_258, %sub3A : i32
        %max3A = arith.constant 0 : i32
        %max3A_303 = arith.maxsi %sub3A_302, %max3A : i32
        %rem3A_304 = arith.constant 3 : i32
        %rem3A_305 = arith.remsi %max3A_303, %rem3A_304 : i32
        %dma_wait3A_306 = arith.constant 0 : i32
        %dma_wait3A_307 = arith.constant 0 : i32
        %dma_wait3A_308 = tpu.memref_slice %arg9[%rem3A_305, %dma_wait3A_306, %dma_wait3A_307] : memref<3x100x128xf32, #tpu.memory_space<vmem>> -> memref<1x100x128xf32, #tpu.memory_space<vmem>>
        %dma_wait3A_309 = tpu.memref_squeeze %dma_wait3A_308 : memref<1x100x128xf32, #tpu.memory_space<vmem>> -> memref<100x128xf32, #tpu.memory_space<vmem>>
        %dma_wait3A_310 = arith.constant 0 : i32
        %dma_wait3A_311 = tpu.memref_slice %arg8[%max3A_303, %dma_wait3A_310] : memref<25x100xi32, #tpu.memory_space<vmem>> -> memref<1x100xi32, #tpu.memory_space<vmem>>
        %dma_wait3A_312 = tpu.memref_squeeze %dma_wait3A_311 : memref<1x100xi32, #tpu.memory_space<vmem>> -> memref<100xi32, #tpu.memory_space<vmem>>
        %dma_wait3A_313 = arith.constant 0 : i32
        %dma_wait3A_314 = arith.constant 0 : i32
        %dma_wait3A_315 = tpu.memref_slice %arg10[%dma_wait3A_313, %dma_wait3A_314] : memref<10240x128xf32, #tpu.memory_space<vmem_shared>> -> memref<10240x128xf32, #tpu.memory_space<vmem_shared>>
        %dma_wait3A_316 = tpu.memref_slice %arg12[%rem3A_305] : memref<3x!tpu.dma_semaphore, #tpu.memory_space<semaphore_mem>> -> memref<1x!tpu.dma_semaphore, #tpu.memory_space<semaphore_mem>>
        %dma_wait3A_317 = tpu.memref_squeeze %dma_wait3A_316 : memref<1x!tpu.dma_semaphore, #tpu.memory_space<semaphore_mem>> -> memref<!tpu.dma_semaphore, #tpu.memory_space<semaphore_mem>>
        tpu.wait_indirect_dma semaphore(%dma_wait3A_317 : memref<!tpu.dma_semaphore, #tpu.memory_space<semaphore_mem>>) src(%dma_wait3A_309 : memref<100x128xf32, #tpu.memory_space<vmem>>) dst(%dma_wait3A_315 : memref<10240x128xf32, #tpu.memory_space<vmem_shared>>)
      } else {
      }
      %add3A_295 = arith.constant 2 : i32
      %add3A_296 = arith.addi %add3A_258, %add3A_295 : i32
      %lt3A_297 = arith.constant 25 : i32
      %lt3A_298 = arith.cmpi slt, %add3A_296, %lt3A_297 : i32
      %convert_element_type3A_299 = arith.extui %lt3A_298 : i1 to i32
      %cond3A_300 = arith.constant 0 : i32
      %cond3A_301 = arith.cmpi ne, %convert_element_type3A_299, %cond3A_300 : i32
      scf.if %cond3A_301 {
        %add3A_302 = arith.constant 2 : i32
        %add3A_303 = arith.addi %add3A_258, %add3A_302 : i32
        %min3A = arith.constant 24 : i32
        %min3A_304 = arith.minsi %add3A_303, %min3A : i32
        %rem3A_305 = arith.constant 3 : i32
        %rem3A_306 = arith.remsi %min3A_304, %rem3A_305 : i32
        %dma_start3A_307 = arith.constant 0 : i32
        %dma_start3A_308 = arith.constant 0 : i32
        %dma_start3A_309 = tpu.memref_slice %arg9[%rem3A_306, %dma_start3A_307, %dma_start3A_308] : memref<3x100x128xf32, #tpu.memory_space<vmem>> -> memref<1x100x128xf32, #tpu.memory_space<vmem>>
        %dma_start3A_310 = tpu.memref_squeeze %dma_start3A_309 : memref<1x100x128xf32, #tpu.memory_space<vmem>> -> memref<100x128xf32, #tpu.memory_space<vmem>>
        %dma_start3A_311 = arith.constant 0 : i32
        %dma_start3A_312 = tpu.memref_slice %arg7[%min3A_304, %dma_start3A_311] : memref<25x100xi32, #tpu.memory_space<vmem>> -> memref<1x100xi32, #tpu.memory_space<vmem>>
        %dma_start3A_313 = tpu.memref_squeeze %dma_start3A_312 : memref<1x100xi32, #tpu.memory_space<vmem>> -> memref<100xi32, #tpu.memory_space<vmem>>
        %dma_start3A_314 = arith.constant 0 : i32
        %dma_start3A_315 = arith.constant 0 : i32
        %dma_start3A_316 = tpu.memref_slice %arg2[%arg0, %dma_start3A_314, %dma_start3A_315] : memref<2x10000x128xf32, #tpu.memory_space<hbm>> -> memref<1x10000x128xf32, #tpu.memory_space<hbm>>
        %dma_start3A_317 = tpu.memref_squeeze %dma_start3A_316 : memref<1x10000x128xf32, #tpu.memory_space<hbm>> -> memref<10000x128xf32, #tpu.memory_space<hbm>>
        %dma_start3A_318 = arith.constant 0 : i32
        %dma_start3A_319 = arith.constant 0 : i32
        %dma_start3A_320 = tpu.memref_slice %dma_start3A_317[%dma_start3A_318, %dma_start3A_319] : memref<10000x128xf32, #tpu.memory_space<hbm>> -> memref<10000x128xf32, #tpu.memory_space<hbm>>
        %dma_start3A_321 = tpu.memref_slice %arg11[%rem3A_306] : memref<3x!tpu.dma_semaphore, #tpu.memory_space<semaphore_mem>> -> memref<1x!tpu.dma_semaphore, #tpu.memory_space<semaphore_mem>>
        %dma_start3A_322 = tpu.memref_squeeze %dma_start3A_321 : memref<1x!tpu.dma_semaphore, #tpu.memory_space<semaphore_mem>> -> memref<!tpu.dma_semaphore, #tpu.memory_space<semaphore_mem>>
        tpu.enqueue_indirect_dma source(%dma_start3A_320 : memref<10000x128xf32, #tpu.memory_space<hbm>>) target(%dma_start3A_310 : memref<100x128xf32, #tpu.memory_space<vmem>>) offsets(%dma_start3A_313 : memref<100xi32, #tpu.memory_space<vmem>>) semaphore(%dma_start3A_322 : memref<!tpu.dma_semaphore, #tpu.memory_space<semaphore_mem>>)
      } else {
      }
    }
    %scan3A_111 = arith.constant 25 : i32
    %rem3A_112 = arith.constant 24 : i32
    %rem3A_113 = arith.constant 3 : i32
    %rem3A_114 = arith.remsi %rem3A_112, %rem3A_113 : i32
    %dma_wait3A_115 = arith.constant 24 : i32
    %dma_wait3A_116 = arith.constant 0 : i32
    %dma_wait3A_117 = arith.constant 0 : i32
    %dma_wait3A_118 = tpu.memref_slice %arg9[%rem3A_114, %dma_wait3A_116, %dma_wait3A_117] : memref<3x100x128xf32, #tpu.memory_space<vmem>> -> memref<1x100x128xf32, #tpu.memory_space<vmem>>
    %dma_wait3A_119 = tpu.memref_squeeze %dma_wait3A_118 : memref<1x100x128xf32, #tpu.memory_space<vmem>> -> memref<100x128xf32, #tpu.memory_space<vmem>>
    %dma_wait3A_120 = arith.constant 0 : i32
    %dma_wait3A_121 = tpu.memref_slice %arg8[%dma_wait3A_115, %dma_wait3A_120] : memref<25x100xi32, #tpu.memory_space<vmem>> -> memref<1x100xi32, #tpu.memory_space<vmem>>
    %dma_wait3A_122 = tpu.memref_squeeze %dma_wait3A_121 : memref<1x100xi32, #tpu.memory_space<vmem>> -> memref<100xi32, #tpu.memory_space<vmem>>
    %dma_wait3A_123 = arith.constant 0 : i32
    %dma_wait3A_124 = arith.constant 0 : i32
    %dma_wait3A_125 = tpu.memref_slice %arg10[%dma_wait3A_123, %dma_wait3A_124] : memref<10240x128xf32, #tpu.memory_space<vmem_shared>> -> memref<10240x128xf32, #tpu.memory_space<vmem_shared>>
    %dma_wait3A_126 = tpu.memref_slice %arg12[%rem3A_114] : memref<3x!tpu.dma_semaphore, #tpu.memory_space<semaphore_mem>> -> memref<1x!tpu.dma_semaphore, #tpu.memory_space<semaphore_mem>>
    %dma_wait3A_127 = tpu.memref_squeeze %dma_wait3A_126 : memref<1x!tpu.dma_semaphore, #tpu.memory_space<semaphore_mem>> -> memref<!tpu.dma_semaphore, #tpu.memory_space<semaphore_mem>>
    tpu.wait_indirect_dma semaphore(%dma_wait3A_127 : memref<!tpu.dma_semaphore, #tpu.memory_space<semaphore_mem>>) src(%dma_wait3A_119 : memref<100x128xf32, #tpu.memory_space<vmem>>) dst(%dma_wait3A_125 : memref<10240x128xf32, #tpu.memory_space<vmem_shared>>)
    %run_scoped3A_128 = arith.constant 2 : i32
    "tpu.region"() ({
      %run_scoped3A_255 = tpu.sem_alloc : memref<!tpu.dma_semaphore, #tpu.memory_space<semaphore_mem>>
      %dma_start3A_256 = arith.constant 0 : i32
      %dma_start3A_257 = arith.constant 0 : i32
      %dma_start3A_258 = tpu.memref_slice %arg3[%arg1, %run_scoped3A_128, %dma_start3A_256, %dma_start3A_257] : memref<16x4x25x100xi32, #tpu.memory_space<hbm>> -> memref<1x1x25x100xi32, #tpu.memory_space<hbm>>
      %dma_start3A_259 = tpu.memref_squeeze %dma_start3A_258 : memref<1x1x25x100xi32, #tpu.memory_space<hbm>> -> memref<25x100xi32, #tpu.memory_space<hbm>>
      %dma_start3A_260 = arith.constant 0 : i32
      %dma_start3A_261 = arith.constant 0 : i32
      %dma_start3A_262 = tpu.memref_slice %arg3[%arg1, %run_scoped3A_128, %dma_start3A_260, %dma_start3A_261] : memref<16x4x25x100xi32, #tpu.memory_space<hbm>> -> memref<1x1x25x100xi32, #tpu.memory_space<hbm>>
      %dma_start3A_263 = tpu.memref_squeeze %dma_start3A_262 : memref<1x1x25x100xi32, #tpu.memory_space<hbm>> -> memref<25x100xi32, #tpu.memory_space<hbm>>
      tpu.enqueue_dma source(%dma_start3A_263 : memref<25x100xi32, #tpu.memory_space<hbm>>) target(%arg7 : memref<25x100xi32, #tpu.memory_space<vmem>>) target_semaphore(%run_scoped3A_255 : memref<!tpu.dma_semaphore, #tpu.memory_space<semaphore_mem>>)
      %dma_wait3A_264 = arith.constant 0 : i32
      %dma_wait3A_265 = arith.constant 0 : i32
      %dma_wait3A_266 = tpu.memref_slice %arg3[%arg1, %run_scoped3A_128, %dma_wait3A_264, %dma_wait3A_265] : memref<16x4x25x100xi32, #tpu.memory_space<hbm>> -> memref<1x1x25x100xi32, #tpu.memory_space<hbm>>
      %dma_wait3A_267 = tpu.memref_squeeze %dma_wait3A_266 : memref<1x1x25x100xi32, #tpu.memory_space<hbm>> -> memref<25x100xi32, #tpu.memory_space<hbm>>
      %dma_wait3A_268 = arith.constant 0 : i32
      %dma_wait3A_269 = arith.constant 0 : i32
      %dma_wait3A_270 = tpu.memref_slice %arg3[%arg1, %run_scoped3A_128, %dma_wait3A_268, %dma_wait3A_269] : memref<16x4x25x100xi32, #tpu.memory_space<hbm>> -> memref<1x1x25x100xi32, #tpu.memory_space<hbm>>
      %dma_wait3A_271 = tpu.memref_squeeze %dma_wait3A_270 : memref<1x1x25x100xi32, #tpu.memory_space<hbm>> -> memref<25x100xi32, #tpu.memory_space<hbm>>
      tpu.wait_dma2 semaphore(%run_scoped3A_255 : memref<!tpu.dma_semaphore, #tpu.memory_space<semaphore_mem>>) src(%dma_wait3A_271 : memref<25x100xi32, #tpu.memory_space<hbm>>) dst(%arg7 : memref<25x100xi32, #tpu.memory_space<vmem>>)
      tpu.yield
    }) : () -> ()
    %run_scoped3A_129 = arith.constant 2 : i32
    "tpu.region"() ({
      %run_scoped3A_255 = tpu.sem_alloc : memref<!tpu.dma_semaphore, #tpu.memory_space<semaphore_mem>>
      %dma_start3A_256 = arith.constant 0 : i32
      %dma_start3A_257 = arith.constant 0 : i32
      %dma_start3A_258 = tpu.memref_slice %arg4[%arg1, %run_scoped3A_129, %dma_start3A_256, %dma_start3A_257] : memref<16x4x25x100xi32, #tpu.memory_space<hbm>> -> memref<1x1x25x100xi32, #tpu.memory_space<hbm>>
      %dma_start3A_259 = tpu.memref_squeeze %dma_start3A_258 : memref<1x1x25x100xi32, #tpu.memory_space<hbm>> -> memref<25x100xi32, #tpu.memory_space<hbm>>
      %dma_start3A_260 = arith.constant 0 : i32
      %dma_start3A_261 = arith.constant 0 : i32
      %dma_start3A_262 = tpu.memref_slice %arg4[%arg1, %run_scoped3A_129, %dma_start3A_260, %dma_start3A_261] : memref<16x4x25x100xi32, #tpu.memory_space<hbm>> -> memref<1x1x25x100xi32, #tpu.memory_space<hbm>>
      %dma_start3A_263 = tpu.memref_squeeze %dma_start3A_262 : memref<1x1x25x100xi32, #tpu.memory_space<hbm>> -> memref<25x100xi32, #tpu.memory_space<hbm>>
      tpu.enqueue_dma source(%dma_start3A_263 : memref<25x100xi32, #tpu.memory_space<hbm>>) target(%arg8 : memref<25x100xi32, #tpu.memory_space<vmem>>) target_semaphore(%run_scoped3A_255 : memref<!tpu.dma_semaphore, #tpu.memory_space<semaphore_mem>>)
      %dma_wait3A_264 = arith.constant 0 : i32
      %dma_wait3A_265 = arith.constant 0 : i32
      %dma_wait3A_266 = tpu.memref_slice %arg4[%arg1, %run_scoped3A_129, %dma_wait3A_264, %dma_wait3A_265] : memref<16x4x25x100xi32, #tpu.memory_space<hbm>> -> memref<1x1x25x100xi32, #tpu.memory_space<hbm>>
      %dma_wait3A_267 = tpu.memref_squeeze %dma_wait3A_266 : memref<1x1x25x100xi32, #tpu.memory_space<hbm>> -> memref<25x100xi32, #tpu.memory_space<hbm>>
      %dma_wait3A_268 = arith.constant 0 : i32
      %dma_wait3A_269 = arith.constant 0 : i32
      %dma_wait3A_270 = tpu.memref_slice %arg4[%arg1, %run_scoped3A_129, %dma_wait3A_268, %dma_wait3A_269] : memref<16x4x25x100xi32, #tpu.memory_space<hbm>> -> memref<1x1x25x100xi32, #tpu.memory_space<hbm>>
      %dma_wait3A_271 = tpu.memref_squeeze %dma_wait3A_270 : memref<1x1x25x100xi32, #tpu.memory_space<hbm>> -> memref<25x100xi32, #tpu.memory_space<hbm>>
      tpu.wait_dma2 semaphore(%run_scoped3A_255 : memref<!tpu.dma_semaphore, #tpu.memory_space<semaphore_mem>>) src(%dma_wait3A_271 : memref<25x100xi32, #tpu.memory_space<hbm>>) dst(%arg8 : memref<25x100xi32, #tpu.memory_space<vmem>>)
      tpu.yield
    }) : () -> ()
    %rem3A_130 = arith.constant 0 : i32
    %rem3A_131 = arith.constant 3 : i32
    %rem3A_132 = arith.remsi %rem3A_130, %rem3A_131 : i32
    %dma_start3A_133 = arith.constant 0 : i32
    %dma_start3A_134 = arith.constant 0 : i32
    %dma_start3A_135 = arith.constant 0 : i32
    %dma_start3A_136 = tpu.memref_slice %arg9[%rem3A_132, %dma_start3A_134, %dma_start3A_135] : memref<3x100x128xf32, #tpu.memory_space<vmem>> -> memref<1x100x128xf32, #tpu.memory_space<vmem>>
    %dma_start3A_137 = tpu.memref_squeeze %dma_start3A_136 : memref<1x100x128xf32, #tpu.memory_space<vmem>> -> memref<100x128xf32, #tpu.memory_space<vmem>>
    %dma_start3A_138 = arith.constant 0 : i32
    %dma_start3A_139 = tpu.memref_slice %arg7[%dma_start3A_133, %dma_start3A_138] : memref<25x100xi32, #tpu.memory_space<vmem>> -> memref<1x100xi32, #tpu.memory_space<vmem>>
    %dma_start3A_140 = tpu.memref_squeeze %dma_start3A_139 : memref<1x100xi32, #tpu.memory_space<vmem>> -> memref<100xi32, #tpu.memory_space<vmem>>
    %dma_start3A_141 = arith.constant 0 : i32
    %dma_start3A_142 = arith.constant 0 : i32
    %dma_start3A_143 = tpu.memref_slice %arg2[%arg0, %dma_start3A_141, %dma_start3A_142] : memref<2x10000x128xf32, #tpu.memory_space<hbm>> -> memref<1x10000x128xf32, #tpu.memory_space<hbm>>
    %dma_start3A_144 = tpu.memref_squeeze %dma_start3A_143 : memref<1x10000x128xf32, #tpu.memory_space<hbm>> -> memref<10000x128xf32, #tpu.memory_space<hbm>>
    %dma_start3A_145 = arith.constant 0 : i32
    %dma_start3A_146 = arith.constant 0 : i32
    %dma_start3A_147 = tpu.memref_slice %dma_start3A_144[%dma_start3A_145, %dma_start3A_146] : memref<10000x128xf32, #tpu.memory_space<hbm>> -> memref<10000x128xf32, #tpu.memory_space<hbm>>
    %dma_start3A_148 = tpu.memref_slice %arg11[%rem3A_132] : memref<3x!tpu.dma_semaphore, #tpu.memory_space<semaphore_mem>> -> memref<1x!tpu.dma_semaphore, #tpu.memory_space<semaphore_mem>>
    %dma_start3A_149 = tpu.memref_squeeze %dma_start3A_148 : memref<1x!tpu.dma_semaphore, #tpu.memory_space<semaphore_mem>> -> memref<!tpu.dma_semaphore, #tpu.memory_space<semaphore_mem>>
    tpu.enqueue_indirect_dma source(%dma_start3A_147 : memref<10000x128xf32, #tpu.memory_space<hbm>>) target(%dma_start3A_137 : memref<100x128xf32, #tpu.memory_space<vmem>>) offsets(%dma_start3A_140 : memref<100xi32, #tpu.memory_space<vmem>>) semaphore(%dma_start3A_149 : memref<!tpu.dma_semaphore, #tpu.memory_space<semaphore_mem>>)
    %rem3A_150 = arith.constant 1 : i32
    %rem3A_151 = arith.constant 3 : i32
    %rem3A_152 = arith.remsi %rem3A_150, %rem3A_151 : i32
    %dma_start3A_153 = arith.constant 1 : i32
    %dma_start3A_154 = arith.constant 0 : i32
    %dma_start3A_155 = arith.constant 0 : i32
    %dma_start3A_156 = tpu.memref_slice %arg9[%rem3A_152, %dma_start3A_154, %dma_start3A_155] : memref<3x100x128xf32, #tpu.memory_space<vmem>> -> memref<1x100x128xf32, #tpu.memory_space<vmem>>
    %dma_start3A_157 = tpu.memref_squeeze %dma_start3A_156 : memref<1x100x128xf32, #tpu.memory_space<vmem>> -> memref<100x128xf32, #tpu.memory_space<vmem>>
    %dma_start3A_158 = arith.constant 0 : i32
    %dma_start3A_159 = tpu.memref_slice %arg7[%dma_start3A_153, %dma_start3A_158] : memref<25x100xi32, #tpu.memory_space<vmem>> -> memref<1x100xi32, #tpu.memory_space<vmem>>
    %dma_start3A_160 = tpu.memref_squeeze %dma_start3A_159 : memref<1x100xi32, #tpu.memory_space<vmem>> -> memref<100xi32, #tpu.memory_space<vmem>>
    %dma_start3A_161 = arith.constant 0 : i32
    %dma_start3A_162 = arith.constant 0 : i32
    %dma_start3A_163 = tpu.memref_slice %arg2[%arg0, %dma_start3A_161, %dma_start3A_162] : memref<2x10000x128xf32, #tpu.memory_space<hbm>> -> memref<1x10000x128xf32, #tpu.memory_space<hbm>>
    %dma_start3A_164 = tpu.memref_squeeze %dma_start3A_163 : memref<1x10000x128xf32, #tpu.memory_space<hbm>> -> memref<10000x128xf32, #tpu.memory_space<hbm>>
    %dma_start3A_165 = arith.constant 0 : i32
    %dma_start3A_166 = arith.constant 0 : i32
    %dma_start3A_167 = tpu.memref_slice %dma_start3A_164[%dma_start3A_165, %dma_start3A_166] : memref<10000x128xf32, #tpu.memory_space<hbm>> -> memref<10000x128xf32, #tpu.memory_space<hbm>>
    %dma_start3A_168 = tpu.memref_slice %arg11[%rem3A_152] : memref<3x!tpu.dma_semaphore, #tpu.memory_space<semaphore_mem>> -> memref<1x!tpu.dma_semaphore, #tpu.memory_space<semaphore_mem>>
    %dma_start3A_169 = tpu.memref_squeeze %dma_start3A_168 : memref<1x!tpu.dma_semaphore, #tpu.memory_space<semaphore_mem>> -> memref<!tpu.dma_semaphore, #tpu.memory_space<semaphore_mem>>
    tpu.enqueue_indirect_dma source(%dma_start3A_167 : memref<10000x128xf32, #tpu.memory_space<hbm>>) target(%dma_start3A_157 : memref<100x128xf32, #tpu.memory_space<vmem>>) offsets(%dma_start3A_160 : memref<100xi32, #tpu.memory_space<vmem>>) semaphore(%dma_start3A_169 : memref<!tpu.dma_semaphore, #tpu.memory_space<semaphore_mem>>)
    %scan3A_170 = arith.constant 0 : i32
    %scan3A_171 = arith.constant 25 : i32
    %scan3A_172 = arith.addi %scan3A_170, %scan3A_171 : i32
    %scan3A_173 = arith.constant 1 : i32
    scf.for %scan3A_255 = %scan3A_170 to %scan3A_172 step %scan3A_173  : i32 {
      %mul3A_256 = arith.constant 1 : i32
      %mul3A_257 = arith.muli %scan3A_255, %mul3A_256 : i32
      %add3A = arith.constant 0 : i32
      %add3A_258 = arith.addi %add3A, %mul3A_257 : i32
      %rem3A_259 = arith.constant 3 : i32
      %rem3A_260 = arith.remsi %add3A_258, %rem3A_259 : i32
      %dma_wait3A_261 = arith.constant 0 : i32
      %dma_wait3A_262 = arith.constant 0 : i32
      %dma_wait3A_263 = tpu.memref_slice %arg9[%rem3A_260, %dma_wait3A_261, %dma_wait3A_262] : memref<3x100x128xf32, #tpu.memory_space<vmem>> -> memref<1x100x128xf32, #tpu.memory_space<vmem>>
      %dma_wait3A_264 = tpu.memref_squeeze %dma_wait3A_263 : memref<1x100x128xf32, #tpu.memory_space<vmem>> -> memref<100x128xf32, #tpu.memory_space<vmem>>
      %dma_wait3A_265 = arith.constant 0 : i32
      %dma_wait3A_266 = tpu.memref_slice %arg7[%add3A_258, %dma_wait3A_265] : memref<25x100xi32, #tpu.memory_space<vmem>> -> memref<1x100xi32, #tpu.memory_space<vmem>>
      %dma_wait3A_267 = tpu.memref_squeeze %dma_wait3A_266 : memref<1x100xi32, #tpu.memory_space<vmem>> -> memref<100xi32, #tpu.memory_space<vmem>>
      %dma_wait3A_268 = arith.constant 0 : i32
      %dma_wait3A_269 = arith.constant 0 : i32
      %dma_wait3A_270 = tpu.memref_slice %arg2[%arg0, %dma_wait3A_268, %dma_wait3A_269] : memref<2x10000x128xf32, #tpu.memory_space<hbm>> -> memref<1x10000x128xf32, #tpu.memory_space<hbm>>
      %dma_wait3A_271 = tpu.memref_squeeze %dma_wait3A_270 : memref<1x10000x128xf32, #tpu.memory_space<hbm>> -> memref<10000x128xf32, #tpu.memory_space<hbm>>
      %dma_wait3A_272 = arith.constant 0 : i32
      %dma_wait3A_273 = arith.constant 0 : i32
      %dma_wait3A_274 = tpu.memref_slice %dma_wait3A_271[%dma_wait3A_272, %dma_wait3A_273] : memref<10000x128xf32, #tpu.memory_space<hbm>> -> memref<10000x128xf32, #tpu.memory_space<hbm>>
      %dma_wait3A_275 = tpu.memref_slice %arg11[%rem3A_260] : memref<3x!tpu.dma_semaphore, #tpu.memory_space<semaphore_mem>> -> memref<1x!tpu.dma_semaphore, #tpu.memory_space<semaphore_mem>>
      %dma_wait3A_276 = tpu.memref_squeeze %dma_wait3A_275 : memref<1x!tpu.dma_semaphore, #tpu.memory_space<semaphore_mem>> -> memref<!tpu.dma_semaphore, #tpu.memory_space<semaphore_mem>>
      tpu.wait_indirect_dma semaphore(%dma_wait3A_276 : memref<!tpu.dma_semaphore, #tpu.memory_space<semaphore_mem>>) src(%dma_wait3A_274 : memref<10000x128xf32, #tpu.memory_space<hbm>>) dst(%dma_wait3A_264 : memref<100x128xf32, #tpu.memory_space<vmem>>)
      %rem3A_277 = arith.constant 3 : i32
      %rem3A_278 = arith.remsi %add3A_258, %rem3A_277 : i32
      %dma_start3A_279 = arith.constant 0 : i32
      %dma_start3A_280 = arith.constant 0 : i32
      %dma_start3A_281 = tpu.memref_slice %arg9[%rem3A_278, %dma_start3A_279, %dma_start3A_280] : memref<3x100x128xf32, #tpu.memory_space<vmem>> -> memref<1x100x128xf32, #tpu.memory_space<vmem>>
      %dma_start3A_282 = tpu.memref_squeeze %dma_start3A_281 : memref<1x100x128xf32, #tpu.memory_space<vmem>> -> memref<100x128xf32, #tpu.memory_space<vmem>>
      %dma_start3A_283 = arith.constant 0 : i32
      %dma_start3A_284 = tpu.memref_slice %arg8[%add3A_258, %dma_start3A_283] : memref<25x100xi32, #tpu.memory_space<vmem>> -> memref<1x100xi32, #tpu.memory_space<vmem>>
      %dma_start3A_285 = tpu.memref_squeeze %dma_start3A_284 : memref<1x100xi32, #tpu.memory_space<vmem>> -> memref<100xi32, #tpu.memory_space<vmem>>
      %dma_start3A_286 = arith.constant 0 : i32
      %dma_start3A_287 = arith.constant 0 : i32
      %dma_start3A_288 = tpu.memref_slice %arg10[%dma_start3A_286, %dma_start3A_287] : memref<10240x128xf32, #tpu.memory_space<vmem_shared>> -> memref<10240x128xf32, #tpu.memory_space<vmem_shared>>
      %dma_start3A_289 = tpu.memref_slice %arg12[%rem3A_278] : memref<3x!tpu.dma_semaphore, #tpu.memory_space<semaphore_mem>> -> memref<1x!tpu.dma_semaphore, #tpu.memory_space<semaphore_mem>>
      %dma_start3A_290 = tpu.memref_squeeze %dma_start3A_289 : memref<1x!tpu.dma_semaphore, #tpu.memory_space<semaphore_mem>> -> memref<!tpu.dma_semaphore, #tpu.memory_space<semaphore_mem>>
      tpu.enqueue_indirect_dma source(%dma_start3A_282 : memref<100x128xf32, #tpu.memory_space<vmem>>) target(%dma_start3A_288 : memref<10240x128xf32, #tpu.memory_space<vmem_shared>>) offsets(%dma_start3A_285 : memref<100xi32, #tpu.memory_space<vmem>>) semaphore(%dma_start3A_290 : memref<!tpu.dma_semaphore, #tpu.memory_space<semaphore_mem>>) {add = true}
      %ge3A = arith.constant 1 : i32
      %ge3A_291 = arith.cmpi sge, %add3A_258, %ge3A : i32
      %convert_element_type3A_292 = arith.extui %ge3A_291 : i1 to i32
      %cond3A_293 = arith.constant 0 : i32
      %cond3A_294 = arith.cmpi ne, %convert_element_type3A_292, %cond3A_293 : i32
      scf.if %cond3A_294 {
        %sub3A = arith.constant 1 : i32
        %sub3A_302 = arith.subi %add3A_258, %sub3A : i32
        %max3A = arith.constant 0 : i32
        %max3A_303 = arith.maxsi %sub3A_302, %max3A : i32
        %rem3A_304 = arith.constant 3 : i32
        %rem3A_305 = arith.remsi %max3A_303, %rem3A_304 : i32
        %dma_wait3A_306 = arith.constant 0 : i32
        %dma_wait3A_307 = arith.constant 0 : i32
        %dma_wait3A_308 = tpu.memref_slice %arg9[%rem3A_305, %dma_wait3A_306, %dma_wait3A_307] : memref<3x100x128xf32, #tpu.memory_space<vmem>> -> memref<1x100x128xf32, #tpu.memory_space<vmem>>
        %dma_wait3A_309 = tpu.memref_squeeze %dma_wait3A_308 : memref<1x100x128xf32, #tpu.memory_space<vmem>> -> memref<100x128xf32, #tpu.memory_space<vmem>>
        %dma_wait3A_310 = arith.constant 0 : i32
        %dma_wait3A_311 = tpu.memref_slice %arg8[%max3A_303, %dma_wait3A_310] : memref<25x100xi32, #tpu.memory_space<vmem>> -> memref<1x100xi32, #tpu.memory_space<vmem>>
        %dma_wait3A_312 = tpu.memref_squeeze %dma_wait3A_311 : memref<1x100xi32, #tpu.memory_space<vmem>> -> memref<100xi32, #tpu.memory_space<vmem>>
        %dma_wait3A_313 = arith.constant 0 : i32
        %dma_wait3A_314 = arith.constant 0 : i32
        %dma_wait3A_315 = tpu.memref_slice %arg10[%dma_wait3A_313, %dma_wait3A_314] : memref<10240x128xf32, #tpu.memory_space<vmem_shared>> -> memref<10240x128xf32, #tpu.memory_space<vmem_shared>>
        %dma_wait3A_316 = tpu.memref_slice %arg12[%rem3A_305] : memref<3x!tpu.dma_semaphore, #tpu.memory_space<semaphore_mem>> -> memref<1x!tpu.dma_semaphore, #tpu.memory_space<semaphore_mem>>
        %dma_wait3A_317 = tpu.memref_squeeze %dma_wait3A_316 : memref<1x!tpu.dma_semaphore, #tpu.memory_space<semaphore_mem>> -> memref<!tpu.dma_semaphore, #tpu.memory_space<semaphore_mem>>
        tpu.wait_indirect_dma semaphore(%dma_wait3A_317 : memref<!tpu.dma_semaphore, #tpu.memory_space<semaphore_mem>>) src(%dma_wait3A_309 : memref<100x128xf32, #tpu.memory_space<vmem>>) dst(%dma_wait3A_315 : memref<10240x128xf32, #tpu.memory_space<vmem_shared>>)
      } else {
      }
      %add3A_295 = arith.constant 2 : i32
      %add3A_296 = arith.addi %add3A_258, %add3A_295 : i32
      %lt3A_297 = arith.constant 25 : i32
      %lt3A_298 = arith.cmpi slt, %add3A_296, %lt3A_297 : i32
      %convert_element_type3A_299 = arith.extui %lt3A_298 : i1 to i32
      %cond3A_300 = arith.constant 0 : i32
      %cond3A_301 = arith.cmpi ne, %convert_element_type3A_299, %cond3A_300 : i32
      scf.if %cond3A_301 {
        %add3A_302 = arith.constant 2 : i32
        %add3A_303 = arith.addi %add3A_258, %add3A_302 : i32
        %min3A = arith.constant 24 : i32
        %min3A_304 = arith.minsi %add3A_303, %min3A : i32
        %rem3A_305 = arith.constant 3 : i32
        %rem3A_306 = arith.remsi %min3A_304, %rem3A_305 : i32
        %dma_start3A_307 = arith.constant 0 : i32
        %dma_start3A_308 = arith.constant 0 : i32
        %dma_start3A_309 = tpu.memref_slice %arg9[%rem3A_306, %dma_start3A_307, %dma_start3A_308] : memref<3x100x128xf32, #tpu.memory_space<vmem>> -> memref<1x100x128xf32, #tpu.memory_space<vmem>>
        %dma_start3A_310 = tpu.memref_squeeze %dma_start3A_309 : memref<1x100x128xf32, #tpu.memory_space<vmem>> -> memref<100x128xf32, #tpu.memory_space<vmem>>
        %dma_start3A_311 = arith.constant 0 : i32
        %dma_start3A_312 = tpu.memref_slice %arg7[%min3A_304, %dma_start3A_311] : memref<25x100xi32, #tpu.memory_space<vmem>> -> memref<1x100xi32, #tpu.memory_space<vmem>>
        %dma_start3A_313 = tpu.memref_squeeze %dma_start3A_312 : memref<1x100xi32, #tpu.memory_space<vmem>> -> memref<100xi32, #tpu.memory_space<vmem>>
        %dma_start3A_314 = arith.constant 0 : i32
        %dma_start3A_315 = arith.constant 0 : i32
        %dma_start3A_316 = tpu.memref_slice %arg2[%arg0, %dma_start3A_314, %dma_start3A_315] : memref<2x10000x128xf32, #tpu.memory_space<hbm>> -> memref<1x10000x128xf32, #tpu.memory_space<hbm>>
        %dma_start3A_317 = tpu.memref_squeeze %dma_start3A_316 : memref<1x10000x128xf32, #tpu.memory_space<hbm>> -> memref<10000x128xf32, #tpu.memory_space<hbm>>
        %dma_start3A_318 = arith.constant 0 : i32
        %dma_start3A_319 = arith.constant 0 : i32
        %dma_start3A_320 = tpu.memref_slice %dma_start3A_317[%dma_start3A_318, %dma_start3A_319] : memref<10000x128xf32, #tpu.memory_space<hbm>> -> memref<10000x128xf32, #tpu.memory_space<hbm>>
        %dma_start3A_321 = tpu.memref_slice %arg11[%rem3A_306] : memref<3x!tpu.dma_semaphore, #tpu.memory_space<semaphore_mem>> -> memref<1x!tpu.dma_semaphore, #tpu.memory_space<semaphore_mem>>
        %dma_start3A_322 = tpu.memref_squeeze %dma_start3A_321 : memref<1x!tpu.dma_semaphore, #tpu.memory_space<semaphore_mem>> -> memref<!tpu.dma_semaphore, #tpu.memory_space<semaphore_mem>>
        tpu.enqueue_indirect_dma source(%dma_start3A_320 : memref<10000x128xf32, #tpu.memory_space<hbm>>) target(%dma_start3A_310 : memref<100x128xf32, #tpu.memory_space<vmem>>) offsets(%dma_start3A_313 : memref<100xi32, #tpu.memory_space<vmem>>) semaphore(%dma_start3A_322 : memref<!tpu.dma_semaphore, #tpu.memory_space<semaphore_mem>>)
      } else {
      }
    }
    %scan3A_174 = arith.constant 25 : i32
    %rem3A_175 = arith.constant 24 : i32
    %rem3A_176 = arith.constant 3 : i32
    %rem3A_177 = arith.remsi %rem3A_175, %rem3A_176 : i32
    %dma_wait3A_178 = arith.constant 24 : i32
    %dma_wait3A_179 = arith.constant 0 : i32
    %dma_wait3A_180 = arith.constant 0 : i32
    %dma_wait3A_181 = tpu.memref_slice %arg9[%rem3A_177, %dma_wait3A_179, %dma_wait3A_180] : memref<3x100x128xf32, #tpu.memory_space<vmem>> -> memref<1x100x128xf32, #tpu.memory_space<vmem>>
    %dma_wait3A_182 = tpu.memref_squeeze %dma_wait3A_181 : memref<1x100x128xf32, #tpu.memory_space<vmem>> -> memref<100x128xf32, #tpu.memory_space<vmem>>
    %dma_wait3A_183 = arith.constant 0 : i32
    %dma_wait3A_184 = tpu.memref_slice %arg8[%dma_wait3A_178, %dma_wait3A_183] : memref<25x100xi32, #tpu.memory_space<vmem>> -> memref<1x100xi32, #tpu.memory_space<vmem>>
    %dma_wait3A_185 = tpu.memref_squeeze %dma_wait3A_184 : memref<1x100xi32, #tpu.memory_space<vmem>> -> memref<100xi32, #tpu.memory_space<vmem>>
    %dma_wait3A_186 = arith.constant 0 : i32
    %dma_wait3A_187 = arith.constant 0 : i32
    %dma_wait3A_188 = tpu.memref_slice %arg10[%dma_wait3A_186, %dma_wait3A_187] : memref<10240x128xf32, #tpu.memory_space<vmem_shared>> -> memref<10240x128xf32, #tpu.memory_space<vmem_shared>>
    %dma_wait3A_189 = tpu.memref_slice %arg12[%rem3A_177] : memref<3x!tpu.dma_semaphore, #tpu.memory_space<semaphore_mem>> -> memref<1x!tpu.dma_semaphore, #tpu.memory_space<semaphore_mem>>
    %dma_wait3A_190 = tpu.memref_squeeze %dma_wait3A_189 : memref<1x!tpu.dma_semaphore, #tpu.memory_space<semaphore_mem>> -> memref<!tpu.dma_semaphore, #tpu.memory_space<semaphore_mem>>
    tpu.wait_indirect_dma semaphore(%dma_wait3A_190 : memref<!tpu.dma_semaphore, #tpu.memory_space<semaphore_mem>>) src(%dma_wait3A_182 : memref<100x128xf32, #tpu.memory_space<vmem>>) dst(%dma_wait3A_188 : memref<10240x128xf32, #tpu.memory_space<vmem_shared>>)
    %run_scoped3A_191 = arith.constant 3 : i32
    "tpu.region"() ({
      %run_scoped3A_255 = tpu.sem_alloc : memref<!tpu.dma_semaphore, #tpu.memory_space<semaphore_mem>>
      %dma_start3A_256 = arith.constant 0 : i32
      %dma_start3A_257 = arith.constant 0 : i32
      %dma_start3A_258 = tpu.memref_slice %arg3[%arg1, %run_scoped3A_191, %dma_start3A_256, %dma_start3A_257] : memref<16x4x25x100xi32, #tpu.memory_space<hbm>> -> memref<1x1x25x100xi32, #tpu.memory_space<hbm>>
      %dma_start3A_259 = tpu.memref_squeeze %dma_start3A_258 : memref<1x1x25x100xi32, #tpu.memory_space<hbm>> -> memref<25x100xi32, #tpu.memory_space<hbm>>
      %dma_start3A_260 = arith.constant 0 : i32
      %dma_start3A_261 = arith.constant 0 : i32
      %dma_start3A_262 = tpu.memref_slice %arg3[%arg1, %run_scoped3A_191, %dma_start3A_260, %dma_start3A_261] : memref<16x4x25x100xi32, #tpu.memory_space<hbm>> -> memref<1x1x25x100xi32, #tpu.memory_space<hbm>>
      %dma_start3A_263 = tpu.memref_squeeze %dma_start3A_262 : memref<1x1x25x100xi32, #tpu.memory_space<hbm>> -> memref<25x100xi32, #tpu.memory_space<hbm>>
      tpu.enqueue_dma source(%dma_start3A_263 : memref<25x100xi32, #tpu.memory_space<hbm>>) target(%arg7 : memref<25x100xi32, #tpu.memory_space<vmem>>) target_semaphore(%run_scoped3A_255 : memref<!tpu.dma_semaphore, #tpu.memory_space<semaphore_mem>>)
      %dma_wait3A_264 = arith.constant 0 : i32
      %dma_wait3A_265 = arith.constant 0 : i32
      %dma_wait3A_266 = tpu.memref_slice %arg3[%arg1, %run_scoped3A_191, %dma_wait3A_264, %dma_wait3A_265] : memref<16x4x25x100xi32, #tpu.memory_space<hbm>> -> memref<1x1x25x100xi32, #tpu.memory_space<hbm>>
      %dma_wait3A_267 = tpu.memref_squeeze %dma_wait3A_266 : memref<1x1x25x100xi32, #tpu.memory_space<hbm>> -> memref<25x100xi32, #tpu.memory_space<hbm>>
      %dma_wait3A_268 = arith.constant 0 : i32
      %dma_wait3A_269 = arith.constant 0 : i32
      %dma_wait3A_270 = tpu.memref_slice %arg3[%arg1, %run_scoped3A_191, %dma_wait3A_268, %dma_wait3A_269] : memref<16x4x25x100xi32, #tpu.memory_space<hbm>> -> memref<1x1x25x100xi32, #tpu.memory_space<hbm>>
      %dma_wait3A_271 = tpu.memref_squeeze %dma_wait3A_270 : memref<1x1x25x100xi32, #tpu.memory_space<hbm>> -> memref<25x100xi32, #tpu.memory_space<hbm>>
      tpu.wait_dma2 semaphore(%run_scoped3A_255 : memref<!tpu.dma_semaphore, #tpu.memory_space<semaphore_mem>>) src(%dma_wait3A_271 : memref<25x100xi32, #tpu.memory_space<hbm>>) dst(%arg7 : memref<25x100xi32, #tpu.memory_space<vmem>>)
      tpu.yield
    }) : () -> ()
    %run_scoped3A_192 = arith.constant 3 : i32
    "tpu.region"() ({
      %run_scoped3A_255 = tpu.sem_alloc : memref<!tpu.dma_semaphore, #tpu.memory_space<semaphore_mem>>
      %dma_start3A_256 = arith.constant 0 : i32
      %dma_start3A_257 = arith.constant 0 : i32
      %dma_start3A_258 = tpu.memref_slice %arg4[%arg1, %run_scoped3A_192, %dma_start3A_256, %dma_start3A_257] : memref<16x4x25x100xi32, #tpu.memory_space<hbm>> -> memref<1x1x25x100xi32, #tpu.memory_space<hbm>>
      %dma_start3A_259 = tpu.memref_squeeze %dma_start3A_258 : memref<1x1x25x100xi32, #tpu.memory_space<hbm>> -> memref<25x100xi32, #tpu.memory_space<hbm>>
      %dma_start3A_260 = arith.constant 0 : i32
      %dma_start3A_261 = arith.constant 0 : i32
      %dma_start3A_262 = tpu.memref_slice %arg4[%arg1, %run_scoped3A_192, %dma_start3A_260, %dma_start3A_261] : memref<16x4x25x100xi32, #tpu.memory_space<hbm>> -> memref<1x1x25x100xi32, #tpu.memory_space<hbm>>
      %dma_start3A_263 = tpu.memref_squeeze %dma_start3A_262 : memref<1x1x25x100xi32, #tpu.memory_space<hbm>> -> memref<25x100xi32, #tpu.memory_space<hbm>>
      tpu.enqueue_dma source(%dma_start3A_263 : memref<25x100xi32, #tpu.memory_space<hbm>>) target(%arg8 : memref<25x100xi32, #tpu.memory_space<vmem>>) target_semaphore(%run_scoped3A_255 : memref<!tpu.dma_semaphore, #tpu.memory_space<semaphore_mem>>)
      %dma_wait3A_264 = arith.constant 0 : i32
      %dma_wait3A_265 = arith.constant 0 : i32
      %dma_wait3A_266 = tpu.memref_slice %arg4[%arg1, %run_scoped3A_192, %dma_wait3A_264, %dma_wait3A_265] : memref<16x4x25x100xi32, #tpu.memory_space<hbm>> -> memref<1x1x25x100xi32, #tpu.memory_space<hbm>>
      %dma_wait3A_267 = tpu.memref_squeeze %dma_wait3A_266 : memref<1x1x25x100xi32, #tpu.memory_space<hbm>> -> memref<25x100xi32, #tpu.memory_space<hbm>>
      %dma_wait3A_268 = arith.constant 0 : i32
      %dma_wait3A_269 = arith.constant 0 : i32
      %dma_wait3A_270 = tpu.memref_slice %arg4[%arg1, %run_scoped3A_192, %dma_wait3A_268, %dma_wait3A_269] : memref<16x4x25x100xi32, #tpu.memory_space<hbm>> -> memref<1x1x25x100xi32, #tpu.memory_space<hbm>>
      %dma_wait3A_271 = tpu.memref_squeeze %dma_wait3A_270 : memref<1x1x25x100xi32, #tpu.memory_space<hbm>> -> memref<25x100xi32, #tpu.memory_space<hbm>>
      tpu.wait_dma2 semaphore(%run_scoped3A_255 : memref<!tpu.dma_semaphore, #tpu.memory_space<semaphore_mem>>) src(%dma_wait3A_271 : memref<25x100xi32, #tpu.memory_space<hbm>>) dst(%arg8 : memref<25x100xi32, #tpu.memory_space<vmem>>)
      tpu.yield
    }) : () -> ()
    %rem3A_193 = arith.constant 0 : i32
    %rem3A_194 = arith.constant 3 : i32
    %rem3A_195 = arith.remsi %rem3A_193, %rem3A_194 : i32
    %dma_start3A_196 = arith.constant 0 : i32
    %dma_start3A_197 = arith.constant 0 : i32
    %dma_start3A_198 = arith.constant 0 : i32
    %dma_start3A_199 = tpu.memref_slice %arg9[%rem3A_195, %dma_start3A_197, %dma_start3A_198] : memref<3x100x128xf32, #tpu.memory_space<vmem>> -> memref<1x100x128xf32, #tpu.memory_space<vmem>>
    %dma_start3A_200 = tpu.memref_squeeze %dma_start3A_199 : memref<1x100x128xf32, #tpu.memory_space<vmem>> -> memref<100x128xf32, #tpu.memory_space<vmem>>
    %dma_start3A_201 = arith.constant 0 : i32
    %dma_start3A_202 = tpu.memref_slice %arg7[%dma_start3A_196, %dma_start3A_201] : memref<25x100xi32, #tpu.memory_space<vmem>> -> memref<1x100xi32, #tpu.memory_space<vmem>>
    %dma_start3A_203 = tpu.memref_squeeze %dma_start3A_202 : memref<1x100xi32, #tpu.memory_space<vmem>> -> memref<100xi32, #tpu.memory_space<vmem>>
    %dma_start3A_204 = arith.constant 0 : i32
    %dma_start3A_205 = arith.constant 0 : i32
    %dma_start3A_206 = tpu.memref_slice %arg2[%arg0, %dma_start3A_204, %dma_start3A_205] : memref<2x10000x128xf32, #tpu.memory_space<hbm>> -> memref<1x10000x128xf32, #tpu.memory_space<hbm>>
    %dma_start3A_207 = tpu.memref_squeeze %dma_start3A_206 : memref<1x10000x128xf32, #tpu.memory_space<hbm>> -> memref<10000x128xf32, #tpu.memory_space<hbm>>
    %dma_start3A_208 = arith.constant 0 : i32
    %dma_start3A_209 = arith.constant 0 : i32
    %dma_start3A_210 = tpu.memref_slice %dma_start3A_207[%dma_start3A_208, %dma_start3A_209] : memref<10000x128xf32, #tpu.memory_space<hbm>> -> memref<10000x128xf32, #tpu.memory_space<hbm>>
    %dma_start3A_211 = tpu.memref_slice %arg11[%rem3A_195] : memref<3x!tpu.dma_semaphore, #tpu.memory_space<semaphore_mem>> -> memref<1x!tpu.dma_semaphore, #tpu.memory_space<semaphore_mem>>
    %dma_start3A_212 = tpu.memref_squeeze %dma_start3A_211 : memref<1x!tpu.dma_semaphore, #tpu.memory_space<semaphore_mem>> -> memref<!tpu.dma_semaphore, #tpu.memory_space<semaphore_mem>>
    tpu.enqueue_indirect_dma source(%dma_start3A_210 : memref<10000x128xf32, #tpu.memory_space<hbm>>) target(%dma_start3A_200 : memref<100x128xf32, #tpu.memory_space<vmem>>) offsets(%dma_start3A_203 : memref<100xi32, #tpu.memory_space<vmem>>) semaphore(%dma_start3A_212 : memref<!tpu.dma_semaphore, #tpu.memory_space<semaphore_mem>>)
    %rem3A_213 = arith.constant 1 : i32
    %rem3A_214 = arith.constant 3 : i32
    %rem3A_215 = arith.remsi %rem3A_213, %rem3A_214 : i32
    %dma_start3A_216 = arith.constant 1 : i32
    %dma_start3A_217 = arith.constant 0 : i32
    %dma_start3A_218 = arith.constant 0 : i32
    %dma_start3A_219 = tpu.memref_slice %arg9[%rem3A_215, %dma_start3A_217, %dma_start3A_218] : memref<3x100x128xf32, #tpu.memory_space<vmem>> -> memref<1x100x128xf32, #tpu.memory_space<vmem>>
    %dma_start3A_220 = tpu.memref_squeeze %dma_start3A_219 : memref<1x100x128xf32, #tpu.memory_space<vmem>> -> memref<100x128xf32, #tpu.memory_space<vmem>>
    %dma_start3A_221 = arith.constant 0 : i32
    %dma_start3A_222 = tpu.memref_slice %arg7[%dma_start3A_216, %dma_start3A_221] : memref<25x100xi32, #tpu.memory_space<vmem>> -> memref<1x100xi32, #tpu.memory_space<vmem>>
    %dma_start3A_223 = tpu.memref_squeeze %dma_start3A_222 : memref<1x100xi32, #tpu.memory_space<vmem>> -> memref<100xi32, #tpu.memory_space<vmem>>
    %dma_start3A_224 = arith.constant 0 : i32
    %dma_start3A_225 = arith.constant 0 : i32
    %dma_start3A_226 = tpu.memref_slice %arg2[%arg0, %dma_start3A_224, %dma_start3A_225] : memref<2x10000x128xf32, #tpu.memory_space<hbm>> -> memref<1x10000x128xf32, #tpu.memory_space<hbm>>
    %dma_start3A_227 = tpu.memref_squeeze %dma_start3A_226 : memref<1x10000x128xf32, #tpu.memory_space<hbm>> -> memref<10000x128xf32, #tpu.memory_space<hbm>>
    %dma_start3A_228 = arith.constant 0 : i32
    %dma_start3A_229 = arith.constant 0 : i32
    %dma_start3A_230 = tpu.memref_slice %dma_start3A_227[%dma_start3A_228, %dma_start3A_229] : memref<10000x128xf32, #tpu.memory_space<hbm>> -> memref<10000x128xf32, #tpu.memory_space<hbm>>
    %dma_start3A_231 = tpu.memref_slice %arg11[%rem3A_215] : memref<3x!tpu.dma_semaphore, #tpu.memory_space<semaphore_mem>> -> memref<1x!tpu.dma_semaphore, #tpu.memory_space<semaphore_mem>>
    %dma_start3A_232 = tpu.memref_squeeze %dma_start3A_231 : memref<1x!tpu.dma_semaphore, #tpu.memory_space<semaphore_mem>> -> memref<!tpu.dma_semaphore, #tpu.memory_space<semaphore_mem>>
    tpu.enqueue_indirect_dma source(%dma_start3A_230 : memref<10000x128xf32, #tpu.memory_space<hbm>>) target(%dma_start3A_220 : memref<100x128xf32, #tpu.memory_space<vmem>>) offsets(%dma_start3A_223 : memref<100xi32, #tpu.memory_space<vmem>>) semaphore(%dma_start3A_232 : memref<!tpu.dma_semaphore, #tpu.memory_space<semaphore_mem>>)
    %scan3A_233 = arith.constant 0 : i32
    %scan3A_234 = arith.constant 25 : i32
    %scan3A_235 = arith.addi %scan3A_233, %scan3A_234 : i32
    %scan3A_236 = arith.constant 1 : i32
    scf.for %scan3A_255 = %scan3A_233 to %scan3A_235 step %scan3A_236  : i32 {
      %mul3A_256 = arith.constant 1 : i32
      %mul3A_257 = arith.muli %scan3A_255, %mul3A_256 : i32
      %add3A = arith.constant 0 : i32
      %add3A_258 = arith.addi %add3A, %mul3A_257 : i32
      %rem3A_259 = arith.constant 3 : i32
      %rem3A_260 = arith.remsi %add3A_258, %rem3A_259 : i32
      %dma_wait3A_261 = arith.constant 0 : i32
      %dma_wait3A_262 = arith.constant 0 : i32
      %dma_wait3A_263 = tpu.memref_slice %arg9[%rem3A_260, %dma_wait3A_261, %dma_wait3A_262] : memref<3x100x128xf32, #tpu.memory_space<vmem>> -> memref<1x100x128xf32, #tpu.memory_space<vmem>>
      %dma_wait3A_264 = tpu.memref_squeeze %dma_wait3A_263 : memref<1x100x128xf32, #tpu.memory_space<vmem>> -> memref<100x128xf32, #tpu.memory_space<vmem>>
      %dma_wait3A_265 = arith.constant 0 : i32
      %dma_wait3A_266 = tpu.memref_slice %arg7[%add3A_258, %dma_wait3A_265] : memref<25x100xi32, #tpu.memory_space<vmem>> -> memref<1x100xi32, #tpu.memory_space<vmem>>
      %dma_wait3A_267 = tpu.memref_squeeze %dma_wait3A_266 : memref<1x100xi32, #tpu.memory_space<vmem>> -> memref<100xi32, #tpu.memory_space<vmem>>
      %dma_wait3A_268 = arith.constant 0 : i32
      %dma_wait3A_269 = arith.constant 0 : i32
      %dma_wait3A_270 = tpu.memref_slice %arg2[%arg0, %dma_wait3A_268, %dma_wait3A_269] : memref<2x10000x128xf32, #tpu.memory_space<hbm>> -> memref<1x10000x128xf32, #tpu.memory_space<hbm>>
      %dma_wait3A_271 = tpu.memref_squeeze %dma_wait3A_270 : memref<1x10000x128xf32, #tpu.memory_space<hbm>> -> memref<10000x128xf32, #tpu.memory_space<hbm>>
      %dma_wait3A_272 = arith.constant 0 : i32
      %dma_wait3A_273 = arith.constant 0 : i32
      %dma_wait3A_274 = tpu.memref_slice %dma_wait3A_271[%dma_wait3A_272, %dma_wait3A_273] : memref<10000x128xf32, #tpu.memory_space<hbm>> -> memref<10000x128xf32, #tpu.memory_space<hbm>>
      %dma_wait3A_275 = tpu.memref_slice %arg11[%rem3A_260] : memref<3x!tpu.dma_semaphore, #tpu.memory_space<semaphore_mem>> -> memref<1x!tpu.dma_semaphore, #tpu.memory_space<semaphore_mem>>
      %dma_wait3A_276 = tpu.memref_squeeze %dma_wait3A_275 : memref<1x!tpu.dma_semaphore, #tpu.memory_space<semaphore_mem>> -> memref<!tpu.dma_semaphore, #tpu.memory_space<semaphore_mem>>
      tpu.wait_indirect_dma semaphore(%dma_wait3A_276 : memref<!tpu.dma_semaphore, #tpu.memory_space<semaphore_mem>>) src(%dma_wait3A_274 : memref<10000x128xf32, #tpu.memory_space<hbm>>) dst(%dma_wait3A_264 : memref<100x128xf32, #tpu.memory_space<vmem>>)
      %rem3A_277 = arith.constant 3 : i32
      %rem3A_278 = arith.remsi %add3A_258, %rem3A_277 : i32
      %dma_start3A_279 = arith.constant 0 : i32
      %dma_start3A_280 = arith.constant 0 : i32
      %dma_start3A_281 = tpu.memref_slice %arg9[%rem3A_278, %dma_start3A_279, %dma_start3A_280] : memref<3x100x128xf32, #tpu.memory_space<vmem>> -> memref<1x100x128xf32, #tpu.memory_space<vmem>>
      %dma_start3A_282 = tpu.memref_squeeze %dma_start3A_281 : memref<1x100x128xf32, #tpu.memory_space<vmem>> -> memref<100x128xf32, #tpu.memory_space<vmem>>
      %dma_start3A_283 = arith.constant 0 : i32
      %dma_start3A_284 = tpu.memref_slice %arg8[%add3A_258, %dma_start3A_283] : memref<25x100xi32, #tpu.memory_space<vmem>> -> memref<1x100xi32, #tpu.memory_space<vmem>>
      %dma_start3A_285 = tpu.memref_squeeze %dma_start3A_284 : memref<1x100xi32, #tpu.memory_space<vmem>> -> memref<100xi32, #tpu.memory_space<vmem>>
      %dma_start3A_286 = arith.constant 0 : i32
      %dma_start3A_287 = arith.constant 0 : i32
      %dma_start3A_288 = tpu.memref_slice %arg10[%dma_start3A_286, %dma_start3A_287] : memref<10240x128xf32, #tpu.memory_space<vmem_shared>> -> memref<10240x128xf32, #tpu.memory_space<vmem_shared>>
      %dma_start3A_289 = tpu.memref_slice %arg12[%rem3A_278] : memref<3x!tpu.dma_semaphore, #tpu.memory_space<semaphore_mem>> -> memref<1x!tpu.dma_semaphore, #tpu.memory_space<semaphore_mem>>
      %dma_start3A_290 = tpu.memref_squeeze %dma_start3A_289 : memref<1x!tpu.dma_semaphore, #tpu.memory_space<semaphore_mem>> -> memref<!tpu.dma_semaphore, #tpu.memory_space<semaphore_mem>>
      tpu.enqueue_indirect_dma source(%dma_start3A_282 : memref<100x128xf32, #tpu.memory_space<vmem>>) target(%dma_start3A_288 : memref<10240x128xf32, #tpu.memory_space<vmem_shared>>) offsets(%dma_start3A_285 : memref<100xi32, #tpu.memory_space<vmem>>) semaphore(%dma_start3A_290 : memref<!tpu.dma_semaphore, #tpu.memory_space<semaphore_mem>>) {add = true}
      %ge3A = arith.constant 1 : i32
      %ge3A_291 = arith.cmpi sge, %add3A_258, %ge3A : i32
      %convert_element_type3A_292 = arith.extui %ge3A_291 : i1 to i32
      %cond3A_293 = arith.constant 0 : i32
      %cond3A_294 = arith.cmpi ne, %convert_element_type3A_292, %cond3A_293 : i32
      scf.if %cond3A_294 {
        %sub3A = arith.constant 1 : i32
        %sub3A_302 = arith.subi %add3A_258, %sub3A : i32
        %max3A = arith.constant 0 : i32
        %max3A_303 = arith.maxsi %sub3A_302, %max3A : i32
        %rem3A_304 = arith.constant 3 : i32
        %rem3A_305 = arith.remsi %max3A_303, %rem3A_304 : i32
        %dma_wait3A_306 = arith.constant 0 : i32
        %dma_wait3A_307 = arith.constant 0 : i32
        %dma_wait3A_308 = tpu.memref_slice %arg9[%rem3A_305, %dma_wait3A_306, %dma_wait3A_307] : memref<3x100x128xf32, #tpu.memory_space<vmem>> -> memref<1x100x128xf32, #tpu.memory_space<vmem>>
        %dma_wait3A_309 = tpu.memref_squeeze %dma_wait3A_308 : memref<1x100x128xf32, #tpu.memory_space<vmem>> -> memref<100x128xf32, #tpu.memory_space<vmem>>
        %dma_wait3A_310 = arith.constant 0 : i32
        %dma_wait3A_311 = tpu.memref_slice %arg8[%max3A_303, %dma_wait3A_310] : memref<25x100xi32, #tpu.memory_space<vmem>> -> memref<1x100xi32, #tpu.memory_space<vmem>>
        %dma_wait3A_312 = tpu.memref_squeeze %dma_wait3A_311 : memref<1x100xi32, #tpu.memory_space<vmem>> -> memref<100xi32, #tpu.memory_space<vmem>>
        %dma_wait3A_313 = arith.constant 0 : i32
        %dma_wait3A_314 = arith.constant 0 : i32
        %dma_wait3A_315 = tpu.memref_slice %arg10[%dma_wait3A_313, %dma_wait3A_314] : memref<10240x128xf32, #tpu.memory_space<vmem_shared>> -> memref<10240x128xf32, #tpu.memory_space<vmem_shared>>
        %dma_wait3A_316 = tpu.memref_slice %arg12[%rem3A_305] : memref<3x!tpu.dma_semaphore, #tpu.memory_space<semaphore_mem>> -> memref<1x!tpu.dma_semaphore, #tpu.memory_space<semaphore_mem>>
        %dma_wait3A_317 = tpu.memref_squeeze %dma_wait3A_316 : memref<1x!tpu.dma_semaphore, #tpu.memory_space<semaphore_mem>> -> memref<!tpu.dma_semaphore, #tpu.memory_space<semaphore_mem>>
        tpu.wait_indirect_dma semaphore(%dma_wait3A_317 : memref<!tpu.dma_semaphore, #tpu.memory_space<semaphore_mem>>) src(%dma_wait3A_309 : memref<100x128xf32, #tpu.memory_space<vmem>>) dst(%dma_wait3A_315 : memref<10240x128xf32, #tpu.memory_space<vmem_shared>>)
      } else {
      }
      %add3A_295 = arith.constant 2 : i32
      %add3A_296 = arith.addi %add3A_258, %add3A_295 : i32
      %lt3A_297 = arith.constant 25 : i32
      %lt3A_298 = arith.cmpi slt, %add3A_296, %lt3A_297 : i32
      %convert_element_type3A_299 = arith.extui %lt3A_298 : i1 to i32
      %cond3A_300 = arith.constant 0 : i32
      %cond3A_301 = arith.cmpi ne, %convert_element_type3A_299, %cond3A_300 : i32
      scf.if %cond3A_301 {
        %add3A_302 = arith.constant 2 : i32
        %add3A_303 = arith.addi %add3A_258, %add3A_302 : i32
        %min3A = arith.constant 24 : i32
        %min3A_304 = arith.minsi %add3A_303, %min3A : i32
        %rem3A_305 = arith.constant 3 : i32
        %rem3A_306 = arith.remsi %min3A_304, %rem3A_305 : i32
        %dma_start3A_307 = arith.constant 0 : i32
        %dma_start3A_308 = arith.constant 0 : i32
        %dma_start3A_309 = tpu.memref_slice %arg9[%rem3A_306, %dma_start3A_307, %dma_start3A_308] : memref<3x100x128xf32, #tpu.memory_space<vmem>> -> memref<1x100x128xf32, #tpu.memory_space<vmem>>
        %dma_start3A_310 = tpu.memref_squeeze %dma_start3A_309 : memref<1x100x128xf32, #tpu.memory_space<vmem>> -> memref<100x128xf32, #tpu.memory_space<vmem>>
        %dma_start3A_311 = arith.constant 0 : i32
        %dma_start3A_312 = tpu.memref_slice %arg7[%min3A_304, %dma_start3A_311] : memref<25x100xi32, #tpu.memory_space<vmem>> -> memref<1x100xi32, #tpu.memory_space<vmem>>
        %dma_start3A_313 = tpu.memref_squeeze %dma_start3A_312 : memref<1x100xi32, #tpu.memory_space<vmem>> -> memref<100xi32, #tpu.memory_space<vmem>>
        %dma_start3A_314 = arith.constant 0 : i32
        %dma_start3A_315 = arith.constant 0 : i32
        %dma_start3A_316 = tpu.memref_slice %arg2[%arg0, %dma_start3A_314, %dma_start3A_315] : memref<2x10000x128xf32, #tpu.memory_space<hbm>> -> memref<1x10000x128xf32, #tpu.memory_space<hbm>>
        %dma_start3A_317 = tpu.memref_squeeze %dma_start3A_316 : memref<1x10000x128xf32, #tpu.memory_space<hbm>> -> memref<10000x128xf32, #tpu.memory_space<hbm>>
        %dma_start3A_318 = arith.constant 0 : i32
        %dma_start3A_319 = arith.constant 0 : i32
        %dma_start3A_320 = tpu.memref_slice %dma_start3A_317[%dma_start3A_318, %dma_start3A_319] : memref<10000x128xf32, #tpu.memory_space<hbm>> -> memref<10000x128xf32, #tpu.memory_space<hbm>>
        %dma_start3A_321 = tpu.memref_slice %arg11[%rem3A_306] : memref<3x!tpu.dma_semaphore, #tpu.memory_space<semaphore_mem>> -> memref<1x!tpu.dma_semaphore, #tpu.memory_space<semaphore_mem>>
        %dma_start3A_322 = tpu.memref_squeeze %dma_start3A_321 : memref<1x!tpu.dma_semaphore, #tpu.memory_space<semaphore_mem>> -> memref<!tpu.dma_semaphore, #tpu.memory_space<semaphore_mem>>
        tpu.enqueue_indirect_dma source(%dma_start3A_320 : memref<10000x128xf32, #tpu.memory_space<hbm>>) target(%dma_start3A_310 : memref<100x128xf32, #tpu.memory_space<vmem>>) offsets(%dma_start3A_313 : memref<100xi32, #tpu.memory_space<vmem>>) semaphore(%dma_start3A_322 : memref<!tpu.dma_semaphore, #tpu.memory_space<semaphore_mem>>)
      } else {
      }
    }
    %scan3A_237 = arith.constant 25 : i32
    %rem3A_238 = arith.constant 24 : i32
    %rem3A_239 = arith.constant 3 : i32
    %rem3A_240 = arith.remsi %rem3A_238, %rem3A_239 : i32
    %dma_wait3A_241 = arith.constant 24 : i32
    %dma_wait3A_242 = arith.constant 0 : i32
    %dma_wait3A_243 = arith.constant 0 : i32
    %dma_wait3A_244 = tpu.memref_slice %arg9[%rem3A_240, %dma_wait3A_242, %dma_wait3A_243] : memref<3x100x128xf32, #tpu.memory_space<vmem>> -> memref<1x100x128xf32, #tpu.memory_space<vmem>>
    %dma_wait3A_245 = tpu.memref_squeeze %dma_wait3A_244 : memref<1x100x128xf32, #tpu.memory_space<vmem>> -> memref<100x128xf32, #tpu.memory_space<vmem>>
    %dma_wait3A_246 = arith.constant 0 : i32
    %dma_wait3A_247 = tpu.memref_slice %arg8[%dma_wait3A_241, %dma_wait3A_246] : memref<25x100xi32, #tpu.memory_space<vmem>> -> memref<1x100xi32, #tpu.memory_space<vmem>>
    %dma_wait3A_248 = tpu.memref_squeeze %dma_wait3A_247 : memref<1x100xi32, #tpu.memory_space<vmem>> -> memref<100xi32, #tpu.memory_space<vmem>>
    %dma_wait3A_249 = arith.constant 0 : i32
    %dma_wait3A_250 = arith.constant 0 : i32
    %dma_wait3A_251 = tpu.memref_slice %arg10[%dma_wait3A_249, %dma_wait3A_250] : memref<10240x128xf32, #tpu.memory_space<vmem_shared>> -> memref<10240x128xf32, #tpu.memory_space<vmem_shared>>
    %dma_wait3A_252 = tpu.memref_slice %arg12[%rem3A_240] : memref<3x!tpu.dma_semaphore, #tpu.memory_space<semaphore_mem>> -> memref<1x!tpu.dma_semaphore, #tpu.memory_space<semaphore_mem>>
    %dma_wait3A_253 = tpu.memref_squeeze %dma_wait3A_252 : memref<1x!tpu.dma_semaphore, #tpu.memory_space<semaphore_mem>> -> memref<!tpu.dma_semaphore, #tpu.memory_space<semaphore_mem>>
    tpu.wait_indirect_dma semaphore(%dma_wait3A_253 : memref<!tpu.dma_semaphore, #tpu.memory_space<semaphore_mem>>) src(%dma_wait3A_245 : memref<100x128xf32, #tpu.memory_space<vmem>>) dst(%dma_wait3A_251 : memref<10240x128xf32, #tpu.memory_space<vmem_shared>>)
    %barrier3A_254 = arith.constant 0 : index
    tpu.barrier barrier_id(%barrier3A_254)
    "tpu.region"() ({
      %run_scoped3A_255 = tpu.sem_alloc : memref<!tpu.dma_semaphore, #tpu.memory_space<semaphore_mem>>
      %dma_start3A_256 = arith.constant 0 : i32
      %dma_start3A_257 = tpu.memref_slice %arg6[%arg0, %mul3A_0, %dma_start3A_256] : memref<2x10240x128xf32, #tpu.memory_space<hbm>> -> memref<1x640x128xf32, #tpu.memory_space<hbm>>
      %dma_start3A_258 = tpu.memref_squeeze %dma_start3A_257 : memref<1x640x128xf32, #tpu.memory_space<hbm>> -> memref<640x128xf32, #tpu.memory_space<hbm>>
      %dma_start3A_259 = arith.constant 0 : i32
      %dma_start3A_260 = tpu.memref_slice %arg10[%mul3A_0, %dma_start3A_259] : memref<10240x128xf32, #tpu.memory_space<vmem_shared>> -> memref<640x128xf32, #tpu.memory_space<vmem_shared>>
      tpu.enqueue_dma source(%dma_start3A_260 : memref<640x128xf32, #tpu.memory_space<vmem_shared>>) target(%dma_start3A_258 : memref<640x128xf32, #tpu.memory_space<hbm>>) target_semaphore(%run_scoped3A_255 : memref<!tpu.dma_semaphore, #tpu.memory_space<semaphore_mem>>)
      %dma_wait3A_261 = arith.constant 0 : i32
      %dma_wait3A_262 = tpu.memref_slice %arg6[%arg0, %mul3A_0, %dma_wait3A_261] : memref<2x10240x128xf32, #tpu.memory_space<hbm>> -> memref<1x640x128xf32, #tpu.memory_space<hbm>>
      %dma_wait3A_263 = tpu.memref_squeeze %dma_wait3A_262 : memref<1x640x128xf32, #tpu.memory_space<hbm>> -> memref<640x128xf32, #tpu.memory_space<hbm>>
      %dma_wait3A_264 = arith.constant 0 : i32
      %dma_wait3A_265 = tpu.memref_slice %arg10[%mul3A_0, %dma_wait3A_264] : memref<10240x128xf32, #tpu.memory_space<vmem_shared>> -> memref<640x128xf32, #tpu.memory_space<vmem_shared>>
      tpu.wait_dma2 semaphore(%run_scoped3A_255 : memref<!tpu.dma_semaphore, #tpu.memory_space<semaphore_mem>>) src(%dma_wait3A_265 : memref<640x128xf32, #tpu.memory_space<vmem_shared>>) dst(%dma_wait3A_263 : memref<640x128xf32, #tpu.memory_space<hbm>>)
      tpu.yield
    }) : () -> ()
    return
  }
}

#map = affine_map<(d0, d1) -> (0, 0, 0)>
#map1 = affine_map<(d0, d1) -> (0, 0, 0, 0)>
#map2 = affine_map<(d0, d1) -> (0, 0)>
module attributes {stable_mosaic.version = 14 : i64} {
  func.func @_scatter_body(%arg0: i32, %arg1: i32, %arg2: memref<2x10000x128xf32, #tpu.memory_space<hbm>>, %arg3: memref<16x4x25x100xi32, #tpu.memory_space<hbm>>, %arg4: memref<16x4x25x100xi32, #tpu.memory_space<hbm>>, %arg5: memref<128x128xf32, #tpu.memory_space<hbm>>, %arg6: memref<2x10240x128xf32, #tpu.memory_space<hbm>>, %arg7: memref<25x100xi32, #tpu.memory_space<vmem>>, %arg8: memref<25x100xi32, #tpu.memory_space<vmem>>, %arg9: memref<3x100x128xf32, #tpu.memory_space<vmem>>, %arg10: memref<10240x128xf32, #tpu.memory_space<vmem_shared>>, %arg11: memref<3x!tpu.dma_semaphore, #tpu.memory_space<semaphore_mem>>, %arg12: memref<3x!tpu.dma_semaphore, #tpu.memory_space<semaphore_mem>>, %arg13: memref<!tpu.dma_semaphore, #tpu.memory_space<semaphore_mem>>) attributes {dimension_semantics = [#tpu.dimension_semantics<core_parallel>, #tpu.dimension_semantics<subcore_parallel>], iteration_bounds = array<i64: 2, 16>, scalar_prefetch = 0 : i64, scratch_operands = 7 : i64, tpu.core_type = #tpu.core_type<sc_vector_subcore>, window_params = [{transform_indices = #map}, {transform_indices = #map1}, {transform_indices = #map1}, {transform_indices = #map2}, {transform_indices = #map}]} {
    %mul3A = arith.constant 640 : i32
    %mul3A_0 = arith.muli %arg1, %mul3A : i32
    %lt3A = arith.constant 15 : i32
    %lt3A_1 = arith.cmpi slt, %arg1, %lt3A : i32
    %convert_element_type3A = arith.extui %lt3A_1 : i1 to i32
    %cond3A = arith.constant 0 : i32
    %cond3A_2 = arith.cmpi ne, %convert_element_type3A, %cond3A : i32
    scf.if %cond3A_2 {
      %add3A = arith.constant 0 : i32
      %add3A_255 = arith.addi %mul3A_0, %add3A : i32
      %add3A_256 = arith.constant 0 : i32
      %add3A_257 = arith.addi %mul3A_0, %add3A_256 : i32
      %dma_start3A_258 = arith.constant 0 : i32
      %dma_start3A_259 = tpu.memref_slice %arg10[%add3A_257, %dma_start3A_258] : memref<10240x128xf32, #tpu.memory_space<vmem_shared>> -> memref<128x128xf32, #tpu.memory_space<vmem_shared>>
      %dma_start3A_260 = arith.constant 0 : i32
      %dma_start3A_261 = arith.constant 0 : i32
      %dma_start3A_262 = tpu.memref_slice %arg2[%arg0, %dma_start3A_260, %dma_start3A_261] : memref<2x10000x128xf32, #tpu.memory_space<hbm>> -> memref<1x10000x128xf32, #tpu.memory_space<hbm>>
      %dma_start3A_263 = tpu.memref_squeeze %dma_start3A_262 : memref<1x10000x128xf32, #tpu.memory_space<hbm>> -> memref<10000x128xf32, #tpu.memory_space<hbm>>
      %dma_start3A_264 = arith.constant 0 : i32
      %dma_start3A_265 = tpu.memref_slice %dma_start3A_263[%add3A_255, %dma_start3A_264] : memref<10000x128xf32, #tpu.memory_space<hbm>> -> memref<128x128xf32, #tpu.memory_space<hbm>>
      tpu.enqueue_dma source(%dma_start3A_265 : memref<128x128xf32, #tpu.memory_space<hbm>>) target(%dma_start3A_259 : memref<128x128xf32, #tpu.memory_space<vmem_shared>>) target_semaphore(%arg13 : memref<!tpu.dma_semaphore, #tpu.memory_space<semaphore_mem>>)
      %add3A_266 = arith.constant 128 : i32
      %add3A_267 = arith.addi %mul3A_0, %add3A_266 : i32
      %add3A_268 = arith.constant 128 : i32
      %add3A_269 = arith.addi %mul3A_0, %add3A_268 : i32
      %dma_start3A_270 = arith.constant 0 : i32
      %dma_start3A_271 = tpu.memref_slice %arg10[%add3A_269, %dma_start3A_270] : memref<10240x128xf32, #tpu.memory_space<vmem_shared>> -> memref<128x128xf32, #tpu.memory_space<vmem_shared>>
      %dma_start3A_272 = arith.constant 0 : i32
      %dma_start3A_273 = arith.constant 0 : i32
      %dma_start3A_274 = tpu.memref_slice %arg2[%arg0, %dma_start3A_272, %dma_start3A_273] : memref<2x10000x128xf32, #tpu.memory_space<hbm>> -> memref<1x10000x128xf32, #tpu.memory_space<hbm>>
      %dma_start3A_275 = tpu.memref_squeeze %dma_start3A_274 : memref<1x10000x128xf32, #tpu.memory_space<hbm>> -> memref<10000x128xf32, #tpu.memory_space<hbm>>
      %dma_start3A_276 = arith.constant 0 : i32
      %dma_start3A_277 = tpu.memref_slice %dma_start3A_275[%add3A_267, %dma_start3A_276] : memref<10000x128xf32, #tpu.memory_space<hbm>> -> memref<128x128xf32, #tpu.memory_space<hbm>>
      tpu.enqueue_dma source(%dma_start3A_277 : memref<128x128xf32, #tpu.memory_space<hbm>>) target(%dma_start3A_271 : memref<128x128xf32, #tpu.memory_space<vmem_shared>>) target_semaphore(%arg13 : memref<!tpu.dma_semaphore, #tpu.memory_space<semaphore_mem>>)
      %add3A_278 = arith.constant 256 : i32
      %add3A_279 = arith.addi %mul3A_0, %add3A_278 : i32
      %add3A_280 = arith.constant 256 : i32
      %add3A_281 = arith.addi %mul3A_0, %add3A_280 : i32
      %dma_start3A_282 = arith.constant 0 : i32
      %dma_start3A_283 = tpu.memref_slice %arg10[%add3A_281, %dma_start3A_282] : memref<10240x128xf32, #tpu.memory_space<vmem_shared>> -> memref<128x128xf32, #tpu.memory_space<vmem_shared>>
      %dma_start3A_284 = arith.constant 0 : i32
      %dma_start3A_285 = arith.constant 0 : i32
      %dma_start3A_286 = tpu.memref_slice %arg2[%arg0, %dma_start3A_284, %dma_start3A_285] : memref<2x10000x128xf32, #tpu.memory_space<hbm>> -> memref<1x10000x128xf32, #tpu.memory_space<hbm>>
      %dma_start3A_287 = tpu.memref_squeeze %dma_start3A_286 : memref<1x10000x128xf32, #tpu.memory_space<hbm>> -> memref<10000x128xf32, #tpu.memory_space<hbm>>
      %dma_start3A_288 = arith.constant 0 : i32
      %dma_start3A_289 = tpu.memref_slice %dma_start3A_287[%add3A_279, %dma_start3A_288] : memref<10000x128xf32, #tpu.memory_space<hbm>> -> memref<128x128xf32, #tpu.memory_space<hbm>>
      tpu.enqueue_dma source(%dma_start3A_289 : memref<128x128xf32, #tpu.memory_space<hbm>>) target(%dma_start3A_283 : memref<128x128xf32, #tpu.memory_space<vmem_shared>>) target_semaphore(%arg13 : memref<!tpu.dma_semaphore, #tpu.memory_space<semaphore_mem>>)
      %add3A_290 = arith.constant 384 : i32
      %add3A_291 = arith.addi %mul3A_0, %add3A_290 : i32
      %add3A_292 = arith.constant 384 : i32
      %add3A_293 = arith.addi %mul3A_0, %add3A_292 : i32
      %dma_start3A_294 = arith.constant 0 : i32
      %dma_start3A_295 = tpu.memref_slice %arg10[%add3A_293, %dma_start3A_294] : memref<10240x128xf32, #tpu.memory_space<vmem_shared>> -> memref<128x128xf32, #tpu.memory_space<vmem_shared>>
      %dma_start3A_296 = arith.constant 0 : i32
      %dma_start3A_297 = arith.constant 0 : i32
      %dma_start3A_298 = tpu.memref_slice %arg2[%arg0, %dma_start3A_296, %dma_start3A_297] : memref<2x10000x128xf32, #tpu.memory_space<hbm>> -> memref<1x10000x128xf32, #tpu.memory_space<hbm>>
      %dma_start3A_299 = tpu.memref_squeeze %dma_start3A_298 : memref<1x10000x128xf32, #tpu.memory_space<hbm>> -> memref<10000x128xf32, #tpu.memory_space<hbm>>
      %dma_start3A_300 = arith.constant 0 : i32
      %dma_start3A_301 = tpu.memref_slice %dma_start3A_299[%add3A_291, %dma_start3A_300] : memref<10000x128xf32, #tpu.memory_space<hbm>> -> memref<128x128xf32, #tpu.memory_space<hbm>>
      tpu.enqueue_dma source(%dma_start3A_301 : memref<128x128xf32, #tpu.memory_space<hbm>>) target(%dma_start3A_295 : memref<128x128xf32, #tpu.memory_space<vmem_shared>>) target_semaphore(%arg13 : memref<!tpu.dma_semaphore, #tpu.memory_space<semaphore_mem>>)
      %add3A_302 = arith.constant 512 : i32
      %add3A_303 = arith.addi %mul3A_0, %add3A_302 : i32
      %add3A_304 = arith.constant 512 : i32
      %add3A_305 = arith.addi %mul3A_0, %add3A_304 : i32
      %dma_start3A_306 = arith.constant 0 : i32
      %dma_start3A_307 = tpu.memref_slice %arg10[%add3A_305, %dma_start3A_306] : memref<10240x128xf32, #tpu.memory_space<vmem_shared>> -> memref<128x128xf32, #tpu.memory_space<vmem_shared>>
      %dma_start3A_308 = arith.constant 0 : i32
      %dma_start3A_309 = arith.constant 0 : i32
      %dma_start3A_310 = tpu.memref_slice %arg2[%arg0, %dma_start3A_308, %dma_start3A_309] : memref<2x10000x128xf32, #tpu.memory_space<hbm>> -> memref<1x10000x128xf32, #tpu.memory_space<hbm>>
      %dma_start3A_311 = tpu.memref_squeeze %dma_start3A_310 : memref<1x10000x128xf32, #tpu.memory_space<hbm>> -> memref<10000x128xf32, #tpu.memory_space<hbm>>
      %dma_start3A_312 = arith.constant 0 : i32
      %dma_start3A_313 = tpu.memref_slice %dma_start3A_311[%add3A_303, %dma_start3A_312] : memref<10000x128xf32, #tpu.memory_space<hbm>> -> memref<128x128xf32, #tpu.memory_space<hbm>>
      tpu.enqueue_dma source(%dma_start3A_313 : memref<128x128xf32, #tpu.memory_space<hbm>>) target(%dma_start3A_307 : memref<128x128xf32, #tpu.memory_space<vmem_shared>>) target_semaphore(%arg13 : memref<!tpu.dma_semaphore, #tpu.memory_space<semaphore_mem>>)
      %add3A_314 = arith.constant 0 : i32
      %add3A_315 = arith.addi %mul3A_0, %add3A_314 : i32
      %add3A_316 = arith.constant 0 : i32
      %add3A_317 = arith.addi %mul3A_0, %add3A_316 : i32
      %dma_wait3A_318 = arith.constant 0 : i32
      %dma_wait3A_319 = tpu.memref_slice %arg10[%add3A_317, %dma_wait3A_318] : memref<10240x128xf32, #tpu.memory_space<vmem_shared>> -> memref<128x128xf32, #tpu.memory_space<vmem_shared>>
      %dma_wait3A_320 = arith.constant 0 : i32
      %dma_wait3A_321 = arith.constant 0 : i32
      %dma_wait3A_322 = tpu.memref_slice %arg2[%arg0, %dma_wait3A_320, %dma_wait3A_321] : memref<2x10000x128xf32, #tpu.memory_space<hbm>> -> memref<1x10000x128xf32, #tpu.memory_space<hbm>>
      %dma_wait3A_323 = tpu.memref_squeeze %dma_wait3A_322 : memref<1x10000x128xf32, #tpu.memory_space<hbm>> -> memref<10000x128xf32, #tpu.memory_space<hbm>>
      %dma_wait3A_324 = arith.constant 0 : i32
      %dma_wait3A_325 = tpu.memref_slice %dma_wait3A_323[%add3A_315, %dma_wait3A_324] : memref<10000x128xf32, #tpu.memory_space<hbm>> -> memref<128x128xf32, #tpu.memory_space<hbm>>
      tpu.wait_dma2 semaphore(%arg13 : memref<!tpu.dma_semaphore, #tpu.memory_space<semaphore_mem>>) src(%dma_wait3A_325 : memref<128x128xf32, #tpu.memory_space<hbm>>) dst(%dma_wait3A_319 : memref<128x128xf32, #tpu.memory_space<vmem_shared>>)
      %add3A_326 = arith.constant 128 : i32
      %add3A_327 = arith.addi %mul3A_0, %add3A_326 : i32
      %add3A_328 = arith.constant 128 : i32
      %add3A_329 = arith.addi %mul3A_0, %add3A_328 : i32
      %dma_wait3A_330 = arith.constant 0 : i32
      %dma_wait3A_331 = tpu.memref_slice %arg10[%add3A_329, %dma_wait3A_330] : memref<10240x128xf32, #tpu.memory_space<vmem_shared>> -> memref<128x128xf32, #tpu.memory_space<vmem_shared>>
      %dma_wait3A_332 = arith.constant 0 : i32
      %dma_wait3A_333 = arith.constant 0 : i32
      %dma_wait3A_334 = tpu.memref_slice %arg2[%arg0, %dma_wait3A_332, %dma_wait3A_333] : memref<2x10000x128xf32, #tpu.memory_space<hbm>> -> memref<1x10000x128xf32, #tpu.memory_space<hbm>>
      %dma_wait3A_335 = tpu.memref_squeeze %dma_wait3A_334 : memref<1x10000x128xf32, #tpu.memory_space<hbm>> -> memref<10000x128xf32, #tpu.memory_space<hbm>>
      %dma_wait3A_336 = arith.constant 0 : i32
      %dma_wait3A_337 = tpu.memref_slice %dma_wait3A_335[%add3A_327, %dma_wait3A_336] : memref<10000x128xf32, #tpu.memory_space<hbm>> -> memref<128x128xf32, #tpu.memory_space<hbm>>
      tpu.wait_dma2 semaphore(%arg13 : memref<!tpu.dma_semaphore, #tpu.memory_space<semaphore_mem>>) src(%dma_wait3A_337 : memref<128x128xf32, #tpu.memory_space<hbm>>) dst(%dma_wait3A_331 : memref<128x128xf32, #tpu.memory_space<vmem_shared>>)
      %add3A_338 = arith.constant 256 : i32
      %add3A_339 = arith.addi %mul3A_0, %add3A_338 : i32
      %add3A_340 = arith.constant 256 : i32
      %add3A_341 = arith.addi %mul3A_0, %add3A_340 : i32
      %dma_wait3A_342 = arith.constant 0 : i32
      %dma_wait3A_343 = tpu.memref_slice %arg10[%add3A_341, %dma_wait3A_342] : memref<10240x128xf32, #tpu.memory_space<vmem_shared>> -> memref<128x128xf32, #tpu.memory_space<vmem_shared>>
      %dma_wait3A_344 = arith.constant 0 : i32
      %dma_wait3A_345 = arith.constant 0 : i32
      %dma_wait3A_346 = tpu.memref_slice %arg2[%arg0, %dma_wait3A_344, %dma_wait3A_345] : memref<2x10000x128xf32, #tpu.memory_space<hbm>> -> memref<1x10000x128xf32, #tpu.memory_space<hbm>>
      %dma_wait3A_347 = tpu.memref_squeeze %dma_wait3A_346 : memref<1x10000x128xf32, #tpu.memory_space<hbm>> -> memref<10000x128xf32, #tpu.memory_space<hbm>>
      %dma_wait3A_348 = arith.constant 0 : i32
      %dma_wait3A_349 = tpu.memref_slice %dma_wait3A_347[%add3A_339, %dma_wait3A_348] : memref<10000x128xf32, #tpu.memory_space<hbm>> -> memref<128x128xf32, #tpu.memory_space<hbm>>
      tpu.wait_dma2 semaphore(%arg13 : memref<!tpu.dma_semaphore, #tpu.memory_space<semaphore_mem>>) src(%dma_wait3A_349 : memref<128x128xf32, #tpu.memory_space<hbm>>) dst(%dma_wait3A_343 : memref<128x128xf32, #tpu.memory_space<vmem_shared>>)
      %add3A_350 = arith.constant 384 : i32
      %add3A_351 = arith.addi %mul3A_0, %add3A_350 : i32
      %add3A_352 = arith.constant 384 : i32
      %add3A_353 = arith.addi %mul3A_0, %add3A_352 : i32
      %dma_wait3A_354 = arith.constant 0 : i32
      %dma_wait3A_355 = tpu.memref_slice %arg10[%add3A_353, %dma_wait3A_354] : memref<10240x128xf32, #tpu.memory_space<vmem_shared>> -> memref<128x128xf32, #tpu.memory_space<vmem_shared>>
      %dma_wait3A_356 = arith.constant 0 : i32
      %dma_wait3A_357 = arith.constant 0 : i32
      %dma_wait3A_358 = tpu.memref_slice %arg2[%arg0, %dma_wait3A_356, %dma_wait3A_357] : memref<2x10000x128xf32, #tpu.memory_space<hbm>> -> memref<1x10000x128xf32, #tpu.memory_space<hbm>>
      %dma_wait3A_359 = tpu.memref_squeeze %dma_wait3A_358 : memref<1x10000x128xf32, #tpu.memory_space<hbm>> -> memref<10000x128xf32, #tpu.memory_space<hbm>>
      %dma_wait3A_360 = arith.constant 0 : i32
      %dma_wait3A_361 = tpu.memref_slice %dma_wait3A_359[%add3A_351, %dma_wait3A_360] : memref<10000x128xf32, #tpu.memory_space<hbm>> -> memref<128x128xf32, #tpu.memory_space<hbm>>
      tpu.wait_dma2 semaphore(%arg13 : memref<!tpu.dma_semaphore, #tpu.memory_space<semaphore_mem>>) src(%dma_wait3A_361 : memref<128x128xf32, #tpu.memory_space<hbm>>) dst(%dma_wait3A_355 : memref<128x128xf32, #tpu.memory_space<vmem_shared>>)
      %add3A_362 = arith.constant 512 : i32
      %add3A_363 = arith.addi %mul3A_0, %add3A_362 : i32
      %add3A_364 = arith.constant 512 : i32
      %add3A_365 = arith.addi %mul3A_0, %add3A_364 : i32
      %dma_wait3A_366 = arith.constant 0 : i32
      %dma_wait3A_367 = tpu.memref_slice %arg10[%add3A_365, %dma_wait3A_366] : memref<10240x128xf32, #tpu.memory_space<vmem_shared>> -> memref<128x128xf32, #tpu.memory_space<vmem_shared>>
      %dma_wait3A_368 = arith.constant 0 : i32
      %dma_wait3A_369 = arith.constant 0 : i32
      %dma_wait3A_370 = tpu.memref_slice %arg2[%arg0, %dma_wait3A_368, %dma_wait3A_369] : memref<2x10000x128xf32, #tpu.memory_space<hbm>> -> memref<1x10000x128xf32, #tpu.memory_space<hbm>>
      %dma_wait3A_371 = tpu.memref_squeeze %dma_wait3A_370 : memref<1x10000x128xf32, #tpu.memory_space<hbm>> -> memref<10000x128xf32, #tpu.memory_space<hbm>>
      %dma_wait3A_372 = arith.constant 0 : i32
      %dma_wait3A_373 = tpu.memref_slice %dma_wait3A_371[%add3A_363, %dma_wait3A_372] : memref<10000x128xf32, #tpu.memory_space<hbm>> -> memref<128x128xf32, #tpu.memory_space<hbm>>
      tpu.wait_dma2 semaphore(%arg13 : memref<!tpu.dma_semaphore, #tpu.memory_space<semaphore_mem>>) src(%dma_wait3A_373 : memref<128x128xf32, #tpu.memory_space<hbm>>) dst(%dma_wait3A_367 : memref<128x128xf32, #tpu.memory_space<vmem_shared>>)
    } else {
    }
    %eq3A = arith.constant 15 : i32
    %eq3A_3 = arith.cmpi eq, %arg1, %eq3A : i32
    %convert_element_type3A_4 = arith.extui %eq3A_3 : i1 to i32
    %cond3A_5 = arith.constant 0 : i32
    %cond3A_6 = arith.cmpi ne, %convert_element_type3A_4, %cond3A_5 : i32
    scf.if %cond3A_6 {
      %add3A = arith.constant 128 : i32
      %add3A_255 = arith.addi %mul3A_0, %add3A : i32
      %add3A_256 = arith.constant 128 : i32
      %add3A_257 = arith.addi %mul3A_0, %add3A_256 : i32
      %add3A_258 = arith.constant 256 : i32
      %add3A_259 = arith.addi %mul3A_0, %add3A_258 : i32
      %add3A_260 = arith.constant 256 : i32
      %add3A_261 = arith.addi %mul3A_0, %add3A_260 : i32
      %add3A_262 = arith.constant 384 : i32
      %add3A_263 = arith.addi %mul3A_0, %add3A_262 : i32
      %add3A_264 = arith.constant 384 : i32
      %add3A_265 = arith.addi %mul3A_0, %add3A_264 : i32
      %dma_start3A_266 = arith.constant 0 : i32
      %dma_start3A_267 = tpu.memref_slice %arg10[%mul3A_0, %dma_start3A_266] : memref<10240x128xf32, #tpu.memory_space<vmem_shared>> -> memref<128x128xf32, #tpu.memory_space<vmem_shared>>
      %dma_start3A_268 = arith.constant 0 : i32
      %dma_start3A_269 = arith.constant 0 : i32
      %dma_start3A_270 = tpu.memref_slice %arg2[%arg0, %dma_start3A_268, %dma_start3A_269] : memref<2x10000x128xf32, #tpu.memory_space<hbm>> -> memref<1x10000x128xf32, #tpu.memory_space<hbm>>
      %dma_start3A_271 = tpu.memref_squeeze %dma_start3A_270 : memref<1x10000x128xf32, #tpu.memory_space<hbm>> -> memref<10000x128xf32, #tpu.memory_space<hbm>>
      %dma_start3A_272 = arith.constant 0 : i32
      %dma_start3A_273 = tpu.memref_slice %dma_start3A_271[%mul3A_0, %dma_start3A_272] : memref<10000x128xf32, #tpu.memory_space<hbm>> -> memref<128x128xf32, #tpu.memory_space<hbm>>
      tpu.enqueue_dma source(%dma_start3A_273 : memref<128x128xf32, #tpu.memory_space<hbm>>) target(%dma_start3A_267 : memref<128x128xf32, #tpu.memory_space<vmem_shared>>) target_semaphore(%arg13 : memref<!tpu.dma_semaphore, #tpu.memory_space<semaphore_mem>>)
      %dma_start3A_274 = arith.constant 0 : i32
      %dma_start3A_275 = tpu.memref_slice %arg10[%add3A_257, %dma_start3A_274] : memref<10240x128xf32, #tpu.memory_space<vmem_shared>> -> memref<128x128xf32, #tpu.memory_space<vmem_shared>>
      %dma_start3A_276 = arith.constant 0 : i32
      %dma_start3A_277 = arith.constant 0 : i32
      %dma_start3A_278 = tpu.memref_slice %arg2[%arg0, %dma_start3A_276, %dma_start3A_277] : memref<2x10000x128xf32, #tpu.memory_space<hbm>> -> memref<1x10000x128xf32, #tpu.memory_space<hbm>>
      %dma_start3A_279 = tpu.memref_squeeze %dma_start3A_278 : memref<1x10000x128xf32, #tpu.memory_space<hbm>> -> memref<10000x128xf32, #tpu.memory_space<hbm>>
      %dma_start3A_280 = arith.constant 0 : i32
      %dma_start3A_281 = tpu.memref_slice %dma_start3A_279[%add3A_255, %dma_start3A_280] : memref<10000x128xf32, #tpu.memory_space<hbm>> -> memref<128x128xf32, #tpu.memory_space<hbm>>
      tpu.enqueue_dma source(%dma_start3A_281 : memref<128x128xf32, #tpu.memory_space<hbm>>) target(%dma_start3A_275 : memref<128x128xf32, #tpu.memory_space<vmem_shared>>) target_semaphore(%arg13 : memref<!tpu.dma_semaphore, #tpu.memory_space<semaphore_mem>>)
      %dma_start3A_282 = arith.constant 0 : i32
      %dma_start3A_283 = tpu.memref_slice %arg10[%add3A_261, %dma_start3A_282] : memref<10240x128xf32, #tpu.memory_space<vmem_shared>> -> memref<128x128xf32, #tpu.memory_space<vmem_shared>>
      %dma_start3A_284 = arith.constant 0 : i32
      %dma_start3A_285 = arith.constant 0 : i32
      %dma_start3A_286 = tpu.memref_slice %arg2[%arg0, %dma_start3A_284, %dma_start3A_285] : memref<2x10000x128xf32, #tpu.memory_space<hbm>> -> memref<1x10000x128xf32, #tpu.memory_space<hbm>>
      %dma_start3A_287 = tpu.memref_squeeze %dma_start3A_286 : memref<1x10000x128xf32, #tpu.memory_space<hbm>> -> memref<10000x128xf32, #tpu.memory_space<hbm>>
      %dma_start3A_288 = arith.constant 0 : i32
      %dma_start3A_289 = tpu.memref_slice %dma_start3A_287[%add3A_259, %dma_start3A_288] : memref<10000x128xf32, #tpu.memory_space<hbm>> -> memref<128x128xf32, #tpu.memory_space<hbm>>
      tpu.enqueue_dma source(%dma_start3A_289 : memref<128x128xf32, #tpu.memory_space<hbm>>) target(%dma_start3A_283 : memref<128x128xf32, #tpu.memory_space<vmem_shared>>) target_semaphore(%arg13 : memref<!tpu.dma_semaphore, #tpu.memory_space<semaphore_mem>>)
      %dma_start3A_290 = arith.constant 0 : i32
      %dma_start3A_291 = tpu.memref_slice %arg10[%add3A_265, %dma_start3A_290] : memref<10240x128xf32, #tpu.memory_space<vmem_shared>> -> memref<16x128xf32, #tpu.memory_space<vmem_shared>>
      %dma_start3A_292 = arith.constant 0 : i32
      %dma_start3A_293 = arith.constant 0 : i32
      %dma_start3A_294 = tpu.memref_slice %arg2[%arg0, %dma_start3A_292, %dma_start3A_293] : memref<2x10000x128xf32, #tpu.memory_space<hbm>> -> memref<1x10000x128xf32, #tpu.memory_space<hbm>>
      %dma_start3A_295 = tpu.memref_squeeze %dma_start3A_294 : memref<1x10000x128xf32, #tpu.memory_space<hbm>> -> memref<10000x128xf32, #tpu.memory_space<hbm>>
      %dma_start3A_296 = arith.constant 0 : i32
      %dma_start3A_297 = tpu.memref_slice %dma_start3A_295[%add3A_263, %dma_start3A_296] : memref<10000x128xf32, #tpu.memory_space<hbm>> -> memref<16x128xf32, #tpu.memory_space<hbm>>
      tpu.enqueue_dma source(%dma_start3A_297 : memref<16x128xf32, #tpu.memory_space<hbm>>) target(%dma_start3A_291 : memref<16x128xf32, #tpu.memory_space<vmem_shared>>) target_semaphore(%arg13 : memref<!tpu.dma_semaphore, #tpu.memory_space<semaphore_mem>>)
      %dma_start3A_298 = arith.constant 10000 : i32
      %dma_start3A_299 = arith.constant 0 : i32
      %dma_start3A_300 = tpu.memref_slice %arg10[%dma_start3A_298, %dma_start3A_299] : memref<10240x128xf32, #tpu.memory_space<vmem_shared>> -> memref<128x128xf32, #tpu.memory_space<vmem_shared>>
      tpu.enqueue_dma source(%arg5 : memref<128x128xf32, #tpu.memory_space<hbm>>) target(%dma_start3A_300 : memref<128x128xf32, #tpu.memory_space<vmem_shared>>) target_semaphore(%arg13 : memref<!tpu.dma_semaphore, #tpu.memory_space<semaphore_mem>>)
      %dma_start3A_301 = arith.constant 10128 : i32
      %dma_start3A_302 = arith.constant 0 : i32
      %dma_start3A_303 = tpu.memref_slice %arg10[%dma_start3A_301, %dma_start3A_302] : memref<10240x128xf32, #tpu.memory_space<vmem_shared>> -> memref<112x128xf32, #tpu.memory_space<vmem_shared>>
      %dma_start3A_304 = arith.constant 0 : i32
      %dma_start3A_305 = arith.constant 0 : i32
      %dma_start3A_306 = tpu.memref_slice %arg5[%dma_start3A_304, %dma_start3A_305] : memref<128x128xf32, #tpu.memory_space<hbm>> -> memref<112x128xf32, #tpu.memory_space<hbm>>
      tpu.enqueue_dma source(%dma_start3A_306 : memref<112x128xf32, #tpu.memory_space<hbm>>) target(%dma_start3A_303 : memref<112x128xf32, #tpu.memory_space<vmem_shared>>) target_semaphore(%arg13 : memref<!tpu.dma_semaphore, #tpu.memory_space<semaphore_mem>>)
      %dma_wait3A_307 = arith.constant 0 : i32
      %dma_wait3A_308 = tpu.memref_slice %arg10[%mul3A_0, %dma_wait3A_307] : memref<10240x128xf32, #tpu.memory_space<vmem_shared>> -> memref<128x128xf32, #tpu.memory_space<vmem_shared>>
      %dma_wait3A_309 = arith.constant 0 : i32
      %dma_wait3A_310 = arith.constant 0 : i32
      %dma_wait3A_311 = tpu.memref_slice %arg2[%arg0, %dma_wait3A_309, %dma_wait3A_310] : memref<2x10000x128xf32, #tpu.memory_space<hbm>> -> memref<1x10000x128xf32, #tpu.memory_space<hbm>>
      %dma_wait3A_312 = tpu.memref_squeeze %dma_wait3A_311 : memref<1x10000x128xf32, #tpu.memory_space<hbm>> -> memref<10000x128xf32, #tpu.memory_space<hbm>>
      %dma_wait3A_313 = arith.constant 0 : i32
      %dma_wait3A_314 = tpu.memref_slice %dma_wait3A_312[%mul3A_0, %dma_wait3A_313] : memref<10000x128xf32, #tpu.memory_space<hbm>> -> memref<128x128xf32, #tpu.memory_space<hbm>>
      tpu.wait_dma2 semaphore(%arg13 : memref<!tpu.dma_semaphore, #tpu.memory_space<semaphore_mem>>) src(%dma_wait3A_314 : memref<128x128xf32, #tpu.memory_space<hbm>>) dst(%dma_wait3A_308 : memref<128x128xf32, #tpu.memory_space<vmem_shared>>)
      %dma_wait3A_315 = arith.constant 0 : i32
      %dma_wait3A_316 = tpu.memref_slice %arg10[%add3A_257, %dma_wait3A_315] : memref<10240x128xf32, #tpu.memory_space<vmem_shared>> -> memref<128x128xf32, #tpu.memory_space<vmem_shared>>
      %dma_wait3A_317 = arith.constant 0 : i32
      %dma_wait3A_318 = arith.constant 0 : i32
      %dma_wait3A_319 = tpu.memref_slice %arg2[%arg0, %dma_wait3A_317, %dma_wait3A_318] : memref<2x10000x128xf32, #tpu.memory_space<hbm>> -> memref<1x10000x128xf32, #tpu.memory_space<hbm>>
      %dma_wait3A_320 = tpu.memref_squeeze %dma_wait3A_319 : memref<1x10000x128xf32, #tpu.memory_space<hbm>> -> memref<10000x128xf32, #tpu.memory_space<hbm>>
      %dma_wait3A_321 = arith.constant 0 : i32
      %dma_wait3A_322 = tpu.memref_slice %dma_wait3A_320[%add3A_255, %dma_wait3A_321] : memref<10000x128xf32, #tpu.memory_space<hbm>> -> memref<128x128xf32, #tpu.memory_space<hbm>>
      tpu.wait_dma2 semaphore(%arg13 : memref<!tpu.dma_semaphore, #tpu.memory_space<semaphore_mem>>) src(%dma_wait3A_322 : memref<128x128xf32, #tpu.memory_space<hbm>>) dst(%dma_wait3A_316 : memref<128x128xf32, #tpu.memory_space<vmem_shared>>)
      %dma_wait3A_323 = arith.constant 0 : i32
      %dma_wait3A_324 = tpu.memref_slice %arg10[%add3A_261, %dma_wait3A_323] : memref<10240x128xf32, #tpu.memory_space<vmem_shared>> -> memref<128x128xf32, #tpu.memory_space<vmem_shared>>
      %dma_wait3A_325 = arith.constant 0 : i32
      %dma_wait3A_326 = arith.constant 0 : i32
      %dma_wait3A_327 = tpu.memref_slice %arg2[%arg0, %dma_wait3A_325, %dma_wait3A_326] : memref<2x10000x128xf32, #tpu.memory_space<hbm>> -> memref<1x10000x128xf32, #tpu.memory_space<hbm>>
      %dma_wait3A_328 = tpu.memref_squeeze %dma_wait3A_327 : memref<1x10000x128xf32, #tpu.memory_space<hbm>> -> memref<10000x128xf32, #tpu.memory_space<hbm>>
      %dma_wait3A_329 = arith.constant 0 : i32
      %dma_wait3A_330 = tpu.memref_slice %dma_wait3A_328[%add3A_259, %dma_wait3A_329] : memref<10000x128xf32, #tpu.memory_space<hbm>> -> memref<128x128xf32, #tpu.memory_space<hbm>>
      tpu.wait_dma2 semaphore(%arg13 : memref<!tpu.dma_semaphore, #tpu.memory_space<semaphore_mem>>) src(%dma_wait3A_330 : memref<128x128xf32, #tpu.memory_space<hbm>>) dst(%dma_wait3A_324 : memref<128x128xf32, #tpu.memory_space<vmem_shared>>)
      %dma_wait3A_331 = arith.constant 0 : i32
      %dma_wait3A_332 = tpu.memref_slice %arg10[%add3A_265, %dma_wait3A_331] : memref<10240x128xf32, #tpu.memory_space<vmem_shared>> -> memref<16x128xf32, #tpu.memory_space<vmem_shared>>
      %dma_wait3A_333 = arith.constant 0 : i32
      %dma_wait3A_334 = arith.constant 0 : i32
      %dma_wait3A_335 = tpu.memref_slice %arg2[%arg0, %dma_wait3A_333, %dma_wait3A_334] : memref<2x10000x128xf32, #tpu.memory_space<hbm>> -> memref<1x10000x128xf32, #tpu.memory_space<hbm>>
      %dma_wait3A_336 = tpu.memref_squeeze %dma_wait3A_335 : memref<1x10000x128xf32, #tpu.memory_space<hbm>> -> memref<10000x128xf32, #tpu.memory_space<hbm>>
      %dma_wait3A_337 = arith.constant 0 : i32
      %dma_wait3A_338 = tpu.memref_slice %dma_wait3A_336[%add3A_263, %dma_wait3A_337] : memref<10000x128xf32, #tpu.memory_space<hbm>> -> memref<16x128xf32, #tpu.memory_space<hbm>>
      tpu.wait_dma2 semaphore(%arg13 : memref<!tpu.dma_semaphore, #tpu.memory_space<semaphore_mem>>) src(%dma_wait3A_338 : memref<16x128xf32, #tpu.memory_space<hbm>>) dst(%dma_wait3A_332 : memref<16x128xf32, #tpu.memory_space<vmem_shared>>)
      %dma_wait3A_339 = arith.constant 10000 : i32
      %dma_wait3A_340 = arith.constant 0 : i32
      %dma_wait3A_341 = tpu.memref_slice %arg10[%dma_wait3A_339, %dma_wait3A_340] : memref<10240x128xf32, #tpu.memory_space<vmem_shared>> -> memref<128x128xf32, #tpu.memory_space<vmem_shared>>
      tpu.wait_dma2 semaphore(%arg13 : memref<!tpu.dma_semaphore, #tpu.memory_space<semaphore_mem>>) src(%arg5 : memref<128x128xf32, #tpu.memory_space<hbm>>) dst(%dma_wait3A_341 : memref<128x128xf32, #tpu.memory_space<vmem_shared>>)
      %dma_wait3A_342 = arith.constant 10128 : i32
      %dma_wait3A_343 = arith.constant 0 : i32
      %dma_wait3A_344 = tpu.memref_slice %arg10[%dma_wait3A_342, %dma_wait3A_343] : memref<10240x128xf32, #tpu.memory_space<vmem_shared>> -> memref<112x128xf32, #tpu.memory_space<vmem_shared>>
      %dma_wait3A_345 = arith.constant 0 : i32
      %dma_wait3A_346 = arith.constant 0 : i32
      %dma_wait3A_347 = tpu.memref_slice %arg5[%dma_wait3A_345, %dma_wait3A_346] : memref<128x128xf32, #tpu.memory_space<hbm>> -> memref<112x128xf32, #tpu.memory_space<hbm>>
      tpu.wait_dma2 semaphore(%arg13 : memref<!tpu.dma_semaphore, #tpu.memory_space<semaphore_mem>>) src(%dma_wait3A_347 : memref<112x128xf32, #tpu.memory_space<hbm>>) dst(%dma_wait3A_344 : memref<112x128xf32, #tpu.memory_space<vmem_shared>>)
    } else {
    }
    %barrier3A = arith.constant 0 : index
    tpu.barrier barrier_id(%barrier3A)
    %run_scoped3A = arith.constant 0 : i32
    "tpu.region"() ({
      %run_scoped3A_255 = tpu.sem_alloc : memref<!tpu.dma_semaphore, #tpu.memory_space<semaphore_mem>>
      %dma_start3A_256 = arith.constant 0 : i32
      %dma_start3A_257 = arith.constant 0 : i32
      %dma_start3A_258 = tpu.memref_slice %arg3[%arg1, %run_scoped3A, %dma_start3A_256, %dma_start3A_257] : memref<16x4x25x100xi32, #tpu.memory_space<hbm>> -> memref<1x1x25x100xi32, #tpu.memory_space<hbm>>
      %dma_start3A_259 = tpu.memref_squeeze %dma_start3A_258 : memref<1x1x25x100xi32, #tpu.memory_space<hbm>> -> memref<25x100xi32, #tpu.memory_space<hbm>>
      %dma_start3A_260 = arith.constant 0 : i32
      %dma_start3A_261 = arith.constant 0 : i32
      %dma_start3A_262 = tpu.memref_slice %arg3[%arg1, %run_scoped3A, %dma_start3A_260, %dma_start3A_261] : memref<16x4x25x100xi32, #tpu.memory_space<hbm>> -> memref<1x1x25x100xi32, #tpu.memory_space<hbm>>
      %dma_start3A_263 = tpu.memref_squeeze %dma_start3A_262 : memref<1x1x25x100xi32, #tpu.memory_space<hbm>> -> memref<25x100xi32, #tpu.memory_space<hbm>>
      tpu.enqueue_dma source(%dma_start3A_263 : memref<25x100xi32, #tpu.memory_space<hbm>>) target(%arg7 : memref<25x100xi32, #tpu.memory_space<vmem>>) target_semaphore(%run_scoped3A_255 : memref<!tpu.dma_semaphore, #tpu.memory_space<semaphore_mem>>)
      %dma_wait3A_264 = arith.constant 0 : i32
      %dma_wait3A_265 = arith.constant 0 : i32
      %dma_wait3A_266 = tpu.memref_slice %arg3[%arg1, %run_scoped3A, %dma_wait3A_264, %dma_wait3A_265] : memref<16x4x25x100xi32, #tpu.memory_space<hbm>> -> memref<1x1x25x100xi32, #tpu.memory_space<hbm>>
      %dma_wait3A_267 = tpu.memref_squeeze %dma_wait3A_266 : memref<1x1x25x100xi32, #tpu.memory_space<hbm>> -> memref<25x100xi32, #tpu.memory_space<hbm>>
      %dma_wait3A_268 = arith.constant 0 : i32
      %dma_wait3A_269 = arith.constant 0 : i32
      %dma_wait3A_270 = tpu.memref_slice %arg3[%arg1, %run_scoped3A, %dma_wait3A_268, %dma_wait3A_269] : memref<16x4x25x100xi32, #tpu.memory_space<hbm>> -> memref<1x1x25x100xi32, #tpu.memory_space<hbm>>
      %dma_wait3A_271 = tpu.memref_squeeze %dma_wait3A_270 : memref<1x1x25x100xi32, #tpu.memory_space<hbm>> -> memref<25x100xi32, #tpu.memory_space<hbm>>
      tpu.wait_dma2 semaphore(%run_scoped3A_255 : memref<!tpu.dma_semaphore, #tpu.memory_space<semaphore_mem>>) src(%dma_wait3A_271 : memref<25x100xi32, #tpu.memory_space<hbm>>) dst(%arg7 : memref<25x100xi32, #tpu.memory_space<vmem>>)
      tpu.yield
    }) : () -> ()
    %run_scoped3A_7 = arith.constant 0 : i32
    "tpu.region"() ({
      %run_scoped3A_255 = tpu.sem_alloc : memref<!tpu.dma_semaphore, #tpu.memory_space<semaphore_mem>>
      %dma_start3A_256 = arith.constant 0 : i32
      %dma_start3A_257 = arith.constant 0 : i32
      %dma_start3A_258 = tpu.memref_slice %arg4[%arg1, %run_scoped3A_7, %dma_start3A_256, %dma_start3A_257] : memref<16x4x25x100xi32, #tpu.memory_space<hbm>> -> memref<1x1x25x100xi32, #tpu.memory_space<hbm>>
      %dma_start3A_259 = tpu.memref_squeeze %dma_start3A_258 : memref<1x1x25x100xi32, #tpu.memory_space<hbm>> -> memref<25x100xi32, #tpu.memory_space<hbm>>
      %dma_start3A_260 = arith.constant 0 : i32
      %dma_start3A_261 = arith.constant 0 : i32
      %dma_start3A_262 = tpu.memref_slice %arg4[%arg1, %run_scoped3A_7, %dma_start3A_260, %dma_start3A_261] : memref<16x4x25x100xi32, #tpu.memory_space<hbm>> -> memref<1x1x25x100xi32, #tpu.memory_space<hbm>>
      %dma_start3A_263 = tpu.memref_squeeze %dma_start3A_262 : memref<1x1x25x100xi32, #tpu.memory_space<hbm>> -> memref<25x100xi32, #tpu.memory_space<hbm>>
      tpu.enqueue_dma source(%dma_start3A_263 : memref<25x100xi32, #tpu.memory_space<hbm>>) target(%arg8 : memref<25x100xi32, #tpu.memory_space<vmem>>) target_semaphore(%run_scoped3A_255 : memref<!tpu.dma_semaphore, #tpu.memory_space<semaphore_mem>>)
      %dma_wait3A_264 = arith.constant 0 : i32
      %dma_wait3A_265 = arith.constant 0 : i32
      %dma_wait3A_266 = tpu.memref_slice %arg4[%arg1, %run_scoped3A_7, %dma_wait3A_264, %dma_wait3A_265] : memref<16x4x25x100xi32, #tpu.memory_space<hbm>> -> memref<1x1x25x100xi32, #tpu.memory_space<hbm>>
      %dma_wait3A_267 = tpu.memref_squeeze %dma_wait3A_266 : memref<1x1x25x100xi32, #tpu.memory_space<hbm>> -> memref<25x100xi32, #tpu.memory_space<hbm>>
      %dma_wait3A_268 = arith.constant 0 : i32
      %dma_wait3A_269 = arith.constant 0 : i32
      %dma_wait3A_270 = tpu.memref_slice %arg4[%arg1, %run_scoped3A_7, %dma_wait3A_268, %dma_wait3A_269] : memref<16x4x25x100xi32, #tpu.memory_space<hbm>> -> memref<1x1x25x100xi32, #tpu.memory_space<hbm>>
      %dma_wait3A_271 = tpu.memref_squeeze %dma_wait3A_270 : memref<1x1x25x100xi32, #tpu.memory_space<hbm>> -> memref<25x100xi32, #tpu.memory_space<hbm>>
      tpu.wait_dma2 semaphore(%run_scoped3A_255 : memref<!tpu.dma_semaphore, #tpu.memory_space<semaphore_mem>>) src(%dma_wait3A_271 : memref<25x100xi32, #tpu.memory_space<hbm>>) dst(%arg8 : memref<25x100xi32, #tpu.memory_space<vmem>>)
      tpu.yield
    }) : () -> ()
    %rem3A = arith.constant 0 : i32
    %rem3A_8 = arith.constant 3 : i32
    %rem3A_9 = arith.remsi %rem3A, %rem3A_8 : i32
    %dma_start3A = arith.constant 0 : i32
    %dma_start3A_10 = arith.constant 0 : i32
    %dma_start3A_11 = arith.constant 0 : i32
    %dma_start3A_12 = tpu.memref_slice %arg9[%rem3A_9, %dma_start3A_10, %dma_start3A_11] : memref<3x100x128xf32, #tpu.memory_space<vmem>> -> memref<1x100x128xf32, #tpu.memory_space<vmem>>
    %dma_start3A_13 = tpu.memref_squeeze %dma_start3A_12 : memref<1x100x128xf32, #tpu.memory_space<vmem>> -> memref<100x128xf32, #tpu.memory_space<vmem>>
    %dma_start3A_14 = arith.constant 0 : i32
    %dma_start3A_15 = tpu.memref_slice %arg7[%dma_start3A, %dma_start3A_14] : memref<25x100xi32, #tpu.memory_space<vmem>> -> memref<1x100xi32, #tpu.memory_space<vmem>>
    %dma_start3A_16 = tpu.memref_squeeze %dma_start3A_15 : memref<1x100xi32, #tpu.memory_space<vmem>> -> memref<100xi32, #tpu.memory_space<vmem>>
    %dma_start3A_17 = arith.constant 0 : i32
    %dma_start3A_18 = arith.constant 0 : i32
    %dma_start3A_19 = tpu.memref_slice %arg2[%arg0, %dma_start3A_17, %dma_start3A_18] : memref<2x10000x128xf32, #tpu.memory_space<hbm>> -> memref<1x10000x128xf32, #tpu.memory_space<hbm>>
    %dma_start3A_20 = tpu.memref_squeeze %dma_start3A_19 : memref<1x10000x128xf32, #tpu.memory_space<hbm>> -> memref<10000x128xf32, #tpu.memory_space<hbm>>
    %dma_start3A_21 = arith.constant 0 : i32
    %dma_start3A_22 = arith.constant 0 : i32
    %dma_start3A_23 = tpu.memref_slice %dma_start3A_20[%dma_start3A_21, %dma_start3A_22] : memref<10000x128xf32, #tpu.memory_space<hbm>> -> memref<10000x128xf32, #tpu.memory_space<hbm>>
    %dma_start3A_24 = tpu.memref_slice %arg11[%rem3A_9] : memref<3x!tpu.dma_semaphore, #tpu.memory_space<semaphore_mem>> -> memref<1x!tpu.dma_semaphore, #tpu.memory_space<semaphore_mem>>
    %dma_start3A_25 = tpu.memref_squeeze %dma_start3A_24 : memref<1x!tpu.dma_semaphore, #tpu.memory_space<semaphore_mem>> -> memref<!tpu.dma_semaphore, #tpu.memory_space<semaphore_mem>>
    tpu.enqueue_indirect_dma source(%dma_start3A_23 : memref<10000x128xf32, #tpu.memory_space<hbm>>) target(%dma_start3A_13 : memref<100x128xf32, #tpu.memory_space<vmem>>) offsets(%dma_start3A_16 : memref<100xi32, #tpu.memory_space<vmem>>) semaphore(%dma_start3A_25 : memref<!tpu.dma_semaphore, #tpu.memory_space<semaphore_mem>>)
    %rem3A_26 = arith.constant 1 : i32
    %rem3A_27 = arith.constant 3 : i32
    %rem3A_28 = arith.remsi %rem3A_26, %rem3A_27 : i32
    %dma_start3A_29 = arith.constant 1 : i32
    %dma_start3A_30 = arith.constant 0 : i32
    %dma_start3A_31 = arith.constant 0 : i32
    %dma_start3A_32 = tpu.memref_slice %arg9[%rem3A_28, %dma_start3A_30, %dma_start3A_31] : memref<3x100x128xf32, #tpu.memory_space<vmem>> -> memref<1x100x128xf32, #tpu.memory_space<vmem>>
    %dma_start3A_33 = tpu.memref_squeeze %dma_start3A_32 : memref<1x100x128xf32, #tpu.memory_space<vmem>> -> memref<100x128xf32, #tpu.memory_space<vmem>>
    %dma_start3A_34 = arith.constant 0 : i32
    %dma_start3A_35 = tpu.memref_slice %arg7[%dma_start3A_29, %dma_start3A_34] : memref<25x100xi32, #tpu.memory_space<vmem>> -> memref<1x100xi32, #tpu.memory_space<vmem>>
    %dma_start3A_36 = tpu.memref_squeeze %dma_start3A_35 : memref<1x100xi32, #tpu.memory_space<vmem>> -> memref<100xi32, #tpu.memory_space<vmem>>
    %dma_start3A_37 = arith.constant 0 : i32
    %dma_start3A_38 = arith.constant 0 : i32
    %dma_start3A_39 = tpu.memref_slice %arg2[%arg0, %dma_start3A_37, %dma_start3A_38] : memref<2x10000x128xf32, #tpu.memory_space<hbm>> -> memref<1x10000x128xf32, #tpu.memory_space<hbm>>
    %dma_start3A_40 = tpu.memref_squeeze %dma_start3A_39 : memref<1x10000x128xf32, #tpu.memory_space<hbm>> -> memref<10000x128xf32, #tpu.memory_space<hbm>>
    %dma_start3A_41 = arith.constant 0 : i32
    %dma_start3A_42 = arith.constant 0 : i32
    %dma_start3A_43 = tpu.memref_slice %dma_start3A_40[%dma_start3A_41, %dma_start3A_42] : memref<10000x128xf32, #tpu.memory_space<hbm>> -> memref<10000x128xf32, #tpu.memory_space<hbm>>
    %dma_start3A_44 = tpu.memref_slice %arg11[%rem3A_28] : memref<3x!tpu.dma_semaphore, #tpu.memory_space<semaphore_mem>> -> memref<1x!tpu.dma_semaphore, #tpu.memory_space<semaphore_mem>>
    %dma_start3A_45 = tpu.memref_squeeze %dma_start3A_44 : memref<1x!tpu.dma_semaphore, #tpu.memory_space<semaphore_mem>> -> memref<!tpu.dma_semaphore, #tpu.memory_space<semaphore_mem>>
    tpu.enqueue_indirect_dma source(%dma_start3A_43 : memref<10000x128xf32, #tpu.memory_space<hbm>>) target(%dma_start3A_33 : memref<100x128xf32, #tpu.memory_space<vmem>>) offsets(%dma_start3A_36 : memref<100xi32, #tpu.memory_space<vmem>>) semaphore(%dma_start3A_45 : memref<!tpu.dma_semaphore, #tpu.memory_space<semaphore_mem>>)
    %scan3A = arith.constant 0 : i32
    %scan3A_46 = arith.constant 25 : i32
    %scan3A_47 = arith.addi %scan3A, %scan3A_46 : i32
    %scan3A_48 = arith.constant 1 : i32
    scf.for %scan3A_255 = %scan3A to %scan3A_47 step %scan3A_48  : i32 {
      %mul3A_256 = arith.constant 1 : i32
      %mul3A_257 = arith.muli %scan3A_255, %mul3A_256 : i32
      %add3A = arith.constant 0 : i32
      %add3A_258 = arith.addi %add3A, %mul3A_257 : i32
      %rem3A_259 = arith.constant 3 : i32
      %rem3A_260 = arith.remsi %add3A_258, %rem3A_259 : i32
      %dma_wait3A_261 = arith.constant 0 : i32
      %dma_wait3A_262 = arith.constant 0 : i32
      %dma_wait3A_263 = tpu.memref_slice %arg9[%rem3A_260, %dma_wait3A_261, %dma_wait3A_262] : memref<3x100x128xf32, #tpu.memory_space<vmem>> -> memref<1x100x128xf32, #tpu.memory_space<vmem>>
      %dma_wait3A_264 = tpu.memref_squeeze %dma_wait3A_263 : memref<1x100x128xf32, #tpu.memory_space<vmem>> -> memref<100x128xf32, #tpu.memory_space<vmem>>
      %dma_wait3A_265 = arith.constant 0 : i32
      %dma_wait3A_266 = tpu.memref_slice %arg7[%add3A_258, %dma_wait3A_265] : memref<25x100xi32, #tpu.memory_space<vmem>> -> memref<1x100xi32, #tpu.memory_space<vmem>>
      %dma_wait3A_267 = tpu.memref_squeeze %dma_wait3A_266 : memref<1x100xi32, #tpu.memory_space<vmem>> -> memref<100xi32, #tpu.memory_space<vmem>>
      %dma_wait3A_268 = arith.constant 0 : i32
      %dma_wait3A_269 = arith.constant 0 : i32
      %dma_wait3A_270 = tpu.memref_slice %arg2[%arg0, %dma_wait3A_268, %dma_wait3A_269] : memref<2x10000x128xf32, #tpu.memory_space<hbm>> -> memref<1x10000x128xf32, #tpu.memory_space<hbm>>
      %dma_wait3A_271 = tpu.memref_squeeze %dma_wait3A_270 : memref<1x10000x128xf32, #tpu.memory_space<hbm>> -> memref<10000x128xf32, #tpu.memory_space<hbm>>
      %dma_wait3A_272 = arith.constant 0 : i32
      %dma_wait3A_273 = arith.constant 0 : i32
      %dma_wait3A_274 = tpu.memref_slice %dma_wait3A_271[%dma_wait3A_272, %dma_wait3A_273] : memref<10000x128xf32, #tpu.memory_space<hbm>> -> memref<10000x128xf32, #tpu.memory_space<hbm>>
      %dma_wait3A_275 = tpu.memref_slice %arg11[%rem3A_260] : memref<3x!tpu.dma_semaphore, #tpu.memory_space<semaphore_mem>> -> memref<1x!tpu.dma_semaphore, #tpu.memory_space<semaphore_mem>>
      %dma_wait3A_276 = tpu.memref_squeeze %dma_wait3A_275 : memref<1x!tpu.dma_semaphore, #tpu.memory_space<semaphore_mem>> -> memref<!tpu.dma_semaphore, #tpu.memory_space<semaphore_mem>>
      tpu.wait_indirect_dma semaphore(%dma_wait3A_276 : memref<!tpu.dma_semaphore, #tpu.memory_space<semaphore_mem>>) src(%dma_wait3A_274 : memref<10000x128xf32, #tpu.memory_space<hbm>>) dst(%dma_wait3A_264 : memref<100x128xf32, #tpu.memory_space<vmem>>)
      %rem3A_277 = arith.constant 3 : i32
      %rem3A_278 = arith.remsi %add3A_258, %rem3A_277 : i32
      %dma_start3A_279 = arith.constant 0 : i32
      %dma_start3A_280 = arith.constant 0 : i32
      %dma_start3A_281 = tpu.memref_slice %arg9[%rem3A_278, %dma_start3A_279, %dma_start3A_280] : memref<3x100x128xf32, #tpu.memory_space<vmem>> -> memref<1x100x128xf32, #tpu.memory_space<vmem>>
      %dma_start3A_282 = tpu.memref_squeeze %dma_start3A_281 : memref<1x100x128xf32, #tpu.memory_space<vmem>> -> memref<100x128xf32, #tpu.memory_space<vmem>>
      %dma_start3A_283 = arith.constant 0 : i32
      %dma_start3A_284 = tpu.memref_slice %arg8[%add3A_258, %dma_start3A_283] : memref<25x100xi32, #tpu.memory_space<vmem>> -> memref<1x100xi32, #tpu.memory_space<vmem>>
      %dma_start3A_285 = tpu.memref_squeeze %dma_start3A_284 : memref<1x100xi32, #tpu.memory_space<vmem>> -> memref<100xi32, #tpu.memory_space<vmem>>
      %dma_start3A_286 = arith.constant 0 : i32
      %dma_start3A_287 = arith.constant 0 : i32
      %dma_start3A_288 = tpu.memref_slice %arg10[%dma_start3A_286, %dma_start3A_287] : memref<10240x128xf32, #tpu.memory_space<vmem_shared>> -> memref<10240x128xf32, #tpu.memory_space<vmem_shared>>
      %dma_start3A_289 = tpu.memref_slice %arg12[%rem3A_278] : memref<3x!tpu.dma_semaphore, #tpu.memory_space<semaphore_mem>> -> memref<1x!tpu.dma_semaphore, #tpu.memory_space<semaphore_mem>>
      %dma_start3A_290 = tpu.memref_squeeze %dma_start3A_289 : memref<1x!tpu.dma_semaphore, #tpu.memory_space<semaphore_mem>> -> memref<!tpu.dma_semaphore, #tpu.memory_space<semaphore_mem>>
      tpu.enqueue_indirect_dma source(%dma_start3A_282 : memref<100x128xf32, #tpu.memory_space<vmem>>) target(%dma_start3A_288 : memref<10240x128xf32, #tpu.memory_space<vmem_shared>>) offsets(%dma_start3A_285 : memref<100xi32, #tpu.memory_space<vmem>>) semaphore(%dma_start3A_290 : memref<!tpu.dma_semaphore, #tpu.memory_space<semaphore_mem>>) {add = true}
      %ge3A = arith.constant 1 : i32
      %ge3A_291 = arith.cmpi sge, %add3A_258, %ge3A : i32
      %convert_element_type3A_292 = arith.extui %ge3A_291 : i1 to i32
      %cond3A_293 = arith.constant 0 : i32
      %cond3A_294 = arith.cmpi ne, %convert_element_type3A_292, %cond3A_293 : i32
      scf.if %cond3A_294 {
        %sub3A = arith.constant 1 : i32
        %sub3A_302 = arith.subi %add3A_258, %sub3A : i32
        %max3A = arith.constant 0 : i32
        %max3A_303 = arith.maxsi %sub3A_302, %max3A : i32
        %rem3A_304 = arith.constant 3 : i32
        %rem3A_305 = arith.remsi %max3A_303, %rem3A_304 : i32
        %dma_wait3A_306 = arith.constant 0 : i32
        %dma_wait3A_307 = arith.constant 0 : i32
        %dma_wait3A_308 = tpu.memref_slice %arg9[%rem3A_305, %dma_wait3A_306, %dma_wait3A_307] : memref<3x100x128xf32, #tpu.memory_space<vmem>> -> memref<1x100x128xf32, #tpu.memory_space<vmem>>
        %dma_wait3A_309 = tpu.memref_squeeze %dma_wait3A_308 : memref<1x100x128xf32, #tpu.memory_space<vmem>> -> memref<100x128xf32, #tpu.memory_space<vmem>>
        %dma_wait3A_310 = arith.constant 0 : i32
        %dma_wait3A_311 = tpu.memref_slice %arg8[%max3A_303, %dma_wait3A_310] : memref<25x100xi32, #tpu.memory_space<vmem>> -> memref<1x100xi32, #tpu.memory_space<vmem>>
        %dma_wait3A_312 = tpu.memref_squeeze %dma_wait3A_311 : memref<1x100xi32, #tpu.memory_space<vmem>> -> memref<100xi32, #tpu.memory_space<vmem>>
        %dma_wait3A_313 = arith.constant 0 : i32
        %dma_wait3A_314 = arith.constant 0 : i32
        %dma_wait3A_315 = tpu.memref_slice %arg10[%dma_wait3A_313, %dma_wait3A_314] : memref<10240x128xf32, #tpu.memory_space<vmem_shared>> -> memref<10240x128xf32, #tpu.memory_space<vmem_shared>>
        %dma_wait3A_316 = tpu.memref_slice %arg12[%rem3A_305] : memref<3x!tpu.dma_semaphore, #tpu.memory_space<semaphore_mem>> -> memref<1x!tpu.dma_semaphore, #tpu.memory_space<semaphore_mem>>
        %dma_wait3A_317 = tpu.memref_squeeze %dma_wait3A_316 : memref<1x!tpu.dma_semaphore, #tpu.memory_space<semaphore_mem>> -> memref<!tpu.dma_semaphore, #tpu.memory_space<semaphore_mem>>
        tpu.wait_indirect_dma semaphore(%dma_wait3A_317 : memref<!tpu.dma_semaphore, #tpu.memory_space<semaphore_mem>>) src(%dma_wait3A_309 : memref<100x128xf32, #tpu.memory_space<vmem>>) dst(%dma_wait3A_315 : memref<10240x128xf32, #tpu.memory_space<vmem_shared>>)
      } else {
      }
      %add3A_295 = arith.constant 2 : i32
      %add3A_296 = arith.addi %add3A_258, %add3A_295 : i32
      %lt3A_297 = arith.constant 25 : i32
      %lt3A_298 = arith.cmpi slt, %add3A_296, %lt3A_297 : i32
      %convert_element_type3A_299 = arith.extui %lt3A_298 : i1 to i32
      %cond3A_300 = arith.constant 0 : i32
      %cond3A_301 = arith.cmpi ne, %convert_element_type3A_299, %cond3A_300 : i32
      scf.if %cond3A_301 {
        %add3A_302 = arith.constant 2 : i32
        %add3A_303 = arith.addi %add3A_258, %add3A_302 : i32
        %min3A = arith.constant 24 : i32
        %min3A_304 = arith.minsi %add3A_303, %min3A : i32
        %rem3A_305 = arith.constant 3 : i32
        %rem3A_306 = arith.remsi %min3A_304, %rem3A_305 : i32
        %dma_start3A_307 = arith.constant 0 : i32
        %dma_start3A_308 = arith.constant 0 : i32
        %dma_start3A_309 = tpu.memref_slice %arg9[%rem3A_306, %dma_start3A_307, %dma_start3A_308] : memref<3x100x128xf32, #tpu.memory_space<vmem>> -> memref<1x100x128xf32, #tpu.memory_space<vmem>>
        %dma_start3A_310 = tpu.memref_squeeze %dma_start3A_309 : memref<1x100x128xf32, #tpu.memory_space<vmem>> -> memref<100x128xf32, #tpu.memory_space<vmem>>
        %dma_start3A_311 = arith.constant 0 : i32
        %dma_start3A_312 = tpu.memref_slice %arg7[%min3A_304, %dma_start3A_311] : memref<25x100xi32, #tpu.memory_space<vmem>> -> memref<1x100xi32, #tpu.memory_space<vmem>>
        %dma_start3A_313 = tpu.memref_squeeze %dma_start3A_312 : memref<1x100xi32, #tpu.memory_space<vmem>> -> memref<100xi32, #tpu.memory_space<vmem>>
        %dma_start3A_314 = arith.constant 0 : i32
        %dma_start3A_315 = arith.constant 0 : i32
        %dma_start3A_316 = tpu.memref_slice %arg2[%arg0, %dma_start3A_314, %dma_start3A_315] : memref<2x10000x128xf32, #tpu.memory_space<hbm>> -> memref<1x10000x128xf32, #tpu.memory_space<hbm>>
        %dma_start3A_317 = tpu.memref_squeeze %dma_start3A_316 : memref<1x10000x128xf32, #tpu.memory_space<hbm>> -> memref<10000x128xf32, #tpu.memory_space<hbm>>
        %dma_start3A_318 = arith.constant 0 : i32
        %dma_start3A_319 = arith.constant 0 : i32
        %dma_start3A_320 = tpu.memref_slice %dma_start3A_317[%dma_start3A_318, %dma_start3A_319] : memref<10000x128xf32, #tpu.memory_space<hbm>> -> memref<10000x128xf32, #tpu.memory_space<hbm>>
        %dma_start3A_321 = tpu.memref_slice %arg11[%rem3A_306] : memref<3x!tpu.dma_semaphore, #tpu.memory_space<semaphore_mem>> -> memref<1x!tpu.dma_semaphore, #tpu.memory_space<semaphore_mem>>
        %dma_start3A_322 = tpu.memref_squeeze %dma_start3A_321 : memref<1x!tpu.dma_semaphore, #tpu.memory_space<semaphore_mem>> -> memref<!tpu.dma_semaphore, #tpu.memory_space<semaphore_mem>>
        tpu.enqueue_indirect_dma source(%dma_start3A_320 : memref<10000x128xf32, #tpu.memory_space<hbm>>) target(%dma_start3A_310 : memref<100x128xf32, #tpu.memory_space<vmem>>) offsets(%dma_start3A_313 : memref<100xi32, #tpu.memory_space<vmem>>) semaphore(%dma_start3A_322 : memref<!tpu.dma_semaphore, #tpu.memory_space<semaphore_mem>>)
      } else {
      }
    }
    %scan3A_49 = arith.constant 25 : i32
    %rem3A_50 = arith.constant 24 : i32
    %rem3A_51 = arith.constant 3 : i32
    %rem3A_52 = arith.remsi %rem3A_50, %rem3A_51 : i32
    %dma_wait3A = arith.constant 24 : i32
    %dma_wait3A_53 = arith.constant 0 : i32
    %dma_wait3A_54 = arith.constant 0 : i32
    %dma_wait3A_55 = tpu.memref_slice %arg9[%rem3A_52, %dma_wait3A_53, %dma_wait3A_54] : memref<3x100x128xf32, #tpu.memory_space<vmem>> -> memref<1x100x128xf32, #tpu.memory_space<vmem>>
    %dma_wait3A_56 = tpu.memref_squeeze %dma_wait3A_55 : memref<1x100x128xf32, #tpu.memory_space<vmem>> -> memref<100x128xf32, #tpu.memory_space<vmem>>
    %dma_wait3A_57 = arith.constant 0 : i32
    %dma_wait3A_58 = tpu.memref_slice %arg8[%dma_wait3A, %dma_wait3A_57] : memref<25x100xi32, #tpu.memory_space<vmem>> -> memref<1x100xi32, #tpu.memory_space<vmem>>
    %dma_wait3A_59 = tpu.memref_squeeze %dma_wait3A_58 : memref<1x100xi32, #tpu.memory_space<vmem>> -> memref<100xi32, #tpu.memory_space<vmem>>
    %dma_wait3A_60 = arith.constant 0 : i32
    %dma_wait3A_61 = arith.constant 0 : i32
    %dma_wait3A_62 = tpu.memref_slice %arg10[%dma_wait3A_60, %dma_wait3A_61] : memref<10240x128xf32, #tpu.memory_space<vmem_shared>> -> memref<10240x128xf32, #tpu.memory_space<vmem_shared>>
    %dma_wait3A_63 = tpu.memref_slice %arg12[%rem3A_52] : memref<3x!tpu.dma_semaphore, #tpu.memory_space<semaphore_mem>> -> memref<1x!tpu.dma_semaphore, #tpu.memory_space<semaphore_mem>>
    %dma_wait3A_64 = tpu.memref_squeeze %dma_wait3A_63 : memref<1x!tpu.dma_semaphore, #tpu.memory_space<semaphore_mem>> -> memref<!tpu.dma_semaphore, #tpu.memory_space<semaphore_mem>>
    tpu.wait_indirect_dma semaphore(%dma_wait3A_64 : memref<!tpu.dma_semaphore, #tpu.memory_space<semaphore_mem>>) src(%dma_wait3A_56 : memref<100x128xf32, #tpu.memory_space<vmem>>) dst(%dma_wait3A_62 : memref<10240x128xf32, #tpu.memory_space<vmem_shared>>)
    %run_scoped3A_65 = arith.constant 1 : i32
    "tpu.region"() ({
      %run_scoped3A_255 = tpu.sem_alloc : memref<!tpu.dma_semaphore, #tpu.memory_space<semaphore_mem>>
      %dma_start3A_256 = arith.constant 0 : i32
      %dma_start3A_257 = arith.constant 0 : i32
      %dma_start3A_258 = tpu.memref_slice %arg3[%arg1, %run_scoped3A_65, %dma_start3A_256, %dma_start3A_257] : memref<16x4x25x100xi32, #tpu.memory_space<hbm>> -> memref<1x1x25x100xi32, #tpu.memory_space<hbm>>
      %dma_start3A_259 = tpu.memref_squeeze %dma_start3A_258 : memref<1x1x25x100xi32, #tpu.memory_space<hbm>> -> memref<25x100xi32, #tpu.memory_space<hbm>>
      %dma_start3A_260 = arith.constant 0 : i32
      %dma_start3A_261 = arith.constant 0 : i32
      %dma_start3A_262 = tpu.memref_slice %arg3[%arg1, %run_scoped3A_65, %dma_start3A_260, %dma_start3A_261] : memref<16x4x25x100xi32, #tpu.memory_space<hbm>> -> memref<1x1x25x100xi32, #tpu.memory_space<hbm>>
      %dma_start3A_263 = tpu.memref_squeeze %dma_start3A_262 : memref<1x1x25x100xi32, #tpu.memory_space<hbm>> -> memref<25x100xi32, #tpu.memory_space<hbm>>
      tpu.enqueue_dma source(%dma_start3A_263 : memref<25x100xi32, #tpu.memory_space<hbm>>) target(%arg7 : memref<25x100xi32, #tpu.memory_space<vmem>>) target_semaphore(%run_scoped3A_255 : memref<!tpu.dma_semaphore, #tpu.memory_space<semaphore_mem>>)
      %dma_wait3A_264 = arith.constant 0 : i32
      %dma_wait3A_265 = arith.constant 0 : i32
      %dma_wait3A_266 = tpu.memref_slice %arg3[%arg1, %run_scoped3A_65, %dma_wait3A_264, %dma_wait3A_265] : memref<16x4x25x100xi32, #tpu.memory_space<hbm>> -> memref<1x1x25x100xi32, #tpu.memory_space<hbm>>
      %dma_wait3A_267 = tpu.memref_squeeze %dma_wait3A_266 : memref<1x1x25x100xi32, #tpu.memory_space<hbm>> -> memref<25x100xi32, #tpu.memory_space<hbm>>
      %dma_wait3A_268 = arith.constant 0 : i32
      %dma_wait3A_269 = arith.constant 0 : i32
      %dma_wait3A_270 = tpu.memref_slice %arg3[%arg1, %run_scoped3A_65, %dma_wait3A_268, %dma_wait3A_269] : memref<16x4x25x100xi32, #tpu.memory_space<hbm>> -> memref<1x1x25x100xi32, #tpu.memory_space<hbm>>
      %dma_wait3A_271 = tpu.memref_squeeze %dma_wait3A_270 : memref<1x1x25x100xi32, #tpu.memory_space<hbm>> -> memref<25x100xi32, #tpu.memory_space<hbm>>
      tpu.wait_dma2 semaphore(%run_scoped3A_255 : memref<!tpu.dma_semaphore, #tpu.memory_space<semaphore_mem>>) src(%dma_wait3A_271 : memref<25x100xi32, #tpu.memory_space<hbm>>) dst(%arg7 : memref<25x100xi32, #tpu.memory_space<vmem>>)
      tpu.yield
    }) : () -> ()
    %run_scoped3A_66 = arith.constant 1 : i32
    "tpu.region"() ({
      %run_scoped3A_255 = tpu.sem_alloc : memref<!tpu.dma_semaphore, #tpu.memory_space<semaphore_mem>>
      %dma_start3A_256 = arith.constant 0 : i32
      %dma_start3A_257 = arith.constant 0 : i32
      %dma_start3A_258 = tpu.memref_slice %arg4[%arg1, %run_scoped3A_66, %dma_start3A_256, %dma_start3A_257] : memref<16x4x25x100xi32, #tpu.memory_space<hbm>> -> memref<1x1x25x100xi32, #tpu.memory_space<hbm>>
      %dma_start3A_259 = tpu.memref_squeeze %dma_start3A_258 : memref<1x1x25x100xi32, #tpu.memory_space<hbm>> -> memref<25x100xi32, #tpu.memory_space<hbm>>
      %dma_start3A_260 = arith.constant 0 : i32
      %dma_start3A_261 = arith.constant 0 : i32
      %dma_start3A_262 = tpu.memref_slice %arg4[%arg1, %run_scoped3A_66, %dma_start3A_260, %dma_start3A_261] : memref<16x4x25x100xi32, #tpu.memory_space<hbm>> -> memref<1x1x25x100xi32, #tpu.memory_space<hbm>>
      %dma_start3A_263 = tpu.memref_squeeze %dma_start3A_262 : memref<1x1x25x100xi32, #tpu.memory_space<hbm>> -> memref<25x100xi32, #tpu.memory_space<hbm>>
      tpu.enqueue_dma source(%dma_start3A_263 : memref<25x100xi32, #tpu.memory_space<hbm>>) target(%arg8 : memref<25x100xi32, #tpu.memory_space<vmem>>) target_semaphore(%run_scoped3A_255 : memref<!tpu.dma_semaphore, #tpu.memory_space<semaphore_mem>>)
      %dma_wait3A_264 = arith.constant 0 : i32
      %dma_wait3A_265 = arith.constant 0 : i32
      %dma_wait3A_266 = tpu.memref_slice %arg4[%arg1, %run_scoped3A_66, %dma_wait3A_264, %dma_wait3A_265] : memref<16x4x25x100xi32, #tpu.memory_space<hbm>> -> memref<1x1x25x100xi32, #tpu.memory_space<hbm>>
      %dma_wait3A_267 = tpu.memref_squeeze %dma_wait3A_266 : memref<1x1x25x100xi32, #tpu.memory_space<hbm>> -> memref<25x100xi32, #tpu.memory_space<hbm>>
      %dma_wait3A_268 = arith.constant 0 : i32
      %dma_wait3A_269 = arith.constant 0 : i32
      %dma_wait3A_270 = tpu.memref_slice %arg4[%arg1, %run_scoped3A_66, %dma_wait3A_268, %dma_wait3A_269] : memref<16x4x25x100xi32, #tpu.memory_space<hbm>> -> memref<1x1x25x100xi32, #tpu.memory_space<hbm>>
      %dma_wait3A_271 = tpu.memref_squeeze %dma_wait3A_270 : memref<1x1x25x100xi32, #tpu.memory_space<hbm>> -> memref<25x100xi32, #tpu.memory_space<hbm>>
      tpu.wait_dma2 semaphore(%run_scoped3A_255 : memref<!tpu.dma_semaphore, #tpu.memory_space<semaphore_mem>>) src(%dma_wait3A_271 : memref<25x100xi32, #tpu.memory_space<hbm>>) dst(%arg8 : memref<25x100xi32, #tpu.memory_space<vmem>>)
      tpu.yield
    }) : () -> ()
    %rem3A_67 = arith.constant 0 : i32
    %rem3A_68 = arith.constant 3 : i32
    %rem3A_69 = arith.remsi %rem3A_67, %rem3A_68 : i32
    %dma_start3A_70 = arith.constant 0 : i32
    %dma_start3A_71 = arith.constant 0 : i32
    %dma_start3A_72 = arith.constant 0 : i32
    %dma_start3A_73 = tpu.memref_slice %arg9[%rem3A_69, %dma_start3A_71, %dma_start3A_72] : memref<3x100x128xf32, #tpu.memory_space<vmem>> -> memref<1x100x128xf32, #tpu.memory_space<vmem>>
    %dma_start3A_74 = tpu.memref_squeeze %dma_start3A_73 : memref<1x100x128xf32, #tpu.memory_space<vmem>> -> memref<100x128xf32, #tpu.memory_space<vmem>>
    %dma_start3A_75 = arith.constant 0 : i32
    %dma_start3A_76 = tpu.memref_slice %arg7[%dma_start3A_70, %dma_start3A_75] : memref<25x100xi32, #tpu.memory_space<vmem>> -> memref<1x100xi32, #tpu.memory_space<vmem>>
    %dma_start3A_77 = tpu.memref_squeeze %dma_start3A_76 : memref<1x100xi32, #tpu.memory_space<vmem>> -> memref<100xi32, #tpu.memory_space<vmem>>
    %dma_start3A_78 = arith.constant 0 : i32
    %dma_start3A_79 = arith.constant 0 : i32
    %dma_start3A_80 = tpu.memref_slice %arg2[%arg0, %dma_start3A_78, %dma_start3A_79] : memref<2x10000x128xf32, #tpu.memory_space<hbm>> -> memref<1x10000x128xf32, #tpu.memory_space<hbm>>
    %dma_start3A_81 = tpu.memref_squeeze %dma_start3A_80 : memref<1x10000x128xf32, #tpu.memory_space<hbm>> -> memref<10000x128xf32, #tpu.memory_space<hbm>>
    %dma_start3A_82 = arith.constant 0 : i32
    %dma_start3A_83 = arith.constant 0 : i32
    %dma_start3A_84 = tpu.memref_slice %dma_start3A_81[%dma_start3A_82, %dma_start3A_83] : memref<10000x128xf32, #tpu.memory_space<hbm>> -> memref<10000x128xf32, #tpu.memory_space<hbm>>
    %dma_start3A_85 = tpu.memref_slice %arg11[%rem3A_69] : memref<3x!tpu.dma_semaphore, #tpu.memory_space<semaphore_mem>> -> memref<1x!tpu.dma_semaphore, #tpu.memory_space<semaphore_mem>>
    %dma_start3A_86 = tpu.memref_squeeze %dma_start3A_85 : memref<1x!tpu.dma_semaphore, #tpu.memory_space<semaphore_mem>> -> memref<!tpu.dma_semaphore, #tpu.memory_space<semaphore_mem>>
    tpu.enqueue_indirect_dma source(%dma_start3A_84 : memref<10000x128xf32, #tpu.memory_space<hbm>>) target(%dma_start3A_74 : memref<100x128xf32, #tpu.memory_space<vmem>>) offsets(%dma_start3A_77 : memref<100xi32, #tpu.memory_space<vmem>>) semaphore(%dma_start3A_86 : memref<!tpu.dma_semaphore, #tpu.memory_space<semaphore_mem>>)
    %rem3A_87 = arith.constant 1 : i32
    %rem3A_88 = arith.constant 3 : i32
    %rem3A_89 = arith.remsi %rem3A_87, %rem3A_88 : i32
    %dma_start3A_90 = arith.constant 1 : i32
    %dma_start3A_91 = arith.constant 0 : i32
    %dma_start3A_92 = arith.constant 0 : i32
    %dma_start3A_93 = tpu.memref_slice %arg9[%rem3A_89, %dma_start3A_91, %dma_start3A_92] : memref<3x100x128xf32, #tpu.memory_space<vmem>> -> memref<1x100x128xf32, #tpu.memory_space<vmem>>
    %dma_start3A_94 = tpu.memref_squeeze %dma_start3A_93 : memref<1x100x128xf32, #tpu.memory_space<vmem>> -> memref<100x128xf32, #tpu.memory_space<vmem>>
    %dma_start3A_95 = arith.constant 0 : i32
    %dma_start3A_96 = tpu.memref_slice %arg7[%dma_start3A_90, %dma_start3A_95] : memref<25x100xi32, #tpu.memory_space<vmem>> -> memref<1x100xi32, #tpu.memory_space<vmem>>
    %dma_start3A_97 = tpu.memref_squeeze %dma_start3A_96 : memref<1x100xi32, #tpu.memory_space<vmem>> -> memref<100xi32, #tpu.memory_space<vmem>>
    %dma_start3A_98 = arith.constant 0 : i32
    %dma_start3A_99 = arith.constant 0 : i32
    %dma_start3A_100 = tpu.memref_slice %arg2[%arg0, %dma_start3A_98, %dma_start3A_99] : memref<2x10000x128xf32, #tpu.memory_space<hbm>> -> memref<1x10000x128xf32, #tpu.memory_space<hbm>>
    %dma_start3A_101 = tpu.memref_squeeze %dma_start3A_100 : memref<1x10000x128xf32, #tpu.memory_space<hbm>> -> memref<10000x128xf32, #tpu.memory_space<hbm>>
    %dma_start3A_102 = arith.constant 0 : i32
    %dma_start3A_103 = arith.constant 0 : i32
    %dma_start3A_104 = tpu.memref_slice %dma_start3A_101[%dma_start3A_102, %dma_start3A_103] : memref<10000x128xf32, #tpu.memory_space<hbm>> -> memref<10000x128xf32, #tpu.memory_space<hbm>>
    %dma_start3A_105 = tpu.memref_slice %arg11[%rem3A_89] : memref<3x!tpu.dma_semaphore, #tpu.memory_space<semaphore_mem>> -> memref<1x!tpu.dma_semaphore, #tpu.memory_space<semaphore_mem>>
    %dma_start3A_106 = tpu.memref_squeeze %dma_start3A_105 : memref<1x!tpu.dma_semaphore, #tpu.memory_space<semaphore_mem>> -> memref<!tpu.dma_semaphore, #tpu.memory_space<semaphore_mem>>
    tpu.enqueue_indirect_dma source(%dma_start3A_104 : memref<10000x128xf32, #tpu.memory_space<hbm>>) target(%dma_start3A_94 : memref<100x128xf32, #tpu.memory_space<vmem>>) offsets(%dma_start3A_97 : memref<100xi32, #tpu.memory_space<vmem>>) semaphore(%dma_start3A_106 : memref<!tpu.dma_semaphore, #tpu.memory_space<semaphore_mem>>)
    %scan3A_107 = arith.constant 0 : i32
    %scan3A_108 = arith.constant 25 : i32
    %scan3A_109 = arith.addi %scan3A_107, %scan3A_108 : i32
    %scan3A_110 = arith.constant 1 : i32
    scf.for %scan3A_255 = %scan3A_107 to %scan3A_109 step %scan3A_110  : i32 {
      %mul3A_256 = arith.constant 1 : i32
      %mul3A_257 = arith.muli %scan3A_255, %mul3A_256 : i32
      %add3A = arith.constant 0 : i32
      %add3A_258 = arith.addi %add3A, %mul3A_257 : i32
      %rem3A_259 = arith.constant 3 : i32
      %rem3A_260 = arith.remsi %add3A_258, %rem3A_259 : i32
      %dma_wait3A_261 = arith.constant 0 : i32
      %dma_wait3A_262 = arith.constant 0 : i32
      %dma_wait3A_263 = tpu.memref_slice %arg9[%rem3A_260, %dma_wait3A_261, %dma_wait3A_262] : memref<3x100x128xf32, #tpu.memory_space<vmem>> -> memref<1x100x128xf32, #tpu.memory_space<vmem>>
      %dma_wait3A_264 = tpu.memref_squeeze %dma_wait3A_263 : memref<1x100x128xf32, #tpu.memory_space<vmem>> -> memref<100x128xf32, #tpu.memory_space<vmem>>
      %dma_wait3A_265 = arith.constant 0 : i32
      %dma_wait3A_266 = tpu.memref_slice %arg7[%add3A_258, %dma_wait3A_265] : memref<25x100xi32, #tpu.memory_space<vmem>> -> memref<1x100xi32, #tpu.memory_space<vmem>>
      %dma_wait3A_267 = tpu.memref_squeeze %dma_wait3A_266 : memref<1x100xi32, #tpu.memory_space<vmem>> -> memref<100xi32, #tpu.memory_space<vmem>>
      %dma_wait3A_268 = arith.constant 0 : i32
      %dma_wait3A_269 = arith.constant 0 : i32
      %dma_wait3A_270 = tpu.memref_slice %arg2[%arg0, %dma_wait3A_268, %dma_wait3A_269] : memref<2x10000x128xf32, #tpu.memory_space<hbm>> -> memref<1x10000x128xf32, #tpu.memory_space<hbm>>
      %dma_wait3A_271 = tpu.memref_squeeze %dma_wait3A_270 : memref<1x10000x128xf32, #tpu.memory_space<hbm>> -> memref<10000x128xf32, #tpu.memory_space<hbm>>
      %dma_wait3A_272 = arith.constant 0 : i32
      %dma_wait3A_273 = arith.constant 0 : i32
      %dma_wait3A_274 = tpu.memref_slice %dma_wait3A_271[%dma_wait3A_272, %dma_wait3A_273] : memref<10000x128xf32, #tpu.memory_space<hbm>> -> memref<10000x128xf32, #tpu.memory_space<hbm>>
      %dma_wait3A_275 = tpu.memref_slice %arg11[%rem3A_260] : memref<3x!tpu.dma_semaphore, #tpu.memory_space<semaphore_mem>> -> memref<1x!tpu.dma_semaphore, #tpu.memory_space<semaphore_mem>>
      %dma_wait3A_276 = tpu.memref_squeeze %dma_wait3A_275 : memref<1x!tpu.dma_semaphore, #tpu.memory_space<semaphore_mem>> -> memref<!tpu.dma_semaphore, #tpu.memory_space<semaphore_mem>>
      tpu.wait_indirect_dma semaphore(%dma_wait3A_276 : memref<!tpu.dma_semaphore, #tpu.memory_space<semaphore_mem>>) src(%dma_wait3A_274 : memref<10000x128xf32, #tpu.memory_space<hbm>>) dst(%dma_wait3A_264 : memref<100x128xf32, #tpu.memory_space<vmem>>)
      %rem3A_277 = arith.constant 3 : i32
      %rem3A_278 = arith.remsi %add3A_258, %rem3A_277 : i32
      %dma_start3A_279 = arith.constant 0 : i32
      %dma_start3A_280 = arith.constant 0 : i32
      %dma_start3A_281 = tpu.memref_slice %arg9[%rem3A_278, %dma_start3A_279, %dma_start3A_280] : memref<3x100x128xf32, #tpu.memory_space<vmem>> -> memref<1x100x128xf32, #tpu.memory_space<vmem>>
      %dma_start3A_282 = tpu.memref_squeeze %dma_start3A_281 : memref<1x100x128xf32, #tpu.memory_space<vmem>> -> memref<100x128xf32, #tpu.memory_space<vmem>>
      %dma_start3A_283 = arith.constant 0 : i32
      %dma_start3A_284 = tpu.memref_slice %arg8[%add3A_258, %dma_start3A_283] : memref<25x100xi32, #tpu.memory_space<vmem>> -> memref<1x100xi32, #tpu.memory_space<vmem>>
      %dma_start3A_285 = tpu.memref_squeeze %dma_start3A_284 : memref<1x100xi32, #tpu.memory_space<vmem>> -> memref<100xi32, #tpu.memory_space<vmem>>
      %dma_start3A_286 = arith.constant 0 : i32
      %dma_start3A_287 = arith.constant 0 : i32
      %dma_start3A_288 = tpu.memref_slice %arg10[%dma_start3A_286, %dma_start3A_287] : memref<10240x128xf32, #tpu.memory_space<vmem_shared>> -> memref<10240x128xf32, #tpu.memory_space<vmem_shared>>
      %dma_start3A_289 = tpu.memref_slice %arg12[%rem3A_278] : memref<3x!tpu.dma_semaphore, #tpu.memory_space<semaphore_mem>> -> memref<1x!tpu.dma_semaphore, #tpu.memory_space<semaphore_mem>>
      %dma_start3A_290 = tpu.memref_squeeze %dma_start3A_289 : memref<1x!tpu.dma_semaphore, #tpu.memory_space<semaphore_mem>> -> memref<!tpu.dma_semaphore, #tpu.memory_space<semaphore_mem>>
      tpu.enqueue_indirect_dma source(%dma_start3A_282 : memref<100x128xf32, #tpu.memory_space<vmem>>) target(%dma_start3A_288 : memref<10240x128xf32, #tpu.memory_space<vmem_shared>>) offsets(%dma_start3A_285 : memref<100xi32, #tpu.memory_space<vmem>>) semaphore(%dma_start3A_290 : memref<!tpu.dma_semaphore, #tpu.memory_space<semaphore_mem>>) {add = true}
      %ge3A = arith.constant 1 : i32
      %ge3A_291 = arith.cmpi sge, %add3A_258, %ge3A : i32
      %convert_element_type3A_292 = arith.extui %ge3A_291 : i1 to i32
      %cond3A_293 = arith.constant 0 : i32
      %cond3A_294 = arith.cmpi ne, %convert_element_type3A_292, %cond3A_293 : i32
      scf.if %cond3A_294 {
        %sub3A = arith.constant 1 : i32
        %sub3A_302 = arith.subi %add3A_258, %sub3A : i32
        %max3A = arith.constant 0 : i32
        %max3A_303 = arith.maxsi %sub3A_302, %max3A : i32
        %rem3A_304 = arith.constant 3 : i32
        %rem3A_305 = arith.remsi %max3A_303, %rem3A_304 : i32
        %dma_wait3A_306 = arith.constant 0 : i32
        %dma_wait3A_307 = arith.constant 0 : i32
        %dma_wait3A_308 = tpu.memref_slice %arg9[%rem3A_305, %dma_wait3A_306, %dma_wait3A_307] : memref<3x100x128xf32, #tpu.memory_space<vmem>> -> memref<1x100x128xf32, #tpu.memory_space<vmem>>
        %dma_wait3A_309 = tpu.memref_squeeze %dma_wait3A_308 : memref<1x100x128xf32, #tpu.memory_space<vmem>> -> memref<100x128xf32, #tpu.memory_space<vmem>>
        %dma_wait3A_310 = arith.constant 0 : i32
        %dma_wait3A_311 = tpu.memref_slice %arg8[%max3A_303, %dma_wait3A_310] : memref<25x100xi32, #tpu.memory_space<vmem>> -> memref<1x100xi32, #tpu.memory_space<vmem>>
        %dma_wait3A_312 = tpu.memref_squeeze %dma_wait3A_311 : memref<1x100xi32, #tpu.memory_space<vmem>> -> memref<100xi32, #tpu.memory_space<vmem>>
        %dma_wait3A_313 = arith.constant 0 : i32
        %dma_wait3A_314 = arith.constant 0 : i32
        %dma_wait3A_315 = tpu.memref_slice %arg10[%dma_wait3A_313, %dma_wait3A_314] : memref<10240x128xf32, #tpu.memory_space<vmem_shared>> -> memref<10240x128xf32, #tpu.memory_space<vmem_shared>>
        %dma_wait3A_316 = tpu.memref_slice %arg12[%rem3A_305] : memref<3x!tpu.dma_semaphore, #tpu.memory_space<semaphore_mem>> -> memref<1x!tpu.dma_semaphore, #tpu.memory_space<semaphore_mem>>
        %dma_wait3A_317 = tpu.memref_squeeze %dma_wait3A_316 : memref<1x!tpu.dma_semaphore, #tpu.memory_space<semaphore_mem>> -> memref<!tpu.dma_semaphore, #tpu.memory_space<semaphore_mem>>
        tpu.wait_indirect_dma semaphore(%dma_wait3A_317 : memref<!tpu.dma_semaphore, #tpu.memory_space<semaphore_mem>>) src(%dma_wait3A_309 : memref<100x128xf32, #tpu.memory_space<vmem>>) dst(%dma_wait3A_315 : memref<10240x128xf32, #tpu.memory_space<vmem_shared>>)
      } else {
      }
      %add3A_295 = arith.constant 2 : i32
      %add3A_296 = arith.addi %add3A_258, %add3A_295 : i32
      %lt3A_297 = arith.constant 25 : i32
      %lt3A_298 = arith.cmpi slt, %add3A_296, %lt3A_297 : i32
      %convert_element_type3A_299 = arith.extui %lt3A_298 : i1 to i32
      %cond3A_300 = arith.constant 0 : i32
      %cond3A_301 = arith.cmpi ne, %convert_element_type3A_299, %cond3A_300 : i32
      scf.if %cond3A_301 {
        %add3A_302 = arith.constant 2 : i32
        %add3A_303 = arith.addi %add3A_258, %add3A_302 : i32
        %min3A = arith.constant 24 : i32
        %min3A_304 = arith.minsi %add3A_303, %min3A : i32
        %rem3A_305 = arith.constant 3 : i32
        %rem3A_306 = arith.remsi %min3A_304, %rem3A_305 : i32
        %dma_start3A_307 = arith.constant 0 : i32
        %dma_start3A_308 = arith.constant 0 : i32
        %dma_start3A_309 = tpu.memref_slice %arg9[%rem3A_306, %dma_start3A_307, %dma_start3A_308] : memref<3x100x128xf32, #tpu.memory_space<vmem>> -> memref<1x100x128xf32, #tpu.memory_space<vmem>>
        %dma_start3A_310 = tpu.memref_squeeze %dma_start3A_309 : memref<1x100x128xf32, #tpu.memory_space<vmem>> -> memref<100x128xf32, #tpu.memory_space<vmem>>
        %dma_start3A_311 = arith.constant 0 : i32
        %dma_start3A_312 = tpu.memref_slice %arg7[%min3A_304, %dma_start3A_311] : memref<25x100xi32, #tpu.memory_space<vmem>> -> memref<1x100xi32, #tpu.memory_space<vmem>>
        %dma_start3A_313 = tpu.memref_squeeze %dma_start3A_312 : memref<1x100xi32, #tpu.memory_space<vmem>> -> memref<100xi32, #tpu.memory_space<vmem>>
        %dma_start3A_314 = arith.constant 0 : i32
        %dma_start3A_315 = arith.constant 0 : i32
        %dma_start3A_316 = tpu.memref_slice %arg2[%arg0, %dma_start3A_314, %dma_start3A_315] : memref<2x10000x128xf32, #tpu.memory_space<hbm>> -> memref<1x10000x128xf32, #tpu.memory_space<hbm>>
        %dma_start3A_317 = tpu.memref_squeeze %dma_start3A_316 : memref<1x10000x128xf32, #tpu.memory_space<hbm>> -> memref<10000x128xf32, #tpu.memory_space<hbm>>
        %dma_start3A_318 = arith.constant 0 : i32
        %dma_start3A_319 = arith.constant 0 : i32
        %dma_start3A_320 = tpu.memref_slice %dma_start3A_317[%dma_start3A_318, %dma_start3A_319] : memref<10000x128xf32, #tpu.memory_space<hbm>> -> memref<10000x128xf32, #tpu.memory_space<hbm>>
        %dma_start3A_321 = tpu.memref_slice %arg11[%rem3A_306] : memref<3x!tpu.dma_semaphore, #tpu.memory_space<semaphore_mem>> -> memref<1x!tpu.dma_semaphore, #tpu.memory_space<semaphore_mem>>
        %dma_start3A_322 = tpu.memref_squeeze %dma_start3A_321 : memref<1x!tpu.dma_semaphore, #tpu.memory_space<semaphore_mem>> -> memref<!tpu.dma_semaphore, #tpu.memory_space<semaphore_mem>>
        tpu.enqueue_indirect_dma source(%dma_start3A_320 : memref<10000x128xf32, #tpu.memory_space<hbm>>) target(%dma_start3A_310 : memref<100x128xf32, #tpu.memory_space<vmem>>) offsets(%dma_start3A_313 : memref<100xi32, #tpu.memory_space<vmem>>) semaphore(%dma_start3A_322 : memref<!tpu.dma_semaphore, #tpu.memory_space<semaphore_mem>>)
      } else {
      }
    }
    %scan3A_111 = arith.constant 25 : i32
    %rem3A_112 = arith.constant 24 : i32
    %rem3A_113 = arith.constant 3 : i32
    %rem3A_114 = arith.remsi %rem3A_112, %rem3A_113 : i32
    %dma_wait3A_115 = arith.constant 24 : i32
    %dma_wait3A_116 = arith.constant 0 : i32
    %dma_wait3A_117 = arith.constant 0 : i32
    %dma_wait3A_118 = tpu.memref_slice %arg9[%rem3A_114, %dma_wait3A_116, %dma_wait3A_117] : memref<3x100x128xf32, #tpu.memory_space<vmem>> -> memref<1x100x128xf32, #tpu.memory_space<vmem>>
    %dma_wait3A_119 = tpu.memref_squeeze %dma_wait3A_118 : memref<1x100x128xf32, #tpu.memory_space<vmem>> -> memref<100x128xf32, #tpu.memory_space<vmem>>
    %dma_wait3A_120 = arith.constant 0 : i32
    %dma_wait3A_121 = tpu.memref_slice %arg8[%dma_wait3A_115, %dma_wait3A_120] : memref<25x100xi32, #tpu.memory_space<vmem>> -> memref<1x100xi32, #tpu.memory_space<vmem>>
    %dma_wait3A_122 = tpu.memref_squeeze %dma_wait3A_121 : memref<1x100xi32, #tpu.memory_space<vmem>> -> memref<100xi32, #tpu.memory_space<vmem>>
    %dma_wait3A_123 = arith.constant 0 : i32
    %dma_wait3A_124 = arith.constant 0 : i32
    %dma_wait3A_125 = tpu.memref_slice %arg10[%dma_wait3A_123, %dma_wait3A_124] : memref<10240x128xf32, #tpu.memory_space<vmem_shared>> -> memref<10240x128xf32, #tpu.memory_space<vmem_shared>>
    %dma_wait3A_126 = tpu.memref_slice %arg12[%rem3A_114] : memref<3x!tpu.dma_semaphore, #tpu.memory_space<semaphore_mem>> -> memref<1x!tpu.dma_semaphore, #tpu.memory_space<semaphore_mem>>
    %dma_wait3A_127 = tpu.memref_squeeze %dma_wait3A_126 : memref<1x!tpu.dma_semaphore, #tpu.memory_space<semaphore_mem>> -> memref<!tpu.dma_semaphore, #tpu.memory_space<semaphore_mem>>
    tpu.wait_indirect_dma semaphore(%dma_wait3A_127 : memref<!tpu.dma_semaphore, #tpu.memory_space<semaphore_mem>>) src(%dma_wait3A_119 : memref<100x128xf32, #tpu.memory_space<vmem>>) dst(%dma_wait3A_125 : memref<10240x128xf32, #tpu.memory_space<vmem_shared>>)
    %run_scoped3A_128 = arith.constant 2 : i32
    "tpu.region"() ({
      %run_scoped3A_255 = tpu.sem_alloc : memref<!tpu.dma_semaphore, #tpu.memory_space<semaphore_mem>>
      %dma_start3A_256 = arith.constant 0 : i32
      %dma_start3A_257 = arith.constant 0 : i32
      %dma_start3A_258 = tpu.memref_slice %arg3[%arg1, %run_scoped3A_128, %dma_start3A_256, %dma_start3A_257] : memref<16x4x25x100xi32, #tpu.memory_space<hbm>> -> memref<1x1x25x100xi32, #tpu.memory_space<hbm>>
      %dma_start3A_259 = tpu.memref_squeeze %dma_start3A_258 : memref<1x1x25x100xi32, #tpu.memory_space<hbm>> -> memref<25x100xi32, #tpu.memory_space<hbm>>
      %dma_start3A_260 = arith.constant 0 : i32
      %dma_start3A_261 = arith.constant 0 : i32
      %dma_start3A_262 = tpu.memref_slice %arg3[%arg1, %run_scoped3A_128, %dma_start3A_260, %dma_start3A_261] : memref<16x4x25x100xi32, #tpu.memory_space<hbm>> -> memref<1x1x25x100xi32, #tpu.memory_space<hbm>>
      %dma_start3A_263 = tpu.memref_squeeze %dma_start3A_262 : memref<1x1x25x100xi32, #tpu.memory_space<hbm>> -> memref<25x100xi32, #tpu.memory_space<hbm>>
      tpu.enqueue_dma source(%dma_start3A_263 : memref<25x100xi32, #tpu.memory_space<hbm>>) target(%arg7 : memref<25x100xi32, #tpu.memory_space<vmem>>) target_semaphore(%run_scoped3A_255 : memref<!tpu.dma_semaphore, #tpu.memory_space<semaphore_mem>>)
      %dma_wait3A_264 = arith.constant 0 : i32
      %dma_wait3A_265 = arith.constant 0 : i32
      %dma_wait3A_266 = tpu.memref_slice %arg3[%arg1, %run_scoped3A_128, %dma_wait3A_264, %dma_wait3A_265] : memref<16x4x25x100xi32, #tpu.memory_space<hbm>> -> memref<1x1x25x100xi32, #tpu.memory_space<hbm>>
      %dma_wait3A_267 = tpu.memref_squeeze %dma_wait3A_266 : memref<1x1x25x100xi32, #tpu.memory_space<hbm>> -> memref<25x100xi32, #tpu.memory_space<hbm>>
      %dma_wait3A_268 = arith.constant 0 : i32
      %dma_wait3A_269 = arith.constant 0 : i32
      %dma_wait3A_270 = tpu.memref_slice %arg3[%arg1, %run_scoped3A_128, %dma_wait3A_268, %dma_wait3A_269] : memref<16x4x25x100xi32, #tpu.memory_space<hbm>> -> memref<1x1x25x100xi32, #tpu.memory_space<hbm>>
      %dma_wait3A_271 = tpu.memref_squeeze %dma_wait3A_270 : memref<1x1x25x100xi32, #tpu.memory_space<hbm>> -> memref<25x100xi32, #tpu.memory_space<hbm>>
      tpu.wait_dma2 semaphore(%run_scoped3A_255 : memref<!tpu.dma_semaphore, #tpu.memory_space<semaphore_mem>>) src(%dma_wait3A_271 : memref<25x100xi32, #tpu.memory_space<hbm>>) dst(%arg7 : memref<25x100xi32, #tpu.memory_space<vmem>>)
      tpu.yield
    }) : () -> ()
    %run_scoped3A_129 = arith.constant 2 : i32
    "tpu.region"() ({
      %run_scoped3A_255 = tpu.sem_alloc : memref<!tpu.dma_semaphore, #tpu.memory_space<semaphore_mem>>
      %dma_start3A_256 = arith.constant 0 : i32
      %dma_start3A_257 = arith.constant 0 : i32
      %dma_start3A_258 = tpu.memref_slice %arg4[%arg1, %run_scoped3A_129, %dma_start3A_256, %dma_start3A_257] : memref<16x4x25x100xi32, #tpu.memory_space<hbm>> -> memref<1x1x25x100xi32, #tpu.memory_space<hbm>>
      %dma_start3A_259 = tpu.memref_squeeze %dma_start3A_258 : memref<1x1x25x100xi32, #tpu.memory_space<hbm>> -> memref<25x100xi32, #tpu.memory_space<hbm>>
      %dma_start3A_260 = arith.constant 0 : i32
      %dma_start3A_261 = arith.constant 0 : i32
      %dma_start3A_262 = tpu.memref_slice %arg4[%arg1, %run_scoped3A_129, %dma_start3A_260, %dma_start3A_261] : memref<16x4x25x100xi32, #tpu.memory_space<hbm>> -> memref<1x1x25x100xi32, #tpu.memory_space<hbm>>
      %dma_start3A_263 = tpu.memref_squeeze %dma_start3A_262 : memref<1x1x25x100xi32, #tpu.memory_space<hbm>> -> memref<25x100xi32, #tpu.memory_space<hbm>>
      tpu.enqueue_dma source(%dma_start3A_263 : memref<25x100xi32, #tpu.memory_space<hbm>>) target(%arg8 : memref<25x100xi32, #tpu.memory_space<vmem>>) target_semaphore(%run_scoped3A_255 : memref<!tpu.dma_semaphore, #tpu.memory_space<semaphore_mem>>)
      %dma_wait3A_264 = arith.constant 0 : i32
      %dma_wait3A_265 = arith.constant 0 : i32
      %dma_wait3A_266 = tpu.memref_slice %arg4[%arg1, %run_scoped3A_129, %dma_wait3A_264, %dma_wait3A_265] : memref<16x4x25x100xi32, #tpu.memory_space<hbm>> -> memref<1x1x25x100xi32, #tpu.memory_space<hbm>>
      %dma_wait3A_267 = tpu.memref_squeeze %dma_wait3A_266 : memref<1x1x25x100xi32, #tpu.memory_space<hbm>> -> memref<25x100xi32, #tpu.memory_space<hbm>>
      %dma_wait3A_268 = arith.constant 0 : i32
      %dma_wait3A_269 = arith.constant 0 : i32
      %dma_wait3A_270 = tpu.memref_slice %arg4[%arg1, %run_scoped3A_129, %dma_wait3A_268, %dma_wait3A_269] : memref<16x4x25x100xi32, #tpu.memory_space<hbm>> -> memref<1x1x25x100xi32, #tpu.memory_space<hbm>>
      %dma_wait3A_271 = tpu.memref_squeeze %dma_wait3A_270 : memref<1x1x25x100xi32, #tpu.memory_space<hbm>> -> memref<25x100xi32, #tpu.memory_space<hbm>>
      tpu.wait_dma2 semaphore(%run_scoped3A_255 : memref<!tpu.dma_semaphore, #tpu.memory_space<semaphore_mem>>) src(%dma_wait3A_271 : memref<25x100xi32, #tpu.memory_space<hbm>>) dst(%arg8 : memref<25x100xi32, #tpu.memory_space<vmem>>)
      tpu.yield
    }) : () -> ()
    %rem3A_130 = arith.constant 0 : i32
    %rem3A_131 = arith.constant 3 : i32
    %rem3A_132 = arith.remsi %rem3A_130, %rem3A_131 : i32
    %dma_start3A_133 = arith.constant 0 : i32
    %dma_start3A_134 = arith.constant 0 : i32
    %dma_start3A_135 = arith.constant 0 : i32
    %dma_start3A_136 = tpu.memref_slice %arg9[%rem3A_132, %dma_start3A_134, %dma_start3A_135] : memref<3x100x128xf32, #tpu.memory_space<vmem>> -> memref<1x100x128xf32, #tpu.memory_space<vmem>>
    %dma_start3A_137 = tpu.memref_squeeze %dma_start3A_136 : memref<1x100x128xf32, #tpu.memory_space<vmem>> -> memref<100x128xf32, #tpu.memory_space<vmem>>
    %dma_start3A_138 = arith.constant 0 : i32
    %dma_start3A_139 = tpu.memref_slice %arg7[%dma_start3A_133, %dma_start3A_138] : memref<25x100xi32, #tpu.memory_space<vmem>> -> memref<1x100xi32, #tpu.memory_space<vmem>>
    %dma_start3A_140 = tpu.memref_squeeze %dma_start3A_139 : memref<1x100xi32, #tpu.memory_space<vmem>> -> memref<100xi32, #tpu.memory_space<vmem>>
    %dma_start3A_141 = arith.constant 0 : i32
    %dma_start3A_142 = arith.constant 0 : i32
    %dma_start3A_143 = tpu.memref_slice %arg2[%arg0, %dma_start3A_141, %dma_start3A_142] : memref<2x10000x128xf32, #tpu.memory_space<hbm>> -> memref<1x10000x128xf32, #tpu.memory_space<hbm>>
    %dma_start3A_144 = tpu.memref_squeeze %dma_start3A_143 : memref<1x10000x128xf32, #tpu.memory_space<hbm>> -> memref<10000x128xf32, #tpu.memory_space<hbm>>
    %dma_start3A_145 = arith.constant 0 : i32
    %dma_start3A_146 = arith.constant 0 : i32
    %dma_start3A_147 = tpu.memref_slice %dma_start3A_144[%dma_start3A_145, %dma_start3A_146] : memref<10000x128xf32, #tpu.memory_space<hbm>> -> memref<10000x128xf32, #tpu.memory_space<hbm>>
    %dma_start3A_148 = tpu.memref_slice %arg11[%rem3A_132] : memref<3x!tpu.dma_semaphore, #tpu.memory_space<semaphore_mem>> -> memref<1x!tpu.dma_semaphore, #tpu.memory_space<semaphore_mem>>
    %dma_start3A_149 = tpu.memref_squeeze %dma_start3A_148 : memref<1x!tpu.dma_semaphore, #tpu.memory_space<semaphore_mem>> -> memref<!tpu.dma_semaphore, #tpu.memory_space<semaphore_mem>>
    tpu.enqueue_indirect_dma source(%dma_start3A_147 : memref<10000x128xf32, #tpu.memory_space<hbm>>) target(%dma_start3A_137 : memref<100x128xf32, #tpu.memory_space<vmem>>) offsets(%dma_start3A_140 : memref<100xi32, #tpu.memory_space<vmem>>) semaphore(%dma_start3A_149 : memref<!tpu.dma_semaphore, #tpu.memory_space<semaphore_mem>>)
    %rem3A_150 = arith.constant 1 : i32
    %rem3A_151 = arith.constant 3 : i32
    %rem3A_152 = arith.remsi %rem3A_150, %rem3A_151 : i32
    %dma_start3A_153 = arith.constant 1 : i32
    %dma_start3A_154 = arith.constant 0 : i32
    %dma_start3A_155 = arith.constant 0 : i32
    %dma_start3A_156 = tpu.memref_slice %arg9[%rem3A_152, %dma_start3A_154, %dma_start3A_155] : memref<3x100x128xf32, #tpu.memory_space<vmem>> -> memref<1x100x128xf32, #tpu.memory_space<vmem>>
    %dma_start3A_157 = tpu.memref_squeeze %dma_start3A_156 : memref<1x100x128xf32, #tpu.memory_space<vmem>> -> memref<100x128xf32, #tpu.memory_space<vmem>>
    %dma_start3A_158 = arith.constant 0 : i32
    %dma_start3A_159 = tpu.memref_slice %arg7[%dma_start3A_153, %dma_start3A_158] : memref<25x100xi32, #tpu.memory_space<vmem>> -> memref<1x100xi32, #tpu.memory_space<vmem>>
    %dma_start3A_160 = tpu.memref_squeeze %dma_start3A_159 : memref<1x100xi32, #tpu.memory_space<vmem>> -> memref<100xi32, #tpu.memory_space<vmem>>
    %dma_start3A_161 = arith.constant 0 : i32
    %dma_start3A_162 = arith.constant 0 : i32
    %dma_start3A_163 = tpu.memref_slice %arg2[%arg0, %dma_start3A_161, %dma_start3A_162] : memref<2x10000x128xf32, #tpu.memory_space<hbm>> -> memref<1x10000x128xf32, #tpu.memory_space<hbm>>
    %dma_start3A_164 = tpu.memref_squeeze %dma_start3A_163 : memref<1x10000x128xf32, #tpu.memory_space<hbm>> -> memref<10000x128xf32, #tpu.memory_space<hbm>>
    %dma_start3A_165 = arith.constant 0 : i32
    %dma_start3A_166 = arith.constant 0 : i32
    %dma_start3A_167 = tpu.memref_slice %dma_start3A_164[%dma_start3A_165, %dma_start3A_166] : memref<10000x128xf32, #tpu.memory_space<hbm>> -> memref<10000x128xf32, #tpu.memory_space<hbm>>
    %dma_start3A_168 = tpu.memref_slice %arg11[%rem3A_152] : memref<3x!tpu.dma_semaphore, #tpu.memory_space<semaphore_mem>> -> memref<1x!tpu.dma_semaphore, #tpu.memory_space<semaphore_mem>>
    %dma_start3A_169 = tpu.memref_squeeze %dma_start3A_168 : memref<1x!tpu.dma_semaphore, #tpu.memory_space<semaphore_mem>> -> memref<!tpu.dma_semaphore, #tpu.memory_space<semaphore_mem>>
    tpu.enqueue_indirect_dma source(%dma_start3A_167 : memref<10000x128xf32, #tpu.memory_space<hbm>>) target(%dma_start3A_157 : memref<100x128xf32, #tpu.memory_space<vmem>>) offsets(%dma_start3A_160 : memref<100xi32, #tpu.memory_space<vmem>>) semaphore(%dma_start3A_169 : memref<!tpu.dma_semaphore, #tpu.memory_space<semaphore_mem>>)
    %scan3A_170 = arith.constant 0 : i32
    %scan3A_171 = arith.constant 25 : i32
    %scan3A_172 = arith.addi %scan3A_170, %scan3A_171 : i32
    %scan3A_173 = arith.constant 1 : i32
    scf.for %scan3A_255 = %scan3A_170 to %scan3A_172 step %scan3A_173  : i32 {
      %mul3A_256 = arith.constant 1 : i32
      %mul3A_257 = arith.muli %scan3A_255, %mul3A_256 : i32
      %add3A = arith.constant 0 : i32
      %add3A_258 = arith.addi %add3A, %mul3A_257 : i32
      %rem3A_259 = arith.constant 3 : i32
      %rem3A_260 = arith.remsi %add3A_258, %rem3A_259 : i32
      %dma_wait3A_261 = arith.constant 0 : i32
      %dma_wait3A_262 = arith.constant 0 : i32
      %dma_wait3A_263 = tpu.memref_slice %arg9[%rem3A_260, %dma_wait3A_261, %dma_wait3A_262] : memref<3x100x128xf32, #tpu.memory_space<vmem>> -> memref<1x100x128xf32, #tpu.memory_space<vmem>>
      %dma_wait3A_264 = tpu.memref_squeeze %dma_wait3A_263 : memref<1x100x128xf32, #tpu.memory_space<vmem>> -> memref<100x128xf32, #tpu.memory_space<vmem>>
      %dma_wait3A_265 = arith.constant 0 : i32
      %dma_wait3A_266 = tpu.memref_slice %arg7[%add3A_258, %dma_wait3A_265] : memref<25x100xi32, #tpu.memory_space<vmem>> -> memref<1x100xi32, #tpu.memory_space<vmem>>
      %dma_wait3A_267 = tpu.memref_squeeze %dma_wait3A_266 : memref<1x100xi32, #tpu.memory_space<vmem>> -> memref<100xi32, #tpu.memory_space<vmem>>
      %dma_wait3A_268 = arith.constant 0 : i32
      %dma_wait3A_269 = arith.constant 0 : i32
      %dma_wait3A_270 = tpu.memref_slice %arg2[%arg0, %dma_wait3A_268, %dma_wait3A_269] : memref<2x10000x128xf32, #tpu.memory_space<hbm>> -> memref<1x10000x128xf32, #tpu.memory_space<hbm>>
      %dma_wait3A_271 = tpu.memref_squeeze %dma_wait3A_270 : memref<1x10000x128xf32, #tpu.memory_space<hbm>> -> memref<10000x128xf32, #tpu.memory_space<hbm>>
      %dma_wait3A_272 = arith.constant 0 : i32
      %dma_wait3A_273 = arith.constant 0 : i32
      %dma_wait3A_274 = tpu.memref_slice %dma_wait3A_271[%dma_wait3A_272, %dma_wait3A_273] : memref<10000x128xf32, #tpu.memory_space<hbm>> -> memref<10000x128xf32, #tpu.memory_space<hbm>>
      %dma_wait3A_275 = tpu.memref_slice %arg11[%rem3A_260] : memref<3x!tpu.dma_semaphore, #tpu.memory_space<semaphore_mem>> -> memref<1x!tpu.dma_semaphore, #tpu.memory_space<semaphore_mem>>
      %dma_wait3A_276 = tpu.memref_squeeze %dma_wait3A_275 : memref<1x!tpu.dma_semaphore, #tpu.memory_space<semaphore_mem>> -> memref<!tpu.dma_semaphore, #tpu.memory_space<semaphore_mem>>
      tpu.wait_indirect_dma semaphore(%dma_wait3A_276 : memref<!tpu.dma_semaphore, #tpu.memory_space<semaphore_mem>>) src(%dma_wait3A_274 : memref<10000x128xf32, #tpu.memory_space<hbm>>) dst(%dma_wait3A_264 : memref<100x128xf32, #tpu.memory_space<vmem>>)
      %rem3A_277 = arith.constant 3 : i32
      %rem3A_278 = arith.remsi %add3A_258, %rem3A_277 : i32
      %dma_start3A_279 = arith.constant 0 : i32
      %dma_start3A_280 = arith.constant 0 : i32
      %dma_start3A_281 = tpu.memref_slice %arg9[%rem3A_278, %dma_start3A_279, %dma_start3A_280] : memref<3x100x128xf32, #tpu.memory_space<vmem>> -> memref<1x100x128xf32, #tpu.memory_space<vmem>>
      %dma_start3A_282 = tpu.memref_squeeze %dma_start3A_281 : memref<1x100x128xf32, #tpu.memory_space<vmem>> -> memref<100x128xf32, #tpu.memory_space<vmem>>
      %dma_start3A_283 = arith.constant 0 : i32
      %dma_start3A_284 = tpu.memref_slice %arg8[%add3A_258, %dma_start3A_283] : memref<25x100xi32, #tpu.memory_space<vmem>> -> memref<1x100xi32, #tpu.memory_space<vmem>>
      %dma_start3A_285 = tpu.memref_squeeze %dma_start3A_284 : memref<1x100xi32, #tpu.memory_space<vmem>> -> memref<100xi32, #tpu.memory_space<vmem>>
      %dma_start3A_286 = arith.constant 0 : i32
      %dma_start3A_287 = arith.constant 0 : i32
      %dma_start3A_288 = tpu.memref_slice %arg10[%dma_start3A_286, %dma_start3A_287] : memref<10240x128xf32, #tpu.memory_space<vmem_shared>> -> memref<10240x128xf32, #tpu.memory_space<vmem_shared>>
      %dma_start3A_289 = tpu.memref_slice %arg12[%rem3A_278] : memref<3x!tpu.dma_semaphore, #tpu.memory_space<semaphore_mem>> -> memref<1x!tpu.dma_semaphore, #tpu.memory_space<semaphore_mem>>
      %dma_start3A_290 = tpu.memref_squeeze %dma_start3A_289 : memref<1x!tpu.dma_semaphore, #tpu.memory_space<semaphore_mem>> -> memref<!tpu.dma_semaphore, #tpu.memory_space<semaphore_mem>>
      tpu.enqueue_indirect_dma source(%dma_start3A_282 : memref<100x128xf32, #tpu.memory_space<vmem>>) target(%dma_start3A_288 : memref<10240x128xf32, #tpu.memory_space<vmem_shared>>) offsets(%dma_start3A_285 : memref<100xi32, #tpu.memory_space<vmem>>) semaphore(%dma_start3A_290 : memref<!tpu.dma_semaphore, #tpu.memory_space<semaphore_mem>>) {add = true}
      %ge3A = arith.constant 1 : i32
      %ge3A_291 = arith.cmpi sge, %add3A_258, %ge3A : i32
      %convert_element_type3A_292 = arith.extui %ge3A_291 : i1 to i32
      %cond3A_293 = arith.constant 0 : i32
      %cond3A_294 = arith.cmpi ne, %convert_element_type3A_292, %cond3A_293 : i32
      scf.if %cond3A_294 {
        %sub3A = arith.constant 1 : i32
        %sub3A_302 = arith.subi %add3A_258, %sub3A : i32
        %max3A = arith.constant 0 : i32
        %max3A_303 = arith.maxsi %sub3A_302, %max3A : i32
        %rem3A_304 = arith.constant 3 : i32
        %rem3A_305 = arith.remsi %max3A_303, %rem3A_304 : i32
        %dma_wait3A_306 = arith.constant 0 : i32
        %dma_wait3A_307 = arith.constant 0 : i32
        %dma_wait3A_308 = tpu.memref_slice %arg9[%rem3A_305, %dma_wait3A_306, %dma_wait3A_307] : memref<3x100x128xf32, #tpu.memory_space<vmem>> -> memref<1x100x128xf32, #tpu.memory_space<vmem>>
        %dma_wait3A_309 = tpu.memref_squeeze %dma_wait3A_308 : memref<1x100x128xf32, #tpu.memory_space<vmem>> -> memref<100x128xf32, #tpu.memory_space<vmem>>
        %dma_wait3A_310 = arith.constant 0 : i32
        %dma_wait3A_311 = tpu.memref_slice %arg8[%max3A_303, %dma_wait3A_310] : memref<25x100xi32, #tpu.memory_space<vmem>> -> memref<1x100xi32, #tpu.memory_space<vmem>>
        %dma_wait3A_312 = tpu.memref_squeeze %dma_wait3A_311 : memref<1x100xi32, #tpu.memory_space<vmem>> -> memref<100xi32, #tpu.memory_space<vmem>>
        %dma_wait3A_313 = arith.constant 0 : i32
        %dma_wait3A_314 = arith.constant 0 : i32
        %dma_wait3A_315 = tpu.memref_slice %arg10[%dma_wait3A_313, %dma_wait3A_314] : memref<10240x128xf32, #tpu.memory_space<vmem_shared>> -> memref<10240x128xf32, #tpu.memory_space<vmem_shared>>
        %dma_wait3A_316 = tpu.memref_slice %arg12[%rem3A_305] : memref<3x!tpu.dma_semaphore, #tpu.memory_space<semaphore_mem>> -> memref<1x!tpu.dma_semaphore, #tpu.memory_space<semaphore_mem>>
        %dma_wait3A_317 = tpu.memref_squeeze %dma_wait3A_316 : memref<1x!tpu.dma_semaphore, #tpu.memory_space<semaphore_mem>> -> memref<!tpu.dma_semaphore, #tpu.memory_space<semaphore_mem>>
        tpu.wait_indirect_dma semaphore(%dma_wait3A_317 : memref<!tpu.dma_semaphore, #tpu.memory_space<semaphore_mem>>) src(%dma_wait3A_309 : memref<100x128xf32, #tpu.memory_space<vmem>>) dst(%dma_wait3A_315 : memref<10240x128xf32, #tpu.memory_space<vmem_shared>>)
      } else {
      }
      %add3A_295 = arith.constant 2 : i32
      %add3A_296 = arith.addi %add3A_258, %add3A_295 : i32
      %lt3A_297 = arith.constant 25 : i32
      %lt3A_298 = arith.cmpi slt, %add3A_296, %lt3A_297 : i32
      %convert_element_type3A_299 = arith.extui %lt3A_298 : i1 to i32
      %cond3A_300 = arith.constant 0 : i32
      %cond3A_301 = arith.cmpi ne, %convert_element_type3A_299, %cond3A_300 : i32
      scf.if %cond3A_301 {
        %add3A_302 = arith.constant 2 : i32
        %add3A_303 = arith.addi %add3A_258, %add3A_302 : i32
        %min3A = arith.constant 24 : i32
        %min3A_304 = arith.minsi %add3A_303, %min3A : i32
        %rem3A_305 = arith.constant 3 : i32
        %rem3A_306 = arith.remsi %min3A_304, %rem3A_305 : i32
        %dma_start3A_307 = arith.constant 0 : i32
        %dma_start3A_308 = arith.constant 0 : i32
        %dma_start3A_309 = tpu.memref_slice %arg9[%rem3A_306, %dma_start3A_307, %dma_start3A_308] : memref<3x100x128xf32, #tpu.memory_space<vmem>> -> memref<1x100x128xf32, #tpu.memory_space<vmem>>
        %dma_start3A_310 = tpu.memref_squeeze %dma_start3A_309 : memref<1x100x128xf32, #tpu.memory_space<vmem>> -> memref<100x128xf32, #tpu.memory_space<vmem>>
        %dma_start3A_311 = arith.constant 0 : i32
        %dma_start3A_312 = tpu.memref_slice %arg7[%min3A_304, %dma_start3A_311] : memref<25x100xi32, #tpu.memory_space<vmem>> -> memref<1x100xi32, #tpu.memory_space<vmem>>
        %dma_start3A_313 = tpu.memref_squeeze %dma_start3A_312 : memref<1x100xi32, #tpu.memory_space<vmem>> -> memref<100xi32, #tpu.memory_space<vmem>>
        %dma_start3A_314 = arith.constant 0 : i32
        %dma_start3A_315 = arith.constant 0 : i32
        %dma_start3A_316 = tpu.memref_slice %arg2[%arg0, %dma_start3A_314, %dma_start3A_315] : memref<2x10000x128xf32, #tpu.memory_space<hbm>> -> memref<1x10000x128xf32, #tpu.memory_space<hbm>>
        %dma_start3A_317 = tpu.memref_squeeze %dma_start3A_316 : memref<1x10000x128xf32, #tpu.memory_space<hbm>> -> memref<10000x128xf32, #tpu.memory_space<hbm>>
        %dma_start3A_318 = arith.constant 0 : i32
        %dma_start3A_319 = arith.constant 0 : i32
        %dma_start3A_320 = tpu.memref_slice %dma_start3A_317[%dma_start3A_318, %dma_start3A_319] : memref<10000x128xf32, #tpu.memory_space<hbm>> -> memref<10000x128xf32, #tpu.memory_space<hbm>>
        %dma_start3A_321 = tpu.memref_slice %arg11[%rem3A_306] : memref<3x!tpu.dma_semaphore, #tpu.memory_space<semaphore_mem>> -> memref<1x!tpu.dma_semaphore, #tpu.memory_space<semaphore_mem>>
        %dma_start3A_322 = tpu.memref_squeeze %dma_start3A_321 : memref<1x!tpu.dma_semaphore, #tpu.memory_space<semaphore_mem>> -> memref<!tpu.dma_semaphore, #tpu.memory_space<semaphore_mem>>
        tpu.enqueue_indirect_dma source(%dma_start3A_320 : memref<10000x128xf32, #tpu.memory_space<hbm>>) target(%dma_start3A_310 : memref<100x128xf32, #tpu.memory_space<vmem>>) offsets(%dma_start3A_313 : memref<100xi32, #tpu.memory_space<vmem>>) semaphore(%dma_start3A_322 : memref<!tpu.dma_semaphore, #tpu.memory_space<semaphore_mem>>)
      } else {
      }
    }
    %scan3A_174 = arith.constant 25 : i32
    %rem3A_175 = arith.constant 24 : i32
    %rem3A_176 = arith.constant 3 : i32
    %rem3A_177 = arith.remsi %rem3A_175, %rem3A_176 : i32
    %dma_wait3A_178 = arith.constant 24 : i32
    %dma_wait3A_179 = arith.constant 0 : i32
    %dma_wait3A_180 = arith.constant 0 : i32
    %dma_wait3A_181 = tpu.memref_slice %arg9[%rem3A_177, %dma_wait3A_179, %dma_wait3A_180] : memref<3x100x128xf32, #tpu.memory_space<vmem>> -> memref<1x100x128xf32, #tpu.memory_space<vmem>>
    %dma_wait3A_182 = tpu.memref_squeeze %dma_wait3A_181 : memref<1x100x128xf32, #tpu.memory_space<vmem>> -> memref<100x128xf32, #tpu.memory_space<vmem>>
    %dma_wait3A_183 = arith.constant 0 : i32
    %dma_wait3A_184 = tpu.memref_slice %arg8[%dma_wait3A_178, %dma_wait3A_183] : memref<25x100xi32, #tpu.memory_space<vmem>> -> memref<1x100xi32, #tpu.memory_space<vmem>>
    %dma_wait3A_185 = tpu.memref_squeeze %dma_wait3A_184 : memref<1x100xi32, #tpu.memory_space<vmem>> -> memref<100xi32, #tpu.memory_space<vmem>>
    %dma_wait3A_186 = arith.constant 0 : i32
    %dma_wait3A_187 = arith.constant 0 : i32
    %dma_wait3A_188 = tpu.memref_slice %arg10[%dma_wait3A_186, %dma_wait3A_187] : memref<10240x128xf32, #tpu.memory_space<vmem_shared>> -> memref<10240x128xf32, #tpu.memory_space<vmem_shared>>
    %dma_wait3A_189 = tpu.memref_slice %arg12[%rem3A_177] : memref<3x!tpu.dma_semaphore, #tpu.memory_space<semaphore_mem>> -> memref<1x!tpu.dma_semaphore, #tpu.memory_space<semaphore_mem>>
    %dma_wait3A_190 = tpu.memref_squeeze %dma_wait3A_189 : memref<1x!tpu.dma_semaphore, #tpu.memory_space<semaphore_mem>> -> memref<!tpu.dma_semaphore, #tpu.memory_space<semaphore_mem>>
    tpu.wait_indirect_dma semaphore(%dma_wait3A_190 : memref<!tpu.dma_semaphore, #tpu.memory_space<semaphore_mem>>) src(%dma_wait3A_182 : memref<100x128xf32, #tpu.memory_space<vmem>>) dst(%dma_wait3A_188 : memref<10240x128xf32, #tpu.memory_space<vmem_shared>>)
    %run_scoped3A_191 = arith.constant 3 : i32
    "tpu.region"() ({
      %run_scoped3A_255 = tpu.sem_alloc : memref<!tpu.dma_semaphore, #tpu.memory_space<semaphore_mem>>
      %dma_start3A_256 = arith.constant 0 : i32
      %dma_start3A_257 = arith.constant 0 : i32
      %dma_start3A_258 = tpu.memref_slice %arg3[%arg1, %run_scoped3A_191, %dma_start3A_256, %dma_start3A_257] : memref<16x4x25x100xi32, #tpu.memory_space<hbm>> -> memref<1x1x25x100xi32, #tpu.memory_space<hbm>>
      %dma_start3A_259 = tpu.memref_squeeze %dma_start3A_258 : memref<1x1x25x100xi32, #tpu.memory_space<hbm>> -> memref<25x100xi32, #tpu.memory_space<hbm>>
      %dma_start3A_260 = arith.constant 0 : i32
      %dma_start3A_261 = arith.constant 0 : i32
      %dma_start3A_262 = tpu.memref_slice %arg3[%arg1, %run_scoped3A_191, %dma_start3A_260, %dma_start3A_261] : memref<16x4x25x100xi32, #tpu.memory_space<hbm>> -> memref<1x1x25x100xi32, #tpu.memory_space<hbm>>
      %dma_start3A_263 = tpu.memref_squeeze %dma_start3A_262 : memref<1x1x25x100xi32, #tpu.memory_space<hbm>> -> memref<25x100xi32, #tpu.memory_space<hbm>>
      tpu.enqueue_dma source(%dma_start3A_263 : memref<25x100xi32, #tpu.memory_space<hbm>>) target(%arg7 : memref<25x100xi32, #tpu.memory_space<vmem>>) target_semaphore(%run_scoped3A_255 : memref<!tpu.dma_semaphore, #tpu.memory_space<semaphore_mem>>)
      %dma_wait3A_264 = arith.constant 0 : i32
      %dma_wait3A_265 = arith.constant 0 : i32
      %dma_wait3A_266 = tpu.memref_slice %arg3[%arg1, %run_scoped3A_191, %dma_wait3A_264, %dma_wait3A_265] : memref<16x4x25x100xi32, #tpu.memory_space<hbm>> -> memref<1x1x25x100xi32, #tpu.memory_space<hbm>>
      %dma_wait3A_267 = tpu.memref_squeeze %dma_wait3A_266 : memref<1x1x25x100xi32, #tpu.memory_space<hbm>> -> memref<25x100xi32, #tpu.memory_space<hbm>>
      %dma_wait3A_268 = arith.constant 0 : i32
      %dma_wait3A_269 = arith.constant 0 : i32
      %dma_wait3A_270 = tpu.memref_slice %arg3[%arg1, %run_scoped3A_191, %dma_wait3A_268, %dma_wait3A_269] : memref<16x4x25x100xi32, #tpu.memory_space<hbm>> -> memref<1x1x25x100xi32, #tpu.memory_space<hbm>>
      %dma_wait3A_271 = tpu.memref_squeeze %dma_wait3A_270 : memref<1x1x25x100xi32, #tpu.memory_space<hbm>> -> memref<25x100xi32, #tpu.memory_space<hbm>>
      tpu.wait_dma2 semaphore(%run_scoped3A_255 : memref<!tpu.dma_semaphore, #tpu.memory_space<semaphore_mem>>) src(%dma_wait3A_271 : memref<25x100xi32, #tpu.memory_space<hbm>>) dst(%arg7 : memref<25x100xi32, #tpu.memory_space<vmem>>)
      tpu.yield
    }) : () -> ()
    %run_scoped3A_192 = arith.constant 3 : i32
    "tpu.region"() ({
      %run_scoped3A_255 = tpu.sem_alloc : memref<!tpu.dma_semaphore, #tpu.memory_space<semaphore_mem>>
      %dma_start3A_256 = arith.constant 0 : i32
      %dma_start3A_257 = arith.constant 0 : i32
      %dma_start3A_258 = tpu.memref_slice %arg4[%arg1, %run_scoped3A_192, %dma_start3A_256, %dma_start3A_257] : memref<16x4x25x100xi32, #tpu.memory_space<hbm>> -> memref<1x1x25x100xi32, #tpu.memory_space<hbm>>
      %dma_start3A_259 = tpu.memref_squeeze %dma_start3A_258 : memref<1x1x25x100xi32, #tpu.memory_space<hbm>> -> memref<25x100xi32, #tpu.memory_space<hbm>>
      %dma_start3A_260 = arith.constant 0 : i32
      %dma_start3A_261 = arith.constant 0 : i32
      %dma_start3A_262 = tpu.memref_slice %arg4[%arg1, %run_scoped3A_192, %dma_start3A_260, %dma_start3A_261] : memref<16x4x25x100xi32, #tpu.memory_space<hbm>> -> memref<1x1x25x100xi32, #tpu.memory_space<hbm>>
      %dma_start3A_263 = tpu.memref_squeeze %dma_start3A_262 : memref<1x1x25x100xi32, #tpu.memory_space<hbm>> -> memref<25x100xi32, #tpu.memory_space<hbm>>
      tpu.enqueue_dma source(%dma_start3A_263 : memref<25x100xi32, #tpu.memory_space<hbm>>) target(%arg8 : memref<25x100xi32, #tpu.memory_space<vmem>>) target_semaphore(%run_scoped3A_255 : memref<!tpu.dma_semaphore, #tpu.memory_space<semaphore_mem>>)
      %dma_wait3A_264 = arith.constant 0 : i32
      %dma_wait3A_265 = arith.constant 0 : i32
      %dma_wait3A_266 = tpu.memref_slice %arg4[%arg1, %run_scoped3A_192, %dma_wait3A_264, %dma_wait3A_265] : memref<16x4x25x100xi32, #tpu.memory_space<hbm>> -> memref<1x1x25x100xi32, #tpu.memory_space<hbm>>
      %dma_wait3A_267 = tpu.memref_squeeze %dma_wait3A_266 : memref<1x1x25x100xi32, #tpu.memory_space<hbm>> -> memref<25x100xi32, #tpu.memory_space<hbm>>
      %dma_wait3A_268 = arith.constant 0 : i32
      %dma_wait3A_269 = arith.constant 0 : i32
      %dma_wait3A_270 = tpu.memref_slice %arg4[%arg1, %run_scoped3A_192, %dma_wait3A_268, %dma_wait3A_269] : memref<16x4x25x100xi32, #tpu.memory_space<hbm>> -> memref<1x1x25x100xi32, #tpu.memory_space<hbm>>
      %dma_wait3A_271 = tpu.memref_squeeze %dma_wait3A_270 : memref<1x1x25x100xi32, #tpu.memory_space<hbm>> -> memref<25x100xi32, #tpu.memory_space<hbm>>
      tpu.wait_dma2 semaphore(%run_scoped3A_255 : memref<!tpu.dma_semaphore, #tpu.memory_space<semaphore_mem>>) src(%dma_wait3A_271 : memref<25x100xi32, #tpu.memory_space<hbm>>) dst(%arg8 : memref<25x100xi32, #tpu.memory_space<vmem>>)
      tpu.yield
    }) : () -> ()
    %rem3A_193 = arith.constant 0 : i32
    %rem3A_194 = arith.constant 3 : i32
    %rem3A_195 = arith.remsi %rem3A_193, %rem3A_194 : i32
    %dma_start3A_196 = arith.constant 0 : i32
    %dma_start3A_197 = arith.constant 0 : i32
    %dma_start3A_198 = arith.constant 0 : i32
    %dma_start3A_199 = tpu.memref_slice %arg9[%rem3A_195, %dma_start3A_197, %dma_start3A_198] : memref<3x100x128xf32, #tpu.memory_space<vmem>> -> memref<1x100x128xf32, #tpu.memory_space<vmem>>
    %dma_start3A_200 = tpu.memref_squeeze %dma_start3A_199 : memref<1x100x128xf32, #tpu.memory_space<vmem>> -> memref<100x128xf32, #tpu.memory_space<vmem>>
    %dma_start3A_201 = arith.constant 0 : i32
    %dma_start3A_202 = tpu.memref_slice %arg7[%dma_start3A_196, %dma_start3A_201] : memref<25x100xi32, #tpu.memory_space<vmem>> -> memref<1x100xi32, #tpu.memory_space<vmem>>
    %dma_start3A_203 = tpu.memref_squeeze %dma_start3A_202 : memref<1x100xi32, #tpu.memory_space<vmem>> -> memref<100xi32, #tpu.memory_space<vmem>>
    %dma_start3A_204 = arith.constant 0 : i32
    %dma_start3A_205 = arith.constant 0 : i32
    %dma_start3A_206 = tpu.memref_slice %arg2[%arg0, %dma_start3A_204, %dma_start3A_205] : memref<2x10000x128xf32, #tpu.memory_space<hbm>> -> memref<1x10000x128xf32, #tpu.memory_space<hbm>>
    %dma_start3A_207 = tpu.memref_squeeze %dma_start3A_206 : memref<1x10000x128xf32, #tpu.memory_space<hbm>> -> memref<10000x128xf32, #tpu.memory_space<hbm>>
    %dma_start3A_208 = arith.constant 0 : i32
    %dma_start3A_209 = arith.constant 0 : i32
    %dma_start3A_210 = tpu.memref_slice %dma_start3A_207[%dma_start3A_208, %dma_start3A_209] : memref<10000x128xf32, #tpu.memory_space<hbm>> -> memref<10000x128xf32, #tpu.memory_space<hbm>>
    %dma_start3A_211 = tpu.memref_slice %arg11[%rem3A_195] : memref<3x!tpu.dma_semaphore, #tpu.memory_space<semaphore_mem>> -> memref<1x!tpu.dma_semaphore, #tpu.memory_space<semaphore_mem>>
    %dma_start3A_212 = tpu.memref_squeeze %dma_start3A_211 : memref<1x!tpu.dma_semaphore, #tpu.memory_space<semaphore_mem>> -> memref<!tpu.dma_semaphore, #tpu.memory_space<semaphore_mem>>
    tpu.enqueue_indirect_dma source(%dma_start3A_210 : memref<10000x128xf32, #tpu.memory_space<hbm>>) target(%dma_start3A_200 : memref<100x128xf32, #tpu.memory_space<vmem>>) offsets(%dma_start3A_203 : memref<100xi32, #tpu.memory_space<vmem>>) semaphore(%dma_start3A_212 : memref<!tpu.dma_semaphore, #tpu.memory_space<semaphore_mem>>)
    %rem3A_213 = arith.constant 1 : i32
    %rem3A_214 = arith.constant 3 : i32
    %rem3A_215 = arith.remsi %rem3A_213, %rem3A_214 : i32
    %dma_start3A_216 = arith.constant 1 : i32
    %dma_start3A_217 = arith.constant 0 : i32
    %dma_start3A_218 = arith.constant 0 : i32
    %dma_start3A_219 = tpu.memref_slice %arg9[%rem3A_215, %dma_start3A_217, %dma_start3A_218] : memref<3x100x128xf32, #tpu.memory_space<vmem>> -> memref<1x100x128xf32, #tpu.memory_space<vmem>>
    %dma_start3A_220 = tpu.memref_squeeze %dma_start3A_219 : memref<1x100x128xf32, #tpu.memory_space<vmem>> -> memref<100x128xf32, #tpu.memory_space<vmem>>
    %dma_start3A_221 = arith.constant 0 : i32
    %dma_start3A_222 = tpu.memref_slice %arg7[%dma_start3A_216, %dma_start3A_221] : memref<25x100xi32, #tpu.memory_space<vmem>> -> memref<1x100xi32, #tpu.memory_space<vmem>>
    %dma_start3A_223 = tpu.memref_squeeze %dma_start3A_222 : memref<1x100xi32, #tpu.memory_space<vmem>> -> memref<100xi32, #tpu.memory_space<vmem>>
    %dma_start3A_224 = arith.constant 0 : i32
    %dma_start3A_225 = arith.constant 0 : i32
    %dma_start3A_226 = tpu.memref_slice %arg2[%arg0, %dma_start3A_224, %dma_start3A_225] : memref<2x10000x128xf32, #tpu.memory_space<hbm>> -> memref<1x10000x128xf32, #tpu.memory_space<hbm>>
    %dma_start3A_227 = tpu.memref_squeeze %dma_start3A_226 : memref<1x10000x128xf32, #tpu.memory_space<hbm>> -> memref<10000x128xf32, #tpu.memory_space<hbm>>
    %dma_start3A_228 = arith.constant 0 : i32
    %dma_start3A_229 = arith.constant 0 : i32
    %dma_start3A_230 = tpu.memref_slice %dma_start3A_227[%dma_start3A_228, %dma_start3A_229] : memref<10000x128xf32, #tpu.memory_space<hbm>> -> memref<10000x128xf32, #tpu.memory_space<hbm>>
    %dma_start3A_231 = tpu.memref_slice %arg11[%rem3A_215] : memref<3x!tpu.dma_semaphore, #tpu.memory_space<semaphore_mem>> -> memref<1x!tpu.dma_semaphore, #tpu.memory_space<semaphore_mem>>
    %dma_start3A_232 = tpu.memref_squeeze %dma_start3A_231 : memref<1x!tpu.dma_semaphore, #tpu.memory_space<semaphore_mem>> -> memref<!tpu.dma_semaphore, #tpu.memory_space<semaphore_mem>>
    tpu.enqueue_indirect_dma source(%dma_start3A_230 : memref<10000x128xf32, #tpu.memory_space<hbm>>) target(%dma_start3A_220 : memref<100x128xf32, #tpu.memory_space<vmem>>) offsets(%dma_start3A_223 : memref<100xi32, #tpu.memory_space<vmem>>) semaphore(%dma_start3A_232 : memref<!tpu.dma_semaphore, #tpu.memory_space<semaphore_mem>>)
    %scan3A_233 = arith.constant 0 : i32
    %scan3A_234 = arith.constant 25 : i32
    %scan3A_235 = arith.addi %scan3A_233, %scan3A_234 : i32
    %scan3A_236 = arith.constant 1 : i32
    scf.for %scan3A_255 = %scan3A_233 to %scan3A_235 step %scan3A_236  : i32 {
      %mul3A_256 = arith.constant 1 : i32
      %mul3A_257 = arith.muli %scan3A_255, %mul3A_256 : i32
      %add3A = arith.constant 0 : i32
      %add3A_258 = arith.addi %add3A, %mul3A_257 : i32
      %rem3A_259 = arith.constant 3 : i32
      %rem3A_260 = arith.remsi %add3A_258, %rem3A_259 : i32
      %dma_wait3A_261 = arith.constant 0 : i32
      %dma_wait3A_262 = arith.constant 0 : i32
      %dma_wait3A_263 = tpu.memref_slice %arg9[%rem3A_260, %dma_wait3A_261, %dma_wait3A_262] : memref<3x100x128xf32, #tpu.memory_space<vmem>> -> memref<1x100x128xf32, #tpu.memory_space<vmem>>
      %dma_wait3A_264 = tpu.memref_squeeze %dma_wait3A_263 : memref<1x100x128xf32, #tpu.memory_space<vmem>> -> memref<100x128xf32, #tpu.memory_space<vmem>>
      %dma_wait3A_265 = arith.constant 0 : i32
      %dma_wait3A_266 = tpu.memref_slice %arg7[%add3A_258, %dma_wait3A_265] : memref<25x100xi32, #tpu.memory_space<vmem>> -> memref<1x100xi32, #tpu.memory_space<vmem>>
      %dma_wait3A_267 = tpu.memref_squeeze %dma_wait3A_266 : memref<1x100xi32, #tpu.memory_space<vmem>> -> memref<100xi32, #tpu.memory_space<vmem>>
      %dma_wait3A_268 = arith.constant 0 : i32
      %dma_wait3A_269 = arith.constant 0 : i32
      %dma_wait3A_270 = tpu.memref_slice %arg2[%arg0, %dma_wait3A_268, %dma_wait3A_269] : memref<2x10000x128xf32, #tpu.memory_space<hbm>> -> memref<1x10000x128xf32, #tpu.memory_space<hbm>>
      %dma_wait3A_271 = tpu.memref_squeeze %dma_wait3A_270 : memref<1x10000x128xf32, #tpu.memory_space<hbm>> -> memref<10000x128xf32, #tpu.memory_space<hbm>>
      %dma_wait3A_272 = arith.constant 0 : i32
      %dma_wait3A_273 = arith.constant 0 : i32
      %dma_wait3A_274 = tpu.memref_slice %dma_wait3A_271[%dma_wait3A_272, %dma_wait3A_273] : memref<10000x128xf32, #tpu.memory_space<hbm>> -> memref<10000x128xf32, #tpu.memory_space<hbm>>
      %dma_wait3A_275 = tpu.memref_slice %arg11[%rem3A_260] : memref<3x!tpu.dma_semaphore, #tpu.memory_space<semaphore_mem>> -> memref<1x!tpu.dma_semaphore, #tpu.memory_space<semaphore_mem>>
      %dma_wait3A_276 = tpu.memref_squeeze %dma_wait3A_275 : memref<1x!tpu.dma_semaphore, #tpu.memory_space<semaphore_mem>> -> memref<!tpu.dma_semaphore, #tpu.memory_space<semaphore_mem>>
      tpu.wait_indirect_dma semaphore(%dma_wait3A_276 : memref<!tpu.dma_semaphore, #tpu.memory_space<semaphore_mem>>) src(%dma_wait3A_274 : memref<10000x128xf32, #tpu.memory_space<hbm>>) dst(%dma_wait3A_264 : memref<100x128xf32, #tpu.memory_space<vmem>>)
      %rem3A_277 = arith.constant 3 : i32
      %rem3A_278 = arith.remsi %add3A_258, %rem3A_277 : i32
      %dma_start3A_279 = arith.constant 0 : i32
      %dma_start3A_280 = arith.constant 0 : i32
      %dma_start3A_281 = tpu.memref_slice %arg9[%rem3A_278, %dma_start3A_279, %dma_start3A_280] : memref<3x100x128xf32, #tpu.memory_space<vmem>> -> memref<1x100x128xf32, #tpu.memory_space<vmem>>
      %dma_start3A_282 = tpu.memref_squeeze %dma_start3A_281 : memref<1x100x128xf32, #tpu.memory_space<vmem>> -> memref<100x128xf32, #tpu.memory_space<vmem>>
      %dma_start3A_283 = arith.constant 0 : i32
      %dma_start3A_284 = tpu.memref_slice %arg8[%add3A_258, %dma_start3A_283] : memref<25x100xi32, #tpu.memory_space<vmem>> -> memref<1x100xi32, #tpu.memory_space<vmem>>
      %dma_start3A_285 = tpu.memref_squeeze %dma_start3A_284 : memref<1x100xi32, #tpu.memory_space<vmem>> -> memref<100xi32, #tpu.memory_space<vmem>>
      %dma_start3A_286 = arith.constant 0 : i32
      %dma_start3A_287 = arith.constant 0 : i32
      %dma_start3A_288 = tpu.memref_slice %arg10[%dma_start3A_286, %dma_start3A_287] : memref<10240x128xf32, #tpu.memory_space<vmem_shared>> -> memref<10240x128xf32, #tpu.memory_space<vmem_shared>>
      %dma_start3A_289 = tpu.memref_slice %arg12[%rem3A_278] : memref<3x!tpu.dma_semaphore, #tpu.memory_space<semaphore_mem>> -> memref<1x!tpu.dma_semaphore, #tpu.memory_space<semaphore_mem>>
      %dma_start3A_290 = tpu.memref_squeeze %dma_start3A_289 : memref<1x!tpu.dma_semaphore, #tpu.memory_space<semaphore_mem>> -> memref<!tpu.dma_semaphore, #tpu.memory_space<semaphore_mem>>
      tpu.enqueue_indirect_dma source(%dma_start3A_282 : memref<100x128xf32, #tpu.memory_space<vmem>>) target(%dma_start3A_288 : memref<10240x128xf32, #tpu.memory_space<vmem_shared>>) offsets(%dma_start3A_285 : memref<100xi32, #tpu.memory_space<vmem>>) semaphore(%dma_start3A_290 : memref<!tpu.dma_semaphore, #tpu.memory_space<semaphore_mem>>) {add = true}
      %ge3A = arith.constant 1 : i32
      %ge3A_291 = arith.cmpi sge, %add3A_258, %ge3A : i32
      %convert_element_type3A_292 = arith.extui %ge3A_291 : i1 to i32
      %cond3A_293 = arith.constant 0 : i32
      %cond3A_294 = arith.cmpi ne, %convert_element_type3A_292, %cond3A_293 : i32
      scf.if %cond3A_294 {
        %sub3A = arith.constant 1 : i32
        %sub3A_302 = arith.subi %add3A_258, %sub3A : i32
        %max3A = arith.constant 0 : i32
        %max3A_303 = arith.maxsi %sub3A_302, %max3A : i32
        %rem3A_304 = arith.constant 3 : i32
        %rem3A_305 = arith.remsi %max3A_303, %rem3A_304 : i32
        %dma_wait3A_306 = arith.constant 0 : i32
        %dma_wait3A_307 = arith.constant 0 : i32
        %dma_wait3A_308 = tpu.memref_slice %arg9[%rem3A_305, %dma_wait3A_306, %dma_wait3A_307] : memref<3x100x128xf32, #tpu.memory_space<vmem>> -> memref<1x100x128xf32, #tpu.memory_space<vmem>>
        %dma_wait3A_309 = tpu.memref_squeeze %dma_wait3A_308 : memref<1x100x128xf32, #tpu.memory_space<vmem>> -> memref<100x128xf32, #tpu.memory_space<vmem>>
        %dma_wait3A_310 = arith.constant 0 : i32
        %dma_wait3A_311 = tpu.memref_slice %arg8[%max3A_303, %dma_wait3A_310] : memref<25x100xi32, #tpu.memory_space<vmem>> -> memref<1x100xi32, #tpu.memory_space<vmem>>
        %dma_wait3A_312 = tpu.memref_squeeze %dma_wait3A_311 : memref<1x100xi32, #tpu.memory_space<vmem>> -> memref<100xi32, #tpu.memory_space<vmem>>
        %dma_wait3A_313 = arith.constant 0 : i32
        %dma_wait3A_314 = arith.constant 0 : i32
        %dma_wait3A_315 = tpu.memref_slice %arg10[%dma_wait3A_313, %dma_wait3A_314] : memref<10240x128xf32, #tpu.memory_space<vmem_shared>> -> memref<10240x128xf32, #tpu.memory_space<vmem_shared>>
        %dma_wait3A_316 = tpu.memref_slice %arg12[%rem3A_305] : memref<3x!tpu.dma_semaphore, #tpu.memory_space<semaphore_mem>> -> memref<1x!tpu.dma_semaphore, #tpu.memory_space<semaphore_mem>>
        %dma_wait3A_317 = tpu.memref_squeeze %dma_wait3A_316 : memref<1x!tpu.dma_semaphore, #tpu.memory_space<semaphore_mem>> -> memref<!tpu.dma_semaphore, #tpu.memory_space<semaphore_mem>>
        tpu.wait_indirect_dma semaphore(%dma_wait3A_317 : memref<!tpu.dma_semaphore, #tpu.memory_space<semaphore_mem>>) src(%dma_wait3A_309 : memref<100x128xf32, #tpu.memory_space<vmem>>) dst(%dma_wait3A_315 : memref<10240x128xf32, #tpu.memory_space<vmem_shared>>)
      } else {
      }
      %add3A_295 = arith.constant 2 : i32
      %add3A_296 = arith.addi %add3A_258, %add3A_295 : i32
      %lt3A_297 = arith.constant 25 : i32
      %lt3A_298 = arith.cmpi slt, %add3A_296, %lt3A_297 : i32
      %convert_element_type3A_299 = arith.extui %lt3A_298 : i1 to i32
      %cond3A_300 = arith.constant 0 : i32
      %cond3A_301 = arith.cmpi ne, %convert_element_type3A_299, %cond3A_300 : i32
      scf.if %cond3A_301 {
        %add3A_302 = arith.constant 2 : i32
        %add3A_303 = arith.addi %add3A_258, %add3A_302 : i32
        %min3A = arith.constant 24 : i32
        %min3A_304 = arith.minsi %add3A_303, %min3A : i32
        %rem3A_305 = arith.constant 3 : i32
        %rem3A_306 = arith.remsi %min3A_304, %rem3A_305 : i32
        %dma_start3A_307 = arith.constant 0 : i32
        %dma_start3A_308 = arith.constant 0 : i32
        %dma_start3A_309 = tpu.memref_slice %arg9[%rem3A_306, %dma_start3A_307, %dma_start3A_308] : memref<3x100x128xf32, #tpu.memory_space<vmem>> -> memref<1x100x128xf32, #tpu.memory_space<vmem>>
        %dma_start3A_310 = tpu.memref_squeeze %dma_start3A_309 : memref<1x100x128xf32, #tpu.memory_space<vmem>> -> memref<100x128xf32, #tpu.memory_space<vmem>>
        %dma_start3A_311 = arith.constant 0 : i32
        %dma_start3A_312 = tpu.memref_slice %arg7[%min3A_304, %dma_start3A_311] : memref<25x100xi32, #tpu.memory_space<vmem>> -> memref<1x100xi32, #tpu.memory_space<vmem>>
        %dma_start3A_313 = tpu.memref_squeeze %dma_start3A_312 : memref<1x100xi32, #tpu.memory_space<vmem>> -> memref<100xi32, #tpu.memory_space<vmem>>
        %dma_start3A_314 = arith.constant 0 : i32
        %dma_start3A_315 = arith.constant 0 : i32
        %dma_start3A_316 = tpu.memref_slice %arg2[%arg0, %dma_start3A_314, %dma_start3A_315] : memref<2x10000x128xf32, #tpu.memory_space<hbm>> -> memref<1x10000x128xf32, #tpu.memory_space<hbm>>
        %dma_start3A_317 = tpu.memref_squeeze %dma_start3A_316 : memref<1x10000x128xf32, #tpu.memory_space<hbm>> -> memref<10000x128xf32, #tpu.memory_space<hbm>>
        %dma_start3A_318 = arith.constant 0 : i32
        %dma_start3A_319 = arith.constant 0 : i32
        %dma_start3A_320 = tpu.memref_slice %dma_start3A_317[%dma_start3A_318, %dma_start3A_319] : memref<10000x128xf32, #tpu.memory_space<hbm>> -> memref<10000x128xf32, #tpu.memory_space<hbm>>
        %dma_start3A_321 = tpu.memref_slice %arg11[%rem3A_306] : memref<3x!tpu.dma_semaphore, #tpu.memory_space<semaphore_mem>> -> memref<1x!tpu.dma_semaphore, #tpu.memory_space<semaphore_mem>>
        %dma_start3A_322 = tpu.memref_squeeze %dma_start3A_321 : memref<1x!tpu.dma_semaphore, #tpu.memory_space<semaphore_mem>> -> memref<!tpu.dma_semaphore, #tpu.memory_space<semaphore_mem>>
        tpu.enqueue_indirect_dma source(%dma_start3A_320 : memref<10000x128xf32, #tpu.memory_space<hbm>>) target(%dma_start3A_310 : memref<100x128xf32, #tpu.memory_space<vmem>>) offsets(%dma_start3A_313 : memref<100xi32, #tpu.memory_space<vmem>>) semaphore(%dma_start3A_322 : memref<!tpu.dma_semaphore, #tpu.memory_space<semaphore_mem>>)
      } else {
      }
    }
    %scan3A_237 = arith.constant 25 : i32
    %rem3A_238 = arith.constant 24 : i32
    %rem3A_239 = arith.constant 3 : i32
    %rem3A_240 = arith.remsi %rem3A_238, %rem3A_239 : i32
    %dma_wait3A_241 = arith.constant 24 : i32
    %dma_wait3A_242 = arith.constant 0 : i32
    %dma_wait3A_243 = arith.constant 0 : i32
    %dma_wait3A_244 = tpu.memref_slice %arg9[%rem3A_240, %dma_wait3A_242, %dma_wait3A_243] : memref<3x100x128xf32, #tpu.memory_space<vmem>> -> memref<1x100x128xf32, #tpu.memory_space<vmem>>
    %dma_wait3A_245 = tpu.memref_squeeze %dma_wait3A_244 : memref<1x100x128xf32, #tpu.memory_space<vmem>> -> memref<100x128xf32, #tpu.memory_space<vmem>>
    %dma_wait3A_246 = arith.constant 0 : i32
    %dma_wait3A_247 = tpu.memref_slice %arg8[%dma_wait3A_241, %dma_wait3A_246] : memref<25x100xi32, #tpu.memory_space<vmem>> -> memref<1x100xi32, #tpu.memory_space<vmem>>
    %dma_wait3A_248 = tpu.memref_squeeze %dma_wait3A_247 : memref<1x100xi32, #tpu.memory_space<vmem>> -> memref<100xi32, #tpu.memory_space<vmem>>
    %dma_wait3A_249 = arith.constant 0 : i32
    %dma_wait3A_250 = arith.constant 0 : i32
    %dma_wait3A_251 = tpu.memref_slice %arg10[%dma_wait3A_249, %dma_wait3A_250] : memref<10240x128xf32, #tpu.memory_space<vmem_shared>> -> memref<10240x128xf32, #tpu.memory_space<vmem_shared>>
    %dma_wait3A_252 = tpu.memref_slice %arg12[%rem3A_240] : memref<3x!tpu.dma_semaphore, #tpu.memory_space<semaphore_mem>> -> memref<1x!tpu.dma_semaphore, #tpu.memory_space<semaphore_mem>>
    %dma_wait3A_253 = tpu.memref_squeeze %dma_wait3A_252 : memref<1x!tpu.dma_semaphore, #tpu.memory_space<semaphore_mem>> -> memref<!tpu.dma_semaphore, #tpu.memory_space<semaphore_mem>>
    tpu.wait_indirect_dma semaphore(%dma_wait3A_253 : memref<!tpu.dma_semaphore, #tpu.memory_space<semaphore_mem>>) src(%dma_wait3A_245 : memref<100x128xf32, #tpu.memory_space<vmem>>) dst(%dma_wait3A_251 : memref<10240x128xf32, #tpu.memory_space<vmem_shared>>)
    %barrier3A_254 = arith.constant 0 : index
    tpu.barrier barrier_id(%barrier3A_254)
    "tpu.region"() ({
      %run_scoped3A_255 = tpu.sem_alloc : memref<!tpu.dma_semaphore, #tpu.memory_space<semaphore_mem>>
      %dma_start3A_256 = arith.constant 0 : i32
      %dma_start3A_257 = tpu.memref_slice %arg6[%arg0, %mul3A_0, %dma_start3A_256] : memref<2x10240x128xf32, #tpu.memory_space<hbm>> -> memref<1x640x128xf32, #tpu.memory_space<hbm>>
      %dma_start3A_258 = tpu.memref_squeeze %dma_start3A_257 : memref<1x640x128xf32, #tpu.memory_space<hbm>> -> memref<640x128xf32, #tpu.memory_space<hbm>>
      %dma_start3A_259 = arith.constant 0 : i32
      %dma_start3A_260 = tpu.memref_slice %arg10[%mul3A_0, %dma_start3A_259] : memref<10240x128xf32, #tpu.memory_space<vmem_shared>> -> memref<640x128xf32, #tpu.memory_space<vmem_shared>>
      tpu.enqueue_dma source(%dma_start3A_260 : memref<640x128xf32, #tpu.memory_space<vmem_shared>>) target(%dma_start3A_258 : memref<640x128xf32, #tpu.memory_space<hbm>>) target_semaphore(%run_scoped3A_255 : memref<!tpu.dma_semaphore, #tpu.memory_space<semaphore_mem>>)
      %dma_wait3A_261 = arith.constant 0 : i32
      %dma_wait3A_262 = tpu.memref_slice %arg6[%arg0, %mul3A_0, %dma_wait3A_261] : memref<2x10240x128xf32, #tpu.memory_space<hbm>> -> memref<1x640x128xf32, #tpu.memory_space<hbm>>
      %dma_wait3A_263 = tpu.memref_squeeze %dma_wait3A_262 : memref<1x640x128xf32, #tpu.memory_space<hbm>> -> memref<640x128xf32, #tpu.memory_space<hbm>>
      %dma_wait3A_264 = arith.constant 0 : i32
      %dma_wait3A_265 = tpu.memref_slice %arg10[%mul3A_0, %dma_wait3A_264] : memref<10240x128xf32, #tpu.memory_space<vmem_shared>> -> memref<640x128xf32, #tpu.memory_space<vmem_shared>>
      tpu.wait_dma2 semaphore(%run_scoped3A_255 : memref<!tpu.dma_semaphore, #tpu.memory_space<semaphore_mem>>) src(%dma_wait3A_265 : memref<640x128xf32, #tpu.memory_space<vmem_shared>>) dst(%dma_wait3A_263 : memref<640x128xf32, #tpu.memory_space<hbm>>)
      tpu.yield
    }) : () -> ()
    return
  }
}

module attributes {stable_mosaic.version = 14 : i64} {
  func.func @_dinv_body(%arg0: memref<32x10240xi32, #tpu.memory_space<vmem>>, %arg1: memref<10000x8xf32, #tpu.memory_space<vmem>>) attributes {dimension_semantics = [], scalar_prefetch = 0 : i64, scratch_operands = 0 : i64, tpu.core_type = #tpu.core_type<tc>} {
    %get3A = arith.constant 0 : index
    %get3A_0 = arith.constant 0 : index
    %get3A_1 = vector.load %arg0[%get3A, %get3A_0] : memref<32x10240xi32, #tpu.memory_space<vmem>>, vector<32x10240xi32>
    %convert_element_type3A = arith.sitofp %get3A_1 : vector<32x10240xi32> to vector<32x10240xf32>
    %reduce_sum3A = arith.constant dense<0.000000e+00> : vector<10240xf32>
    %reduce_sum3A_2 = vector.multi_reduction <add>, %convert_element_type3A, %reduce_sum3A [0] : vector<32x10240xf32> to vector<10240xf32>
    %add3A = arith.constant 1.000000e+00 : f32
    %add3A_3 = vector.broadcast %add3A : f32 to vector<10240xf32>
    %add3A_4 = arith.addf %reduce_sum3A_2, %add3A_3 : vector<10240xf32>
    %rsqrt3A = math.rsqrt %add3A_4 : vector<10240xf32>
    %slice3A = vector.extract_strided_slice %rsqrt3A {offsets = [0], sizes = [10000], strides = [1]} : vector<10240xf32> to vector<10000xf32>
    %broadcast_in_dim3A = vector.shape_cast %slice3A : vector<10000xf32> to vector<10000x1xf32>
    %broadcast_in_dim3A_5 = vector.shape_cast %broadcast_in_dim3A : vector<10000x1xf32> to vector<10000x1xf32>
    %broadcast_in_dim3A_6 = vector.broadcast %broadcast_in_dim3A_5 : vector<10000x1xf32> to vector<10000x8xf32>
    %swap3A = arith.constant 0 : index
    %swap3A_7 = arith.constant 0 : index
    %swap3A_8 = vector.load %arg1[%swap3A, %swap3A_7] : memref<10000x8xf32, #tpu.memory_space<vmem>>, vector<10000x8xf32>
    tpu.vector_store %arg1[%swap3A, %swap3A_7], %broadcast_in_dim3A_6 {strides = array<i32>} : memref<10000x8xf32, #tpu.memory_space<vmem>>, vector<10000x8xf32>,
    return
  }
}

module attributes {stable_mosaic.version = 14 : i64} {
  func.func @_g1_body(%arg0: i32, %arg1: memref<1000x256xf32, #tpu.memory_space<vmem>>, %arg2: memref<256x256xf32, #tpu.memory_space<vmem>>, %arg3: memref<1000x8xf32, #tpu.memory_space<vmem>>, %arg4: memref<2x1000x128xf32, #tpu.memory_space<vmem>>) attributes {dimension_semantics = [#tpu.dimension_semantics<arbitrary>], iteration_bounds = array<i64: 10>, scalar_prefetch = 0 : i64, scratch_operands = 0 : i64, tpu.core_type = #tpu.core_type<tc>, window_params = [{transform_indices = @transform_0, window_bounds = array<i64: 1000, 256>}, {pipeline_mode = #tpu.pipeline_mode<synchronous>, transform_indices = @transform_1, window_bounds = array<i64: 256, 256>}, {transform_indices = @transform_2, window_bounds = array<i64: 1000, 8>}, {transform_indices = @transform_3, window_bounds = array<i64: 2, 1000, 128>}]} {
    %get3A = arith.constant 0 : index
    %get3A_0 = arith.constant 0 : index
    %get3A_1 = vector.load %arg1[%get3A, %get3A_0] : memref<1000x256xf32, #tpu.memory_space<vmem>>, vector<1000x256xf32>
    %get3A_2 = arith.constant 0 : index
    %get3A_3 = arith.constant 0 : index
    %get3A_4 = vector.load %arg2[%get3A_2, %get3A_3] : memref<256x256xf32, #tpu.memory_space<vmem>>, vector<256x256xf32>
    %dot_general3A = arith.constant dense<0.000000e+00> : vector<1000x256xf32>
    %dot_general3A_5 = tpu.matmul %get3A_1, %get3A_4, %dot_general3A {dimension_numbers = #tpu.dot_dimension_numbers<[1], [0], [0], [1], [0, 0, 1, 1], [], []>, transpose_lhs_hint = false} : vector<1000x256xf32>, vector<256x256xf32>, vector<1000x256xf32> -> vector<1000x256xf32>
    %get3A_6 = arith.constant 0 : index
    %get3A_7 = arith.constant 0 : index
    %get3A_8 = vector.load %arg3[%get3A_6, %get3A_7] : memref<1000x8xf32, #tpu.memory_space<vmem>>, vector<1000x1xf32>
    %mul3A = vector.broadcast %get3A_8 : vector<1000x1xf32> to vector<1000x256xf32>
    %mul3A_9 = arith.mulf %dot_general3A_5, %mul3A : vector<1000x256xf32>
    %slice3A = vector.extract_strided_slice %mul3A_9 {offsets = [0, 0], sizes = [1000, 128], strides = [1, 1]} : vector<1000x256xf32> to vector<1000x128xf32>
    %swap3A = arith.constant 0 : index
    %swap3A_10 = arith.constant 0 : index
    %swap3A_11 = arith.constant 0 : index
    %swap3A_12 = vector.load %arg4[%swap3A, %swap3A_10, %swap3A_11] : memref<2x1000x128xf32, #tpu.memory_space<vmem>>, vector<1x1000x128xf32>
    %swap3A_13 = vector.shape_cast %swap3A_12 : vector<1x1000x128xf32> to vector<1000x128xf32>
    %swap3A_14 = vector.shape_cast %slice3A : vector<1000x128xf32> to vector<1x1000x128xf32>
    tpu.vector_store %arg4[%swap3A, %swap3A_10, %swap3A_11], %swap3A_14 {strides = array<i32>} : memref<2x1000x128xf32, #tpu.memory_space<vmem>>, vector<1x1000x128xf32>,
    %slice3A_15 = vector.extract_strided_slice %mul3A_9 {offsets = [0, 128], sizes = [1000, 128], strides = [1, 1]} : vector<1000x256xf32> to vector<1000x128xf32>
    %swap3A_16 = arith.constant 1 : index
    %swap3A_17 = arith.constant 0 : index
    %swap3A_18 = arith.constant 0 : index
    %swap3A_19 = vector.load %arg4[%swap3A_16, %swap3A_17, %swap3A_18] : memref<2x1000x128xf32, #tpu.memory_space<vmem>>, vector<1x1000x128xf32>
    %swap3A_20 = vector.shape_cast %swap3A_19 : vector<1x1000x128xf32> to vector<1000x128xf32>
    %swap3A_21 = vector.shape_cast %slice3A_15 : vector<1000x128xf32> to vector<1x1000x128xf32>
    tpu.vector_store %arg4[%swap3A_16, %swap3A_17, %swap3A_18], %swap3A_21 {strides = array<i32>} : memref<2x1000x128xf32, #tpu.memory_space<vmem>>, vector<1x1000x128xf32>,
    return
  }
  func.func @transform_0(%arg0: i32) -> (i32, i32) {
    %c0_i32 = arith.constant 0 : i32
    %c0_i32_0 = arith.constant 0 : i32
    return %arg0, %c0_i32 : i32, i32
  }
  func.func @transform_1(%arg0: i32) -> (i32, i32) {
    %c0_i32 = arith.constant 0 : i32
    %c0_i32_0 = arith.constant 0 : i32
    %c0_i32_1 = arith.constant 0 : i32
    return %c0_i32, %c0_i32_0 : i32, i32
  }
  func.func @transform_2(%arg0: i32) -> (i32, i32) {
    %c0_i32 = arith.constant 0 : i32
    %c0_i32_0 = arith.constant 0 : i32
    return %arg0, %c0_i32 : i32, i32
  }
  func.func @transform_3(%arg0: i32) -> (i32, i32, i32) {
    %c0_i32 = arith.constant 0 : i32
    %c0_i32_0 = arith.constant 0 : i32
    %c0_i32_1 = arith.constant 0 : i32
    return %c0_i32, %arg0, %c0_i32_0 : i32, i32, i32
  }
}

module attributes {stable_mosaic.version = 14 : i64} {
  func.func @_mid_body(%arg0: i32, %arg1: memref<2x1000x128xf32, #tpu.memory_space<vmem>>, %arg2: memref<1000x8xf32, #tpu.memory_space<vmem>>, %arg3: memref<1x256xf32, #tpu.memory_space<vmem>>, %arg4: memref<256x256xf32, #tpu.memory_space<vmem>>, %arg5: memref<2x1000x128xf32, #tpu.memory_space<vmem>>) attributes {dimension_semantics = [#tpu.dimension_semantics<arbitrary>], iteration_bounds = array<i64: 10>, scalar_prefetch = 0 : i64, scratch_operands = 0 : i64, tpu.core_type = #tpu.core_type<tc>, window_params = [{transform_indices = @transform_0, window_bounds = array<i64: 2, 1000, 128>}, {transform_indices = @transform_1, window_bounds = array<i64: 1000, 8>}, {pipeline_mode = #tpu.pipeline_mode<synchronous>, transform_indices = @transform_2, window_bounds = array<i64: 1, 256>}, {pipeline_mode = #tpu.pipeline_mode<synchronous>, transform_indices = @transform_3, window_bounds = array<i64: 256, 256>}, {transform_indices = @transform_4, window_bounds = array<i64: 2, 1000, 128>}]} {
    %get3A = arith.constant 0 : index
    %get3A_0 = arith.constant 0 : index
    %get3A_1 = vector.load %arg2[%get3A, %get3A_0] : memref<1000x8xf32, #tpu.memory_space<vmem>>, vector<1000x1xf32>
    %broadcast_in_dim3A = vector.shape_cast %get3A_1 : vector<1000x1xf32> to vector<1000x1xf32>
    %broadcast_in_dim3A_2 = vector.broadcast %broadcast_in_dim3A : vector<1000x1xf32> to vector<1000x128xf32>
    %get3A_3 = arith.constant 0 : index
    %get3A_4 = arith.constant 0 : index
    %get3A_5 = vector.load %arg3[%get3A_3, %get3A_4] : memref<1x256xf32, #tpu.memory_space<vmem>>, vector<1x256xf32>
    %get3A_6 = arith.constant 0 : index
    %get3A_7 = arith.constant 0 : index
    %get3A_8 = arith.constant 0 : index
    %get3A_9 = vector.load %arg1[%get3A_6, %get3A_7, %get3A_8] : memref<2x1000x128xf32, #tpu.memory_space<vmem>>, vector<1x1000x128xf32>
    %get3A_10 = vector.shape_cast %get3A_9 : vector<1x1000x128xf32> to vector<1000x128xf32>
    %mul3A = arith.mulf %broadcast_in_dim3A_2, %get3A_10 : vector<1000x128xf32>
    %slice3A = vector.extract_strided_slice %get3A_5 {offsets = [0, 0], sizes = [1, 128], strides = [1, 1]} : vector<1x256xf32> to vector<1x128xf32>
    %add3A = vector.broadcast %slice3A : vector<1x128xf32> to vector<1000x128xf32>
    %add3A_11 = arith.addf %mul3A, %add3A : vector<1000x128xf32>
    %get3A_12 = arith.constant 1 : index
    %get3A_13 = arith.constant 0 : index
    %get3A_14 = arith.constant 0 : index
    %get3A_15 = vector.load %arg1[%get3A_12, %get3A_13, %get3A_14] : memref<2x1000x128xf32, #tpu.memory_space<vmem>>, vector<1x1000x128xf32>
    %get3A_16 = vector.shape_cast %get3A_15 : vector<1x1000x128xf32> to vector<1000x128xf32>
    %mul3A_17 = arith.mulf %broadcast_in_dim3A_2, %get3A_16 : vector<1000x128xf32>
    %slice3A_18 = vector.extract_strided_slice %get3A_5 {offsets = [0, 128], sizes = [1, 128], strides = [1, 1]} : vector<1x256xf32> to vector<1x128xf32>
    %add3A_19 = vector.broadcast %slice3A_18 : vector<1x128xf32> to vector<1000x128xf32>
    %add3A_20 = arith.addf %mul3A_17, %add3A_19 : vector<1000x128xf32>
    %concatenate3A = tpu.concatenate %add3A_11, %add3A_20 in 1 : vector<1000x128xf32>, vector<1000x128xf32> -> vector<1000x256xf32>
    %gt3A = arith.constant 0.000000e+00 : f32
    %gt3A_21 = vector.broadcast %gt3A : f32 to vector<1000x256xf32>
    %gt3A_22 = arith.cmpf ogt, %concatenate3A, %gt3A_21 : vector<1000x256xf32>
    %min3A = arith.constant 0.000000e+00 : f32
    %min3A_23 = vector.broadcast %min3A : f32 to vector<1000x256xf32>
    %min3A_24 = arith.minimumf %concatenate3A, %min3A_23 : vector<1000x256xf32>
    %exp3A = math.exp %min3A_24 : vector<1000x256xf32>
    %sub3A = arith.constant 1.000000e+00 : f32
    %sub3A_25 = vector.broadcast %sub3A : f32 to vector<1000x256xf32>
    %sub3A_26 = arith.subf %exp3A, %sub3A_25 : vector<1000x256xf32>
    %select_n3A = arith.select %gt3A_22, %concatenate3A, %sub3A_26 : vector<1000x256xi1>, vector<1000x256xf32>
    %get3A_27 = arith.constant 0 : index
    %get3A_28 = arith.constant 0 : index
    %get3A_29 = vector.load %arg4[%get3A_27, %get3A_28] : memref<256x256xf32, #tpu.memory_space<vmem>>, vector<256x256xf32>
    %dot_general3A = arith.constant dense<0.000000e+00> : vector<1000x256xf32>
    %dot_general3A_30 = tpu.matmul %select_n3A, %get3A_29, %dot_general3A {dimension_numbers = #tpu.dot_dimension_numbers<[1], [0], [0], [1], [0, 0, 1, 1], [], []>, transpose_lhs_hint = false} : vector<1000x256xf32>, vector<256x256xf32>, vector<1000x256xf32> -> vector<1000x256xf32>
    %slice3A_31 = vector.extract_strided_slice %broadcast_in_dim3A_2 {offsets = [0, 0], sizes = [1000, 1], strides = [1, 1]} : vector<1000x128xf32> to vector<1000x1xf32>
    %mul3A_32 = vector.broadcast %slice3A_31 : vector<1000x1xf32> to vector<1000x256xf32>
    %mul3A_33 = arith.mulf %dot_general3A_30, %mul3A_32 : vector<1000x256xf32>
    %slice3A_34 = vector.extract_strided_slice %mul3A_33 {offsets = [0, 0], sizes = [1000, 128], strides = [1, 1]} : vector<1000x256xf32> to vector<1000x128xf32>
    %swap3A = arith.constant 0 : index
    %swap3A_35 = arith.constant 0 : index
    %swap3A_36 = arith.constant 0 : index
    %swap3A_37 = vector.load %arg5[%swap3A, %swap3A_35, %swap3A_36] : memref<2x1000x128xf32, #tpu.memory_space<vmem>>, vector<1x1000x128xf32>
    %swap3A_38 = vector.shape_cast %swap3A_37 : vector<1x1000x128xf32> to vector<1000x128xf32>
    %swap3A_39 = vector.shape_cast %slice3A_34 : vector<1000x128xf32> to vector<1x1000x128xf32>
    tpu.vector_store %arg5[%swap3A, %swap3A_35, %swap3A_36], %swap3A_39 {strides = array<i32>} : memref<2x1000x128xf32, #tpu.memory_space<vmem>>, vector<1x1000x128xf32>,
    %slice3A_40 = vector.extract_strided_slice %mul3A_33 {offsets = [0, 128], sizes = [1000, 128], strides = [1, 1]} : vector<1000x256xf32> to vector<1000x128xf32>
    %swap3A_41 = arith.constant 1 : index
    %swap3A_42 = arith.constant 0 : index
    %swap3A_43 = arith.constant 0 : index
    %swap3A_44 = vector.load %arg5[%swap3A_41, %swap3A_42, %swap3A_43] : memref<2x1000x128xf32, #tpu.memory_space<vmem>>, vector<1x1000x128xf32>
    %swap3A_45 = vector.shape_cast %swap3A_44 : vector<1x1000x128xf32> to vector<1000x128xf32>
    %swap3A_46 = vector.shape_cast %slice3A_40 : vector<1000x128xf32> to vector<1x1000x128xf32>
    tpu.vector_store %arg5[%swap3A_41, %swap3A_42, %swap3A_43], %swap3A_46 {strides = array<i32>} : memref<2x1000x128xf32, #tpu.memory_space<vmem>>, vector<1x1000x128xf32>,
    return
  }
  func.func @transform_0(%arg0: i32) -> (i32, i32, i32) {
    %c0_i32 = arith.constant 0 : i32
    %c0_i32_0 = arith.constant 0 : i32
    %c0_i32_1 = arith.constant 0 : i32
    return %c0_i32, %arg0, %c0_i32_0 : i32, i32, i32
  }
  func.func @transform_1(%arg0: i32) -> (i32, i32) {
    %c0_i32 = arith.constant 0 : i32
    %c0_i32_0 = arith.constant 0 : i32
    return %arg0, %c0_i32 : i32, i32
  }
  func.func @transform_2(%arg0: i32) -> (i32, i32) {
    %c0_i32 = arith.constant 0 : i32
    %c0_i32_0 = arith.constant 0 : i32
    %c0_i32_1 = arith.constant 0 : i32
    return %c0_i32, %c0_i32_0 : i32, i32
  }
  func.func @transform_3(%arg0: i32) -> (i32, i32) {
    %c0_i32 = arith.constant 0 : i32
    %c0_i32_0 = arith.constant 0 : i32
    %c0_i32_1 = arith.constant 0 : i32
    return %c0_i32, %c0_i32_0 : i32, i32
  }
  func.func @transform_4(%arg0: i32) -> (i32, i32, i32) {
    %c0_i32 = arith.constant 0 : i32
    %c0_i32_0 = arith.constant 0 : i32
    %c0_i32_1 = arith.constant 0 : i32
    return %c0_i32, %arg0, %c0_i32_0 : i32, i32, i32
  }
}

module attributes {stable_mosaic.version = 14 : i64} {
  func.func @_mid_body(%arg0: i32, %arg1: memref<2x1000x128xf32, #tpu.memory_space<vmem>>, %arg2: memref<1000x8xf32, #tpu.memory_space<vmem>>, %arg3: memref<1x256xf32, #tpu.memory_space<vmem>>, %arg4: memref<256x256xf32, #tpu.memory_space<vmem>>, %arg5: memref<2x1000x128xf32, #tpu.memory_space<vmem>>) attributes {dimension_semantics = [#tpu.dimension_semantics<arbitrary>], iteration_bounds = array<i64: 10>, scalar_prefetch = 0 : i64, scratch_operands = 0 : i64, tpu.core_type = #tpu.core_type<tc>, window_params = [{transform_indices = @transform_0, window_bounds = array<i64: 2, 1000, 128>}, {transform_indices = @transform_1, window_bounds = array<i64: 1000, 8>}, {pipeline_mode = #tpu.pipeline_mode<synchronous>, transform_indices = @transform_2, window_bounds = array<i64: 1, 256>}, {pipeline_mode = #tpu.pipeline_mode<synchronous>, transform_indices = @transform_3, window_bounds = array<i64: 256, 256>}, {transform_indices = @transform_4, window_bounds = array<i64: 2, 1000, 128>}]} {
    %get3A = arith.constant 0 : index
    %get3A_0 = arith.constant 0 : index
    %get3A_1 = vector.load %arg2[%get3A, %get3A_0] : memref<1000x8xf32, #tpu.memory_space<vmem>>, vector<1000x1xf32>
    %broadcast_in_dim3A = vector.shape_cast %get3A_1 : vector<1000x1xf32> to vector<1000x1xf32>
    %broadcast_in_dim3A_2 = vector.broadcast %broadcast_in_dim3A : vector<1000x1xf32> to vector<1000x128xf32>
    %get3A_3 = arith.constant 0 : index
    %get3A_4 = arith.constant 0 : index
    %get3A_5 = vector.load %arg3[%get3A_3, %get3A_4] : memref<1x256xf32, #tpu.memory_space<vmem>>, vector<1x256xf32>
    %get3A_6 = arith.constant 0 : index
    %get3A_7 = arith.constant 0 : index
    %get3A_8 = arith.constant 0 : index
    %get3A_9 = vector.load %arg1[%get3A_6, %get3A_7, %get3A_8] : memref<2x1000x128xf32, #tpu.memory_space<vmem>>, vector<1x1000x128xf32>
    %get3A_10 = vector.shape_cast %get3A_9 : vector<1x1000x128xf32> to vector<1000x128xf32>
    %mul3A = arith.mulf %broadcast_in_dim3A_2, %get3A_10 : vector<1000x128xf32>
    %slice3A = vector.extract_strided_slice %get3A_5 {offsets = [0, 0], sizes = [1, 128], strides = [1, 1]} : vector<1x256xf32> to vector<1x128xf32>
    %add3A = vector.broadcast %slice3A : vector<1x128xf32> to vector<1000x128xf32>
    %add3A_11 = arith.addf %mul3A, %add3A : vector<1000x128xf32>
    %get3A_12 = arith.constant 1 : index
    %get3A_13 = arith.constant 0 : index
    %get3A_14 = arith.constant 0 : index
    %get3A_15 = vector.load %arg1[%get3A_12, %get3A_13, %get3A_14] : memref<2x1000x128xf32, #tpu.memory_space<vmem>>, vector<1x1000x128xf32>
    %get3A_16 = vector.shape_cast %get3A_15 : vector<1x1000x128xf32> to vector<1000x128xf32>
    %mul3A_17 = arith.mulf %broadcast_in_dim3A_2, %get3A_16 : vector<1000x128xf32>
    %slice3A_18 = vector.extract_strided_slice %get3A_5 {offsets = [0, 128], sizes = [1, 128], strides = [1, 1]} : vector<1x256xf32> to vector<1x128xf32>
    %add3A_19 = vector.broadcast %slice3A_18 : vector<1x128xf32> to vector<1000x128xf32>
    %add3A_20 = arith.addf %mul3A_17, %add3A_19 : vector<1000x128xf32>
    %concatenate3A = tpu.concatenate %add3A_11, %add3A_20 in 1 : vector<1000x128xf32>, vector<1000x128xf32> -> vector<1000x256xf32>
    %max3A = arith.constant 0.000000e+00 : f32
    %max3A_21 = vector.broadcast %max3A : f32 to vector<1000x256xf32>
    %max3A_22 = arith.maximumf %concatenate3A, %max3A_21 : vector<1000x256xf32>
    %get3A_23 = arith.constant 0 : index
    %get3A_24 = arith.constant 0 : index
    %get3A_25 = vector.load %arg4[%get3A_23, %get3A_24] : memref<256x256xf32, #tpu.memory_space<vmem>>, vector<256x256xf32>
    %dot_general3A = arith.constant dense<0.000000e+00> : vector<1000x256xf32>
    %dot_general3A_26 = tpu.matmul %max3A_22, %get3A_25, %dot_general3A {dimension_numbers = #tpu.dot_dimension_numbers<[1], [0], [0], [1], [0, 0, 1, 1], [], []>, transpose_lhs_hint = false} : vector<1000x256xf32>, vector<256x256xf32>, vector<1000x256xf32> -> vector<1000x256xf32>
    %slice3A_27 = vector.extract_strided_slice %broadcast_in_dim3A_2 {offsets = [0, 0], sizes = [1000, 1], strides = [1, 1]} : vector<1000x128xf32> to vector<1000x1xf32>
    %mul3A_28 = vector.broadcast %slice3A_27 : vector<1000x1xf32> to vector<1000x256xf32>
    %mul3A_29 = arith.mulf %dot_general3A_26, %mul3A_28 : vector<1000x256xf32>
    %slice3A_30 = vector.extract_strided_slice %mul3A_29 {offsets = [0, 0], sizes = [1000, 128], strides = [1, 1]} : vector<1000x256xf32> to vector<1000x128xf32>
    %swap3A = arith.constant 0 : index
    %swap3A_31 = arith.constant 0 : index
    %swap3A_32 = arith.constant 0 : index
    %swap3A_33 = vector.load %arg5[%swap3A, %swap3A_31, %swap3A_32] : memref<2x1000x128xf32, #tpu.memory_space<vmem>>, vector<1x1000x128xf32>
    %swap3A_34 = vector.shape_cast %swap3A_33 : vector<1x1000x128xf32> to vector<1000x128xf32>
    %swap3A_35 = vector.shape_cast %slice3A_30 : vector<1000x128xf32> to vector<1x1000x128xf32>
    tpu.vector_store %arg5[%swap3A, %swap3A_31, %swap3A_32], %swap3A_35 {strides = array<i32>} : memref<2x1000x128xf32, #tpu.memory_space<vmem>>, vector<1x1000x128xf32>,
    %slice3A_36 = vector.extract_strided_slice %mul3A_29 {offsets = [0, 128], sizes = [1000, 128], strides = [1, 1]} : vector<1000x256xf32> to vector<1000x128xf32>
    %swap3A_37 = arith.constant 1 : index
    %swap3A_38 = arith.constant 0 : index
    %swap3A_39 = arith.constant 0 : index
    %swap3A_40 = vector.load %arg5[%swap3A_37, %swap3A_38, %swap3A_39] : memref<2x1000x128xf32, #tpu.memory_space<vmem>>, vector<1x1000x128xf32>
    %swap3A_41 = vector.shape_cast %swap3A_40 : vector<1x1000x128xf32> to vector<1000x128xf32>
    %swap3A_42 = vector.shape_cast %slice3A_36 : vector<1000x128xf32> to vector<1x1000x128xf32>
    tpu.vector_store %arg5[%swap3A_37, %swap3A_38, %swap3A_39], %swap3A_42 {strides = array<i32>} : memref<2x1000x128xf32, #tpu.memory_space<vmem>>, vector<1x1000x128xf32>,
    return
  }
  func.func @transform_0(%arg0: i32) -> (i32, i32, i32) {
    %c0_i32 = arith.constant 0 : i32
    %c0_i32_0 = arith.constant 0 : i32
    %c0_i32_1 = arith.constant 0 : i32
    return %c0_i32, %arg0, %c0_i32_0 : i32, i32, i32
  }
  func.func @transform_1(%arg0: i32) -> (i32, i32) {
    %c0_i32 = arith.constant 0 : i32
    %c0_i32_0 = arith.constant 0 : i32
    return %arg0, %c0_i32 : i32, i32
  }
  func.func @transform_2(%arg0: i32) -> (i32, i32) {
    %c0_i32 = arith.constant 0 : i32
    %c0_i32_0 = arith.constant 0 : i32
    %c0_i32_1 = arith.constant 0 : i32
    return %c0_i32, %c0_i32_0 : i32, i32
  }
  func.func @transform_3(%arg0: i32) -> (i32, i32) {
    %c0_i32 = arith.constant 0 : i32
    %c0_i32_0 = arith.constant 0 : i32
    %c0_i32_1 = arith.constant 0 : i32
    return %c0_i32, %c0_i32_0 : i32, i32
  }
  func.func @transform_4(%arg0: i32) -> (i32, i32, i32) {
    %c0_i32 = arith.constant 0 : i32
    %c0_i32_0 = arith.constant 0 : i32
    %c0_i32_1 = arith.constant 0 : i32
    return %c0_i32, %arg0, %c0_i32_0 : i32, i32, i32
  }
}

module attributes {stable_mosaic.version = 14 : i64} {
  func.func @_final_body(%arg0: i32, %arg1: memref<2x1000x128xf32, #tpu.memory_space<vmem>>, %arg2: memref<1000x8xf32, #tpu.memory_space<vmem>>, %arg3: memref<1x256xf32, #tpu.memory_space<vmem>>, %arg4: memref<1000x256xf32, #tpu.memory_space<vmem>>) attributes {dimension_semantics = [#tpu.dimension_semantics<arbitrary>], iteration_bounds = array<i64: 10>, scalar_prefetch = 0 : i64, scratch_operands = 0 : i64, tpu.core_type = #tpu.core_type<tc>, window_params = [{transform_indices = @transform_0, window_bounds = array<i64: 2, 1000, 128>}, {transform_indices = @transform_1, window_bounds = array<i64: 1000, 8>}, {pipeline_mode = #tpu.pipeline_mode<synchronous>, transform_indices = @transform_2, window_bounds = array<i64: 1, 256>}, {transform_indices = @transform_3, window_bounds = array<i64: 1000, 256>}]} {
    %get3A = arith.constant 0 : index
    %get3A_0 = arith.constant 0 : index
    %get3A_1 = vector.load %arg2[%get3A, %get3A_0] : memref<1000x8xf32, #tpu.memory_space<vmem>>, vector<1000x1xf32>
    %broadcast_in_dim3A = vector.shape_cast %get3A_1 : vector<1000x1xf32> to vector<1000x1xf32>
    %broadcast_in_dim3A_2 = vector.broadcast %broadcast_in_dim3A : vector<1000x1xf32> to vector<1000x128xf32>
    %get3A_3 = arith.constant 0 : index
    %get3A_4 = arith.constant 0 : index
    %get3A_5 = vector.load %arg3[%get3A_3, %get3A_4] : memref<1x256xf32, #tpu.memory_space<vmem>>, vector<1x256xf32>
    %get3A_6 = arith.constant 0 : index
    %get3A_7 = arith.constant 0 : index
    %get3A_8 = arith.constant 0 : index
    %get3A_9 = vector.load %arg1[%get3A_6, %get3A_7, %get3A_8] : memref<2x1000x128xf32, #tpu.memory_space<vmem>>, vector<1x1000x128xf32>
    %get3A_10 = vector.shape_cast %get3A_9 : vector<1x1000x128xf32> to vector<1000x128xf32>
    %mul3A = arith.mulf %broadcast_in_dim3A_2, %get3A_10 : vector<1000x128xf32>
    %slice3A = vector.extract_strided_slice %get3A_5 {offsets = [0, 0], sizes = [1, 128], strides = [1, 1]} : vector<1x256xf32> to vector<1x128xf32>
    %add3A = vector.broadcast %slice3A : vector<1x128xf32> to vector<1000x128xf32>
    %add3A_11 = arith.addf %mul3A, %add3A : vector<1000x128xf32>
    %get3A_12 = arith.constant 1 : index
    %get3A_13 = arith.constant 0 : index
    %get3A_14 = arith.constant 0 : index
    %get3A_15 = vector.load %arg1[%get3A_12, %get3A_13, %get3A_14] : memref<2x1000x128xf32, #tpu.memory_space<vmem>>, vector<1x1000x128xf32>
    %get3A_16 = vector.shape_cast %get3A_15 : vector<1x1000x128xf32> to vector<1000x128xf32>
    %mul3A_17 = arith.mulf %broadcast_in_dim3A_2, %get3A_16 : vector<1000x128xf32>
    %slice3A_18 = vector.extract_strided_slice %get3A_5 {offsets = [0, 128], sizes = [1, 128], strides = [1, 1]} : vector<1x256xf32> to vector<1x128xf32>
    %add3A_19 = vector.broadcast %slice3A_18 : vector<1x128xf32> to vector<1000x128xf32>
    %add3A_20 = arith.addf %mul3A_17, %add3A_19 : vector<1000x128xf32>
    %max3A = arith.constant 0.000000e+00 : f32
    %max3A_21 = vector.broadcast %max3A : f32 to vector<1000x128xf32>
    %max3A_22 = arith.maximumf %add3A_11, %max3A_21 : vector<1000x128xf32>
    %swap3A = arith.constant 0 : index
    %swap3A_23 = arith.constant 0 : index
    %swap3A_24 = vector.load %arg4[%swap3A, %swap3A_23] : memref<1000x256xf32, #tpu.memory_space<vmem>>, vector<1000x128xf32>
    tpu.vector_store %arg4[%swap3A, %swap3A_23], %max3A_22 {strides = array<i32>} : memref<1000x256xf32, #tpu.memory_space<vmem>>, vector<1000x128xf32>,
    %max3A_25 = arith.constant 0.000000e+00 : f32
    %max3A_26 = vector.broadcast %max3A_25 : f32 to vector<1000x128xf32>
    %max3A_27 = arith.maximumf %add3A_20, %max3A_26 : vector<1000x128xf32>
    %swap3A_28 = arith.constant 0 : index
    %swap3A_29 = arith.constant 128 : index
    %swap3A_30 = vector.load %arg4[%swap3A_28, %swap3A_29] : memref<1000x256xf32, #tpu.memory_space<vmem>>, vector<1000x128xf32>
    tpu.vector_store %arg4[%swap3A_28, %swap3A_29], %max3A_27 {strides = array<i32>} : memref<1000x256xf32, #tpu.memory_space<vmem>>, vector<1000x128xf32>,
    return
  }
  func.func @transform_0(%arg0: i32) -> (i32, i32, i32) {
    %c0_i32 = arith.constant 0 : i32
    %c0_i32_0 = arith.constant 0 : i32
    %c0_i32_1 = arith.constant 0 : i32
    return %c0_i32, %arg0, %c0_i32_0 : i32, i32, i32
  }
  func.func @transform_1(%arg0: i32) -> (i32, i32) {
    %c0_i32 = arith.constant 0 : i32
    %c0_i32_0 = arith.constant 0 : i32
    return %arg0, %c0_i32 : i32, i32
  }
  func.func @transform_2(%arg0: i32) -> (i32, i32) {
    %c0_i32 = arith.constant 0 : i32
    %c0_i32_0 = arith.constant 0 : i32
    %c0_i32_1 = arith.constant 0 : i32
    return %c0_i32, %c0_i32_0 : i32, i32
  }
  func.func @transform_3(%arg0: i32) -> (i32, i32) {
    %c0_i32 = arith.constant 0 : i32
    %c0_i32_0 = arith.constant 0 : i32
    return %arg0, %c0_i32 : i32, i32
  }
}

</mosaic_0001>

<sc_bundles>
// kernel: kernel.11.cloned.1.call-start
scs
__scs_entry_jumppad:
0x0: {  	(pc) =	sbr.rel $0x88, $3  }
0x1: {  	(tag) =	ssettag $0x0;
	lr =	simm.s32 $0x1  }
0x2: {  	[smem:$0x3F99] =	sst lr;
	_ =	strace $0xD0000000  }
0x3: {  	_ = 	snop  }
0x4: {  	_ = 	snop  }
0x5: {  	_ = 	snop  }
0x6: {  	_ = 	snop  }
0x7: {  	_ = 	snop  }
__scs_overlays_trampoline_lowered:
0x8: {  	[smem:$0x3FA8] =	sst s0  }
0x9: {  	[smem:$0x3FA9] =	sst s1  }
0xa: {  	[smem:$0x3FAA] =	sst s2  }
0xb: {  	[smem:$0x3FAB] =	sst s3  }
0xc: {  	[smem:$0x3FAC] =	sst s4  }
0xd: {  	[smem:$0x3FAD] =	sst s5  }
0xe: {  	[smem:$0x3FAE] =	sst s6  }
0xf: {  	[smem:$0x3FAF] =	sst s7  }
0x10: {  	[smem:$0x3FB0] =	sst s8  }
0x11: {  	[smem:$0x3FB1] =	sst s9;
	s0 =	simm.s32 @!p0 $0x0  }
0x12: {  	s1 =	sld [smem:$0x3F97];
	s0 =	simm.s32 @p0 $0x1  }
0x13: {  	[smem:$0x3FB2] =	sst s0;
	s0 =	simm.s32 @!p1 $0x0  }
0x14: {  	s2 =	sld [smem:$0x3F96];
	s0 =	simm.s32 @p1 $0x1  }
0x15: {  	[smem:$0x3FB3] =	sst s0;
	s0 =	simm.s32 @!p2 $0x0  }
0x16: {  	s3 =	sld [smem:$0x3FDB];
	s0 =	simm.s32 @p2 $0x1  }
0x17: {  	s4 =	simm.s32 $0x1BF5;
	[smem:$0x3FB5] =	sst s0  }
0x18: {  	s0 =	sld [smem:$0x3F98];
	_ =	swait.ge [sflag:s4], $0x0  }
0x19: {  	s7 =	sld [smem:$0x3F99]  }
0x1a: {  	s8 =	sadd.s32 $0xFFFFE003, lr  }
0x1b: {  	s9 =	sadd.s32 $0xFFFFFEF7, lr;
	s5 =	simm.s32 $0xFFFFFFFF;
	p2 =	slt.u32 s8, $0xFFFFF086  }
0x1c: {  	p1 =	slt.u32 s9, $0xF7A;
	s5 =	simm.s32 @!p2 $0x0  }
0x1d: {  	s5 =	simm.s32 @p1 $0x1;
	p0 =	seq.s32 s7, s2  }
0x1e: {  	s7 =	smul.u32 @!p0 $0xF7A, s2;
	p2 =	seq.s32 @!p0 s5, $0x0  }
0x1f: {  	s9 =	smul.u32 $0xF7A, s1;
	s8 =	simm.s32 @!p0 $0x1BF5;
	p2 =	por !p2, p0  }
0x20: {  	[sflag:s8] =	ssyncset.s32 @!p0 $0xFFFFF086;
	s6 =	sadd.s32 @!p0 s3, s7;
	s7 =	simm.s32 @!p0 $0x108  }
0x21: {  	s3 =	sadd.s32 s3, s9;
	s6 =	sadd.s32 @!p0 $0x88, s6;
	s7 =	simm.s32 @p2 $0x1082  }
0x22: {  	[simem:s7], [sflag:s8] =	dma.local @!p0 [hbm:s6], $0xF7A  }
0x23: {  	s9 =	sor.u32 $0xD0000000, s2;
	s6 =	simm.s32 $0x108;
	_ =	swait.ge @!p0 [sflag:s8], $0x0  }
0x24: {  	s3 =	sadd.s32 $0x88, s3;
	s6 =	simm.s32 @!p1 $0x1082;
	[sflag:s4] =	ssyncset.s32 $0xFFFFF086  }
0x25: {  	[simem:s6], [sflag:s4] =	dma.local [hbm:s3], $0xF7A  }
0x26: {  	[smem:$0x3F99] =	sst s1;
	(tag) =	ssettag s2;
	_ =	strace s9  }
0x27: {  	s1 =	sld [smem:$0x3FA9]  }
0x28: {  	s2 =	sld [smem:$0x3FAA]  }
0x29: {  	s4 =	sld [smem:$0x3FAC]  }
0x2a: {  	p0 =	seq.s32 s5, $0x0;
	s5 =	sld [smem:$0x3FAD]  }
0x2b: {  	s6 =	sld [smem:$0x3FAE]  }
0x2c: {  	s7 =	sld [smem:$0x3FAF]  }
0x2d: {  	s3 =	simm.s32 $0x108;
	s8 =	sld [smem:$0x3FB0]  }
0x2e: {  	s3 =	simm.s32 @!p0 $0x1082;
	s9 =	sld [smem:$0x3FB1]  }
0x2f: {  	lr =	sadd.s32 s0, s3;
	s0 =	sld [smem:$0x3FA8]  }
0x30: {  	s3 =	sld [smem:$0x3FAB]  }
0x31: {  	[smem:$0x3FB4] =	sst s10  }
0x32: {  	s10 =	sld [smem:$0x3FB2];
	_ =	sdelay $0x3  }
0x33: {  	p0 =	seq.s32 s10, $0x1;
	s10 =	sld [smem:$0x3FB4];
	_ =	sdelay $0x3  }
0x34: {  	[smem:$0x3FB4] =	sst s10  }
0x35: {  	s10 =	sld [smem:$0x3FB3];
	_ =	sdelay $0x3  }
0x36: {  	p1 =	seq.s32 s10, $0x1;
	s10 =	sld [smem:$0x3FB4];
	_ =	sdelay $0x3  }
0x37: {  	[smem:$0x3FB4] =	sst s10  }
0x38: {  	s10 =	sld [smem:$0x3FB5]  }
0x39: {  	_ = 	snop;
	(pc) =	sbr.ind lr, $3  }
0x3a: {  	_ = 	snop  }
0x3b: {  	_ = 	snop  }
0x3c: {  	p2 =	seq.s32 s10, $0x1;
	s10 =	sld [smem:$0x3FB4]  }
0x3d: {  	_ =	shalt  }
0x3e: {  	_ =	shalt  }
0x3f: {  	_ =	shalt  }
0x40: {  	_ =	shalt  }
0x41: {  	_ =	shalt  }
0x42: {  	_ =	shalt  }
0x43: {  	_ =	shalt  }
0x44: {  	_ =	shalt  }
0x45: {  	_ =	shalt  }
0x46: {  	_ =	shalt  }
0x47: {  	_ =	shalt  }
0x48: {  	_ =	shalt  }
0x49: {  	_ =	shalt  }
0x4a: {  	_ =	shalt  }
0x4b: {  	_ =	shalt  }
0x4c: {  	_ =	shalt  }
0x4d: {  	_ =	shalt  }
0x4e: {  	_ =	shalt  }
0x4f: {  	_ =	shalt  }
0x50: {  	_ =	shalt  }
0x51: {  	_ =	shalt  }
0x52: {  	_ =	shalt  }
0x53: {  	_ =	shalt  }
0x54: {  	_ =	shalt  }
0x55: {  	_ =	shalt  }
0x56: {  	_ =	shalt  }
0x57: {  	_ =	shalt  }
0x58: {  	_ =	shalt  }
0x59: {  	_ =	shalt  }
0x5a: {  	_ =	shalt  }
0x5b: {  	_ =	shalt  }
0x5c: {  	_ =	shalt  }
0x5d: {  	_ =	shalt  }
0x5e: {  	_ =	shalt  }
0x5f: {  	_ =	shalt  }
0x60: {  	_ =	shalt  }
0x61: {  	_ =	shalt  }
0x62: {  	_ =	shalt  }
0x63: {  	_ =	shalt  }
0x64: {  	_ =	shalt  }
0x65: {  	_ =	shalt  }
0x66: {  	_ =	shalt  }
0x67: {  	_ =	shalt  }
0x68: {  	_ =	shalt  }
0x69: {  	_ =	shalt  }
0x6a: {  	_ =	shalt  }
0x6b: {  	_ =	shalt  }
0x6c: {  	_ =	shalt  }
0x6d: {  	_ =	shalt  }
0x6e: {  	_ =	shalt  }
0x6f: {  	_ =	shalt  }
0x70: {  	_ =	shalt  }
0x71: {  	_ =	shalt  }
0x72: {  	_ =	shalt  }
0x73: {  	_ =	shalt  }
0x74: {  	_ =	shalt  }
0x75: {  	_ =	shalt  }
0x76: {  	_ =	shalt  }
0x77: {  	_ =	shalt  }
0x78: {  	_ =	shalt  }
0x79: {  	_ =	shalt  }
0x7a: {  	_ =	shalt  }
0x7b: {  	_ =	shalt  }
0x7c: {  	_ =	shalt  }
0x7d: {  	_ =	shalt  }
0x7e: {  	_ =	shalt  }
0x7f: {  	_ =	shalt  }
0x80: {  	_ =	shalt  }
0x81: {  	_ =	shalt  }
0x82: {  	_ =	shalt  }
0x83: {  	_ =	shalt  }
0x84: {  	_ =	shalt  }
0x85: {  	_ =	shalt  }
0x86: {  	_ =	shalt  }
0x87: {  	_ =	shalt  }
.Lfunc_end0:
.L_simem_size_0:
called_computation_lowered:
.L_overlay_start_0:
0x88: {  	s2 =	sld [smem:$0x3FD9]  }
0x89: {  	s3 =	sld [smem:$0x3FFE];
	_ =	sdelay $0x1  }
0x8a: {  	s1 =	srdreg.scid  }
0x8b: {  	s0 =	sand.u32 $0x1, s1  }
0x8c: {  	s17 =	sshll.u32 s0, $0xA;
	s2 =	sadd.s32 s3, s2  }
0x8d: {  	s2 =	sadd.s32 s2, s17  }
0x8e: {  	[smem:$0x3FC0] =	sst s2  }
0x8f: {  	_ = 	snop  }
0x90: {  	s2 =	sld [smem:$0x3FD0];
	(tm) =	ssettm $0x1  }
0x91: {  	s18 =	sld [smem:$0x3FFB];
	_ =	sdelay $0x3  }
0x92: {  	_ =	strace s18  }
0x93: {  	s3 =	sld [smem:$0x3FFC];
	_ =	sdelay $0x3  }
0x94: {  	_ =	strace s3  }
0x95: {  	s3 =	sld [smem:$0x3FFD];
	_ =	sdelay $0x3  }
0x96: {  	_ =	strace s3  }
0x97: {  	_ =	strace $0x8FFFFFFF  }
0x98: {  	s19 =	sld [smem:$0x3FDB];
	_ =	sdelay $0x1  }
0x99: {  	s4 =	simm.s32 $_scs_section_size  }
0x9a: {  	s5 =	simm.s32 $_size__tile_overlayer_lowered;
	s6 =	simm.s32 $_tile_overlayer_lowered  }
0x9b: {  	s22 =	simm.s32 $0x1BFF;
	s21 =	sshll.u32 s6, $0x1;
	s3 =	sadd.s32 s4, s19  }
0x9c: {  	s7 =	simm.s32 $0x0;
	s20 =	sshll.u32 s5, $0x1;
	s5 =	sadd.s32 s21, s3  }
0x9d: {  	[timem:s7], [sflag:s22] =	dma.local [hbm:s5], s20  }
0x9e: {  	_ =	swait.ge [sflag:s22], s20  }
0x9f: {  	s4 =	ssub.s32 $0x0, s20;
	[sflag:s22] =	ssyncset.done $0x0  }
0xa0: {  	[sflag:s22] =	ssyncadd.s32 s4;
	_ =	sdelay $0x1  }
0xa1: {  	s23 =	simm.s32 $0x1B8B  }
0xa2: {  	_ =	swait.ge [sflag:s23], $0x1  }
0xa3: {  	[sflag:s23] =	ssyncset.done $0x0  }
0xa4: {  	s25 =	simm.s32 $0x1B8E;
	s24 =	sld [smem:$0x3FFE];
	[sflag:s23] =	ssyncadd.s32 $0xFFFFFFFF  }
0xa5: {  	s26 =	simm.s32 $execute0_lowered;
	[smem:$0x3FD2] =	sst s25  }
0xa6: {  	s5 =	sshll.u32 s26, $0x1;
	_ =	strace $0x80000046;
	[dreg:$0x1] =	wrdreg $0xFFFFFFFF  }
0xa7: {  	s28 =	simm.s32 $_size_execute0_lowered;
	s3 =	sadd.s32 s3, s5;
	[dreg:$0x0] =	wrdreg $0x0  }
0xa8: {  	s5 =	sshll.u32 s28, $0x1;
	[dreg:$0x2] =	wrdreg s3  }
0xa9: {  	[dreg:$0x3] =	wrdreg s5  }
0xaa: {  	[dreg:$0x4] =	wrdreg $0xC0  }
0xab: {  	_ =	task [dreg:s7], $0x5FFFF  }
0xac: {  	[dreg:$0x1] =	wrdreg $0xFFFFFFFF  }
0xad: {  	[dreg:$0x0] =	wrdreg $0x60  }
0xae: {  	[dreg:$0x2] =	wrdreg s24  }
0xaf: {  	[dreg:$0x3] =	wrdreg s2  }
0xb0: {  	[dreg:$0x4] =	wrdreg $0x9  }
0xb1: {  	_ =	task.clear_ibuf [dreg:s7], $0x5FFFF;
	_ =	strace $0x90000046  }
0xb2: {  	s29 =	simm.s32 $0x9;
	_ =	strace $0x80000048  }
0xb3: {  	_ =	swait.ge [sflag:s29], $0x1  }
0xb4: {  	[sflag:s29] =	ssyncadd.s32 $0xFFFFFFFF  }
0xb5: {  	_ =	strace $0x90000048  }
0xb6: {  	_ =	sfence  }
0xb7: {  	s30 =	sld [smem:$0x0];
	_ =	sdelay $0x2  }
0xb8: {  	s31 =	sshll.u32 s1, $0xD;
	s1 =	sshrl.u32 s1, $0x2  }
0xb9: {  	s3 =	sand.u32 $0x4000, s31;
	s1 =	sadd.s32 s1, s30  }
0xba: {  	s0 =	sor.u32 s3, s0;
	s1 =	sshll.u32 s1, $0x11  }
0xbb: {  	s0 =	sor.u32 s1, s0  }
0xbc: {  	s0 =	sadd.s32 $0x8F2B, s0  }
0xbd: {  	[sflag:s0] =	ssyncadd.remote.s32 $0x1  }
0xbe: {  	_ =	sfence.sel $0xFFFF  }
0xbf: {  	[dreg:$0x0] =	wrdreg $0xFFFFFFFF;
	(pc) =	sbr.abs _section_cstart, $3  }
0xc0: {  	[dreg:$0x1] =	wrdreg $0xFFFFFFFF  }
0xc1: {  	_ =	task.clear_ibuf [dreg:s7], $0x2FFFF;
	_ =	strace $0x9FFFFFFF  }
0xc2: {  	(tm) =	ssettm $0x7FFFFFFF  }
0xc3: {  	_ =	shalt  }
tec
execute0_lowered:
.L_overlay_start_1:
0x0: {  	(tag) =	ssettag $0x1  }
0x1: {  	s4 =	rddreg [dreg:$0x0]  }
0x2: {  	s5 =	rddreg [dreg:$0x1]  }
0x3: {  	s0 =	rddreg [dreg:$0x2];
	s3 =	srdreg.scid  }
0x4: {  	s2 =	simm.s32 $0x0;
	s1 =	stileid.u32;
	s11 =	simm.s32 $0x0  }
0x5: {  	s6 =	sand.u32 $0x1, s3;
	s8 =	sshrl.u32 s1, $0x3;
	[smem:$0x7FF] =	sst s2  }
0x6: {  	s10 =	sshll.u32 s1, $0x7;
	s3 =	sshll.u32 s6, $0x4;
	s7 =	smul.u32 $0x28000, s6  }
0x7: {  	s8 =	smul.u32 $0x14000, s8;
	_ =	strace $0x80000047;
	s30 =	sand.u32 $0x380, s10  }
0x8: {  	s6 =	ssub.s32 $0x2, s6;
	s10 =	simm.s32 $0x400;
	s3 =	sor.u32 s1, s3  }
0x9: {  	s31 =	sshrl.u32 s6, $0x1;
	s9 =	smul.u32 $0x1388, s3;
	s7 =	sadd.s32 s7, s8  }
0xa: {  	s3 =	sadd.s32 $0xBE00, s4;
	s6 =	ssub.s32 s6, s31;
	s7 =	sor.u32 s30, s7  }
0xb: {  	s8 =	simm.s32 $0x1400;
	s9 =	sshrl.u32 s9, $0x3;
	s7 =	sshrl.u32 s7, $0x3  }
0xc: {  	s6 =	smax.u32 s6, $0x1;
	s4 =	sadd.s32 s4, s9;
	s5 =	sadd.s32 s5, s7  }
0xd: {  	vm0 =	vmmov $0xff;
	s7 =	simm.s32 $0x1;
	s9 =	simm.s32 $0x80;
	s4 =	sadd.s32 $0x6E20, s4  }
.LBB2_1:
0xe: {  	[tilespmem:s2], [sflag:$0x1] =	stream.linear.gather [hbm4b:s4+s2], $0x1388, $0x38;
	[tilespmem:$0x3C00] =	vst v63  }
0xf: {  	_ =	swait.ge [sflag:s7], $0x1388  }
0x10: {  	[sflag:s7] =	ssyncset.done $0x0  }
0x11: {  	[sflag:s7] =	ssyncadd.s32 $0xFFFFEC78  }
0x12: {  	[tilespmem:s8], [sflag:$0x1] =	stream.linear.gather [hbm4b:s3+s2], $0x2800, $0x38;
	[tilespmem:$0x3C00] =	vst v63  }
0x13: {  	_ =	swait.ge [sflag:s7], $0x2800  }
0x14: {  	[sflag:s7] =	ssyncset.done $0x0  }
0x15: {  	s12 =	simm.s32 $0xFFFFFFFC;
	s13 =	simm.s32 $0x20;
	[sflag:s7] =	ssyncadd.s32 $0xFFFFD800  }
.LBB2_2:
0x16: {  	v0 =	vld [tilespmem:s13+$0xFFFFFFE0];
	_ =	sdelay $0x4  }
0x17: {  	(xrf1) =	vunique.msk.u32 $0xffff, v0;
	_ =	sdelay $0xd  }
0x18: {  	_, v1, vm1 =	vpop (xrf1);
	_ =	sdelay $0x5  }
0x19: {  	[tilespmem:v0+s8+$0x0] =	vst.idx.add.s32.msk vm1, v1  }
0x1a: {  	v0 =	vld [tilespmem:s13+$0xFFFFFFF0];
	_ =	sdelay $0x4  }
0x1b: {  	(xrf1) =	vunique.msk.u32 $0xffff, v0;
	_ =	sdelay $0xd  }
0x1c: {  	_, v1, vm1 =	vpop (xrf1);
	_ =	sdelay $0x5  }
0x1d: {  	[tilespmem:v0+s8+$0x0] =	vst.idx.add.s32.msk vm1, v1  }
0x1e: {  	v0 =	vld [tilespmem:s13+$0x0];
	_ =	sdelay $0x4  }
0x1f: {  	(xrf1) =	vunique.msk.u32 $0xffff, v0;
	_ =	sdelay $0xd  }
0x20: {  	_, v1, vm1 =	vpop (xrf1);
	_ =	sdelay $0x5  }
0x21: {  	[tilespmem:v0+s8+$0x0] =	vst.idx.add.s32.msk vm1, v1  }
0x22: {  	v0 =	vld [tilespmem:s13+$0x10];
	_ =	sdelay $0x4  }
0x23: {  	(xrf1) =	vunique.msk.u32 $0xffff, v0;
	_ =	sdelay $0xd  }
0x24: {  	s12 =	sadd.s32 $0x4, s12;
	_, v1, vm1 =	vpop (xrf1)  }
0x25: {  	p0 =	slt.u32 s12, $0x134  }
.Ltmp0:
0x26: {  	_ = 	snop;
	(pc) =	sbr.rel @p0 .LBB2_2-.Ltmp0, $2  }
0x27: {  	_ =	sdelay $0x2  }
0x28: {  	s13 =	sadd.s32 $0x40, s13;
	[tilespmem:v0+s8+$0x0] =	vst.idx.add.s32.msk vm1, v1  }
0x29: {  	v0 =	vld [tilespmem:$0x1380];
	_ =	sdelay $0x4  }
0x2a: {  	(xrf1) =	vunique.msk.u32 $0xff, v0;
	_ =	sdelay $0xd  }
0x2b: {  	_, v1, vm1 =	vpop (xrf1)  }
0x2c: {  	vm1 =	vmand vm1, vm0;
	_ =	sdelay $0x3  }
0x2d: {  	s11 =	sadd.s32 $0x1, s11  }
0x2e: {  	p0 =	sne.s32 s11, s6  }
.Ltmp1:
0x2f: {  	[tilespmem:v0+s8+$0x0] =	vst.idx.add.s32.msk vm1, v1;
	(pc) =	sbr.rel @p0 .LBB2_1-.Ltmp1, $4  }
0x30: {  	[hbm4b:s5+s9] =	stream.strided.scatter [tilespmem:s8], [sflag:$0x1], $0x2800, s10, s9, $0x38;
	[tilespmem:$0x3C00] =	vst v63  }
0x31: {  	_ =	swait.ge [sflag:s7], $0x2800  }
0x32: {  	[sflag:s7] =	ssyncset.done $0x0  }
0x33: {  	[sflag:s7] =	ssyncadd.s32 $0xFFFFD800  }
0x34: {  	_ =	sfence.sel $0x180000  }
0x35: {  	[bflag:$0x0] =	sbarrier.arrive $0xFFFF  }
0x36: {  	p0 =	sne.s32 s1, $0x0;
	_ =	strace $0x90000047  }
0x37: {  	s0 =	sadd.s32 @!p0 $0x100000, s0;
	[bflag:$0x2] =	sbarrier.arrive $0xFFFF  }
0x38: {  	[sflag:s0] =	ssyncadd.tile.s32 @!p0 $0x1;
	_ =	shalt  }
.Lfunc_end2:
_tile_overlayer_lowered:
.L_overlay_start_2:
0x39: {  	(tag) =	ssettag $0x2  }
0x3a: {  	s0 =	rddreg [dreg:$0x0];
	s2 =	stileid.u32  }
0x3b: {  	s1 =	rddreg [dreg:$0x1];
	p0 =	sne.s32 s2, $0x0  }
0x3c: {  	s3 =	rddreg [dreg:$0x2];
	[bflag:$0x3] =	sbarrier.arrive $0xFFFF;
	s2 =	simm.s32 @!p0 $0x1C01  }
0x3d: {  	[timem:s3], [sflag:s2] =	dma.local @!p0 [hbm:s0], s1  }
0x3e: {  	s0 =	simm.s32 @!p0 $0x1  }
0x3f: {  	_ =	swait.ge @!p0 [sflag:s0], s1  }
0x40: {  	s1 =	ssub.s32 @!p0 $0x0, s1;
	[sflag:s0] =	ssyncset.done @!p0 $0x0  }
0x41: {  	[sflag:s0] =	ssyncadd.s32 @!p0 s1  }
0x42: {  	[bflag:$0x3] =	sbarrier.arrive $0xFFFF  }
0x43: {  	_ =	shalt  }

// kernel: kernel.14.cloned.1.call-start
scs
__scs_entry_jumppad:
0x0: {  	(pc) =	sbr.rel $0x88, $3  }
0x1: {  	(tag) =	ssettag $0x0;
	lr =	simm.s32 $0x1  }
0x2: {  	[smem:$0x3F99] =	sst lr;
	_ =	strace $0xD0000000  }
0x3: {  	_ = 	snop  }
0x4: {  	_ = 	snop  }
0x5: {  	_ = 	snop  }
0x6: {  	_ = 	snop  }
0x7: {  	_ = 	snop  }
__scs_overlays_trampoline_lowered:
0x8: {  	[smem:$0x3FA8] =	sst s0  }
0x9: {  	[smem:$0x3FA9] =	sst s1  }
0xa: {  	[smem:$0x3FAA] =	sst s2  }
0xb: {  	[smem:$0x3FAB] =	sst s3  }
0xc: {  	[smem:$0x3FAC] =	sst s4  }
0xd: {  	[smem:$0x3FAD] =	sst s5  }
0xe: {  	[smem:$0x3FAE] =	sst s6  }
0xf: {  	[smem:$0x3FAF] =	sst s7  }
0x10: {  	[smem:$0x3FB0] =	sst s8  }
0x11: {  	[smem:$0x3FB1] =	sst s9;
	s0 =	simm.s32 @!p0 $0x0  }
0x12: {  	s1 =	sld [smem:$0x3F97];
	s0 =	simm.s32 @p0 $0x1  }
0x13: {  	[smem:$0x3FB2] =	sst s0;
	s0 =	simm.s32 @!p1 $0x0  }
0x14: {  	s2 =	sld [smem:$0x3F96];
	s0 =	simm.s32 @p1 $0x1  }
0x15: {  	[smem:$0x3FB3] =	sst s0;
	s0 =	simm.s32 @!p2 $0x0  }
0x16: {  	s3 =	sld [smem:$0x3FDB];
	s0 =	simm.s32 @p2 $0x1  }
0x17: {  	s4 =	simm.s32 $0x1BF5;
	[smem:$0x3FB5] =	sst s0  }
0x18: {  	s0 =	sld [smem:$0x3F98];
	_ =	swait.ge [sflag:s4], $0x0  }
0x19: {  	s7 =	sld [smem:$0x3F99]  }
0x1a: {  	s8 =	sadd.s32 $0xFFFFE003, lr  }
0x1b: {  	s9 =	sadd.s32 $0xFFFFFEF7, lr;
	s5 =	simm.s32 $0xFFFFFFFF;
	p2 =	slt.u32 s8, $0xFFFFF086  }
0x1c: {  	p1 =	slt.u32 s9, $0xF7A;
	s5 =	simm.s32 @!p2 $0x0  }
0x1d: {  	s5 =	simm.s32 @p1 $0x1;
	p0 =	seq.s32 s7, s2  }
0x1e: {  	s7 =	smul.u32 @!p0 $0xF7A, s2;
	p2 =	seq.s32 @!p0 s5, $0x0  }
0x1f: {  	s9 =	smul.u32 $0xF7A, s1;
	s8 =	simm.s32 @!p0 $0x1BF5;
	p2 =	por !p2, p0  }
0x20: {  	[sflag:s8] =	ssyncset.s32 @!p0 $0xFFFFF086;
	s6 =	sadd.s32 @!p0 s3, s7;
	s7 =	simm.s32 @!p0 $0x108  }
0x21: {  	s3 =	sadd.s32 s3, s9;
	s6 =	sadd.s32 @!p0 $0x88, s6;
	s7 =	simm.s32 @p2 $0x1082  }
0x22: {  	[simem:s7], [sflag:s8] =	dma.local @!p0 [hbm:s6], $0xF7A  }
0x23: {  	s9 =	sor.u32 $0xD0000000, s2;
	s6 =	simm.s32 $0x108;
	_ =	swait.ge @!p0 [sflag:s8], $0x0  }
0x24: {  	s3 =	sadd.s32 $0x88, s3;
	s6 =	simm.s32 @!p1 $0x1082;
	[sflag:s4] =	ssyncset.s32 $0xFFFFF086  }
0x25: {  	[simem:s6], [sflag:s4] =	dma.local [hbm:s3], $0xF7A  }
0x26: {  	[smem:$0x3F99] =	sst s1;
	(tag) =	ssettag s2;
	_ =	strace s9  }
0x27: {  	s1 =	sld [smem:$0x3FA9]  }
0x28: {  	s2 =	sld [smem:$0x3FAA]  }
0x29: {  	s4 =	sld [smem:$0x3FAC]  }
0x2a: {  	p0 =	seq.s32 s5, $0x0;
	s5 =	sld [smem:$0x3FAD]  }
0x2b: {  	s6 =	sld [smem:$0x3FAE]  }
0x2c: {  	s7 =	sld [smem:$0x3FAF]  }
0x2d: {  	s3 =	simm.s32 $0x108;
	s8 =	sld [smem:$0x3FB0]  }
0x2e: {  	s3 =	simm.s32 @!p0 $0x1082;
	s9 =	sld [smem:$0x3FB1]  }
0x2f: {  	lr =	sadd.s32 s0, s3;
	s0 =	sld [smem:$0x3FA8]  }
0x30: {  	s3 =	sld [smem:$0x3FAB]  }
0x31: {  	[smem:$0x3FB4] =	sst s10  }
0x32: {  	s10 =	sld [smem:$0x3FB2];
	_ =	sdelay $0x3  }
0x33: {  	p0 =	seq.s32 s10, $0x1;
	s10 =	sld [smem:$0x3FB4];
	_ =	sdelay $0x3  }
0x34: {  	[smem:$0x3FB4] =	sst s10  }
0x35: {  	s10 =	sld [smem:$0x3FB3];
	_ =	sdelay $0x3  }
0x36: {  	p1 =	seq.s32 s10, $0x1;
	s10 =	sld [smem:$0x3FB4];
	_ =	sdelay $0x3  }
0x37: {  	[smem:$0x3FB4] =	sst s10  }
0x38: {  	s10 =	sld [smem:$0x3FB5]  }
0x39: {  	_ = 	snop;
	(pc) =	sbr.ind lr, $3  }
0x3a: {  	_ = 	snop  }
0x3b: {  	_ = 	snop  }
0x3c: {  	p2 =	seq.s32 s10, $0x1;
	s10 =	sld [smem:$0x3FB4]  }
0x3d: {  	_ =	shalt  }
0x3e: {  	_ =	shalt  }
0x3f: {  	_ =	shalt  }
0x40: {  	_ =	shalt  }
0x41: {  	_ =	shalt  }
0x42: {  	_ =	shalt  }
0x43: {  	_ =	shalt  }
0x44: {  	_ =	shalt  }
0x45: {  	_ =	shalt  }
0x46: {  	_ =	shalt  }
0x47: {  	_ =	shalt  }
0x48: {  	_ =	shalt  }
0x49: {  	_ =	shalt  }
0x4a: {  	_ =	shalt  }
0x4b: {  	_ =	shalt  }
0x4c: {  	_ =	shalt  }
0x4d: {  	_ =	shalt  }
0x4e: {  	_ =	shalt  }
0x4f: {  	_ =	shalt  }
0x50: {  	_ =	shalt  }
0x51: {  	_ =	shalt  }
0x52: {  	_ =	shalt  }
0x53: {  	_ =	shalt  }
0x54: {  	_ =	shalt  }
0x55: {  	_ =	shalt  }
0x56: {  	_ =	shalt  }
0x57: {  	_ =	shalt  }
0x58: {  	_ =	shalt  }
0x59: {  	_ =	shalt  }
0x5a: {  	_ =	shalt  }
0x5b: {  	_ =	shalt  }
0x5c: {  	_ =	shalt  }
0x5d: {  	_ =	shalt  }
0x5e: {  	_ =	shalt  }
0x5f: {  	_ =	shalt  }
0x60: {  	_ =	shalt  }
0x61: {  	_ =	shalt  }
0x62: {  	_ =	shalt  }
0x63: {  	_ =	shalt  }
0x64: {  	_ =	shalt  }
0x65: {  	_ =	shalt  }
0x66: {  	_ =	shalt  }
0x67: {  	_ =	shalt  }
0x68: {  	_ =	shalt  }
0x69: {  	_ =	shalt  }
0x6a: {  	_ =	shalt  }
0x6b: {  	_ =	shalt  }
0x6c: {  	_ =	shalt  }
0x6d: {  	_ =	shalt  }
0x6e: {  	_ =	shalt  }
0x6f: {  	_ =	shalt  }
0x70: {  	_ =	shalt  }
0x71: {  	_ =	shalt  }
0x72: {  	_ =	shalt  }
0x73: {  	_ =	shalt  }
0x74: {  	_ =	shalt  }
0x75: {  	_ =	shalt  }
0x76: {  	_ =	shalt  }
0x77: {  	_ =	shalt  }
0x78: {  	_ =	shalt  }
0x79: {  	_ =	shalt  }
0x7a: {  	_ =	shalt  }
0x7b: {  	_ =	shalt  }
0x7c: {  	_ =	shalt  }
0x7d: {  	_ =	shalt  }
0x7e: {  	_ =	shalt  }
0x7f: {  	_ =	shalt  }
0x80: {  	_ =	shalt  }
0x81: {  	_ =	shalt  }
0x82: {  	_ =	shalt  }
0x83: {  	_ =	shalt  }
0x84: {  	_ =	shalt  }
0x85: {  	_ =	shalt  }
0x86: {  	_ =	shalt  }
0x87: {  	_ =	shalt  }
.Lfunc_end0:
.L_simem_size_0:
called_computation.1_lowered:
.L_overlay_start_0:
0x88: {  	s2 =	sld [smem:$0x3FD9]  }
0x89: {  	s3 =	sld [smem:$0x3FFE];
	_ =	sdelay $0x1  }
0x8a: {  	s1 =	srdreg.scid  }
0x8b: {  	s0 =	sand.u32 $0x1, s1  }
0x8c: {  	s17 =	sshll.u32 s0, $0xA;
	s2 =	sadd.s32 s3, s2  }
0x8d: {  	s2 =	sadd.s32 s2, s17  }
0x8e: {  	[smem:$0x3FC0] =	sst s2  }
0x8f: {  	_ = 	snop  }
0x90: {  	s2 =	sld [smem:$0x3FD0];
	(tm) =	ssettm $0x1  }
0x91: {  	s18 =	sld [smem:$0x3FFB];
	_ =	sdelay $0x3  }
0x92: {  	_ =	strace s18  }
0x93: {  	s3 =	sld [smem:$0x3FFC];
	_ =	sdelay $0x3  }
0x94: {  	_ =	strace s3  }
0x95: {  	s3 =	sld [smem:$0x3FFD];
	_ =	sdelay $0x3  }
0x96: {  	_ =	strace s3  }
0x97: {  	_ =	strace $0x8FFFFFFF  }
0x98: {  	s19 =	sld [smem:$0x3FDB];
	_ =	sdelay $0x1  }
0x99: {  	s4 =	simm.s32 $_scs_section_size  }
0x9a: {  	s5 =	simm.s32 $_size__tile_overlayer_lowered;
	s6 =	simm.s32 $_tile_overlayer_lowered  }
0x9b: {  	s22 =	simm.s32 $0x1BFF;
	s21 =	sshll.u32 s6, $0x1;
	s3 =	sadd.s32 s4, s19  }
0x9c: {  	s7 =	simm.s32 $0x0;
	s20 =	sshll.u32 s5, $0x1;
	s5 =	sadd.s32 s21, s3  }
0x9d: {  	[timem:s7], [sflag:s22] =	dma.local [hbm:s5], s20  }
0x9e: {  	_ =	swait.ge [sflag:s22], s20  }
0x9f: {  	s4 =	ssub.s32 $0x0, s20;
	[sflag:s22] =	ssyncset.done $0x0  }
0xa0: {  	[sflag:s22] =	ssyncadd.s32 s4;
	_ =	sdelay $0x1  }
0xa1: {  	s23 =	simm.s32 $0x1B8B  }
0xa2: {  	_ =	swait.ge [sflag:s23], $0x1  }
0xa3: {  	[sflag:s23] =	ssyncset.done $0x0  }
0xa4: {  	s25 =	simm.s32 $0x1B8E;
	s24 =	sld [smem:$0x3FFE];
	[sflag:s23] =	ssyncadd.s32 $0xFFFFFFFF  }
0xa5: {  	s26 =	simm.s32 $execute0_lowered;
	[smem:$0x3FD2] =	sst s25  }
0xa6: {  	s5 =	sshll.u32 s26, $0x1;
	_ =	strace $0x80000049;
	[dreg:$0x1] =	wrdreg $0xFFFFFFFF  }
0xa7: {  	s28 =	simm.s32 $_size_execute0_lowered;
	s3 =	sadd.s32 s3, s5;
	[dreg:$0x0] =	wrdreg $0x0  }
0xa8: {  	s5 =	sshll.u32 s28, $0x1;
	[dreg:$0x2] =	wrdreg s3  }
0xa9: {  	[dreg:$0x3] =	wrdreg s5  }
0xaa: {  	[dreg:$0x4] =	wrdreg $0xC0  }
0xab: {  	_ =	task [dreg:s7], $0x5FFFF  }
0xac: {  	[dreg:$0x1] =	wrdreg $0xFFFFFFFF  }
0xad: {  	[dreg:$0x0] =	wrdreg $0x60  }
0xae: {  	[dreg:$0x2] =	wrdreg s2  }
0xaf: {  	[dreg:$0x3] =	wrdreg s24  }
0xb0: {  	[dreg:$0x4] =	wrdreg $0xBC000  }
0xb1: {  	[dreg:$0x5] =	wrdreg $0x9  }
0xb2: {  	_ =	task.clear_ibuf [dreg:s7], $0x6FFFF;
	_ =	strace $0x90000049  }
0xb3: {  	s29 =	simm.s32 $0x9;
	_ =	strace $0x8000004B  }
0xb4: {  	_ =	swait.ge [sflag:s29], $0x1  }
0xb5: {  	[sflag:s29] =	ssyncadd.s32 $0xFFFFFFFF  }
0xb6: {  	_ =	strace $0x9000004B  }
0xb7: {  	_ =	sfence  }
0xb8: {  	s30 =	sld [smem:$0x0];
	_ =	sdelay $0x2  }
0xb9: {  	s31 =	sshll.u32 s1, $0xD;
	s1 =	sshrl.u32 s1, $0x2  }
0xba: {  	s3 =	sand.u32 $0x4000, s31;
	s1 =	sadd.s32 s1, s30  }
0xbb: {  	s0 =	sor.u32 s3, s0;
	s1 =	sshll.u32 s1, $0x11  }
0xbc: {  	s0 =	sor.u32 s1, s0  }
0xbd: {  	s0 =	sadd.s32 $0x8F2B, s0  }
0xbe: {  	[sflag:s0] =	ssyncadd.remote.s32 $0x1  }
0xbf: {  	_ =	sfence.sel $0xFFFF  }
0xc0: {  	[dreg:$0x0] =	wrdreg $0xFFFFFFFF;
	(pc) =	sbr.abs _section_cstart, $3  }
0xc1: {  	[dreg:$0x1] =	wrdreg $0xFFFFFFFF  }
0xc2: {  	_ =	task.clear_ibuf [dreg:s7], $0x2FFFF;
	_ =	strace $0x9FFFFFFF  }
0xc3: {  	(tm) =	ssettm $0x7FFFFFFF  }
tec
execute0_lowered:
.L_overlay_start_1:
0x0: {  	(tag) =	ssettag $0x1  }
0x1: {  	s0 =	rddreg [dreg:$0x0]  }
0x2: {  	s2 =	rddreg [dreg:$0x1]  }
0x3: {  	s1 =	rddreg [dreg:$0x2]  }
0x4: {  	s3 =	simm.s32 $0x0;
	s4 =	srdreg.scid;
	s19 =	stileid.u32  }
0x5: {  	[smem:$0x7FF] =	sst s3;
	s5 =	sand.u32 $0x1, s4;
	s8 =	smul.u32 $0x14000, s19  }
0x6: {  	s7 =	sadd.s32 $0x14400, s2;
	s9 =	sadd.s32 $0xC400, s2;
	s10 =	smul.u32 $0x280, s19  }
0x7: {  	s4 =	sadd.s32 $0x2000, s2;
	s11 =	smul.u32 $0x50000, s19;
	p0 =	seq.s32 s19, $0xF  }
0x8: {  	s6 =	smul.u32 $0x140000, s5;
	_ =	strace $0x8000004A;
	s17 =	ssub.s32 $0x2, s5  }
0x9: {  	s13 =	smul.u32 $0x27100, s5;
	s12 =	sshrl.u32 s17, $0x1;
	s18 =	sshrl.u32 s11, $0x2  }
0xa: {  	s20 =	sadd.s32 $0x80, s10;
	s11 =	smul.u32 $0x2800, s19;
	s22 =	sadd.s32 $0x100, s10  }
0xb: {  	s15 =	sadd.s32 $0x180, s10;
	s10 =	sadd.s32 $0x200, s10;
	s6 =	sadd.s32 s8, s6  }
0xc: {  	s8 =	ssub.s32 s17, s12;
	s5 =	sadd.s32 s18, s1;
	s21 =	sshll.u32 s20, $0x7  }
0xd: {  	s14 =	sshll.u32 s22, $0x7;
	s16 =	sshll.u32 s15, $0x7;
	s17 =	sshll.u32 s19, $0xB  }
0xe: {  	s15 =	sshll.u32 s15, $0x4;
	s6 =	sshrl.u32 s6, $0x3;
	s12 =	sadd.s32 s21, s1  }
0xf: {  	s14 =	sadd.s32 s14, s1;
	s18 =	sadd.s32 s7, s17;
	s23 =	sadd.s32 s9, s17  }
0x10: {  	s24 =	sor.u32 $0x200, s17;
	s25 =	sor.u32 $0x400, s17;
	s17 =	sor.u32 $0x600, s17  }
0x11: {  	s21 =	sshll.u32 s10, $0x7;
	s10 =	sshll.u32 s10, $0x4;
	s2 =	sadd.s32 s6, s2  }
0x12: {  	s6 =	sadd.s32 s0, s13;
	s0 =	sshll.u32 s20, $0x4;
	[dreg:$0x4] =	wrdreg s18  }
0x13: {  	s13 =	sshll.u32 s22, $0x4;
	[dreg:$0x5] =	wrdreg s23;
	s20 =	sadd.s32 s7, s24  }
0x14: {  	s18 =	sadd.s32 s9, s24;
	s26 =	sadd.s32 s7, s25;
	s7 =	sadd.s32 s7, s17  }
0x15: {  	s22 =	smax.u32 s8, $0x1;
	s8 =	sadd.s32 $0x13C800, s1;
	[dreg:$0x6] =	wrdreg s20  }
0x16: {  	s29 =	sshrl.u32 @!p0 s12, $0x3;
	s30 =	sshrl.u32 @!p0 s14, $0x3;
	[dreg:$0x7] =	wrdreg s18  }
0x17: {  	s12 =	simm.s32 $0x2000;
	s14 =	simm.s32 $0x5400;
	[dreg:$0x8] =	wrdreg s26  }
0x18: {  	s18 =	sadd.s32 s9, s25;
	[dreg:$0xa] =	wrdreg s7;
	s20 =	sadd.s32 s9, s17  }
0x19: {  	s9 =	sadd.s32 s16, s1;
	s7 =	sadd.s32 s21, s1;
	[dreg:$0xd] =	wrdreg s22  }
0x1a: {  	s2 =	sadd.s32 $0x1C400, s2;
	s23 =	sadd.s32 s11, s6;
	[dreg:$0x9] =	wrdreg s18  }
0x1b: {  	s0 =	sadd.s32 s0, s6;
	s24 =	sadd.s32 s13, s6;
	[dreg:$0xb] =	wrdreg s20  }
0x1c: {  	s25 =	sadd.s32 s15, s6;
	s26 =	sadd.s32 s10, s6;
	[dreg:$0xc] =	wrdreg s2  }
0x1d: {  	s28 =	sshrl.u32 @p0 s8, $0x3;
	s8 =	sadd.s32 $0x26000, s6;
	[dreg:$0xe] =	wrdreg s23  }
0x1e: {  	s10 =	simm.s32 $0x8;
	s11 =	simm.s32 $0x64;
	[dreg:$0xf] =	wrdreg s0  }
0x1f: {  	s13 =	simm.s32 $0x80;
	[dreg:$0x10] =	wrdreg s24;
	s0 =	sadd.s32 $0x12C000, s1  }
0x20: {  	s15 =	simm.s32 $0x4;
	[dreg:$0x11] =	wrdreg s25;
	s0 =	sshrl.u32 @p0 s0, $0x3  }
0x21: {  	s16 =	simm.s32 $0x0;
	[dreg:$0x13] =	wrdreg s0;
	s0 =	sadd.s32 $0x130000, s1  }
0x22: {  	[dreg:$0x12] =	wrdreg s26;
	s2 =	sadd.s32 $0x138000, s1;
	s0 =	sshrl.u32 @p0 s0, $0x3  }
0x23: {  	s31 =	sshrl.u32 @!p0 s9, $0x3;
	[dreg:$0x14] =	wrdreg s0;
	s0 =	sadd.s32 $0x134000, s1  }
0x24: {  	s9 =	sadd.s32 $0x27000, s6;
	s25 =	sshrl.u32 @p0 s2, $0x3;
	s0 =	sshrl.u32 @p0 s0, $0x3  }
0x25: {  	s2 =	sadd.s32 $0x26800, s6;
	[dreg:$0x15] =	wrdreg s0;
	s0 =	sadd.s32 $0x138800, s1  }
0x26: {  	s26 =	sshrl.u32 @p0 s0, $0x3;
	s0 =	sshrl.u32 @!p0 s7, $0x3;
	s7 =	sadd.s32 $0x25800, s6  }
.LBB2_1:
0x27: {  	s17 =	simm.s32 @p0 $0x1FC7;
	s18 =	rddreg [dreg:$0x13]  }
0x28: {  	[spmem:s18], [sflag:s17] =	dma.local @p0 [hbm:s7], $0x800  }
0x29: {  	s18 =	rddreg [dreg:$0x14]  }
0x2a: {  	[spmem:s18], [sflag:s17] =	dma.local @p0 [hbm:s8], $0x800  }
0x2b: {  	s18 =	rddreg [dreg:$0x15]  }
0x2c: {  	[spmem:s18], [sflag:s17] =	dma.local @p0 [hbm:s2], $0x800  }
0x2d: {  	[spmem:s25], [sflag:s17] =	dma.local @p0 [hbm:s9], $0x100  }
0x2e: {  	[spmem:s26], [sflag:s17] =	dma.local @p0 [hbm:s4], $0x800  }
0x2f: {  	[spmem:s28], [sflag:s17] =	dma.local @p0 [hbm:s4], $0x700  }
0x30: {  	s17 =	simm.s32 @p0 $0x7  }
0x31: {  	_ =	swait.ge @p0 [sflag:s17], $0x800  }
0x32: {  	[sflag:s17] =	ssyncset.done @p0 $0x0  }
0x33: {  	[sflag:s17] =	ssyncadd.s32 @p0 $0xFFFFF800  }
0x34: {  	_ =	swait.ge @p0 [sflag:s17], $0x800  }
0x35: {  	[sflag:s17] =	ssyncset.done @p0 $0x0  }
0x36: {  	[sflag:s17] =	ssyncadd.s32 @p0 $0xFFFFF800  }
0x37: {  	_ =	swait.ge @p0 [sflag:s17], $0x800  }
0x38: {  	[sflag:s17] =	ssyncset.done @p0 $0x0  }
0x39: {  	[sflag:s17] =	ssyncadd.s32 @p0 $0xFFFFF800  }
0x3a: {  	_ =	swait.ge @p0 [sflag:s17], $0x100  }
0x3b: {  	[sflag:s17] =	ssyncset.done @p0 $0x0  }
0x3c: {  	[sflag:s17] =	ssyncadd.s32 @p0 $0xFFFFFF00  }
0x3d: {  	_ =	swait.ge @p0 [sflag:s17], $0x800  }
0x3e: {  	[sflag:s17] =	ssyncset.done @p0 $0x0  }
0x3f: {  	[sflag:s17] =	ssyncadd.s32 @p0 $0xFFFFF800  }
0x40: {  	_ =	swait.ge @p0 [sflag:s17], $0x700  }
0x41: {  	s18 =	sshll.u32 @!p0 s19, $0x6;
	[sflag:s17] =	ssyncset.done @p0 $0x0;
	s19 =	rddreg [dreg:$0xe]  }
0x42: {  	[sflag:s17] =	ssyncadd.s32 @p0 $0xFFFFF900;
	s17 =	sor.u32 @!p0 $0x1C07, s18;
	s18 =	sshrl.u32 @!p0 s5, $0x3  }
0x43: {  	[spmem:s18], [sflag:s17] =	dma.local @!p0 [hbm:s19], $0x800  }
0x44: {  	s18 =	rddreg [dreg:$0xf]  }
0x45: {  	[spmem:s29], [sflag:s17] =	dma.local @!p0 [hbm:s18], $0x800  }
0x46: {  	s18 =	rddreg [dreg:$0x10]  }
0x47: {  	[spmem:s30], [sflag:s17] =	dma.local @!p0 [hbm:s18], $0x800  }
0x48: {  	s18 =	rddreg [dreg:$0x11]  }
0x49: {  	[spmem:s31], [sflag:s17] =	dma.local @!p0 [hbm:s18], $0x800  }
0x4a: {  	s18 =	rddreg [dreg:$0x12]  }
0x4b: {  	[spmem:s0], [sflag:s17] =	dma.local @!p0 [hbm:s18], $0x800  }
0x4c: {  	s17 =	simm.s32 @!p0 $0x7  }
0x4d: {  	_ =	swait.ge @!p0 [sflag:s17], $0x800  }
0x4e: {  	[sflag:s17] =	ssyncset.done @!p0 $0x0  }
0x4f: {  	[sflag:s17] =	ssyncadd.s32 @!p0 $0xFFFFF800  }
0x50: {  	_ =	swait.ge @!p0 [sflag:s17], $0x800  }
0x51: {  	[sflag:s17] =	ssyncset.done @!p0 $0x0  }
0x52: {  	[sflag:s17] =	ssyncadd.s32 @!p0 $0xFFFFF800  }
0x53: {  	_ =	swait.ge @!p0 [sflag:s17], $0x800  }
0x54: {  	[sflag:s17] =	ssyncset.done @!p0 $0x0  }
0x55: {  	[sflag:s17] =	ssyncadd.s32 @!p0 $0xFFFFF800  }
0x56: {  	_ =	swait.ge @!p0 [sflag:s17], $0x800  }
0x57: {  	[sflag:s17] =	ssyncset.done @!p0 $0x0  }
0x58: {  	[sflag:s17] =	ssyncadd.s32 @!p0 $0xFFFFF800  }
0x59: {  	_ =	swait.ge @!p0 [sflag:s17], $0x800  }
0x5a: {  	[sflag:s17] =	ssyncset.done @!p0 $0x0  }
0x5b: {  	[sflag:s17] =	ssyncadd.s32 @!p0 $0xFFFFF800  }
0x5c: {  	[bflag:$0x0] =	sbarrier.arrive $0xFFFF  }
0x5d: {  	s23 =	rddreg [dreg:$0x4]  }
0x5e: {  	[tilespmem:s3], [sflag:$0x8] =	stream.linear.gather [hbm4b:s23+s3], $0xC80, $0x38;
	[tilespmem:$0x1FC00] =	vst v63  }
0x5f: {  	_ =	swait.ge [sflag:s10], $0xC80  }
0x60: {  	[sflag:s10] =	ssyncset.done $0x0  }
0x61: {  	s17 =	simm.s32 $0x1000;
	s24 =	rddreg [dreg:$0x5];
	[sflag:s10] =	ssyncadd.s32 $0xFFFFF380  }
0x62: {  	[tilespmem:s17], [sflag:$0x8] =	stream.linear.gather [hbm4b:s24+s3], $0xC80, $0x38;
	[tilespmem:$0x1FC00] =	vst v63  }
0x63: {  	_ =	swait.ge [sflag:s10], $0xC80  }
0x64: {  	[sflag:s10] =	ssyncset.done $0x0  }
0x65: {  	[sflag:s10] =	ssyncadd.s32 $0xFFFFF380  }
0x66: {  	[tilespmem:s12], [sflag:$0x1] =	stream.indirect.gather [hbm4b:s6+s11], $0x80, s3, s11, $0xb8;
	[tilespmem:$0x1FC00] =	vst v63  }
0x67: {  	s19 =	simm.s32 $0x0;
	s18 =	simm.s32 $0x100  }
0x68: {  	[tilespmem:s14], [sflag:$0x2] =	stream.indirect.gather [hbm4b:s6+s11], $0x80, s13, s11, $0xb8;
	[tilespmem:$0x1FC00] =	vst v63  }
.LBB2_2:
0x69: {  	s20 =	smul.u32 $0xAB, s19;
	_ =	sdelay $0x1  }
0x6a: {  	s20 =	sshrl.u32 s20, $0x9  }
0x6b: {  	s20 =	sand.u32 $0x7F, s20  }
0x6c: {  	s20 =	smul.u32 $0x3, s20  }
0x6d: {  	p1 =	seq.s32 s19, $0x0  }
0x6e: {  	s21 =	sadd.s32 @!p1 $0xFFFFFFFF, s19;
	s20 =	ssub.s32 s19, s20  }
0x6f: {  	s24 =	sand.u32 @!p1 $0xFF, s21;
	s20 =	sand.u32 $0xFF, s20  }
0x70: {  	s24 =	smul.u32 @!p1 $0xAB, s24;
	s23 =	sadd.s32 $0x1, s20  }
0x71: {  	s22 =	smul.u32 $0xD000, s20;
	_ =	swait.ge [sflag:s23], $0x3200  }
0x72: {  	[sflag:s23] =	ssyncset.done $0x0  }
0x73: {  	s22 =	sshrl.u32 s22, $0x2;
	[sflag:s23] =	ssyncadd.s32 $0xFFFFCE00;
	s23 =	sshrl.u32 @!p1 s24, $0x9  }
0x74: {  	s20 =	sor.u32 $0x4, s20;
	s22 =	sadd.s32 $0x2000, s22;
	s23 =	smul.u32 @!p1 $0x3, s23  }
0x75: {  	[spmem:s1] =	stream.indirect.scatter.add.f32 [tilespmem:s22], [sflag:s20], $0x80, s17, s11, $0xb8;
	[tilespmem:$0x1FC00] =	vst v63  }
0x76: {  	s20 =	ssub.s32 @!p1 s21, s23  }
0x77: {  	s20 =	sor.u32 @!p1 $0x4, s20  }
0x78: {  	s20 =	sand.u32 @!p1 $0xFF, s20  }
0x79: {  	p2 =	sgt.u32 @!p1 s19, $0x16;
	_ =	swait.ge @!p1 [sflag:s20], $0x3200  }
0x7a: {  	p2 =	por p1, !p2;
	[sflag:s20] =	ssyncset.done @!p1 $0x0  }
0x7b: {  	[sflag:s20] =	ssyncadd.s32 @!p1 $0xFFFFCE00;
	s20 =	sadd.s32 @p2 $0x2, s19  }
0x7c: {  	s21 =	smul.u32 @p2 $0xAB, s20;
	_ =	sdelay $0x1  }
0x7d: {  	s21 =	sshrl.u32 @p2 s21, $0x9  }
0x7e: {  	s21 =	sand.u32 @p2 $0x7F, s21  }
0x7f: {  	s21 =	smul.u32 @p2 $0x3, s21;
	_ =	sdelay $0x1  }
0x80: {  	s20 =	ssub.s32 @p2 s20, s21  }
0x81: {  	s19 =	sadd.s32 $0x1, s19;
	s20 =	sand.u32 @p2 $0xFF, s20  }
0x82: {  	p1 =	sne.s32 s19, $0x19;
	s21 =	smul.u32 @p2 $0xD000, s20  }
.Ltmp0:
0x83: {  	_ = 	snop;
	(pc) =	sbr.rel @p1 .LBB2_2-.Ltmp0, $4  }
0x84: {  	s21 =	sshrl.u32 @p2 s21, $0x2  }
0x85: {  	s20 =	sadd.s32 @p2 $0x1, s20;
	s21 =	sadd.s32 @p2 $0x2000, s21  }
0x86: {  	[tilespmem:s21], [sflag:s20] =	stream.indirect.gather @p2 [hbm4b:s6+s11], $0x80, s18, s11, $0xb8;
	[tilespmem:$0x1FC00] =	vst v63  }
0x87: {  	s17 =	sadd.s32 $0x80, s17;
	s18 =	sadd.s32 $0x80, s18  }
0x88: {  	_ =	swait.ge [sflag:s15], $0x3200  }
0x89: {  	[sflag:s15] =	ssyncset.done $0x0  }
0x8a: {  	s17 =	simm.s32 $0x0;
	s18 =	rddreg [dreg:$0x6];
	[sflag:s15] =	ssyncadd.s32 $0xFFFFCE00  }
0x8b: {  	[tilespmem:s17], [sflag:$0x8] =	stream.linear.gather [hbm4b:s18+s17], $0xC80, $0x38;
	[tilespmem:$0x1FC00] =	vst v63  }
0x8c: {  	_ =	swait.ge [sflag:s10], $0xC80  }
0x8d: {  	[sflag:s10] =	ssyncset.done $0x0  }
0x8e: {  	s18 =	simm.s32 $0x1000;
	s19 =	rddreg [dreg:$0x7];
	[sflag:s10] =	ssyncadd.s32 $0xFFFFF380  }
0x8f: {  	[tilespmem:s18], [sflag:$0x8] =	stream.linear.gather [hbm4b:s19+s17], $0xC80, $0x38;
	[tilespmem:$0x1FC00] =	vst v63  }
0x90: {  	_ =	swait.ge [sflag:s10], $0xC80  }
0x91: {  	[sflag:s10] =	ssyncset.done $0x0  }
0x92: {  	[sflag:s10] =	ssyncadd.s32 $0xFFFFF380  }
0x93: {  	[tilespmem:s12], [sflag:$0x1] =	stream.indirect.gather [hbm4b:s6+s11], $0x80, s17, s11, $0xb8;
	[tilespmem:$0x1FC00] =	vst v63  }
0x94: {  	s19 =	simm.s32 $0x100  }
0x95: {  	[tilespmem:s14], [sflag:$0x2] =	stream.indirect.gather [hbm4b:s6+s11], $0x80, s13, s11, $0xb8;
	[tilespmem:$0x1FC00] =	vst v63  }
.LBB2_4:
0x96: {  	s20 =	smul.u32 $0xAB, s17;
	_ =	sdelay $0x1  }
0x97: {  	s20 =	sshrl.u32 s20, $0x9  }
0x98: {  	s20 =	sand.u32 $0x7F, s20  }
0x99: {  	s20 =	smul.u32 $0x3, s20  }
0x9a: {  	p1 =	seq.s32 s17, $0x0  }
0x9b: {  	s21 =	sadd.s32 @!p1 $0xFFFFFFFF, s17;
	s20 =	ssub.s32 s17, s20  }
0x9c: {  	s24 =	sand.u32 @!p1 $0xFF, s21;
	s20 =	sand.u32 $0xFF, s20  }
0x9d: {  	s24 =	smul.u32 @!p1 $0xAB, s24;
	s23 =	sadd.s32 $0x1, s20  }
0x9e: {  	s22 =	smul.u32 $0xD000, s20;
	_ =	swait.ge [sflag:s23], $0x3200  }
0x9f: {  	[sflag:s23] =	ssyncset.done $0x0  }
0xa0: {  	s22 =	sshrl.u32 s22, $0x2;
	[sflag:s23] =	ssyncadd.s32 $0xFFFFCE00;
	s23 =	sshrl.u32 @!p1 s24, $0x9  }
0xa1: {  	s20 =	sor.u32 $0x4, s20;
	s22 =	sadd.s32 $0x2000, s22;
	s23 =	smul.u32 @!p1 $0x3, s23  }
0xa2: {  	[spmem:s1] =	stream.indirect.scatter.add.f32 [tilespmem:s22], [sflag:s20], $0x80, s18, s11, $0xb8;
	[tilespmem:$0x1FC00] =	vst v63  }
0xa3: {  	s20 =	ssub.s32 @!p1 s21, s23  }
0xa4: {  	s20 =	sor.u32 @!p1 $0x4, s20  }
0xa5: {  	s20 =	sand.u32 @!p1 $0xFF, s20  }
0xa6: {  	p2 =	sgt.u32 @!p1 s17, $0x16;
	_ =	swait.ge @!p1 [sflag:s20], $0x3200  }
0xa7: {  	p2 =	por p1, !p2;
	[sflag:s20] =	ssyncset.done @!p1 $0x0  }
0xa8: {  	[sflag:s20] =	ssyncadd.s32 @!p1 $0xFFFFCE00;
	s20 =	sadd.s32 @p2 $0x2, s17  }
0xa9: {  	s21 =	smul.u32 @p2 $0xAB, s20;
	_ =	sdelay $0x1  }
0xaa: {  	s21 =	sshrl.u32 @p2 s21, $0x9  }
0xab: {  	s21 =	sand.u32 @p2 $0x7F, s21  }
0xac: {  	s21 =	smul.u32 @p2 $0x3, s21;
	_ =	sdelay $0x1  }
0xad: {  	s20 =	ssub.s32 @p2 s20, s21  }
0xae: {  	s17 =	sadd.s32 $0x1, s17;
	s20 =	sand.u32 @p2 $0xFF, s20  }
0xaf: {  	p1 =	sne.s32 s17, $0x19;
	s21 =	smul.u32 @p2 $0xD000, s20  }
.Ltmp1:
0xb0: {  	_ = 	snop;
	(pc) =	sbr.rel @p1 .LBB2_4-.Ltmp1, $4  }
0xb1: {  	s21 =	sshrl.u32 @p2 s21, $0x2  }
0xb2: {  	s20 =	sadd.s32 @p2 $0x1, s20;
	s21 =	sadd.s32 @p2 $0x2000, s21  }
0xb3: {  	[tilespmem:s21], [sflag:s20] =	stream.indirect.gather @p2 [hbm4b:s6+s11], $0x80, s19, s11, $0xb8;
	[tilespmem:$0x1FC00] =	vst v63  }
0xb4: {  	s18 =	sadd.s32 $0x80, s18;
	s19 =	sadd.s32 $0x80, s19  }
0xb5: {  	_ =	swait.ge [sflag:s15], $0x3200  }
0xb6: {  	[sflag:s15] =	ssyncset.done $0x0  }
0xb7: {  	s17 =	simm.s32 $0x0;
	s18 =	rddreg [dreg:$0x8];
	[sflag:s15] =	ssyncadd.s32 $0xFFFFCE00  }
0xb8: {  	[tilespmem:s17], [sflag:$0x8] =	stream.linear.gather [hbm4b:s18+s17], $0xC80, $0x38;
	[tilespmem:$0x1FC00] =	vst v63  }
0xb9: {  	_ =	swait.ge [sflag:s10], $0xC80  }
0xba: {  	[sflag:s10] =	ssyncset.done $0x0  }
0xbb: {  	s18 =	simm.s32 $0x1000;
	s19 =	rddreg [dreg:$0x9];
	[sflag:s10] =	ssyncadd.s32 $0xFFFFF380  }
0xbc: {  	[tilespmem:s18], [sflag:$0x8] =	stream.linear.gather [hbm4b:s19+s17], $0xC80, $0x38;
	[tilespmem:$0x1FC00] =	vst v63  }
0xbd: {  	_ =	swait.ge [sflag:s10], $0xC80  }
0xbe: {  	[sflag:s10] =	ssyncset.done $0x0  }
0xbf: {  	[sflag:s10] =	ssyncadd.s32 $0xFFFFF380  }
0xc0: {  	[tilespmem:s12], [sflag:$0x1] =	stream.indirect.gather [hbm4b:s6+s11], $0x80, s17, s11, $0xb8;
	[tilespmem:$0x1FC00] =	vst v63  }
0xc1: {  	s19 =	simm.s32 $0x100  }
0xc2: {  	[tilespmem:s14], [sflag:$0x2] =	stream.indirect.gather [hbm4b:s6+s11], $0x80, s13, s11, $0xb8;
	[tilespmem:$0x1FC00] =	vst v63  }
.LBB2_6:
0xc3: {  	s20 =	smul.u32 $0xAB, s17;
	_ =	sdelay $0x1  }
0xc4: {  	s20 =	sshrl.u32 s20, $0x9  }
0xc5: {  	s20 =	sand.u32 $0x7F, s20  }
0xc6: {  	s20 =	smul.u32 $0x3, s20  }
0xc7: {  	p1 =	seq.s32 s17, $0x0  }
0xc8: {  	s21 =	sadd.s32 @!p1 $0xFFFFFFFF, s17;
	s20 =	ssub.s32 s17, s20  }
0xc9: {  	s24 =	sand.u32 @!p1 $0xFF, s21;
	s20 =	sand.u32 $0xFF, s20  }
0xca: {  	s24 =	smul.u32 @!p1 $0xAB, s24;
	s23 =	sadd.s32 $0x1, s20  }
0xcb: {  	s22 =	smul.u32 $0xD000, s20;
	_ =	swait.ge [sflag:s23], $0x3200  }
0xcc: {  	[sflag:s23] =	ssyncset.done $0x0  }
0xcd: {  	s22 =	sshrl.u32 s22, $0x2;
	[sflag:s23] =	ssyncadd.s32 $0xFFFFCE00;
	s23 =	sshrl.u32 @!p1 s24, $0x9  }
0xce: {  	s20 =	sor.u32 $0x4, s20;
	s22 =	sadd.s32 $0x2000, s22;
	s23 =	smul.u32 @!p1 $0x3, s23  }
0xcf: {  	[spmem:s1] =	stream.indirect.scatter.add.f32 [tilespmem:s22], [sflag:s20], $0x80, s18, s11, $0xb8;
	[tilespmem:$0x1FC00] =	vst v63  }
0xd0: {  	s20 =	ssub.s32 @!p1 s21, s23  }
0xd1: {  	s20 =	sor.u32 @!p1 $0x4, s20  }
0xd2: {  	s20 =	sand.u32 @!p1 $0xFF, s20  }
0xd3: {  	p2 =	sgt.u32 @!p1 s17, $0x16;
	_ =	swait.ge @!p1 [sflag:s20], $0x3200  }
0xd4: {  	p2 =	por p1, !p2;
	[sflag:s20] =	ssyncset.done @!p1 $0x0  }
0xd5: {  	[sflag:s20] =	ssyncadd.s32 @!p1 $0xFFFFCE00;
	s20 =	sadd.s32 @p2 $0x2, s17  }
0xd6: {  	s21 =	smul.u32 @p2 $0xAB, s20;
	_ =	sdelay $0x1  }
0xd7: {  	s21 =	sshrl.u32 @p2 s21, $0x9  }
0xd8: {  	s21 =	sand.u32 @p2 $0x7F, s21  }
0xd9: {  	s21 =	smul.u32 @p2 $0x3, s21;
	_ =	sdelay $0x1  }
0xda: {  	s20 =	ssub.s32 @p2 s20, s21  }
0xdb: {  	s17 =	sadd.s32 $0x1, s17;
	s20 =	sand.u32 @p2 $0xFF, s20  }
0xdc: {  	p1 =	sne.s32 s17, $0x19;
	s21 =	smul.u32 @p2 $0xD000, s20  }
.Ltmp2:
0xdd: {  	_ = 	snop;
	(pc) =	sbr.rel @p1 .LBB2_6-.Ltmp2, $4  }
0xde: {  	s21 =	sshrl.u32 @p2 s21, $0x2  }
0xdf: {  	s20 =	sadd.s32 @p2 $0x1, s20;
	s21 =	sadd.s32 @p2 $0x2000, s21  }
0xe0: {  	[tilespmem:s21], [sflag:s20] =	stream.indirect.gather @p2 [hbm4b:s6+s11], $0x80, s19, s11, $0xb8;
	[tilespmem:$0x1FC00] =	vst v63  }
0xe1: {  	s18 =	sadd.s32 $0x80, s18;
	s19 =	sadd.s32 $0x80, s19  }
0xe2: {  	_ =	swait.ge [sflag:s15], $0x3200  }
0xe3: {  	[sflag:s15] =	ssyncset.done $0x0  }
0xe4: {  	s17 =	simm.s32 $0x0;
	s18 =	rddreg [dreg:$0xa];
	[sflag:s15] =	ssyncadd.s32 $0xFFFFCE00  }
0xe5: {  	[tilespmem:s17], [sflag:$0x8] =	stream.linear.gather [hbm4b:s18+s17], $0xC80, $0x38;
	[tilespmem:$0x1FC00] =	vst v63  }
0xe6: {  	_ =	swait.ge [sflag:s10], $0xC80  }
0xe7: {  	[sflag:s10] =	ssyncset.done $0x0  }
0xe8: {  	s18 =	simm.s32 $0x1000;
	s19 =	rddreg [dreg:$0xb];
	[sflag:s10] =	ssyncadd.s32 $0xFFFFF380  }
0xe9: {  	[tilespmem:s18], [sflag:$0x8] =	stream.linear.gather [hbm4b:s19+s17], $0xC80, $0x38;
	[tilespmem:$0x1FC00] =	vst v63  }
0xea: {  	_ =	swait.ge [sflag:s10], $0xC80  }
0xeb: {  	[sflag:s10] =	ssyncset.done $0x0  }
0xec: {  	[sflag:s10] =	ssyncadd.s32 $0xFFFFF380  }
0xed: {  	[tilespmem:s12], [sflag:$0x1] =	stream.indirect.gather [hbm4b:s6+s11], $0x80, s17, s11, $0xb8;
	[tilespmem:$0x1FC00] =	vst v63  }
0xee: {  	s19 =	simm.s32 $0x100  }
0xef: {  	[tilespmem:s14], [sflag:$0x2] =	stream.indirect.gather [hbm4b:s6+s11], $0x80, s13, s11, $0xb8;
	[tilespmem:$0x1FC00] =	vst v63  }
.LBB2_8:
0xf0: {  	s20 =	smul.u32 $0xAB, s17;
	_ =	sdelay $0x1  }
0xf1: {  	s20 =	sshrl.u32 s20, $0x9  }
0xf2: {  	s20 =	sand.u32 $0x7F, s20  }
0xf3: {  	s20 =	smul.u32 $0x3, s20  }
0xf4: {  	p1 =	seq.s32 s17, $0x0  }
0xf5: {  	s21 =	sadd.s32 @!p1 $0xFFFFFFFF, s17;
	s20 =	ssub.s32 s17, s20  }
0xf6: {  	s24 =	sand.u32 @!p1 $0xFF, s21;
	s20 =	sand.u32 $0xFF, s20  }
0xf7: {  	s24 =	smul.u32 @!p1 $0xAB, s24;
	s23 =	sadd.s32 $0x1, s20  }
0xf8: {  	s22 =	smul.u32 $0xD000, s20;
	_ =	swait.ge [sflag:s23], $0x3200  }
0xf9: {  	[sflag:s23] =	ssyncset.done $0x0  }
0xfa: {  	s22 =	sshrl.u32 s22, $0x2;
	[sflag:s23] =	ssyncadd.s32 $0xFFFFCE00;
	s23 =	sshrl.u32 @!p1 s24, $0x9  }
0xfb: {  	s20 =	sor.u32 $0x4, s20;
	s22 =	sadd.s32 $0x2000, s22;
	s23 =	smul.u32 @!p1 $0x3, s23  }
0xfc: {  	[spmem:s1] =	stream.indirect.scatter.add.f32 [tilespmem:s22], [sflag:s20], $0x80, s18, s11, $0xb8;
	[tilespmem:$0x1FC00] =	vst v63  }
0xfd: {  	s20 =	ssub.s32 @!p1 s21, s23  }
0xfe: {  	s20 =	sor.u32 @!p1 $0x4, s20  }
0xff: {  	s20 =	sand.u32 @!p1 $0xFF, s20  }
0x100: {  	p2 =	sgt.u32 @!p1 s17, $0x16;
	_ =	swait.ge @!p1 [sflag:s20], $0x3200  }
0x101: {  	p2 =	por p1, !p2;
	[sflag:s20] =	ssyncset.done @!p1 $0x0  }
0x102: {  	[sflag:s20] =	ssyncadd.s32 @!p1 $0xFFFFCE00;
	s20 =	sadd.s32 @p2 $0x2, s17  }
0x103: {  	s21 =	smul.u32 @p2 $0xAB, s20;
	_ =	sdelay $0x1  }
0x104: {  	s21 =	sshrl.u32 @p2 s21, $0x9  }
0x105: {  	s21 =	sand.u32 @p2 $0x7F, s21  }
0x106: {  	s21 =	smul.u32 @p2 $0x3, s21;
	_ =	sdelay $0x1  }
0x107: {  	s20 =	ssub.s32 @p2 s20, s21  }
0x108: {  	s17 =	sadd.s32 $0x1, s17;
	s20 =	sand.u32 @p2 $0xFF, s20  }
0x109: {  	p1 =	sne.s32 s17, $0x19;
	s21 =	smul.u32 @p2 $0xD000, s20  }
.Ltmp3:
0x10a: {  	_ = 	snop;
	(pc) =	sbr.rel @p1 .LBB2_8-.Ltmp3, $4  }
0x10b: {  	s21 =	sshrl.u32 @p2 s21, $0x2  }
0x10c: {  	s20 =	sadd.s32 @p2 $0x1, s20;
	s21 =	sadd.s32 @p2 $0x2000, s21  }
0x10d: {  	[tilespmem:s21], [sflag:s20] =	stream.indirect.gather @p2 [hbm4b:s6+s11], $0x80, s19, s11, $0xb8;
	[tilespmem:$0x1FC00] =	vst v63  }
0x10e: {  	s18 =	sadd.s32 $0x80, s18;
	s19 =	sadd.s32 $0x80, s19  }
0x10f: {  	_ =	swait.ge [sflag:s15], $0x3200  }
0x110: {  	[sflag:s15] =	ssyncset.done $0x0  }
0x111: {  	s19 =	stileid.u32;
	[sflag:s15] =	ssyncadd.s32 $0xFFFFCE00  }
0x112: {  	s17 =	sshll.u32 s19, $0x6;
	[bflag:$0x0] =	sbarrier.arrive $0xFFFF  }
0x113: {  	s18 =	sshrl.u32 s5, $0x3;
	s17 =	sor.u32 $0x1C08, s17;
	s20 =	rddreg [dreg:$0xc]  }
0x114: {  	[hbm:s20], [sflag:s17] =	dma.local [spmem:s18], $0x2800  }
0x115: {  	_ =	swait.ge [sflag:s10], $0x2800  }
0x116: {  	s16 =	sadd.s32 $0x1, s16;
	s24 =	rddreg [dreg:$0xd]  }
0x117: {  	p1 =	sne.s32 s16, s24  }
.Ltmp4:
0x118: {  	_ = 	snop;
	(pc) =	sbr.rel @p1 .LBB2_1-.Ltmp4, $3  }
0x119: {  	_ =	sdelay $0x1  }
0x11a: {  	[sflag:s10] =	ssyncset.done $0x0  }
0x11b: {  	[sflag:s10] =	ssyncadd.s32 $0xFFFFD800  }
0x11c: {  	_ =	sfence.sel $0x180000  }
0x11d: {  	[bflag:$0x0] =	sbarrier.arrive $0xFFFF  }
0x11e: {  	_ =	strace $0x9000004A  }
0x11f: {  	[bflag:$0x2] =	sbarrier.arrive $0xFFFF  }
0x120: {  	p0 =	sne.s32 s19, $0x0;
	s0 =	rddreg [dreg:$0x3]  }
0x121: {  	s0 =	sadd.s32 @!p0 $0x100000, s0  }
0x122: {  	[sflag:s0] =	ssyncadd.tile.s32 @!p0 $0x1;
	_ =	shalt  }
.Lfunc_end2:
_tile_overlayer_lowered:
.L_overlay_start_2:
0x123: {  	(tag) =	ssettag $0x2  }
0x124: {  	s0 =	rddreg [dreg:$0x0];
	s2 =	stileid.u32  }
0x125: {  	s1 =	rddreg [dreg:$0x1];
	p0 =	sne.s32 s2, $0x0  }
0x126: {  	s3 =	rddreg [dreg:$0x2];
	[bflag:$0x3] =	sbarrier.arrive $0xFFFF;
	s2 =	simm.s32 @!p0 $0x1C08  }
0x127: {  	[timem:s3], [sflag:s2] =	dma.local @!p0 [hbm:s0], s1  }
0x128: {  	s0 =	simm.s32 @!p0 $0x8  }
0x129: {  	_ =	swait.ge @!p0 [sflag:s0], s1  }
0x12a: {  	s1 =	ssub.s32 @!p0 $0x0, s1;
	[sflag:s0] =	ssyncset.done @!p0 $0x0  }
0x12b: {  	[sflag:s0] =	ssyncadd.s32 @!p0 s1  }
0x12c: {  	[bflag:$0x3] =	sbarrier.arrive $0xFFFF  }
0x12d: {  	_ =	shalt  }

// kernel: kernel.17.cloned.1.call-start
scs
__scs_entry_jumppad:
0x0: {  	(pc) =	sbr.rel $0x88, $3  }
0x1: {  	(tag) =	ssettag $0x0;
	lr =	simm.s32 $0x1  }
0x2: {  	[smem:$0x3F99] =	sst lr;
	_ =	strace $0xD0000000  }
0x3: {  	_ = 	snop  }
0x4: {  	_ = 	snop  }
0x5: {  	_ = 	snop  }
0x6: {  	_ = 	snop  }
0x7: {  	_ = 	snop  }
__scs_overlays_trampoline_lowered:
0x8: {  	[smem:$0x3FA8] =	sst s0  }
0x9: {  	[smem:$0x3FA9] =	sst s1  }
0xa: {  	[smem:$0x3FAA] =	sst s2  }
0xb: {  	[smem:$0x3FAB] =	sst s3  }
0xc: {  	[smem:$0x3FAC] =	sst s4  }
0xd: {  	[smem:$0x3FAD] =	sst s5  }
0xe: {  	[smem:$0x3FAE] =	sst s6  }
0xf: {  	[smem:$0x3FAF] =	sst s7  }
0x10: {  	[smem:$0x3FB0] =	sst s8  }
0x11: {  	[smem:$0x3FB1] =	sst s9;
	s0 =	simm.s32 @!p0 $0x0  }
0x12: {  	s1 =	sld [smem:$0x3F97];
	s0 =	simm.s32 @p0 $0x1  }
0x13: {  	[smem:$0x3FB2] =	sst s0;
	s0 =	simm.s32 @!p1 $0x0  }
0x14: {  	s2 =	sld [smem:$0x3F96];
	s0 =	simm.s32 @p1 $0x1  }
0x15: {  	[smem:$0x3FB3] =	sst s0;
	s0 =	simm.s32 @!p2 $0x0  }
0x16: {  	s3 =	sld [smem:$0x3FDB];
	s0 =	simm.s32 @p2 $0x1  }
0x17: {  	s4 =	simm.s32 $0x1BF5;
	[smem:$0x3FB5] =	sst s0  }
0x18: {  	s0 =	sld [smem:$0x3F98];
	_ =	swait.ge [sflag:s4], $0x0  }
0x19: {  	s7 =	sld [smem:$0x3F99]  }
0x1a: {  	s8 =	sadd.s32 $0xFFFFE003, lr  }
0x1b: {  	s9 =	sadd.s32 $0xFFFFFEF7, lr;
	s5 =	simm.s32 $0xFFFFFFFF;
	p2 =	slt.u32 s8, $0xFFFFF086  }
0x1c: {  	p1 =	slt.u32 s9, $0xF7A;
	s5 =	simm.s32 @!p2 $0x0  }
0x1d: {  	s5 =	simm.s32 @p1 $0x1;
	p0 =	seq.s32 s7, s2  }
0x1e: {  	s7 =	smul.u32 @!p0 $0xF7A, s2;
	p2 =	seq.s32 @!p0 s5, $0x0  }
0x1f: {  	s9 =	smul.u32 $0xF7A, s1;
	s8 =	simm.s32 @!p0 $0x1BF5;
	p2 =	por !p2, p0  }
0x20: {  	[sflag:s8] =	ssyncset.s32 @!p0 $0xFFFFF086;
	s6 =	sadd.s32 @!p0 s3, s7;
	s7 =	simm.s32 @!p0 $0x108  }
0x21: {  	s3 =	sadd.s32 s3, s9;
	s6 =	sadd.s32 @!p0 $0x88, s6;
	s7 =	simm.s32 @p2 $0x1082  }
0x22: {  	[simem:s7], [sflag:s8] =	dma.local @!p0 [hbm:s6], $0xF7A  }
0x23: {  	s9 =	sor.u32 $0xD0000000, s2;
	s6 =	simm.s32 $0x108;
	_ =	swait.ge @!p0 [sflag:s8], $0x0  }
0x24: {  	s3 =	sadd.s32 $0x88, s3;
	s6 =	simm.s32 @!p1 $0x1082;
	[sflag:s4] =	ssyncset.s32 $0xFFFFF086  }
0x25: {  	[simem:s6], [sflag:s4] =	dma.local [hbm:s3], $0xF7A  }
0x26: {  	[smem:$0x3F99] =	sst s1;
	(tag) =	ssettag s2;
	_ =	strace s9  }
0x27: {  	s1 =	sld [smem:$0x3FA9]  }
0x28: {  	s2 =	sld [smem:$0x3FAA]  }
0x29: {  	s4 =	sld [smem:$0x3FAC]  }
0x2a: {  	p0 =	seq.s32 s5, $0x0;
	s5 =	sld [smem:$0x3FAD]  }
0x2b: {  	s6 =	sld [smem:$0x3FAE]  }
0x2c: {  	s7 =	sld [smem:$0x3FAF]  }
0x2d: {  	s3 =	simm.s32 $0x108;
	s8 =	sld [smem:$0x3FB0]  }
0x2e: {  	s3 =	simm.s32 @!p0 $0x1082;
	s9 =	sld [smem:$0x3FB1]  }
0x2f: {  	lr =	sadd.s32 s0, s3;
	s0 =	sld [smem:$0x3FA8]  }
0x30: {  	s3 =	sld [smem:$0x3FAB]  }
0x31: {  	[smem:$0x3FB4] =	sst s10  }
0x32: {  	s10 =	sld [smem:$0x3FB2];
	_ =	sdelay $0x3  }
0x33: {  	p0 =	seq.s32 s10, $0x1;
	s10 =	sld [smem:$0x3FB4];
	_ =	sdelay $0x3  }
0x34: {  	[smem:$0x3FB4] =	sst s10  }
0x35: {  	s10 =	sld [smem:$0x3FB3];
	_ =	sdelay $0x3  }
0x36: {  	p1 =	seq.s32 s10, $0x1;
	s10 =	sld [smem:$0x3FB4];
	_ =	sdelay $0x3  }
0x37: {  	[smem:$0x3FB4] =	sst s10  }
0x38: {  	s10 =	sld [smem:$0x3FB5]  }
0x39: {  	_ = 	snop;
	(pc) =	sbr.ind lr, $3  }
0x3a: {  	_ = 	snop  }
0x3b: {  	_ = 	snop  }
0x3c: {  	p2 =	seq.s32 s10, $0x1;
	s10 =	sld [smem:$0x3FB4]  }
0x3d: {  	_ =	shalt  }
0x3e: {  	_ =	shalt  }
0x3f: {  	_ =	shalt  }
0x40: {  	_ =	shalt  }
0x41: {  	_ =	shalt  }
0x42: {  	_ =	shalt  }
0x43: {  	_ =	shalt  }
0x44: {  	_ =	shalt  }
0x45: {  	_ =	shalt  }
0x46: {  	_ =	shalt  }
0x47: {  	_ =	shalt  }
0x48: {  	_ =	shalt  }
0x49: {  	_ =	shalt  }
0x4a: {  	_ =	shalt  }
0x4b: {  	_ =	shalt  }
0x4c: {  	_ =	shalt  }
0x4d: {  	_ =	shalt  }
0x4e: {  	_ =	shalt  }
0x4f: {  	_ =	shalt  }
0x50: {  	_ =	shalt  }
0x51: {  	_ =	shalt  }
0x52: {  	_ =	shalt  }
0x53: {  	_ =	shalt  }
0x54: {  	_ =	shalt  }
0x55: {  	_ =	shalt  }
0x56: {  	_ =	shalt  }
0x57: {  	_ =	shalt  }
0x58: {  	_ =	shalt  }
0x59: {  	_ =	shalt  }
0x5a: {  	_ =	shalt  }
0x5b: {  	_ =	shalt  }
0x5c: {  	_ =	shalt  }
0x5d: {  	_ =	shalt  }
0x5e: {  	_ =	shalt  }
0x5f: {  	_ =	shalt  }
0x60: {  	_ =	shalt  }
0x61: {  	_ =	shalt  }
0x62: {  	_ =	shalt  }
0x63: {  	_ =	shalt  }
0x64: {  	_ =	shalt  }
0x65: {  	_ =	shalt  }
0x66: {  	_ =	shalt  }
0x67: {  	_ =	shalt  }
0x68: {  	_ =	shalt  }
0x69: {  	_ =	shalt  }
0x6a: {  	_ =	shalt  }
0x6b: {  	_ =	shalt  }
0x6c: {  	_ =	shalt  }
0x6d: {  	_ =	shalt  }
0x6e: {  	_ =	shalt  }
0x6f: {  	_ =	shalt  }
0x70: {  	_ =	shalt  }
0x71: {  	_ =	shalt  }
0x72: {  	_ =	shalt  }
0x73: {  	_ =	shalt  }
0x74: {  	_ =	shalt  }
0x75: {  	_ =	shalt  }
0x76: {  	_ =	shalt  }
0x77: {  	_ =	shalt  }
0x78: {  	_ =	shalt  }
0x79: {  	_ =	shalt  }
0x7a: {  	_ =	shalt  }
0x7b: {  	_ =	shalt  }
0x7c: {  	_ =	shalt  }
0x7d: {  	_ =	shalt  }
0x7e: {  	_ =	shalt  }
0x7f: {  	_ =	shalt  }
0x80: {  	_ =	shalt  }
0x81: {  	_ =	shalt  }
0x82: {  	_ =	shalt  }
0x83: {  	_ =	shalt  }
0x84: {  	_ =	shalt  }
0x85: {  	_ =	shalt  }
0x86: {  	_ =	shalt  }
0x87: {  	_ =	shalt  }
.Lfunc_end0:
.L_simem_size_0:
called_computation.2_lowered:
.L_overlay_start_0:
0x88: {  	s2 =	sld [smem:$0x3FD9]  }
0x89: {  	s3 =	sld [smem:$0x3FFE];
	_ =	sdelay $0x1  }
0x8a: {  	s1 =	srdreg.scid  }
0x8b: {  	s0 =	sand.u32 $0x1, s1  }
0x8c: {  	s17 =	sshll.u32 s0, $0xA;
	s2 =	sadd.s32 s3, s2  }
0x8d: {  	s2 =	sadd.s32 s2, s17  }
0x8e: {  	[smem:$0x3FC0] =	sst s2  }
0x8f: {  	_ = 	snop  }
0x90: {  	s2 =	sld [smem:$0x3FD0];
	(tm) =	ssettm $0x1  }
0x91: {  	s18 =	sld [smem:$0x3FFB];
	_ =	sdelay $0x3  }
0x92: {  	_ =	strace s18  }
0x93: {  	s3 =	sld [smem:$0x3FFC];
	_ =	sdelay $0x3  }
0x94: {  	_ =	strace s3  }
0x95: {  	s3 =	sld [smem:$0x3FFD];
	_ =	sdelay $0x3  }
0x96: {  	_ =	strace s3  }
0x97: {  	_ =	strace $0x8FFFFFFF  }
0x98: {  	s19 =	sld [smem:$0x3FDB];
	_ =	sdelay $0x1  }
0x99: {  	s4 =	simm.s32 $_scs_section_size  }
0x9a: {  	s5 =	simm.s32 $_size__tile_overlayer_lowered;
	s6 =	simm.s32 $_tile_overlayer_lowered  }
0x9b: {  	s22 =	simm.s32 $0x1BFF;
	s21 =	sshll.u32 s6, $0x1;
	s3 =	sadd.s32 s4, s19  }
0x9c: {  	s7 =	simm.s32 $0x0;
	s20 =	sshll.u32 s5, $0x1;
	s5 =	sadd.s32 s21, s3  }
0x9d: {  	[timem:s7], [sflag:s22] =	dma.local [hbm:s5], s20  }
0x9e: {  	_ =	swait.ge [sflag:s22], s20  }
0x9f: {  	s4 =	ssub.s32 $0x0, s20;
	[sflag:s22] =	ssyncset.done $0x0  }
0xa0: {  	[sflag:s22] =	ssyncadd.s32 s4;
	_ =	sdelay $0x1  }
0xa1: {  	s23 =	simm.s32 $0x1B8B  }
0xa2: {  	_ =	swait.ge [sflag:s23], $0x1  }
0xa3: {  	[sflag:s23] =	ssyncset.done $0x0  }
0xa4: {  	s25 =	simm.s32 $0x1B8E;
	s24 =	sld [smem:$0x3FFE];
	[sflag:s23] =	ssyncadd.s32 $0xFFFFFFFF  }
0xa5: {  	s26 =	simm.s32 $execute0_lowered;
	[smem:$0x3FD2] =	sst s25  }
0xa6: {  	s5 =	sshll.u32 s26, $0x1;
	_ =	strace $0x8000004C;
	[dreg:$0x1] =	wrdreg $0xFFFFFFFF  }
0xa7: {  	s28 =	simm.s32 $_size_execute0_lowered;
	s3 =	sadd.s32 s3, s5;
	[dreg:$0x0] =	wrdreg $0x0  }
0xa8: {  	s5 =	sshll.u32 s28, $0x1;
	[dreg:$0x2] =	wrdreg s3  }
0xa9: {  	[dreg:$0x3] =	wrdreg s5  }
0xaa: {  	[dreg:$0x4] =	wrdreg $0xC0  }
0xab: {  	_ =	task [dreg:s7], $0x5FFFF  }
0xac: {  	[dreg:$0x1] =	wrdreg $0xFFFFFFFF  }
0xad: {  	[dreg:$0x0] =	wrdreg $0x60  }
0xae: {  	[dreg:$0x2] =	wrdreg s2  }
0xaf: {  	[dreg:$0x3] =	wrdreg s24  }
0xb0: {  	[dreg:$0x4] =	wrdreg $0xBC000  }
0xb1: {  	[dreg:$0x5] =	wrdreg $0x9  }
0xb2: {  	_ =	task.clear_ibuf [dreg:s7], $0x6FFFF;
	_ =	strace $0x9000004C  }
0xb3: {  	s29 =	simm.s32 $0x9;
	_ =	strace $0x8000004E  }
0xb4: {  	_ =	swait.ge [sflag:s29], $0x1  }
0xb5: {  	[sflag:s29] =	ssyncadd.s32 $0xFFFFFFFF  }
0xb6: {  	_ =	strace $0x9000004E  }
0xb7: {  	_ =	sfence  }
0xb8: {  	s30 =	sld [smem:$0x0];
	_ =	sdelay $0x2  }
0xb9: {  	s31 =	sshll.u32 s1, $0xD;
	s1 =	sshrl.u32 s1, $0x2  }
0xba: {  	s3 =	sand.u32 $0x4000, s31;
	s1 =	sadd.s32 s1, s30  }
0xbb: {  	s0 =	sor.u32 s3, s0;
	s1 =	sshll.u32 s1, $0x11  }
0xbc: {  	s0 =	sor.u32 s1, s0  }
0xbd: {  	s0 =	sadd.s32 $0x8F2B, s0  }
0xbe: {  	[sflag:s0] =	ssyncadd.remote.s32 $0x1  }
0xbf: {  	_ =	sfence.sel $0xFFFF  }
0xc0: {  	[dreg:$0x0] =	wrdreg $0xFFFFFFFF;
	(pc) =	sbr.abs _section_cstart, $3  }
0xc1: {  	[dreg:$0x1] =	wrdreg $0xFFFFFFFF  }
0xc2: {  	_ =	task.clear_ibuf [dreg:s7], $0x2FFFF;
	_ =	strace $0x9FFFFFFF  }
0xc3: {  	(tm) =	ssettm $0x7FFFFFFF  }
tec
execute0_lowered:
.L_overlay_start_1:
0x0: {  	(tag) =	ssettag $0x1  }
0x1: {  	s0 =	rddreg [dreg:$0x0]  }
0x2: {  	s2 =	rddreg [dreg:$0x1]  }
0x3: {  	s1 =	rddreg [dreg:$0x2]  }
0x4: {  	s3 =	simm.s32 $0x0;
	s4 =	srdreg.scid;
	s19 =	stileid.u32  }
0x5: {  	[smem:$0x7FF] =	sst s3;
	s5 =	sand.u32 $0x1, s4;
	s8 =	smul.u32 $0x14000, s19  }
0x6: {  	s7 =	sadd.s32 $0x14400, s2;
	s9 =	sadd.s32 $0xC400, s2;
	s10 =	smul.u32 $0x280, s19  }
0x7: {  	s4 =	sadd.s32 $0x2000, s2;
	s11 =	smul.u32 $0x50000, s19;
	p0 =	seq.s32 s19, $0xF  }
0x8: {  	s6 =	smul.u32 $0x140000, s5;
	_ =	strace $0x8000004D;
	s17 =	ssub.s32 $0x2, s5  }
0x9: {  	s13 =	smul.u32 $0x27100, s5;
	s12 =	sshrl.u32 s17, $0x1;
	s18 =	sshrl.u32 s11, $0x2  }
0xa: {  	s20 =	sadd.s32 $0x80, s10;
	s11 =	smul.u32 $0x2800, s19;
	s22 =	sadd.s32 $0x100, s10  }
0xb: {  	s15 =	sadd.s32 $0x180, s10;
	s10 =	sadd.s32 $0x200, s10;
	s6 =	sadd.s32 s8, s6  }
0xc: {  	s8 =	ssub.s32 s17, s12;
	s5 =	sadd.s32 s18, s1;
	s21 =	sshll.u32 s20, $0x7  }
0xd: {  	s14 =	sshll.u32 s22, $0x7;
	s16 =	sshll.u32 s15, $0x7;
	s17 =	sshll.u32 s19, $0xB  }
0xe: {  	s15 =	sshll.u32 s15, $0x4;
	s6 =	sshrl.u32 s6, $0x3;
	s12 =	sadd.s32 s21, s1  }
0xf: {  	s14 =	sadd.s32 s14, s1;
	s18 =	sadd.s32 s7, s17;
	s23 =	sadd.s32 s9, s17  }
0x10: {  	s24 =	sor.u32 $0x200, s17;
	s25 =	sor.u32 $0x400, s17;
	s17 =	sor.u32 $0x600, s17  }
0x11: {  	s21 =	sshll.u32 s10, $0x7;
	s10 =	sshll.u32 s10, $0x4;
	s2 =	sadd.s32 s6, s2  }
0x12: {  	s6 =	sadd.s32 s0, s13;
	s0 =	sshll.u32 s20, $0x4;
	[dreg:$0x4] =	wrdreg s18  }
0x13: {  	s13 =	sshll.u32 s22, $0x4;
	[dreg:$0x5] =	wrdreg s23;
	s20 =	sadd.s32 s7, s24  }
0x14: {  	s18 =	sadd.s32 s9, s24;
	s26 =	sadd.s32 s7, s25;
	s7 =	sadd.s32 s7, s17  }
0x15: {  	s22 =	smax.u32 s8, $0x1;
	s8 =	sadd.s32 $0x13C800, s1;
	[dreg:$0x6] =	wrdreg s20  }
0x16: {  	s29 =	sshrl.u32 @!p0 s12, $0x3;
	s30 =	sshrl.u32 @!p0 s14, $0x3;
	[dreg:$0x7] =	wrdreg s18  }
0x17: {  	s12 =	simm.s32 $0x2000;
	s14 =	simm.s32 $0x5400;
	[dreg:$0x8] =	wrdreg s26  }
0x18: {  	s18 =	sadd.s32 s9, s25;
	[dreg:$0xa] =	wrdreg s7;
	s20 =	sadd.s32 s9, s17  }
0x19: {  	s9 =	sadd.s32 s16, s1;
	s7 =	sadd.s32 s21, s1;
	[dreg:$0xd] =	wrdreg s22  }
0x1a: {  	s2 =	sadd.s32 $0x1C400, s2;
	s23 =	sadd.s32 s11, s6;
	[dreg:$0x9] =	wrdreg s18  }
0x1b: {  	s0 =	sadd.s32 s0, s6;
	s24 =	sadd.s32 s13, s6;
	[dreg:$0xb] =	wrdreg s20  }
0x1c: {  	s25 =	sadd.s32 s15, s6;
	s26 =	sadd.s32 s10, s6;
	[dreg:$0xc] =	wrdreg s2  }
0x1d: {  	s28 =	sshrl.u32 @p0 s8, $0x3;
	s8 =	sadd.s32 $0x26000, s6;
	[dreg:$0xe] =	wrdreg s23  }
0x1e: {  	s10 =	simm.s32 $0x8;
	s11 =	simm.s32 $0x64;
	[dreg:$0xf] =	wrdreg s0  }
0x1f: {  	s13 =	simm.s32 $0x80;
	[dreg:$0x10] =	wrdreg s24;
	s0 =	sadd.s32 $0x12C000, s1  }
0x20: {  	s15 =	simm.s32 $0x4;
	[dreg:$0x11] =	wrdreg s25;
	s0 =	sshrl.u32 @p0 s0, $0x3  }
0x21: {  	s16 =	simm.s32 $0x0;
	[dreg:$0x13] =	wrdreg s0;
	s0 =	sadd.s32 $0x130000, s1  }
0x22: {  	[dreg:$0x12] =	wrdreg s26;
	s2 =	sadd.s32 $0x138000, s1;
	s0 =	sshrl.u32 @p0 s0, $0x3  }
0x23: {  	s31 =	sshrl.u32 @!p0 s9, $0x3;
	[dreg:$0x14] =	wrdreg s0;
	s0 =	sadd.s32 $0x134000, s1  }
0x24: {  	s9 =	sadd.s32 $0x27000, s6;
	s25 =	sshrl.u32 @p0 s2, $0x3;
	s0 =	sshrl.u32 @p0 s0, $0x3  }
0x25: {  	s2 =	sadd.s32 $0x26800, s6;
	[dreg:$0x15] =	wrdreg s0;
	s0 =	sadd.s32 $0x138800, s1  }
0x26: {  	s26 =	sshrl.u32 @p0 s0, $0x3;
	s0 =	sshrl.u32 @!p0 s7, $0x3;
	s7 =	sadd.s32 $0x25800, s6  }
.LBB2_1:
0x27: {  	s17 =	simm.s32 @p0 $0x1FC7;
	s18 =	rddreg [dreg:$0x13]  }
0x28: {  	[spmem:s18], [sflag:s17] =	dma.local @p0 [hbm:s7], $0x800  }
0x29: {  	s18 =	rddreg [dreg:$0x14]  }
0x2a: {  	[spmem:s18], [sflag:s17] =	dma.local @p0 [hbm:s8], $0x800  }
0x2b: {  	s18 =	rddreg [dreg:$0x15]  }
0x2c: {  	[spmem:s18], [sflag:s17] =	dma.local @p0 [hbm:s2], $0x800  }
0x2d: {  	[spmem:s25], [sflag:s17] =	dma.local @p0 [hbm:s9], $0x100  }
0x2e: {  	[spmem:s26], [sflag:s17] =	dma.local @p0 [hbm:s4], $0x800  }
0x2f: {  	[spmem:s28], [sflag:s17] =	dma.local @p0 [hbm:s4], $0x700  }
0x30: {  	s17 =	simm.s32 @p0 $0x7  }
0x31: {  	_ =	swait.ge @p0 [sflag:s17], $0x800  }
0x32: {  	[sflag:s17] =	ssyncset.done @p0 $0x0  }
0x33: {  	[sflag:s17] =	ssyncadd.s32 @p0 $0xFFFFF800  }
0x34: {  	_ =	swait.ge @p0 [sflag:s17], $0x800  }
0x35: {  	[sflag:s17] =	ssyncset.done @p0 $0x0  }
0x36: {  	[sflag:s17] =	ssyncadd.s32 @p0 $0xFFFFF800  }
0x37: {  	_ =	swait.ge @p0 [sflag:s17], $0x800  }
0x38: {  	[sflag:s17] =	ssyncset.done @p0 $0x0  }
0x39: {  	[sflag:s17] =	ssyncadd.s32 @p0 $0xFFFFF800  }
0x3a: {  	_ =	swait.ge @p0 [sflag:s17], $0x100  }
0x3b: {  	[sflag:s17] =	ssyncset.done @p0 $0x0  }
0x3c: {  	[sflag:s17] =	ssyncadd.s32 @p0 $0xFFFFFF00  }
0x3d: {  	_ =	swait.ge @p0 [sflag:s17], $0x800  }
0x3e: {  	[sflag:s17] =	ssyncset.done @p0 $0x0  }
0x3f: {  	[sflag:s17] =	ssyncadd.s32 @p0 $0xFFFFF800  }
0x40: {  	_ =	swait.ge @p0 [sflag:s17], $0x700  }
0x41: {  	s18 =	sshll.u32 @!p0 s19, $0x6;
	[sflag:s17] =	ssyncset.done @p0 $0x0;
	s19 =	rddreg [dreg:$0xe]  }
0x42: {  	[sflag:s17] =	ssyncadd.s32 @p0 $0xFFFFF900;
	s17 =	sor.u32 @!p0 $0x1C07, s18;
	s18 =	sshrl.u32 @!p0 s5, $0x3  }
0x43: {  	[spmem:s18], [sflag:s17] =	dma.local @!p0 [hbm:s19], $0x800  }
0x44: {  	s18 =	rddreg [dreg:$0xf]  }
0x45: {  	[spmem:s29], [sflag:s17] =	dma.local @!p0 [hbm:s18], $0x800  }
0x46: {  	s18 =	rddreg [dreg:$0x10]  }
0x47: {  	[spmem:s30], [sflag:s17] =	dma.local @!p0 [hbm:s18], $0x800  }
0x48: {  	s18 =	rddreg [dreg:$0x11]  }
0x49: {  	[spmem:s31], [sflag:s17] =	dma.local @!p0 [hbm:s18], $0x800  }
0x4a: {  	s18 =	rddreg [dreg:$0x12]  }
0x4b: {  	[spmem:s0], [sflag:s17] =	dma.local @!p0 [hbm:s18], $0x800  }
0x4c: {  	s17 =	simm.s32 @!p0 $0x7  }
0x4d: {  	_ =	swait.ge @!p0 [sflag:s17], $0x800  }
0x4e: {  	[sflag:s17] =	ssyncset.done @!p0 $0x0  }
0x4f: {  	[sflag:s17] =	ssyncadd.s32 @!p0 $0xFFFFF800  }
0x50: {  	_ =	swait.ge @!p0 [sflag:s17], $0x800  }
0x51: {  	[sflag:s17] =	ssyncset.done @!p0 $0x0  }
0x52: {  	[sflag:s17] =	ssyncadd.s32 @!p0 $0xFFFFF800  }
0x53: {  	_ =	swait.ge @!p0 [sflag:s17], $0x800  }
0x54: {  	[sflag:s17] =	ssyncset.done @!p0 $0x0  }
0x55: {  	[sflag:s17] =	ssyncadd.s32 @!p0 $0xFFFFF800  }
0x56: {  	_ =	swait.ge @!p0 [sflag:s17], $0x800  }
0x57: {  	[sflag:s17] =	ssyncset.done @!p0 $0x0  }
0x58: {  	[sflag:s17] =	ssyncadd.s32 @!p0 $0xFFFFF800  }
0x59: {  	_ =	swait.ge @!p0 [sflag:s17], $0x800  }
0x5a: {  	[sflag:s17] =	ssyncset.done @!p0 $0x0  }
0x5b: {  	[sflag:s17] =	ssyncadd.s32 @!p0 $0xFFFFF800  }
0x5c: {  	[bflag:$0x0] =	sbarrier.arrive $0xFFFF  }
0x5d: {  	s23 =	rddreg [dreg:$0x4]  }
0x5e: {  	[tilespmem:s3], [sflag:$0x8] =	stream.linear.gather [hbm4b:s23+s3], $0xC80, $0x38;
	[tilespmem:$0x1FC00] =	vst v63  }
0x5f: {  	_ =	swait.ge [sflag:s10], $0xC80  }
0x60: {  	[sflag:s10] =	ssyncset.done $0x0  }
0x61: {  	s17 =	simm.s32 $0x1000;
	s24 =	rddreg [dreg:$0x5];
	[sflag:s10] =	ssyncadd.s32 $0xFFFFF380  }
0x62: {  	[tilespmem:s17], [sflag:$0x8] =	stream.linear.gather [hbm4b:s24+s3], $0xC80, $0x38;
	[tilespmem:$0x1FC00] =	vst v63  }
0x63: {  	_ =	swait.ge [sflag:s10], $0xC80  }
0x64: {  	[sflag:s10] =	ssyncset.done $0x0  }
0x65: {  	[sflag:s10] =	ssyncadd.s32 $0xFFFFF380  }
0x66: {  	[tilespmem:s12], [sflag:$0x1] =	stream.indirect.gather [hbm4b:s6+s11], $0x80, s3, s11, $0xb8;
	[tilespmem:$0x1FC00] =	vst v63  }
0x67: {  	s19 =	simm.s32 $0x0;
	s18 =	simm.s32 $0x100  }
0x68: {  	[tilespmem:s14], [sflag:$0x2] =	stream.indirect.gather [hbm4b:s6+s11], $0x80, s13, s11, $0xb8;
	[tilespmem:$0x1FC00] =	vst v63  }
.LBB2_2:
0x69: {  	s20 =	smul.u32 $0xAB, s19;
	_ =	sdelay $0x1  }
0x6a: {  	s20 =	sshrl.u32 s20, $0x9  }
0x6b: {  	s20 =	sand.u32 $0x7F, s20  }
0x6c: {  	s20 =	smul.u32 $0x3, s20  }
0x6d: {  	p1 =	seq.s32 s19, $0x0  }
0x6e: {  	s21 =	sadd.s32 @!p1 $0xFFFFFFFF, s19;
	s20 =	ssub.s32 s19, s20  }
0x6f: {  	s24 =	sand.u32 @!p1 $0xFF, s21;
	s20 =	sand.u32 $0xFF, s20  }
0x70: {  	s24 =	smul.u32 @!p1 $0xAB, s24;
	s23 =	sadd.s32 $0x1, s20  }
0x71: {  	s22 =	smul.u32 $0xD000, s20;
	_ =	swait.ge [sflag:s23], $0x3200  }
0x72: {  	[sflag:s23] =	ssyncset.done $0x0  }
0x73: {  	s22 =	sshrl.u32 s22, $0x2;
	[sflag:s23] =	ssyncadd.s32 $0xFFFFCE00;
	s23 =	sshrl.u32 @!p1 s24, $0x9  }
0x74: {  	s20 =	sor.u32 $0x4, s20;
	s22 =	sadd.s32 $0x2000, s22;
	s23 =	smul.u32 @!p1 $0x3, s23  }
0x75: {  	[spmem:s1] =	stream.indirect.scatter.add.f32 [tilespmem:s22], [sflag:s20], $0x80, s17, s11, $0xb8;
	[tilespmem:$0x1FC00] =	vst v63  }
0x76: {  	s20 =	ssub.s32 @!p1 s21, s23  }
0x77: {  	s20 =	sor.u32 @!p1 $0x4, s20  }
0x78: {  	s20 =	sand.u32 @!p1 $0xFF, s20  }
0x79: {  	p2 =	sgt.u32 @!p1 s19, $0x16;
	_ =	swait.ge @!p1 [sflag:s20], $0x3200  }
0x7a: {  	p2 =	por p1, !p2;
	[sflag:s20] =	ssyncset.done @!p1 $0x0  }
0x7b: {  	[sflag:s20] =	ssyncadd.s32 @!p1 $0xFFFFCE00;
	s20 =	sadd.s32 @p2 $0x2, s19  }
0x7c: {  	s21 =	smul.u32 @p2 $0xAB, s20;
	_ =	sdelay $0x1  }
0x7d: {  	s21 =	sshrl.u32 @p2 s21, $0x9  }
0x7e: {  	s21 =	sand.u32 @p2 $0x7F, s21  }
0x7f: {  	s21 =	smul.u32 @p2 $0x3, s21;
	_ =	sdelay $0x1  }
0x80: {  	s20 =	ssub.s32 @p2 s20, s21  }
0x81: {  	s19 =	sadd.s32 $0x1, s19;
	s20 =	sand.u32 @p2 $0xFF, s20  }
0x82: {  	p1 =	sne.s32 s19, $0x19;
	s21 =	smul.u32 @p2 $0xD000, s20  }
.Ltmp0:
0x83: {  	_ = 	snop;
	(pc) =	sbr.rel @p1 .LBB2_2-.Ltmp0, $4  }
0x84: {  	s21 =	sshrl.u32 @p2 s21, $0x2  }
0x85: {  	s20 =	sadd.s32 @p2 $0x1, s20;
	s21 =	sadd.s32 @p2 $0x2000, s21  }
0x86: {  	[tilespmem:s21], [sflag:s20] =	stream.indirect.gather @p2 [hbm4b:s6+s11], $0x80, s18, s11, $0xb8;
	[tilespmem:$0x1FC00] =	vst v63  }
0x87: {  	s17 =	sadd.s32 $0x80, s17;
	s18 =	sadd.s32 $0x80, s18  }
0x88: {  	_ =	swait.ge [sflag:s15], $0x3200  }
0x89: {  	[sflag:s15] =	ssyncset.done $0x0  }
0x8a: {  	s17 =	simm.s32 $0x0;
	s18 =	rddreg [dreg:$0x6];
	[sflag:s15] =	ssyncadd.s32 $0xFFFFCE00  }
0x8b: {  	[tilespmem:s17], [sflag:$0x8] =	stream.linear.gather [hbm4b:s18+s17], $0xC80, $0x38;
	[tilespmem:$0x1FC00] =	vst v63  }
0x8c: {  	_ =	swait.ge [sflag:s10], $0xC80  }
0x8d: {  	[sflag:s10] =	ssyncset.done $0x0  }
0x8e: {  	s18 =	simm.s32 $0x1000;
	s19 =	rddreg [dreg:$0x7];
	[sflag:s10] =	ssyncadd.s32 $0xFFFFF380  }
0x8f: {  	[tilespmem:s18], [sflag:$0x8] =	stream.linear.gather [hbm4b:s19+s17], $0xC80, $0x38;
	[tilespmem:$0x1FC00] =	vst v63  }
0x90: {  	_ =	swait.ge [sflag:s10], $0xC80  }
0x91: {  	[sflag:s10] =	ssyncset.done $0x0  }
0x92: {  	[sflag:s10] =	ssyncadd.s32 $0xFFFFF380  }
0x93: {  	[tilespmem:s12], [sflag:$0x1] =	stream.indirect.gather [hbm4b:s6+s11], $0x80, s17, s11, $0xb8;
	[tilespmem:$0x1FC00] =	vst v63  }
0x94: {  	s19 =	simm.s32 $0x100  }
0x95: {  	[tilespmem:s14], [sflag:$0x2] =	stream.indirect.gather [hbm4b:s6+s11], $0x80, s13, s11, $0xb8;
	[tilespmem:$0x1FC00] =	vst v63  }
.LBB2_4:
0x96: {  	s20 =	smul.u32 $0xAB, s17;
	_ =	sdelay $0x1  }
0x97: {  	s20 =	sshrl.u32 s20, $0x9  }
0x98: {  	s20 =	sand.u32 $0x7F, s20  }
0x99: {  	s20 =	smul.u32 $0x3, s20  }
0x9a: {  	p1 =	seq.s32 s17, $0x0  }
0x9b: {  	s21 =	sadd.s32 @!p1 $0xFFFFFFFF, s17;
	s20 =	ssub.s32 s17, s20  }
0x9c: {  	s24 =	sand.u32 @!p1 $0xFF, s21;
	s20 =	sand.u32 $0xFF, s20  }
0x9d: {  	s24 =	smul.u32 @!p1 $0xAB, s24;
	s23 =	sadd.s32 $0x1, s20  }
0x9e: {  	s22 =	smul.u32 $0xD000, s20;
	_ =	swait.ge [sflag:s23], $0x3200  }
0x9f: {  	[sflag:s23] =	ssyncset.done $0x0  }
0xa0: {  	s22 =	sshrl.u32 s22, $0x2;
	[sflag:s23] =	ssyncadd.s32 $0xFFFFCE00;
	s23 =	sshrl.u32 @!p1 s24, $0x9  }
0xa1: {  	s20 =	sor.u32 $0x4, s20;
	s22 =	sadd.s32 $0x2000, s22;
	s23 =	smul.u32 @!p1 $0x3, s23  }
0xa2: {  	[spmem:s1] =	stream.indirect.scatter.add.f32 [tilespmem:s22], [sflag:s20], $0x80, s18, s11, $0xb8;
	[tilespmem:$0x1FC00] =	vst v63  }
0xa3: {  	s20 =	ssub.s32 @!p1 s21, s23  }
0xa4: {  	s20 =	sor.u32 @!p1 $0x4, s20  }
0xa5: {  	s20 =	sand.u32 @!p1 $0xFF, s20  }
0xa6: {  	p2 =	sgt.u32 @!p1 s17, $0x16;
	_ =	swait.ge @!p1 [sflag:s20], $0x3200  }
0xa7: {  	p2 =	por p1, !p2;
	[sflag:s20] =	ssyncset.done @!p1 $0x0  }
0xa8: {  	[sflag:s20] =	ssyncadd.s32 @!p1 $0xFFFFCE00;
	s20 =	sadd.s32 @p2 $0x2, s17  }
0xa9: {  	s21 =	smul.u32 @p2 $0xAB, s20;
	_ =	sdelay $0x1  }
0xaa: {  	s21 =	sshrl.u32 @p2 s21, $0x9  }
0xab: {  	s21 =	sand.u32 @p2 $0x7F, s21  }
0xac: {  	s21 =	smul.u32 @p2 $0x3, s21;
	_ =	sdelay $0x1  }
0xad: {  	s20 =	ssub.s32 @p2 s20, s21  }
0xae: {  	s17 =	sadd.s32 $0x1, s17;
	s20 =	sand.u32 @p2 $0xFF, s20  }
0xaf: {  	p1 =	sne.s32 s17, $0x19;
	s21 =	smul.u32 @p2 $0xD000, s20  }
.Ltmp1:
0xb0: {  	_ = 	snop;
	(pc) =	sbr.rel @p1 .LBB2_4-.Ltmp1, $4  }
0xb1: {  	s21 =	sshrl.u32 @p2 s21, $0x2  }
0xb2: {  	s20 =	sadd.s32 @p2 $0x1, s20;
	s21 =	sadd.s32 @p2 $0x2000, s21  }
0xb3: {  	[tilespmem:s21], [sflag:s20] =	stream.indirect.gather @p2 [hbm4b:s6+s11], $0x80, s19, s11, $0xb8;
	[tilespmem:$0x1FC00] =	vst v63  }
0xb4: {  	s18 =	sadd.s32 $0x80, s18;
	s19 =	sadd.s32 $0x80, s19  }
0xb5: {  	_ =	swait.ge [sflag:s15], $0x3200  }
0xb6: {  	[sflag:s15] =	ssyncset.done $0x0  }
0xb7: {  	s17 =	simm.s32 $0x0;
	s18 =	rddreg [dreg:$0x8];
	[sflag:s15] =	ssyncadd.s32 $0xFFFFCE00  }
0xb8: {  	[tilespmem:s17], [sflag:$0x8] =	stream.linear.gather [hbm4b:s18+s17], $0xC80, $0x38;
	[tilespmem:$0x1FC00] =	vst v63  }
0xb9: {  	_ =	swait.ge [sflag:s10], $0xC80  }
0xba: {  	[sflag:s10] =	ssyncset.done $0x0  }
0xbb: {  	s18 =	simm.s32 $0x1000;
	s19 =	rddreg [dreg:$0x9];
	[sflag:s10] =	ssyncadd.s32 $0xFFFFF380  }
0xbc: {  	[tilespmem:s18], [sflag:$0x8] =	stream.linear.gather [hbm4b:s19+s17], $0xC80, $0x38;
	[tilespmem:$0x1FC00] =	vst v63  }
0xbd: {  	_ =	swait.ge [sflag:s10], $0xC80  }
0xbe: {  	[sflag:s10] =	ssyncset.done $0x0  }
0xbf: {  	[sflag:s10] =	ssyncadd.s32 $0xFFFFF380  }
0xc0: {  	[tilespmem:s12], [sflag:$0x1] =	stream.indirect.gather [hbm4b:s6+s11], $0x80, s17, s11, $0xb8;
	[tilespmem:$0x1FC00] =	vst v63  }
0xc1: {  	s19 =	simm.s32 $0x100  }
0xc2: {  	[tilespmem:s14], [sflag:$0x2] =	stream.indirect.gather [hbm4b:s6+s11], $0x80, s13, s11, $0xb8;
	[tilespmem:$0x1FC00] =	vst v63  }
.LBB2_6:
0xc3: {  	s20 =	smul.u32 $0xAB, s17;
	_ =	sdelay $0x1  }
0xc4: {  	s20 =	sshrl.u32 s20, $0x9  }
0xc5: {  	s20 =	sand.u32 $0x7F, s20  }
0xc6: {  	s20 =	smul.u32 $0x3, s20  }
0xc7: {  	p1 =	seq.s32 s17, $0x0  }
0xc8: {  	s21 =	sadd.s32 @!p1 $0xFFFFFFFF, s17;
	s20 =	ssub.s32 s17, s20  }
0xc9: {  	s24 =	sand.u32 @!p1 $0xFF, s21;
	s20 =	sand.u32 $0xFF, s20  }
0xca: {  	s24 =	smul.u32 @!p1 $0xAB, s24;
	s23 =	sadd.s32 $0x1, s20  }
0xcb: {  	s22 =	smul.u32 $0xD000, s20;
	_ =	swait.ge [sflag:s23], $0x3200  }
0xcc: {  	[sflag:s23] =	ssyncset.done $0x0  }
0xcd: {  	s22 =	sshrl.u32 s22, $0x2;
	[sflag:s23] =	ssyncadd.s32 $0xFFFFCE00;
	s23 =	sshrl.u32 @!p1 s24, $0x9  }
0xce: {  	s20 =	sor.u32 $0x4, s20;
	s22 =	sadd.s32 $0x2000, s22;
	s23 =	smul.u32 @!p1 $0x3, s23  }
0xcf: {  	[spmem:s1] =	stream.indirect.scatter.add.f32 [tilespmem:s22], [sflag:s20], $0x80, s18, s11, $0xb8;
	[tilespmem:$0x1FC00] =	vst v63  }
0xd0: {  	s20 =	ssub.s32 @!p1 s21, s23  }
0xd1: {  	s20 =	sor.u32 @!p1 $0x4, s20  }
0xd2: {  	s20 =	sand.u32 @!p1 $0xFF, s20  }
0xd3: {  	p2 =	sgt.u32 @!p1 s17, $0x16;
	_ =	swait.ge @!p1 [sflag:s20], $0x3200  }
0xd4: {  	p2 =	por p1, !p2;
	[sflag:s20] =	ssyncset.done @!p1 $0x0  }
0xd5: {  	[sflag:s20] =	ssyncadd.s32 @!p1 $0xFFFFCE00;
	s20 =	sadd.s32 @p2 $0x2, s17  }
0xd6: {  	s21 =	smul.u32 @p2 $0xAB, s20;
	_ =	sdelay $0x1  }
0xd7: {  	s21 =	sshrl.u32 @p2 s21, $0x9  }
0xd8: {  	s21 =	sand.u32 @p2 $0x7F, s21  }
0xd9: {  	s21 =	smul.u32 @p2 $0x3, s21;
	_ =	sdelay $0x1  }
0xda: {  	s20 =	ssub.s32 @p2 s20, s21  }
0xdb: {  	s17 =	sadd.s32 $0x1, s17;
	s20 =	sand.u32 @p2 $0xFF, s20  }
0xdc: {  	p1 =	sne.s32 s17, $0x19;
	s21 =	smul.u32 @p2 $0xD000, s20  }
.Ltmp2:
0xdd: {  	_ = 	snop;
	(pc) =	sbr.rel @p1 .LBB2_6-.Ltmp2, $4  }
0xde: {  	s21 =	sshrl.u32 @p2 s21, $0x2  }
0xdf: {  	s20 =	sadd.s32 @p2 $0x1, s20;
	s21 =	sadd.s32 @p2 $0x2000, s21  }
0xe0: {  	[tilespmem:s21], [sflag:s20] =	stream.indirect.gather @p2 [hbm4b:s6+s11], $0x80, s19, s11, $0xb8;
	[tilespmem:$0x1FC00] =	vst v63  }
0xe1: {  	s18 =	sadd.s32 $0x80, s18;
	s19 =	sadd.s32 $0x80, s19  }
0xe2: {  	_ =	swait.ge [sflag:s15], $0x3200  }
0xe3: {  	[sflag:s15] =	ssyncset.done $0x0  }
0xe4: {  	s17 =	simm.s32 $0x0;
	s18 =	rddreg [dreg:$0xa];
	[sflag:s15] =	ssyncadd.s32 $0xFFFFCE00  }
0xe5: {  	[tilespmem:s17], [sflag:$0x8] =	stream.linear.gather [hbm4b:s18+s17], $0xC80, $0x38;
	[tilespmem:$0x1FC00] =	vst v63  }
0xe6: {  	_ =	swait.ge [sflag:s10], $0xC80  }
0xe7: {  	[sflag:s10] =	ssyncset.done $0x0  }
0xe8: {  	s18 =	simm.s32 $0x1000;
	s19 =	rddreg [dreg:$0xb];
	[sflag:s10] =	ssyncadd.s32 $0xFFFFF380  }
0xe9: {  	[tilespmem:s18], [sflag:$0x8] =	stream.linear.gather [hbm4b:s19+s17], $0xC80, $0x38;
	[tilespmem:$0x1FC00] =	vst v63  }
0xea: {  	_ =	swait.ge [sflag:s10], $0xC80  }
0xeb: {  	[sflag:s10] =	ssyncset.done $0x0  }
0xec: {  	[sflag:s10] =	ssyncadd.s32 $0xFFFFF380  }
0xed: {  	[tilespmem:s12], [sflag:$0x1] =	stream.indirect.gather [hbm4b:s6+s11], $0x80, s17, s11, $0xb8;
	[tilespmem:$0x1FC00] =	vst v63  }
0xee: {  	s19 =	simm.s32 $0x100  }
0xef: {  	[tilespmem:s14], [sflag:$0x2] =	stream.indirect.gather [hbm4b:s6+s11], $0x80, s13, s11, $0xb8;
	[tilespmem:$0x1FC00] =	vst v63  }
.LBB2_8:
0xf0: {  	s20 =	smul.u32 $0xAB, s17;
	_ =	sdelay $0x1  }
0xf1: {  	s20 =	sshrl.u32 s20, $0x9  }
0xf2: {  	s20 =	sand.u32 $0x7F, s20  }
0xf3: {  	s20 =	smul.u32 $0x3, s20  }
0xf4: {  	p1 =	seq.s32 s17, $0x0  }
0xf5: {  	s21 =	sadd.s32 @!p1 $0xFFFFFFFF, s17;
	s20 =	ssub.s32 s17, s20  }
0xf6: {  	s24 =	sand.u32 @!p1 $0xFF, s21;
	s20 =	sand.u32 $0xFF, s20  }
0xf7: {  	s24 =	smul.u32 @!p1 $0xAB, s24;
	s23 =	sadd.s32 $0x1, s20  }
0xf8: {  	s22 =	smul.u32 $0xD000, s20;
	_ =	swait.ge [sflag:s23], $0x3200  }
0xf9: {  	[sflag:s23] =	ssyncset.done $0x0  }
0xfa: {  	s22 =	sshrl.u32 s22, $0x2;
	[sflag:s23] =	ssyncadd.s32 $0xFFFFCE00;
	s23 =	sshrl.u32 @!p1 s24, $0x9  }
0xfb: {  	s20 =	sor.u32 $0x4, s20;
	s22 =	sadd.s32 $0x2000, s22;
	s23 =	smul.u32 @!p1 $0x3, s23  }
0xfc: {  	[spmem:s1] =	stream.indirect.scatter.add.f32 [tilespmem:s22], [sflag:s20], $0x80, s18, s11, $0xb8;
	[tilespmem:$0x1FC00] =	vst v63  }
0xfd: {  	s20 =	ssub.s32 @!p1 s21, s23  }
0xfe: {  	s20 =	sor.u32 @!p1 $0x4, s20  }
0xff: {  	s20 =	sand.u32 @!p1 $0xFF, s20  }
0x100: {  	p2 =	sgt.u32 @!p1 s17, $0x16;
	_ =	swait.ge @!p1 [sflag:s20], $0x3200  }
0x101: {  	p2 =	por p1, !p2;
	[sflag:s20] =	ssyncset.done @!p1 $0x0  }
0x102: {  	[sflag:s20] =	ssyncadd.s32 @!p1 $0xFFFFCE00;
	s20 =	sadd.s32 @p2 $0x2, s17  }
0x103: {  	s21 =	smul.u32 @p2 $0xAB, s20;
	_ =	sdelay $0x1  }
0x104: {  	s21 =	sshrl.u32 @p2 s21, $0x9  }
0x105: {  	s21 =	sand.u32 @p2 $0x7F, s21  }
0x106: {  	s21 =	smul.u32 @p2 $0x3, s21;
	_ =	sdelay $0x1  }
0x107: {  	s20 =	ssub.s32 @p2 s20, s21  }
0x108: {  	s17 =	sadd.s32 $0x1, s17;
	s20 =	sand.u32 @p2 $0xFF, s20  }
0x109: {  	p1 =	sne.s32 s17, $0x19;
	s21 =	smul.u32 @p2 $0xD000, s20  }
.Ltmp3:
0x10a: {  	_ = 	snop;
	(pc) =	sbr.rel @p1 .LBB2_8-.Ltmp3, $4  }
0x10b: {  	s21 =	sshrl.u32 @p2 s21, $0x2  }
0x10c: {  	s20 =	sadd.s32 @p2 $0x1, s20;
	s21 =	sadd.s32 @p2 $0x2000, s21  }
0x10d: {  	[tilespmem:s21], [sflag:s20] =	stream.indirect.gather @p2 [hbm4b:s6+s11], $0x80, s19, s11, $0xb8;
	[tilespmem:$0x1FC00] =	vst v63  }
0x10e: {  	s18 =	sadd.s32 $0x80, s18;
	s19 =	sadd.s32 $0x80, s19  }
0x10f: {  	_ =	swait.ge [sflag:s15], $0x3200  }
0x110: {  	[sflag:s15] =	ssyncset.done $0x0  }
0x111: {  	s19 =	stileid.u32;
	[sflag:s15] =	ssyncadd.s32 $0xFFFFCE00  }
0x112: {  	s17 =	sshll.u32 s19, $0x6;
	[bflag:$0x0] =	sbarrier.arrive $0xFFFF  }
0x113: {  	s18 =	sshrl.u32 s5, $0x3;
	s17 =	sor.u32 $0x1C08, s17;
	s20 =	rddreg [dreg:$0xc]  }
0x114: {  	[hbm:s20], [sflag:s17] =	dma.local [spmem:s18], $0x2800  }
0x115: {  	_ =	swait.ge [sflag:s10], $0x2800  }
0x116: {  	s16 =	sadd.s32 $0x1, s16;
	s24 =	rddreg [dreg:$0xd]  }
0x117: {  	p1 =	sne.s32 s16, s24  }
.Ltmp4:
0x118: {  	_ = 	snop;
	(pc) =	sbr.rel @p1 .LBB2_1-.Ltmp4, $3  }
0x119: {  	_ =	sdelay $0x1  }
0x11a: {  	[sflag:s10] =	ssyncset.done $0x0  }
0x11b: {  	[sflag:s10] =	ssyncadd.s32 $0xFFFFD800  }
0x11c: {  	_ =	sfence.sel $0x180000  }
0x11d: {  	[bflag:$0x0] =	sbarrier.arrive $0xFFFF  }
0x11e: {  	_ =	strace $0x9000004D  }
0x11f: {  	[bflag:$0x2] =	sbarrier.arrive $0xFFFF  }
0x120: {  	p0 =	sne.s32 s19, $0x0;
	s0 =	rddreg [dreg:$0x3]  }
0x121: {  	s0 =	sadd.s32 @!p0 $0x100000, s0  }
0x122: {  	[sflag:s0] =	ssyncadd.tile.s32 @!p0 $0x1;
	_ =	shalt  }
.Lfunc_end2:
_tile_overlayer_lowered:
.L_overlay_start_2:
0x123: {  	(tag) =	ssettag $0x2  }
0x124: {  	s0 =	rddreg [dreg:$0x0];
	s2 =	stileid.u32  }
0x125: {  	s1 =	rddreg [dreg:$0x1];
	p0 =	sne.s32 s2, $0x0  }
0x126: {  	s3 =	rddreg [dreg:$0x2];
	[bflag:$0x3] =	sbarrier.arrive $0xFFFF;
	s2 =	simm.s32 @!p0 $0x1C08  }
0x127: {  	[timem:s3], [sflag:s2] =	dma.local @!p0 [hbm:s0], s1  }
0x128: {  	s0 =	simm.s32 @!p0 $0x8  }
0x129: {  	_ =	swait.ge @!p0 [sflag:s0], s1  }
0x12a: {  	s1 =	ssub.s32 @!p0 $0x0, s1;
	[sflag:s0] =	ssyncset.done @!p0 $0x0  }
0x12b: {  	[sflag:s0] =	ssyncadd.s32 @!p0 s1  }
0x12c: {  	[bflag:$0x3] =	sbarrier.arrive $0xFFFF  }
0x12d: {  	_ =	shalt  }

// kernel: kernel.20.cloned.1.call-start
scs
__scs_entry_jumppad:
0x0: {  	(pc) =	sbr.rel $0x88, $3  }
0x1: {  	(tag) =	ssettag $0x0;
	lr =	simm.s32 $0x1  }
0x2: {  	[smem:$0x3F99] =	sst lr;
	_ =	strace $0xD0000000  }
0x3: {  	_ = 	snop  }
0x4: {  	_ = 	snop  }
0x5: {  	_ = 	snop  }
0x6: {  	_ = 	snop  }
0x7: {  	_ = 	snop  }
__scs_overlays_trampoline_lowered:
0x8: {  	[smem:$0x3FA8] =	sst s0  }
0x9: {  	[smem:$0x3FA9] =	sst s1  }
0xa: {  	[smem:$0x3FAA] =	sst s2  }
0xb: {  	[smem:$0x3FAB] =	sst s3  }
0xc: {  	[smem:$0x3FAC] =	sst s4  }
0xd: {  	[smem:$0x3FAD] =	sst s5  }
0xe: {  	[smem:$0x3FAE] =	sst s6  }
0xf: {  	[smem:$0x3FAF] =	sst s7  }
0x10: {  	[smem:$0x3FB0] =	sst s8  }
0x11: {  	[smem:$0x3FB1] =	sst s9;
	s0 =	simm.s32 @!p0 $0x0  }
0x12: {  	s1 =	sld [smem:$0x3F97];
	s0 =	simm.s32 @p0 $0x1  }
0x13: {  	[smem:$0x3FB2] =	sst s0;
	s0 =	simm.s32 @!p1 $0x0  }
0x14: {  	s2 =	sld [smem:$0x3F96];
	s0 =	simm.s32 @p1 $0x1  }
0x15: {  	[smem:$0x3FB3] =	sst s0;
	s0 =	simm.s32 @!p2 $0x0  }
0x16: {  	s3 =	sld [smem:$0x3FDB];
	s0 =	simm.s32 @p2 $0x1  }
0x17: {  	s4 =	simm.s32 $0x1BF5;
	[smem:$0x3FB5] =	sst s0  }
0x18: {  	s0 =	sld [smem:$0x3F98];
	_ =	swait.ge [sflag:s4], $0x0  }
0x19: {  	s7 =	sld [smem:$0x3F99]  }
0x1a: {  	s8 =	sadd.s32 $0xFFFFE003, lr  }
0x1b: {  	s9 =	sadd.s32 $0xFFFFFEF7, lr;
	s5 =	simm.s32 $0xFFFFFFFF;
	p2 =	slt.u32 s8, $0xFFFFF086  }
0x1c: {  	p1 =	slt.u32 s9, $0xF7A;
	s5 =	simm.s32 @!p2 $0x0  }
0x1d: {  	s5 =	simm.s32 @p1 $0x1;
	p0 =	seq.s32 s7, s2  }
0x1e: {  	s7 =	smul.u32 @!p0 $0xF7A, s2;
	p2 =	seq.s32 @!p0 s5, $0x0  }
0x1f: {  	s9 =	smul.u32 $0xF7A, s1;
	s8 =	simm.s32 @!p0 $0x1BF5;
	p2 =	por !p2, p0  }
0x20: {  	[sflag:s8] =	ssyncset.s32 @!p0 $0xFFFFF086;
	s6 =	sadd.s32 @!p0 s3, s7;
	s7 =	simm.s32 @!p0 $0x108  }
0x21: {  	s3 =	sadd.s32 s3, s9;
	s6 =	sadd.s32 @!p0 $0x88, s6;
	s7 =	simm.s32 @p2 $0x1082  }
0x22: {  	[simem:s7], [sflag:s8] =	dma.local @!p0 [hbm:s6], $0xF7A  }
0x23: {  	s9 =	sor.u32 $0xD0000000, s2;
	s6 =	simm.s32 $0x108;
	_ =	swait.ge @!p0 [sflag:s8], $0x0  }
0x24: {  	s3 =	sadd.s32 $0x88, s3;
	s6 =	simm.s32 @!p1 $0x1082;
	[sflag:s4] =	ssyncset.s32 $0xFFFFF086  }
0x25: {  	[simem:s6], [sflag:s4] =	dma.local [hbm:s3], $0xF7A  }
0x26: {  	[smem:$0x3F99] =	sst s1;
	(tag) =	ssettag s2;
	_ =	strace s9  }
0x27: {  	s1 =	sld [smem:$0x3FA9]  }
0x28: {  	s2 =	sld [smem:$0x3FAA]  }
0x29: {  	s4 =	sld [smem:$0x3FAC]  }
0x2a: {  	p0 =	seq.s32 s5, $0x0;
	s5 =	sld [smem:$0x3FAD]  }
0x2b: {  	s6 =	sld [smem:$0x3FAE]  }
0x2c: {  	s7 =	sld [smem:$0x3FAF]  }
0x2d: {  	s3 =	simm.s32 $0x108;
	s8 =	sld [smem:$0x3FB0]  }
0x2e: {  	s3 =	simm.s32 @!p0 $0x1082;
	s9 =	sld [smem:$0x3FB1]  }
0x2f: {  	lr =	sadd.s32 s0, s3;
	s0 =	sld [smem:$0x3FA8]  }
0x30: {  	s3 =	sld [smem:$0x3FAB]  }
0x31: {  	[smem:$0x3FB4] =	sst s10  }
0x32: {  	s10 =	sld [smem:$0x3FB2];
	_ =	sdelay $0x3  }
0x33: {  	p0 =	seq.s32 s10, $0x1;
	s10 =	sld [smem:$0x3FB4];
	_ =	sdelay $0x3  }
0x34: {  	[smem:$0x3FB4] =	sst s10  }
0x35: {  	s10 =	sld [smem:$0x3FB3];
	_ =	sdelay $0x3  }
0x36: {  	p1 =	seq.s32 s10, $0x1;
	s10 =	sld [smem:$0x3FB4];
	_ =	sdelay $0x3  }
0x37: {  	[smem:$0x3FB4] =	sst s10  }
0x38: {  	s10 =	sld [smem:$0x3FB5]  }
0x39: {  	_ = 	snop;
	(pc) =	sbr.ind lr, $3  }
0x3a: {  	_ = 	snop  }
0x3b: {  	_ = 	snop  }
0x3c: {  	p2 =	seq.s32 s10, $0x1;
	s10 =	sld [smem:$0x3FB4]  }
0x3d: {  	_ =	shalt  }
0x3e: {  	_ =	shalt  }
0x3f: {  	_ =	shalt  }
0x40: {  	_ =	shalt  }
0x41: {  	_ =	shalt  }
0x42: {  	_ =	shalt  }
0x43: {  	_ =	shalt  }
0x44: {  	_ =	shalt  }
0x45: {  	_ =	shalt  }
0x46: {  	_ =	shalt  }
0x47: {  	_ =	shalt  }
0x48: {  	_ =	shalt  }
0x49: {  	_ =	shalt  }
0x4a: {  	_ =	shalt  }
0x4b: {  	_ =	shalt  }
0x4c: {  	_ =	shalt  }
0x4d: {  	_ =	shalt  }
0x4e: {  	_ =	shalt  }
0x4f: {  	_ =	shalt  }
0x50: {  	_ =	shalt  }
0x51: {  	_ =	shalt  }
0x52: {  	_ =	shalt  }
0x53: {  	_ =	shalt  }
0x54: {  	_ =	shalt  }
0x55: {  	_ =	shalt  }
0x56: {  	_ =	shalt  }
0x57: {  	_ =	shalt  }
0x58: {  	_ =	shalt  }
0x59: {  	_ =	shalt  }
0x5a: {  	_ =	shalt  }
0x5b: {  	_ =	shalt  }
0x5c: {  	_ =	shalt  }
0x5d: {  	_ =	shalt  }
0x5e: {  	_ =	shalt  }
0x5f: {  	_ =	shalt  }
0x60: {  	_ =	shalt  }
0x61: {  	_ =	shalt  }
0x62: {  	_ =	shalt  }
0x63: {  	_ =	shalt  }
0x64: {  	_ =	shalt  }
0x65: {  	_ =	shalt  }
0x66: {  	_ =	shalt  }
0x67: {  	_ =	shalt  }
0x68: {  	_ =	shalt  }
0x69: {  	_ =	shalt  }
0x6a: {  	_ =	shalt  }
0x6b: {  	_ =	shalt  }
0x6c: {  	_ =	shalt  }
0x6d: {  	_ =	shalt  }
0x6e: {  	_ =	shalt  }
0x6f: {  	_ =	shalt  }
0x70: {  	_ =	shalt  }
0x71: {  	_ =	shalt  }
0x72: {  	_ =	shalt  }
0x73: {  	_ =	shalt  }
0x74: {  	_ =	shalt  }
0x75: {  	_ =	shalt  }
0x76: {  	_ =	shalt  }
0x77: {  	_ =	shalt  }
0x78: {  	_ =	shalt  }
0x79: {  	_ =	shalt  }
0x7a: {  	_ =	shalt  }
0x7b: {  	_ =	shalt  }
0x7c: {  	_ =	shalt  }
0x7d: {  	_ =	shalt  }
0x7e: {  	_ =	shalt  }
0x7f: {  	_ =	shalt  }
0x80: {  	_ =	shalt  }
0x81: {  	_ =	shalt  }
0x82: {  	_ =	shalt  }
0x83: {  	_ =	shalt  }
0x84: {  	_ =	shalt  }
0x85: {  	_ =	shalt  }
0x86: {  	_ =	shalt  }
0x87: {  	_ =	shalt  }
.Lfunc_end0:
.L_simem_size_0:
called_computation.3_lowered:
.L_overlay_start_0:
0x88: {  	s2 =	sld [smem:$0x3FD9]  }
0x89: {  	s3 =	sld [smem:$0x3FFE];
	_ =	sdelay $0x1  }
0x8a: {  	s1 =	srdreg.scid  }
0x8b: {  	s0 =	sand.u32 $0x1, s1  }
0x8c: {  	s17 =	sshll.u32 s0, $0xA;
	s2 =	sadd.s32 s3, s2  }
0x8d: {  	s2 =	sadd.s32 s2, s17  }
0x8e: {  	[smem:$0x3FC0] =	sst s2  }
0x8f: {  	_ = 	snop  }
0x90: {  	s2 =	sld [smem:$0x3FD0];
	(tm) =	ssettm $0x1  }
0x91: {  	s18 =	sld [smem:$0x3FFB];
	_ =	sdelay $0x3  }
0x92: {  	_ =	strace s18  }
0x93: {  	s3 =	sld [smem:$0x3FFC];
	_ =	sdelay $0x3  }
0x94: {  	_ =	strace s3  }
0x95: {  	s3 =	sld [smem:$0x3FFD];
	_ =	sdelay $0x3  }
0x96: {  	_ =	strace s3  }
0x97: {  	_ =	strace $0x8FFFFFFF  }
0x98: {  	s19 =	sld [smem:$0x3FDB];
	_ =	sdelay $0x1  }
0x99: {  	s4 =	simm.s32 $_scs_section_size  }
0x9a: {  	s5 =	simm.s32 $_size__tile_overlayer_lowered;
	s6 =	simm.s32 $_tile_overlayer_lowered  }
0x9b: {  	s22 =	simm.s32 $0x1BFF;
	s21 =	sshll.u32 s6, $0x1;
	s3 =	sadd.s32 s4, s19  }
0x9c: {  	s7 =	simm.s32 $0x0;
	s20 =	sshll.u32 s5, $0x1;
	s5 =	sadd.s32 s21, s3  }
0x9d: {  	[timem:s7], [sflag:s22] =	dma.local [hbm:s5], s20  }
0x9e: {  	_ =	swait.ge [sflag:s22], s20  }
0x9f: {  	s4 =	ssub.s32 $0x0, s20;
	[sflag:s22] =	ssyncset.done $0x0  }
0xa0: {  	[sflag:s22] =	ssyncadd.s32 s4;
	_ =	sdelay $0x1  }
0xa1: {  	s23 =	simm.s32 $0x1B8B  }
0xa2: {  	_ =	swait.ge [sflag:s23], $0x1  }
0xa3: {  	[sflag:s23] =	ssyncset.done $0x0  }
0xa4: {  	s25 =	simm.s32 $0x1B8E;
	s24 =	sld [smem:$0x3FFE];
	[sflag:s23] =	ssyncadd.s32 $0xFFFFFFFF  }
0xa5: {  	s26 =	simm.s32 $execute0_lowered;
	[smem:$0x3FD2] =	sst s25  }
0xa6: {  	s5 =	sshll.u32 s26, $0x1;
	_ =	strace $0x8000004F;
	[dreg:$0x1] =	wrdreg $0xFFFFFFFF  }
0xa7: {  	s28 =	simm.s32 $_size_execute0_lowered;
	s3 =	sadd.s32 s3, s5;
	[dreg:$0x0] =	wrdreg $0x0  }
0xa8: {  	s5 =	sshll.u32 s28, $0x1;
	[dreg:$0x2] =	wrdreg s3  }
0xa9: {  	[dreg:$0x3] =	wrdreg s5  }
0xaa: {  	[dreg:$0x4] =	wrdreg $0xC0  }
0xab: {  	_ =	task [dreg:s7], $0x5FFFF  }
0xac: {  	[dreg:$0x1] =	wrdreg $0xFFFFFFFF  }
0xad: {  	[dreg:$0x0] =	wrdreg $0x60  }
0xae: {  	[dreg:$0x2] =	wrdreg s2  }
0xaf: {  	[dreg:$0x3] =	wrdreg s24  }
0xb0: {  	[dreg:$0x4] =	wrdreg $0xBC000  }
0xb1: {  	[dreg:$0x5] =	wrdreg $0x9  }
0xb2: {  	_ =	task.clear_ibuf [dreg:s7], $0x6FFFF;
	_ =	strace $0x9000004F  }
0xb3: {  	s29 =	simm.s32 $0x9;
	_ =	strace $0x80000051  }
0xb4: {  	_ =	swait.ge [sflag:s29], $0x1  }
0xb5: {  	[sflag:s29] =	ssyncadd.s32 $0xFFFFFFFF  }
0xb6: {  	_ =	strace $0x90000051  }
0xb7: {  	_ =	sfence  }
0xb8: {  	s30 =	sld [smem:$0x0];
	_ =	sdelay $0x2  }
0xb9: {  	s31 =	sshll.u32 s1, $0xD;
	s1 =	sshrl.u32 s1, $0x2  }
0xba: {  	s3 =	sand.u32 $0x4000, s31;
	s1 =	sadd.s32 s1, s30  }
0xbb: {  	s0 =	sor.u32 s3, s0;
	s1 =	sshll.u32 s1, $0x11  }
0xbc: {  	s0 =	sor.u32 s1, s0  }
0xbd: {  	s0 =	sadd.s32 $0x8F2B, s0  }
0xbe: {  	[sflag:s0] =	ssyncadd.remote.s32 $0x1  }
0xbf: {  	_ =	sfence.sel $0xFFFF  }
0xc0: {  	[dreg:$0x0] =	wrdreg $0xFFFFFFFF;
	(pc) =	sbr.abs _section_cstart, $3  }
0xc1: {  	[dreg:$0x1] =	wrdreg $0xFFFFFFFF  }
0xc2: {  	_ =	task.clear_ibuf [dreg:s7], $0x2FFFF;
	_ =	strace $0x9FFFFFFF  }
0xc3: {  	(tm) =	ssettm $0x7FFFFFFF  }
tec
execute0_lowered:
.L_overlay_start_1:
0x0: {  	(tag) =	ssettag $0x1  }
0x1: {  	s0 =	rddreg [dreg:$0x0]  }
0x2: {  	s2 =	rddreg [dreg:$0x1]  }
0x3: {  	s1 =	rddreg [dreg:$0x2]  }
0x4: {  	s3 =	simm.s32 $0x0;
	s4 =	srdreg.scid;
	s19 =	stileid.u32  }
0x5: {  	[smem:$0x7FF] =	sst s3;
	s5 =	sand.u32 $0x1, s4;
	s8 =	smul.u32 $0x14000, s19  }
0x6: {  	s7 =	sadd.s32 $0x14400, s2;
	s9 =	sadd.s32 $0xC400, s2;
	s10 =	smul.u32 $0x280, s19  }
0x7: {  	s4 =	sadd.s32 $0x2000, s2;
	s11 =	smul.u32 $0x50000, s19;
	p0 =	seq.s32 s19, $0xF  }
0x8: {  	s6 =	smul.u32 $0x140000, s5;
	_ =	strace $0x80000050;
	s17 =	ssub.s32 $0x2, s5  }
0x9: {  	s13 =	smul.u32 $0x27100, s5;
	s12 =	sshrl.u32 s17, $0x1;
	s18 =	sshrl.u32 s11, $0x2  }
0xa: {  	s20 =	sadd.s32 $0x80, s10;
	s11 =	smul.u32 $0x2800, s19;
	s22 =	sadd.s32 $0x100, s10  }
0xb: {  	s15 =	sadd.s32 $0x180, s10;
	s10 =	sadd.s32 $0x200, s10;
	s6 =	sadd.s32 s8, s6  }
0xc: {  	s8 =	ssub.s32 s17, s12;
	s5 =	sadd.s32 s18, s1;
	s21 =	sshll.u32 s20, $0x7  }
0xd: {  	s14 =	sshll.u32 s22, $0x7;
	s16 =	sshll.u32 s15, $0x7;
	s17 =	sshll.u32 s19, $0xB  }
0xe: {  	s15 =	sshll.u32 s15, $0x4;
	s6 =	sshrl.u32 s6, $0x3;
	s12 =	sadd.s32 s21, s1  }
0xf: {  	s14 =	sadd.s32 s14, s1;
	s18 =	sadd.s32 s7, s17;
	s23 =	sadd.s32 s9, s17  }
0x10: {  	s24 =	sor.u32 $0x200, s17;
	s25 =	sor.u32 $0x400, s17;
	s17 =	sor.u32 $0x600, s17  }
0x11: {  	s21 =	sshll.u32 s10, $0x7;
	s10 =	sshll.u32 s10, $0x4;
	s2 =	sadd.s32 s6, s2  }
0x12: {  	s6 =	sadd.s32 s0, s13;
	s0 =	sshll.u32 s20, $0x4;
	[dreg:$0x4] =	wrdreg s18  }
0x13: {  	s13 =	sshll.u32 s22, $0x4;
	[dreg:$0x5] =	wrdreg s23;
	s20 =	sadd.s32 s7, s24  }
0x14: {  	s18 =	sadd.s32 s9, s24;
	s26 =	sadd.s32 s7, s25;
	s7 =	sadd.s32 s7, s17  }
0x15: {  	s22 =	smax.u32 s8, $0x1;
	s8 =	sadd.s32 $0x13C800, s1;
	[dreg:$0x6] =	wrdreg s20  }
0x16: {  	s29 =	sshrl.u32 @!p0 s12, $0x3;
	s30 =	sshrl.u32 @!p0 s14, $0x3;
	[dreg:$0x7] =	wrdreg s18  }
0x17: {  	s12 =	simm.s32 $0x2000;
	s14 =	simm.s32 $0x5400;
	[dreg:$0x8] =	wrdreg s26  }
0x18: {  	s18 =	sadd.s32 s9, s25;
	[dreg:$0xa] =	wrdreg s7;
	s20 =	sadd.s32 s9, s17  }
0x19: {  	s9 =	sadd.s32 s16, s1;
	s7 =	sadd.s32 s21, s1;
	[dreg:$0xd] =	wrdreg s22  }
0x1a: {  	s2 =	sadd.s32 $0x1C400, s2;
	s23 =	sadd.s32 s11, s6;
	[dreg:$0x9] =	wrdreg s18  }
0x1b: {  	s0 =	sadd.s32 s0, s6;
	s24 =	sadd.s32 s13, s6;
	[dreg:$0xb] =	wrdreg s20  }
0x1c: {  	s25 =	sadd.s32 s15, s6;
	s26 =	sadd.s32 s10, s6;
	[dreg:$0xc] =	wrdreg s2  }
0x1d: {  	s28 =	sshrl.u32 @p0 s8, $0x3;
	s8 =	sadd.s32 $0x26000, s6;
	[dreg:$0xe] =	wrdreg s23  }
0x1e: {  	s10 =	simm.s32 $0x8;
	s11 =	simm.s32 $0x64;
	[dreg:$0xf] =	wrdreg s0  }
0x1f: {  	s13 =	simm.s32 $0x80;
	[dreg:$0x10] =	wrdreg s24;
	s0 =	sadd.s32 $0x12C000, s1  }
0x20: {  	s15 =	simm.s32 $0x4;
	[dreg:$0x11] =	wrdreg s25;
	s0 =	sshrl.u32 @p0 s0, $0x3  }
0x21: {  	s16 =	simm.s32 $0x0;
	[dreg:$0x13] =	wrdreg s0;
	s0 =	sadd.s32 $0x130000, s1  }
0x22: {  	[dreg:$0x12] =	wrdreg s26;
	s2 =	sadd.s32 $0x138000, s1;
	s0 =	sshrl.u32 @p0 s0, $0x3  }
0x23: {  	s31 =	sshrl.u32 @!p0 s9, $0x3;
	[dreg:$0x14] =	wrdreg s0;
	s0 =	sadd.s32 $0x134000, s1  }
0x24: {  	s9 =	sadd.s32 $0x27000, s6;
	s25 =	sshrl.u32 @p0 s2, $0x3;
	s0 =	sshrl.u32 @p0 s0, $0x3  }
0x25: {  	s2 =	sadd.s32 $0x26800, s6;
	[dreg:$0x15] =	wrdreg s0;
	s0 =	sadd.s32 $0x138800, s1  }
0x26: {  	s26 =	sshrl.u32 @p0 s0, $0x3;
	s0 =	sshrl.u32 @!p0 s7, $0x3;
	s7 =	sadd.s32 $0x25800, s6  }
.LBB2_1:
0x27: {  	s17 =	simm.s32 @p0 $0x1FC7;
	s18 =	rddreg [dreg:$0x13]  }
0x28: {  	[spmem:s18], [sflag:s17] =	dma.local @p0 [hbm:s7], $0x800  }
0x29: {  	s18 =	rddreg [dreg:$0x14]  }
0x2a: {  	[spmem:s18], [sflag:s17] =	dma.local @p0 [hbm:s8], $0x800  }
0x2b: {  	s18 =	rddreg [dreg:$0x15]  }
0x2c: {  	[spmem:s18], [sflag:s17] =	dma.local @p0 [hbm:s2], $0x800  }
0x2d: {  	[spmem:s25], [sflag:s17] =	dma.local @p0 [hbm:s9], $0x100  }
0x2e: {  	[spmem:s26], [sflag:s17] =	dma.local @p0 [hbm:s4], $0x800  }
0x2f: {  	[spmem:s28], [sflag:s17] =	dma.local @p0 [hbm:s4], $0x700  }
0x30: {  	s17 =	simm.s32 @p0 $0x7  }
0x31: {  	_ =	swait.ge @p0 [sflag:s17], $0x800  }
0x32: {  	[sflag:s17] =	ssyncset.done @p0 $0x0  }
0x33: {  	[sflag:s17] =	ssyncadd.s32 @p0 $0xFFFFF800  }
0x34: {  	_ =	swait.ge @p0 [sflag:s17], $0x800  }
0x35: {  	[sflag:s17] =	ssyncset.done @p0 $0x0  }
0x36: {  	[sflag:s17] =	ssyncadd.s32 @p0 $0xFFFFF800  }
0x37: {  	_ =	swait.ge @p0 [sflag:s17], $0x800  }
0x38: {  	[sflag:s17] =	ssyncset.done @p0 $0x0  }
0x39: {  	[sflag:s17] =	ssyncadd.s32 @p0 $0xFFFFF800  }
0x3a: {  	_ =	swait.ge @p0 [sflag:s17], $0x100  }
0x3b: {  	[sflag:s17] =	ssyncset.done @p0 $0x0  }
0x3c: {  	[sflag:s17] =	ssyncadd.s32 @p0 $0xFFFFFF00  }
0x3d: {  	_ =	swait.ge @p0 [sflag:s17], $0x800  }
0x3e: {  	[sflag:s17] =	ssyncset.done @p0 $0x0  }
0x3f: {  	[sflag:s17] =	ssyncadd.s32 @p0 $0xFFFFF800  }
0x40: {  	_ =	swait.ge @p0 [sflag:s17], $0x700  }
0x41: {  	s18 =	sshll.u32 @!p0 s19, $0x6;
	[sflag:s17] =	ssyncset.done @p0 $0x0;
	s19 =	rddreg [dreg:$0xe]  }
0x42: {  	[sflag:s17] =	ssyncadd.s32 @p0 $0xFFFFF900;
	s17 =	sor.u32 @!p0 $0x1C07, s18;
	s18 =	sshrl.u32 @!p0 s5, $0x3  }
0x43: {  	[spmem:s18], [sflag:s17] =	dma.local @!p0 [hbm:s19], $0x800  }
0x44: {  	s18 =	rddreg [dreg:$0xf]  }
0x45: {  	[spmem:s29], [sflag:s17] =	dma.local @!p0 [hbm:s18], $0x800  }
0x46: {  	s18 =	rddreg [dreg:$0x10]  }
0x47: {  	[spmem:s30], [sflag:s17] =	dma.local @!p0 [hbm:s18], $0x800  }
0x48: {  	s18 =	rddreg [dreg:$0x11]  }
0x49: {  	[spmem:s31], [sflag:s17] =	dma.local @!p0 [hbm:s18], $0x800  }
0x4a: {  	s18 =	rddreg [dreg:$0x12]  }
0x4b: {  	[spmem:s0], [sflag:s17] =	dma.local @!p0 [hbm:s18], $0x800  }
0x4c: {  	s17 =	simm.s32 @!p0 $0x7  }
0x4d: {  	_ =	swait.ge @!p0 [sflag:s17], $0x800  }
0x4e: {  	[sflag:s17] =	ssyncset.done @!p0 $0x0  }
0x4f: {  	[sflag:s17] =	ssyncadd.s32 @!p0 $0xFFFFF800  }
0x50: {  	_ =	swait.ge @!p0 [sflag:s17], $0x800  }
0x51: {  	[sflag:s17] =	ssyncset.done @!p0 $0x0  }
0x52: {  	[sflag:s17] =	ssyncadd.s32 @!p0 $0xFFFFF800  }
0x53: {  	_ =	swait.ge @!p0 [sflag:s17], $0x800  }
0x54: {  	[sflag:s17] =	ssyncset.done @!p0 $0x0  }
0x55: {  	[sflag:s17] =	ssyncadd.s32 @!p0 $0xFFFFF800  }
0x56: {  	_ =	swait.ge @!p0 [sflag:s17], $0x800  }
0x57: {  	[sflag:s17] =	ssyncset.done @!p0 $0x0  }
0x58: {  	[sflag:s17] =	ssyncadd.s32 @!p0 $0xFFFFF800  }
0x59: {  	_ =	swait.ge @!p0 [sflag:s17], $0x800  }
0x5a: {  	[sflag:s17] =	ssyncset.done @!p0 $0x0  }
0x5b: {  	[sflag:s17] =	ssyncadd.s32 @!p0 $0xFFFFF800  }
0x5c: {  	[bflag:$0x0] =	sbarrier.arrive $0xFFFF  }
0x5d: {  	s23 =	rddreg [dreg:$0x4]  }
0x5e: {  	[tilespmem:s3], [sflag:$0x8] =	stream.linear.gather [hbm4b:s23+s3], $0xC80, $0x38;
	[tilespmem:$0x1FC00] =	vst v63  }
0x5f: {  	_ =	swait.ge [sflag:s10], $0xC80  }
0x60: {  	[sflag:s10] =	ssyncset.done $0x0  }
0x61: {  	s17 =	simm.s32 $0x1000;
	s24 =	rddreg [dreg:$0x5];
	[sflag:s10] =	ssyncadd.s32 $0xFFFFF380  }
0x62: {  	[tilespmem:s17], [sflag:$0x8] =	stream.linear.gather [hbm4b:s24+s3], $0xC80, $0x38;
	[tilespmem:$0x1FC00] =	vst v63  }
0x63: {  	_ =	swait.ge [sflag:s10], $0xC80  }
0x64: {  	[sflag:s10] =	ssyncset.done $0x0  }
0x65: {  	[sflag:s10] =	ssyncadd.s32 $0xFFFFF380  }
0x66: {  	[tilespmem:s12], [sflag:$0x1] =	stream.indirect.gather [hbm4b:s6+s11], $0x80, s3, s11, $0xb8;
	[tilespmem:$0x1FC00] =	vst v63  }
0x67: {  	s19 =	simm.s32 $0x0;
	s18 =	simm.s32 $0x100  }
0x68: {  	[tilespmem:s14], [sflag:$0x2] =	stream.indirect.gather [hbm4b:s6+s11], $0x80, s13, s11, $0xb8;
	[tilespmem:$0x1FC00] =	vst v63  }
.LBB2_2:
0x69: {  	s20 =	smul.u32 $0xAB, s19;
	_ =	sdelay $0x1  }
0x6a: {  	s20 =	sshrl.u32 s20, $0x9  }
0x6b: {  	s20 =	sand.u32 $0x7F, s20  }
0x6c: {  	s20 =	smul.u32 $0x3, s20  }
0x6d: {  	p1 =	seq.s32 s19, $0x0  }
0x6e: {  	s21 =	sadd.s32 @!p1 $0xFFFFFFFF, s19;
	s20 =	ssub.s32 s19, s20  }
0x6f: {  	s24 =	sand.u32 @!p1 $0xFF, s21;
	s20 =	sand.u32 $0xFF, s20  }
0x70: {  	s24 =	smul.u32 @!p1 $0xAB, s24;
	s23 =	sadd.s32 $0x1, s20  }
0x71: {  	s22 =	smul.u32 $0xD000, s20;
	_ =	swait.ge [sflag:s23], $0x3200  }
0x72: {  	[sflag:s23] =	ssyncset.done $0x0  }
0x73: {  	s22 =	sshrl.u32 s22, $0x2;
	[sflag:s23] =	ssyncadd.s32 $0xFFFFCE00;
	s23 =	sshrl.u32 @!p1 s24, $0x9  }
0x74: {  	s20 =	sor.u32 $0x4, s20;
	s22 =	sadd.s32 $0x2000, s22;
	s23 =	smul.u32 @!p1 $0x3, s23  }
0x75: {  	[spmem:s1] =	stream.indirect.scatter.add.f32 [tilespmem:s22], [sflag:s20], $0x80, s17, s11, $0xb8;
	[tilespmem:$0x1FC00] =	vst v63  }
0x76: {  	s20 =	ssub.s32 @!p1 s21, s23  }
0x77: {  	s20 =	sor.u32 @!p1 $0x4, s20  }
0x78: {  	s20 =	sand.u32 @!p1 $0xFF, s20  }
0x79: {  	p2 =	sgt.u32 @!p1 s19, $0x16;
	_ =	swait.ge @!p1 [sflag:s20], $0x3200  }
0x7a: {  	p2 =	por p1, !p2;
	[sflag:s20] =	ssyncset.done @!p1 $0x0  }
0x7b: {  	[sflag:s20] =	ssyncadd.s32 @!p1 $0xFFFFCE00;
	s20 =	sadd.s32 @p2 $0x2, s19  }
0x7c: {  	s21 =	smul.u32 @p2 $0xAB, s20;
	_ =	sdelay $0x1  }
0x7d: {  	s21 =	sshrl.u32 @p2 s21, $0x9  }
0x7e: {  	s21 =	sand.u32 @p2 $0x7F, s21  }
0x7f: {  	s21 =	smul.u32 @p2 $0x3, s21;
	_ =	sdelay $0x1  }
0x80: {  	s20 =	ssub.s32 @p2 s20, s21  }
0x81: {  	s19 =	sadd.s32 $0x1, s19;
	s20 =	sand.u32 @p2 $0xFF, s20  }
0x82: {  	p1 =	sne.s32 s19, $0x19;
	s21 =	smul.u32 @p2 $0xD000, s20  }
.Ltmp0:
0x83: {  	_ = 	snop;
	(pc) =	sbr.rel @p1 .LBB2_2-.Ltmp0, $4  }
0x84: {  	s21 =	sshrl.u32 @p2 s21, $0x2  }
0x85: {  	s20 =	sadd.s32 @p2 $0x1, s20;
	s21 =	sadd.s32 @p2 $0x2000, s21  }
0x86: {  	[tilespmem:s21], [sflag:s20] =	stream.indirect.gather @p2 [hbm4b:s6+s11], $0x80, s18, s11, $0xb8;
	[tilespmem:$0x1FC00] =	vst v63  }
0x87: {  	s17 =	sadd.s32 $0x80, s17;
	s18 =	sadd.s32 $0x80, s18  }
0x88: {  	_ =	swait.ge [sflag:s15], $0x3200  }
0x89: {  	[sflag:s15] =	ssyncset.done $0x0  }
0x8a: {  	s17 =	simm.s32 $0x0;
	s18 =	rddreg [dreg:$0x6];
	[sflag:s15] =	ssyncadd.s32 $0xFFFFCE00  }
0x8b: {  	[tilespmem:s17], [sflag:$0x8] =	stream.linear.gather [hbm4b:s18+s17], $0xC80, $0x38;
	[tilespmem:$0x1FC00] =	vst v63  }
0x8c: {  	_ =	swait.ge [sflag:s10], $0xC80  }
0x8d: {  	[sflag:s10] =	ssyncset.done $0x0  }
0x8e: {  	s18 =	simm.s32 $0x1000;
	s19 =	rddreg [dreg:$0x7];
	[sflag:s10] =	ssyncadd.s32 $0xFFFFF380  }
0x8f: {  	[tilespmem:s18], [sflag:$0x8] =	stream.linear.gather [hbm4b:s19+s17], $0xC80, $0x38;
	[tilespmem:$0x1FC00] =	vst v63  }
0x90: {  	_ =	swait.ge [sflag:s10], $0xC80  }
0x91: {  	[sflag:s10] =	ssyncset.done $0x0  }
0x92: {  	[sflag:s10] =	ssyncadd.s32 $0xFFFFF380  }
0x93: {  	[tilespmem:s12], [sflag:$0x1] =	stream.indirect.gather [hbm4b:s6+s11], $0x80, s17, s11, $0xb8;
	[tilespmem:$0x1FC00] =	vst v63  }
0x94: {  	s19 =	simm.s32 $0x100  }
0x95: {  	[tilespmem:s14], [sflag:$0x2] =	stream.indirect.gather [hbm4b:s6+s11], $0x80, s13, s11, $0xb8;
	[tilespmem:$0x1FC00] =	vst v63  }
.LBB2_4:
0x96: {  	s20 =	smul.u32 $0xAB, s17;
	_ =	sdelay $0x1  }
0x97: {  	s20 =	sshrl.u32 s20, $0x9  }
0x98: {  	s20 =	sand.u32 $0x7F, s20  }
0x99: {  	s20 =	smul.u32 $0x3, s20  }
0x9a: {  	p1 =	seq.s32 s17, $0x0  }
0x9b: {  	s21 =	sadd.s32 @!p1 $0xFFFFFFFF, s17;
	s20 =	ssub.s32 s17, s20  }
0x9c: {  	s24 =	sand.u32 @!p1 $0xFF, s21;
	s20 =	sand.u32 $0xFF, s20  }
0x9d: {  	s24 =	smul.u32 @!p1 $0xAB, s24;
	s23 =	sadd.s32 $0x1, s20  }
0x9e: {  	s22 =	smul.u32 $0xD000, s20;
	_ =	swait.ge [sflag:s23], $0x3200  }
0x9f: {  	[sflag:s23] =	ssyncset.done $0x0  }
0xa0: {  	s22 =	sshrl.u32 s22, $0x2;
	[sflag:s23] =	ssyncadd.s32 $0xFFFFCE00;
	s23 =	sshrl.u32 @!p1 s24, $0x9  }
0xa1: {  	s20 =	sor.u32 $0x4, s20;
	s22 =	sadd.s32 $0x2000, s22;
	s23 =	smul.u32 @!p1 $0x3, s23  }
0xa2: {  	[spmem:s1] =	stream.indirect.scatter.add.f32 [tilespmem:s22], [sflag:s20], $0x80, s18, s11, $0xb8;
	[tilespmem:$0x1FC00] =	vst v63  }
0xa3: {  	s20 =	ssub.s32 @!p1 s21, s23  }
0xa4: {  	s20 =	sor.u32 @!p1 $0x4, s20  }
0xa5: {  	s20 =	sand.u32 @!p1 $0xFF, s20  }
0xa6: {  	p2 =	sgt.u32 @!p1 s17, $0x16;
	_ =	swait.ge @!p1 [sflag:s20], $0x3200  }
0xa7: {  	p2 =	por p1, !p2;
	[sflag:s20] =	ssyncset.done @!p1 $0x0  }
0xa8: {  	[sflag:s20] =	ssyncadd.s32 @!p1 $0xFFFFCE00;
	s20 =	sadd.s32 @p2 $0x2, s17  }
0xa9: {  	s21 =	smul.u32 @p2 $0xAB, s20;
	_ =	sdelay $0x1  }
0xaa: {  	s21 =	sshrl.u32 @p2 s21, $0x9  }
0xab: {  	s21 =	sand.u32 @p2 $0x7F, s21  }
0xac: {  	s21 =	smul.u32 @p2 $0x3, s21;
	_ =	sdelay $0x1  }
0xad: {  	s20 =	ssub.s32 @p2 s20, s21  }
0xae: {  	s17 =	sadd.s32 $0x1, s17;
	s20 =	sand.u32 @p2 $0xFF, s20  }
0xaf: {  	p1 =	sne.s32 s17, $0x19;
	s21 =	smul.u32 @p2 $0xD000, s20  }
.Ltmp1:
0xb0: {  	_ = 	snop;
	(pc) =	sbr.rel @p1 .LBB2_4-.Ltmp1, $4  }
0xb1: {  	s21 =	sshrl.u32 @p2 s21, $0x2  }
0xb2: {  	s20 =	sadd.s32 @p2 $0x1, s20;
	s21 =	sadd.s32 @p2 $0x2000, s21  }
0xb3: {  	[tilespmem:s21], [sflag:s20] =	stream.indirect.gather @p2 [hbm4b:s6+s11], $0x80, s19, s11, $0xb8;
	[tilespmem:$0x1FC00] =	vst v63  }
0xb4: {  	s18 =	sadd.s32 $0x80, s18;
	s19 =	sadd.s32 $0x80, s19  }
0xb5: {  	_ =	swait.ge [sflag:s15], $0x3200  }
0xb6: {  	[sflag:s15] =	ssyncset.done $0x0  }
0xb7: {  	s17 =	simm.s32 $0x0;
	s18 =	rddreg [dreg:$0x8];
	[sflag:s15] =	ssyncadd.s32 $0xFFFFCE00  }
0xb8: {  	[tilespmem:s17], [sflag:$0x8] =	stream.linear.gather [hbm4b:s18+s17], $0xC80, $0x38;
	[tilespmem:$0x1FC00] =	vst v63  }
0xb9: {  	_ =	swait.ge [sflag:s10], $0xC80  }
0xba: {  	[sflag:s10] =	ssyncset.done $0x0  }
0xbb: {  	s18 =	simm.s32 $0x1000;
	s19 =	rddreg [dreg:$0x9];
	[sflag:s10] =	ssyncadd.s32 $0xFFFFF380  }
0xbc: {  	[tilespmem:s18], [sflag:$0x8] =	stream.linear.gather [hbm4b:s19+s17], $0xC80, $0x38;
	[tilespmem:$0x1FC00] =	vst v63  }
0xbd: {  	_ =	swait.ge [sflag:s10], $0xC80  }
0xbe: {  	[sflag:s10] =	ssyncset.done $0x0  }
0xbf: {  	[sflag:s10] =	ssyncadd.s32 $0xFFFFF380  }
0xc0: {  	[tilespmem:s12], [sflag:$0x1] =	stream.indirect.gather [hbm4b:s6+s11], $0x80, s17, s11, $0xb8;
	[tilespmem:$0x1FC00] =	vst v63  }
0xc1: {  	s19 =	simm.s32 $0x100  }
0xc2: {  	[tilespmem:s14], [sflag:$0x2] =	stream.indirect.gather [hbm4b:s6+s11], $0x80, s13, s11, $0xb8;
	[tilespmem:$0x1FC00] =	vst v63  }
.LBB2_6:
0xc3: {  	s20 =	smul.u32 $0xAB, s17;
	_ =	sdelay $0x1  }
0xc4: {  	s20 =	sshrl.u32 s20, $0x9  }
0xc5: {  	s20 =	sand.u32 $0x7F, s20  }
0xc6: {  	s20 =	smul.u32 $0x3, s20  }
0xc7: {  	p1 =	seq.s32 s17, $0x0  }
0xc8: {  	s21 =	sadd.s32 @!p1 $0xFFFFFFFF, s17;
	s20 =	ssub.s32 s17, s20  }
0xc9: {  	s24 =	sand.u32 @!p1 $0xFF, s21;
	s20 =	sand.u32 $0xFF, s20  }
0xca: {  	s24 =	smul.u32 @!p1 $0xAB, s24;
	s23 =	sadd.s32 $0x1, s20  }
0xcb: {  	s22 =	smul.u32 $0xD000, s20;
	_ =	swait.ge [sflag:s23], $0x3200  }
0xcc: {  	[sflag:s23] =	ssyncset.done $0x0  }
0xcd: {  	s22 =	sshrl.u32 s22, $0x2;
	[sflag:s23] =	ssyncadd.s32 $0xFFFFCE00;
	s23 =	sshrl.u32 @!p1 s24, $0x9  }
0xce: {  	s20 =	sor.u32 $0x4, s20;
	s22 =	sadd.s32 $0x2000, s22;
	s23 =	smul.u32 @!p1 $0x3, s23  }
0xcf: {  	[spmem:s1] =	stream.indirect.scatter.add.f32 [tilespmem:s22], [sflag:s20], $0x80, s18, s11, $0xb8;
	[tilespmem:$0x1FC00] =	vst v63  }
0xd0: {  	s20 =	ssub.s32 @!p1 s21, s23  }
0xd1: {  	s20 =	sor.u32 @!p1 $0x4, s20  }
0xd2: {  	s20 =	sand.u32 @!p1 $0xFF, s20  }
0xd3: {  	p2 =	sgt.u32 @!p1 s17, $0x16;
	_ =	swait.ge @!p1 [sflag:s20], $0x3200  }
0xd4: {  	p2 =	por p1, !p2;
	[sflag:s20] =	ssyncset.done @!p1 $0x0  }
0xd5: {  	[sflag:s20] =	ssyncadd.s32 @!p1 $0xFFFFCE00;
	s20 =	sadd.s32 @p2 $0x2, s17  }
0xd6: {  	s21 =	smul.u32 @p2 $0xAB, s20;
	_ =	sdelay $0x1  }
0xd7: {  	s21 =	sshrl.u32 @p2 s21, $0x9  }
0xd8: {  	s21 =	sand.u32 @p2 $0x7F, s21  }
0xd9: {  	s21 =	smul.u32 @p2 $0x3, s21;
	_ =	sdelay $0x1  }
0xda: {  	s20 =	ssub.s32 @p2 s20, s21  }
0xdb: {  	s17 =	sadd.s32 $0x1, s17;
	s20 =	sand.u32 @p2 $0xFF, s20  }
0xdc: {  	p1 =	sne.s32 s17, $0x19;
	s21 =	smul.u32 @p2 $0xD000, s20  }
.Ltmp2:
0xdd: {  	_ = 	snop;
	(pc) =	sbr.rel @p1 .LBB2_6-.Ltmp2, $4  }
0xde: {  	s21 =	sshrl.u32 @p2 s21, $0x2  }
0xdf: {  	s20 =	sadd.s32 @p2 $0x1, s20;
	s21 =	sadd.s32 @p2 $0x2000, s21  }
0xe0: {  	[tilespmem:s21], [sflag:s20] =	stream.indirect.gather @p2 [hbm4b:s6+s11], $0x80, s19, s11, $0xb8;
	[tilespmem:$0x1FC00] =	vst v63  }
0xe1: {  	s18 =	sadd.s32 $0x80, s18;
	s19 =	sadd.s32 $0x80, s19  }
0xe2: {  	_ =	swait.ge [sflag:s15], $0x3200  }
0xe3: {  	[sflag:s15] =	ssyncset.done $0x0  }
0xe4: {  	s17 =	simm.s32 $0x0;
	s18 =	rddreg [dreg:$0xa];
	[sflag:s15] =	ssyncadd.s32 $0xFFFFCE00  }
0xe5: {  	[tilespmem:s17], [sflag:$0x8] =	stream.linear.gather [hbm4b:s18+s17], $0xC80, $0x38;
	[tilespmem:$0x1FC00] =	vst v63  }
0xe6: {  	_ =	swait.ge [sflag:s10], $0xC80  }
0xe7: {  	[sflag:s10] =	ssyncset.done $0x0  }
0xe8: {  	s18 =	simm.s32 $0x1000;
	s19 =	rddreg [dreg:$0xb];
	[sflag:s10] =	ssyncadd.s32 $0xFFFFF380  }
0xe9: {  	[tilespmem:s18], [sflag:$0x8] =	stream.linear.gather [hbm4b:s19+s17], $0xC80, $0x38;
	[tilespmem:$0x1FC00] =	vst v63  }
0xea: {  	_ =	swait.ge [sflag:s10], $0xC80  }
0xeb: {  	[sflag:s10] =	ssyncset.done $0x0  }
0xec: {  	[sflag:s10] =	ssyncadd.s32 $0xFFFFF380  }
0xed: {  	[tilespmem:s12], [sflag:$0x1] =	stream.indirect.gather [hbm4b:s6+s11], $0x80, s17, s11, $0xb8;
	[tilespmem:$0x1FC00] =	vst v63  }
0xee: {  	s19 =	simm.s32 $0x100  }
0xef: {  	[tilespmem:s14], [sflag:$0x2] =	stream.indirect.gather [hbm4b:s6+s11], $0x80, s13, s11, $0xb8;
	[tilespmem:$0x1FC00] =	vst v63  }
.LBB2_8:
0xf0: {  	s20 =	smul.u32 $0xAB, s17;
	_ =	sdelay $0x1  }
0xf1: {  	s20 =	sshrl.u32 s20, $0x9  }
0xf2: {  	s20 =	sand.u32 $0x7F, s20  }
0xf3: {  	s20 =	smul.u32 $0x3, s20  }
0xf4: {  	p1 =	seq.s32 s17, $0x0  }
0xf5: {  	s21 =	sadd.s32 @!p1 $0xFFFFFFFF, s17;
	s20 =	ssub.s32 s17, s20  }
0xf6: {  	s24 =	sand.u32 @!p1 $0xFF, s21;
	s20 =	sand.u32 $0xFF, s20  }
0xf7: {  	s24 =	smul.u32 @!p1 $0xAB, s24;
	s23 =	sadd.s32 $0x1, s20  }
0xf8: {  	s22 =	smul.u32 $0xD000, s20;
	_ =	swait.ge [sflag:s23], $0x3200  }
0xf9: {  	[sflag:s23] =	ssyncset.done $0x0  }
0xfa: {  	s22 =	sshrl.u32 s22, $0x2;
	[sflag:s23] =	ssyncadd.s32 $0xFFFFCE00;
	s23 =	sshrl.u32 @!p1 s24, $0x9  }
0xfb: {  	s20 =	sor.u32 $0x4, s20;
	s22 =	sadd.s32 $0x2000, s22;
	s23 =	smul.u32 @!p1 $0x3, s23  }
0xfc: {  	[spmem:s1] =	stream.indirect.scatter.add.f32 [tilespmem:s22], [sflag:s20], $0x80, s18, s11, $0xb8;
	[tilespmem:$0x1FC00] =	vst v63  }
0xfd: {  	s20 =	ssub.s32 @!p1 s21, s23  }
0xfe: {  	s20 =	sor.u32 @!p1 $0x4, s20  }
0xff: {  	s20 =	sand.u32 @!p1 $0xFF, s20  }
0x100: {  	p2 =	sgt.u32 @!p1 s17, $0x16;
	_ =	swait.ge @!p1 [sflag:s20], $0x3200  }
0x101: {  	p2 =	por p1, !p2;
	[sflag:s20] =	ssyncset.done @!p1 $0x0  }
0x102: {  	[sflag:s20] =	ssyncadd.s32 @!p1 $0xFFFFCE00;
	s20 =	sadd.s32 @p2 $0x2, s17  }
0x103: {  	s21 =	smul.u32 @p2 $0xAB, s20;
	_ =	sdelay $0x1  }
0x104: {  	s21 =	sshrl.u32 @p2 s21, $0x9  }
0x105: {  	s21 =	sand.u32 @p2 $0x7F, s21  }
0x106: {  	s21 =	smul.u32 @p2 $0x3, s21;
	_ =	sdelay $0x1  }
0x107: {  	s20 =	ssub.s32 @p2 s20, s21  }
0x108: {  	s17 =	sadd.s32 $0x1, s17;
	s20 =	sand.u32 @p2 $0xFF, s20  }
0x109: {  	p1 =	sne.s32 s17, $0x19;
	s21 =	smul.u32 @p2 $0xD000, s20  }
.Ltmp3:
0x10a: {  	_ = 	snop;
	(pc) =	sbr.rel @p1 .LBB2_8-.Ltmp3, $4  }
0x10b: {  	s21 =	sshrl.u32 @p2 s21, $0x2  }
0x10c: {  	s20 =	sadd.s32 @p2 $0x1, s20;
	s21 =	sadd.s32 @p2 $0x2000, s21  }
0x10d: {  	[tilespmem:s21], [sflag:s20] =	stream.indirect.gather @p2 [hbm4b:s6+s11], $0x80, s19, s11, $0xb8;
	[tilespmem:$0x1FC00] =	vst v63  }
0x10e: {  	s18 =	sadd.s32 $0x80, s18;
	s19 =	sadd.s32 $0x80, s19  }
0x10f: {  	_ =	swait.ge [sflag:s15], $0x3200  }
0x110: {  	[sflag:s15] =	ssyncset.done $0x0  }
0x111: {  	s19 =	stileid.u32;
	[sflag:s15] =	ssyncadd.s32 $0xFFFFCE00  }
0x112: {  	s17 =	sshll.u32 s19, $0x6;
	[bflag:$0x0] =	sbarrier.arrive $0xFFFF  }
0x113: {  	s18 =	sshrl.u32 s5, $0x3;
	s17 =	sor.u32 $0x1C08, s17;
	s20 =	rddreg [dreg:$0xc]  }
0x114: {  	[hbm:s20], [sflag:s17] =	dma.local [spmem:s18], $0x2800  }
0x115: {  	_ =	swait.ge [sflag:s10], $0x2800  }
0x116: {  	s16 =	sadd.s32 $0x1, s16;
	s24 =	rddreg [dreg:$0xd]  }
0x117: {  	p1 =	sne.s32 s16, s24  }
.Ltmp4:
0x118: {  	_ = 	snop;
	(pc) =	sbr.rel @p1 .LBB2_1-.Ltmp4, $3  }
0x119: {  	_ =	sdelay $0x1  }
0x11a: {  	[sflag:s10] =	ssyncset.done $0x0  }
0x11b: {  	[sflag:s10] =	ssyncadd.s32 $0xFFFFD800  }
0x11c: {  	_ =	sfence.sel $0x180000  }
0x11d: {  	[bflag:$0x0] =	sbarrier.arrive $0xFFFF  }
0x11e: {  	_ =	strace $0x90000050  }
0x11f: {  	[bflag:$0x2] =	sbarrier.arrive $0xFFFF  }
0x120: {  	p0 =	sne.s32 s19, $0x0;
	s0 =	rddreg [dreg:$0x3]  }
0x121: {  	s0 =	sadd.s32 @!p0 $0x100000, s0  }
0x122: {  	[sflag:s0] =	ssyncadd.tile.s32 @!p0 $0x1;
	_ =	shalt  }
.Lfunc_end2:
_tile_overlayer_lowered:
.L_overlay_start_2:
0x123: {  	(tag) =	ssettag $0x2  }
0x124: {  	s0 =	rddreg [dreg:$0x0];
	s2 =	stileid.u32  }
0x125: {  	s1 =	rddreg [dreg:$0x1];
	p0 =	sne.s32 s2, $0x0  }
0x126: {  	s3 =	rddreg [dreg:$0x2];
	[bflag:$0x3] =	sbarrier.arrive $0xFFFF;
	s2 =	simm.s32 @!p0 $0x1C08  }
0x127: {  	[timem:s3], [sflag:s2] =	dma.local @!p0 [hbm:s0], s1  }
0x128: {  	s0 =	simm.s32 @!p0 $0x8  }
0x129: {  	_ =	swait.ge @!p0 [sflag:s0], s1  }
0x12a: {  	s1 =	ssub.s32 @!p0 $0x0, s1;
	[sflag:s0] =	ssyncset.done @!p0 $0x0  }
0x12b: {  	[sflag:s0] =	ssyncadd.s32 @!p0 s1  }
0x12c: {  	[bflag:$0x3] =	sbarrier.arrive $0xFFFF  }
0x12d: {  	_ =	shalt  }

</sc_bundles>
